<compile_context>
chip_gen: v7x
topology: tpu7x:2x2x1
jax: 0.10.2.dev20260603
libtpu: 0.0.44.dev20260713+nightly
codegen_flags: <defaults>
</compile_context>

<pallas_src>
import functools

import jax
import jax.numpy as jnp
from jax import lax
from jax.experimental import pallas as pl
from jax.experimental.pallas import tpu as pltpu
from jax.experimental.pallas import tpu_sc as plsc

_NBUF = 8
_PF = 4


def kernel(x, emb):
    L, N, D = x.shape
    info = plsc.get_sparse_core_info()
    NC, NS, LN = info.num_cores, info.num_subcores, info.num_lanes
    NW = NC * NS
    rows_per_w = L // NW
    CL = 2
    nchunks = rows_per_w // CL
    nsteps = nchunks // _NBUF
    mesh = plsc.VectorSubcoreMesh(core_axis_name="c", subcore_axis_name="s")

    @functools.partial(
        pl.kernel,
        mesh=mesh,
        out_type=jax.ShapeDtypeStruct((L, N, D), x.dtype),
        scratch_types=[
            pltpu.VMEM((_NBUF, CL, N, D), jnp.float32),
            pltpu.VMEM((_NBUF, CL, D), jnp.float32),
        ]
        + [pltpu.SemaphoreType.DMA] * (3 * _NBUF),
    )
    def k(x_hbm, emb_hbm, out_hbm, x_v, e_v, *sems):
        sx = sems[0:_NBUF]
        se = sems[_NBUF:2 * _NBUF]
        so = sems[2 * _NBUF:3 * _NBUF]
        wid = lax.axis_index("s") * NC + lax.axis_index("c")
        base = wid * rows_per_w

        def start_in(ci, b):
            l0 = base + ci * CL
            pltpu.async_copy(x_hbm.at[pl.ds(l0, CL)], x_v.at[b], sx[b])
            pltpu.async_copy(emb_hbm.at[pl.ds(l0, CL)], e_v.at[b], se[b])

        def wait_in(b):
            pltpu.make_async_copy(x_hbm.at[pl.ds(base, CL)], x_v.at[b], sx[b]).wait()
            pltpu.make_async_copy(emb_hbm.at[pl.ds(base, CL)], e_v.at[b], se[b]).wait()

        def compute(b):
            def col(c, carry):
                off = c * LN
                for l in range(CL):
                    e = e_v[b, l, pl.ds(off, LN)]
                    for n in range(N):
                        plsc.addupdate(x_v.at[b, l, n, pl.ds(off, LN)], e)
                return carry

            lax.fori_loop(0, D // LN, col, 0)

        def start_out(ci, b):
            l0 = base + ci * CL
            pltpu.async_copy(x_v.at[b], out_hbm.at[pl.ds(l0, CL)], so[b])

        def wait_out(b):
            pltpu.make_async_copy(x_v.at[b], out_hbm.at[pl.ds(base, CL)], so[b]).wait()

        def step(ci_base, b, first):
            ci = ci_base + b
            pf = ci + _PF
            b_pf = (b + _PF) % _NBUF
            if first:
                if pf >= _NBUF:
                    wait_out(b_pf)
                start_in(pf, b_pf)
            else:
                wait_out(b_pf)

                @pl.when(pf < nchunks)
                def _():
                    start_in(pf, b_pf)

            wait_in(b)
            compute(b)
            start_out(ci, b)

        for c in range(_PF):
            start_in(c, c)
        for b in range(_NBUF):
            step(0, b, True)

        def body(i, carry):
            for b in range(_NBUF):
                step(i * _NBUF, b, False)
            return carry

        lax.fori_loop(1, nsteps, body, 0)
        for b in range(_PF, _NBUF):
            wait_out(b)

    return k(x, emb)

# --- scband reference (transcript-rebuilt; emitter-appended) ---
"""Pipeline reference for scband-absolute-positional-embedding-6356551598588 (READ-ONLY COPY).

The authoritative reference and input builder live on the scoring server;
editing this copy changes nothing except your own understanding.
"""

import jax, jax.numpy as jnp
import numpy as np

DIM = 1024
MAX_SEQ_LEN = 8192
L, N = 4096, 4

def setup_inputs(seed: int = 0) -> dict:
    key = jax.random.key(seed)
    k1, k2 = jax.random.split(key)
    x = jax.random.normal(k1, (L, N, DIM), dtype=jnp.float32)
    emb = jax.random.normal(k2, (MAX_SEQ_LEN, DIM), dtype=jnp.float32) * 0.02
    return {"x": x, "emb": emb}

def reference(x, emb):
    Lx, Nx, Ex = x.shape
    t = jnp.arange(Lx)
    pos = jnp.take(emb, t, axis=0).reshape(Lx, 1, Ex)
    return x + pos

if __name__ == "__main__":
    import jax
    _d = setup_inputs()
    print(jax.jit(kernel)(*tuple(_d.values())))

</pallas_src>

<mosaic_0001>
#map = affine_map<(d0, d1) -> (0, 0, 0)>
#map1 = affine_map<(d0, d1) -> (0, 0)>
module attributes {stable_mosaic.version = 14 : i64} {
  func.func @k(%arg0: i32, %arg1: i32, %arg2: memref<4096x4x1024xf32, #tpu.memory_space<hbm>>, %arg3: memref<8192x1024xf32, #tpu.memory_space<hbm>>, %arg4: memref<4096x4x1024xf32, #tpu.memory_space<hbm>>, %arg5: memref<8x2x4x1024xf32, #tpu.memory_space<vmem>>, %arg6: memref<8x2x1024xf32, #tpu.memory_space<vmem>>, %arg7: memref<!tpu.dma_semaphore, #tpu.memory_space<semaphore_mem>>, %arg8: memref<!tpu.dma_semaphore, #tpu.memory_space<semaphore_mem>>, %arg9: memref<!tpu.dma_semaphore, #tpu.memory_space<semaphore_mem>>, %arg10: memref<!tpu.dma_semaphore, #tpu.memory_space<semaphore_mem>>, %arg11: memref<!tpu.dma_semaphore, #tpu.memory_space<semaphore_mem>>, %arg12: memref<!tpu.dma_semaphore, #tpu.memory_space<semaphore_mem>>, %arg13: memref<!tpu.dma_semaphore, #tpu.memory_space<semaphore_mem>>, %arg14: memref<!tpu.dma_semaphore, #tpu.memory_space<semaphore_mem>>, %arg15: memref<!tpu.dma_semaphore, #tpu.memory_space<semaphore_mem>>, %arg16: memref<!tpu.dma_semaphore, #tpu.memory_space<semaphore_mem>>, %arg17: memref<!tpu.dma_semaphore, #tpu.memory_space<semaphore_mem>>, %arg18: memref<!tpu.dma_semaphore, #tpu.memory_space<semaphore_mem>>, %arg19: memref<!tpu.dma_semaphore, #tpu.memory_space<semaphore_mem>>, %arg20: memref<!tpu.dma_semaphore, #tpu.memory_space<semaphore_mem>>, %arg21: memref<!tpu.dma_semaphore, #tpu.memory_space<semaphore_mem>>, %arg22: memref<!tpu.dma_semaphore, #tpu.memory_space<semaphore_mem>>, %arg23: memref<!tpu.dma_semaphore, #tpu.memory_space<semaphore_mem>>, %arg24: memref<!tpu.dma_semaphore, #tpu.memory_space<semaphore_mem>>, %arg25: memref<!tpu.dma_semaphore, #tpu.memory_space<semaphore_mem>>, %arg26: memref<!tpu.dma_semaphore, #tpu.memory_space<semaphore_mem>>, %arg27: memref<!tpu.dma_semaphore, #tpu.memory_space<semaphore_mem>>, %arg28: memref<!tpu.dma_semaphore, #tpu.memory_space<semaphore_mem>>, %arg29: memref<!tpu.dma_semaphore, #tpu.memory_space<semaphore_mem>>, %arg30: memref<!tpu.dma_semaphore, #tpu.memory_space<semaphore_mem>>) attributes {dimension_semantics = [#tpu.dimension_semantics<core_parallel>, #tpu.dimension_semantics<subcore_parallel>], iteration_bounds = array<i64: 2, 16>, scalar_prefetch = 0 : i64, scratch_operands = 26 : i64, tpu.core_type = #tpu.core_type<sc_vector_subcore>, window_params = [{transform_indices = #map}, {transform_indices = #map1}, {transform_indices = #map}]} {
    %mul3A = arith.constant 2 : i32
    %mul3A_0 = arith.muli %arg1, %mul3A : i32
    %add3A = arith.addi %mul3A_0, %arg0 : i32
    %mul3A_1 = arith.constant 128 : i32
    %mul3A_2 = arith.muli %add3A, %mul3A_1 : i32
    %add3A_3 = arith.constant 0 : i32
    %add3A_4 = arith.addi %mul3A_2, %add3A_3 : i32
    %dma_start3A = arith.constant 0 : i32
    %dma_start3A_5 = arith.constant 0 : i32
    %dma_start3A_6 = arith.constant 0 : i32
    %dma_start3A_7 = arith.constant 0 : i32
    %dma_start3A_8 = tpu.memref_slice %arg5[%dma_start3A, %dma_start3A_5, %dma_start3A_6, %dma_start3A_7] : memref<8x2x4x1024xf32, #tpu.memory_space<vmem>> -> memref<1x2x4x1024xf32, #tpu.memory_space<vmem>>
    %dma_start3A_9 = tpu.memref_squeeze %dma_start3A_8 : memref<1x2x4x1024xf32, #tpu.memory_space<vmem>> -> memref<2x4x1024xf32, #tpu.memory_space<vmem>>
    %dma_start3A_10 = arith.constant 0 : i32
    %dma_start3A_11 = arith.constant 0 : i32
    %dma_start3A_12 = tpu.memref_slice %arg2[%add3A_4, %dma_start3A_10, %dma_start3A_11] : memref<4096x4x1024xf32, #tpu.memory_space<hbm>> -> memref<2x4x1024xf32, #tpu.memory_space<hbm>>
    %dma_start3A_13 = arith.constant 0 : i32
    %dma_start3A_14 = arith.constant 0 : i32
    %dma_start3A_15 = arith.constant 0 : i32
    %dma_start3A_16 = tpu.memref_slice %arg5[%dma_start3A, %dma_start3A_13, %dma_start3A_14, %dma_start3A_15] : memref<8x2x4x1024xf32, #tpu.memory_space<vmem>> -> memref<1x2x4x1024xf32, #tpu.memory_space<vmem>>
    %dma_start3A_17 = tpu.memref_squeeze %dma_start3A_16 : memref<1x2x4x1024xf32, #tpu.memory_space<vmem>> -> memref<2x4x1024xf32, #tpu.memory_space<vmem>>
    %dma_start3A_18 = arith.constant 0 : i32
    %dma_start3A_19 = arith.constant 0 : i32
    %dma_start3A_20 = tpu.memref_slice %arg2[%add3A_4, %dma_start3A_18, %dma_start3A_19] : memref<4096x4x1024xf32, #tpu.memory_space<hbm>> -> memref<2x4x1024xf32, #tpu.memory_space<hbm>>
    tpu.enqueue_dma source(%dma_start3A_20 : memref<2x4x1024xf32, #tpu.memory_space<hbm>>) target(%dma_start3A_17 : memref<2x4x1024xf32, #tpu.memory_space<vmem>>) target_semaphore(%arg7 : memref<!tpu.dma_semaphore, #tpu.memory_space<semaphore_mem>>)
    %dma_start3A_21 = arith.constant 0 : i32
    %dma_start3A_22 = arith.constant 0 : i32
    %dma_start3A_23 = arith.constant 0 : i32
    %dma_start3A_24 = tpu.memref_slice %arg6[%dma_start3A_21, %dma_start3A_22, %dma_start3A_23] : memref<8x2x1024xf32, #tpu.memory_space<vmem>> -> memref<1x2x1024xf32, #tpu.memory_space<vmem>>
    %dma_start3A_25 = tpu.memref_squeeze %dma_start3A_24 : memref<1x2x1024xf32, #tpu.memory_space<vmem>> -> memref<2x1024xf32, #tpu.memory_space<vmem>>
    %dma_start3A_26 = arith.constant 0 : i32
    %dma_start3A_27 = tpu.memref_slice %arg3[%add3A_4, %dma_start3A_26] : memref<8192x1024xf32, #tpu.memory_space<hbm>> -> memref<2x1024xf32, #tpu.memory_space<hbm>>
    %dma_start3A_28 = arith.constant 0 : i32
    %dma_start3A_29 = arith.constant 0 : i32
    %dma_start3A_30 = tpu.memref_slice %arg6[%dma_start3A_21, %dma_start3A_28, %dma_start3A_29] : memref<8x2x1024xf32, #tpu.memory_space<vmem>> -> memref<1x2x1024xf32, #tpu.memory_space<vmem>>
    %dma_start3A_31 = tpu.memref_squeeze %dma_start3A_30 : memref<1x2x1024xf32, #tpu.memory_space<vmem>> -> memref<2x1024xf32, #tpu.memory_space<vmem>>
    %dma_start3A_32 = arith.constant 0 : i32
    %dma_start3A_33 = tpu.memref_slice %arg3[%add3A_4, %dma_start3A_32] : memref<8192x1024xf32, #tpu.memory_space<hbm>> -> memref<2x1024xf32, #tpu.memory_space<hbm>>
    tpu.enqueue_dma source(%dma_start3A_33 : memref<2x1024xf32, #tpu.memory_space<hbm>>) target(%dma_start3A_31 : memref<2x1024xf32, #tpu.memory_space<vmem>>) target_semaphore(%arg15 : memref<!tpu.dma_semaphore, #tpu.memory_space<semaphore_mem>>)
    %add3A_34 = arith.constant 2 : i32
    %add3A_35 = arith.addi %mul3A_2, %add3A_34 : i32
    %dma_start3A_36 = arith.constant 1 : i32
    %dma_start3A_37 = arith.constant 0 : i32
    %dma_start3A_38 = arith.constant 0 : i32
    %dma_start3A_39 = arith.constant 0 : i32
    %dma_start3A_40 = tpu.memref_slice %arg5[%dma_start3A_36, %dma_start3A_37, %dma_start3A_38, %dma_start3A_39] : memref<8x2x4x1024xf32, #tpu.memory_space<vmem>> -> memref<1x2x4x1024xf32, #tpu.memory_space<vmem>>
    %dma_start3A_41 = tpu.memref_squeeze %dma_start3A_40 : memref<1x2x4x1024xf32, #tpu.memory_space<vmem>> -> memref<2x4x1024xf32, #tpu.memory_space<vmem>>
    %dma_start3A_42 = arith.constant 0 : i32
    %dma_start3A_43 = arith.constant 0 : i32
    %dma_start3A_44 = tpu.memref_slice %arg2[%add3A_35, %dma_start3A_42, %dma_start3A_43] : memref<4096x4x1024xf32, #tpu.memory_space<hbm>> -> memref<2x4x1024xf32, #tpu.memory_space<hbm>>
    %dma_start3A_45 = arith.constant 0 : i32
    %dma_start3A_46 = arith.constant 0 : i32
    %dma_start3A_47 = arith.constant 0 : i32
    %dma_start3A_48 = tpu.memref_slice %arg5[%dma_start3A_36, %dma_start3A_45, %dma_start3A_46, %dma_start3A_47] : memref<8x2x4x1024xf32, #tpu.memory_space<vmem>> -> memref<1x2x4x1024xf32, #tpu.memory_space<vmem>>
    %dma_start3A_49 = tpu.memref_squeeze %dma_start3A_48 : memref<1x2x4x1024xf32, #tpu.memory_space<vmem>> -> memref<2x4x1024xf32, #tpu.memory_space<vmem>>
    %dma_start3A_50 = arith.constant 0 : i32
    %dma_start3A_51 = arith.constant 0 : i32
    %dma_start3A_52 = tpu.memref_slice %arg2[%add3A_35, %dma_start3A_50, %dma_start3A_51] : memref<4096x4x1024xf32, #tpu.memory_space<hbm>> -> memref<2x4x1024xf32, #tpu.memory_space<hbm>>
    tpu.enqueue_dma source(%dma_start3A_52 : memref<2x4x1024xf32, #tpu.memory_space<hbm>>) target(%dma_start3A_49 : memref<2x4x1024xf32, #tpu.memory_space<vmem>>) target_semaphore(%arg8 : memref<!tpu.dma_semaphore, #tpu.memory_space<semaphore_mem>>)
    %dma_start3A_53 = arith.constant 1 : i32
    %dma_start3A_54 = arith.constant 0 : i32
    %dma_start3A_55 = arith.constant 0 : i32
    %dma_start3A_56 = tpu.memref_slice %arg6[%dma_start3A_53, %dma_start3A_54, %dma_start3A_55] : memref<8x2x1024xf32, #tpu.memory_space<vmem>> -> memref<1x2x1024xf32, #tpu.memory_space<vmem>>
    %dma_start3A_57 = tpu.memref_squeeze %dma_start3A_56 : memref<1x2x1024xf32, #tpu.memory_space<vmem>> -> memref<2x1024xf32, #tpu.memory_space<vmem>>
    %dma_start3A_58 = arith.constant 0 : i32
    %dma_start3A_59 = tpu.memref_slice %arg3[%add3A_35, %dma_start3A_58] : memref<8192x1024xf32, #tpu.memory_space<hbm>> -> memref<2x1024xf32, #tpu.memory_space<hbm>>
    %dma_start3A_60 = arith.constant 0 : i32
    %dma_start3A_61 = arith.constant 0 : i32
    %dma_start3A_62 = tpu.memref_slice %arg6[%dma_start3A_53, %dma_start3A_60, %dma_start3A_61] : memref<8x2x1024xf32, #tpu.memory_space<vmem>> -> memref<1x2x1024xf32, #tpu.memory_space<vmem>>
    %dma_start3A_63 = tpu.memref_squeeze %dma_start3A_62 : memref<1x2x1024xf32, #tpu.memory_space<vmem>> -> memref<2x1024xf32, #tpu.memory_space<vmem>>
    %dma_start3A_64 = arith.constant 0 : i32
    %dma_start3A_65 = tpu.memref_slice %arg3[%add3A_35, %dma_start3A_64] : memref<8192x1024xf32, #tpu.memory_space<hbm>> -> memref<2x1024xf32, #tpu.memory_space<hbm>>
    tpu.enqueue_dma source(%dma_start3A_65 : memref<2x1024xf32, #tpu.memory_space<hbm>>) target(%dma_start3A_63 : memref<2x1024xf32, #tpu.memory_space<vmem>>) target_semaphore(%arg16 : memref<!tpu.dma_semaphore, #tpu.memory_space<semaphore_mem>>)
    %add3A_66 = arith.constant 4 : i32
    %add3A_67 = arith.addi %mul3A_2, %add3A_66 : i32
    %dma_start3A_68 = arith.constant 2 : i32
    %dma_start3A_69 = arith.constant 0 : i32
    %dma_start3A_70 = arith.constant 0 : i32
    %dma_start3A_71 = arith.constant 0 : i32
    %dma_start3A_72 = tpu.memref_slice %arg5[%dma_start3A_68, %dma_start3A_69, %dma_start3A_70, %dma_start3A_71] : memref<8x2x4x1024xf32, #tpu.memory_space<vmem>> -> memref<1x2x4x1024xf32, #tpu.memory_space<vmem>>
    %dma_start3A_73 = tpu.memref_squeeze %dma_start3A_72 : memref<1x2x4x1024xf32, #tpu.memory_space<vmem>> -> memref<2x4x1024xf32, #tpu.memory_space<vmem>>
    %dma_start3A_74 = arith.constant 0 : i32
    %dma_start3A_75 = arith.constant 0 : i32
    %dma_start3A_76 = tpu.memref_slice %arg2[%add3A_67, %dma_start3A_74, %dma_start3A_75] : memref<4096x4x1024xf32, #tpu.memory_space<hbm>> -> memref<2x4x1024xf32, #tpu.memory_space<hbm>>
    %dma_start3A_77 = arith.constant 0 : i32
    %dma_start3A_78 = arith.constant 0 : i32
    %dma_start3A_79 = arith.constant 0 : i32
    %dma_start3A_80 = tpu.memref_slice %arg5[%dma_start3A_68, %dma_start3A_77, %dma_start3A_78, %dma_start3A_79] : memref<8x2x4x1024xf32, #tpu.memory_space<vmem>> -> memref<1x2x4x1024xf32, #tpu.memory_space<vmem>>
    %dma_start3A_81 = tpu.memref_squeeze %dma_start3A_80 : memref<1x2x4x1024xf32, #tpu.memory_space<vmem>> -> memref<2x4x1024xf32, #tpu.memory_space<vmem>>
    %dma_start3A_82 = arith.constant 0 : i32
    %dma_start3A_83 = arith.constant 0 : i32
    %dma_start3A_84 = tpu.memref_slice %arg2[%add3A_67, %dma_start3A_82, %dma_start3A_83] : memref<4096x4x1024xf32, #tpu.memory_space<hbm>> -> memref<2x4x1024xf32, #tpu.memory_space<hbm>>
    tpu.enqueue_dma source(%dma_start3A_84 : memref<2x4x1024xf32, #tpu.memory_space<hbm>>) target(%dma_start3A_81 : memref<2x4x1024xf32, #tpu.memory_space<vmem>>) target_semaphore(%arg9 : memref<!tpu.dma_semaphore, #tpu.memory_space<semaphore_mem>>)
    %dma_start3A_85 = arith.constant 2 : i32
    %dma_start3A_86 = arith.constant 0 : i32
    %dma_start3A_87 = arith.constant 0 : i32
    %dma_start3A_88 = tpu.memref_slice %arg6[%dma_start3A_85, %dma_start3A_86, %dma_start3A_87] : memref<8x2x1024xf32, #tpu.memory_space<vmem>> -> memref<1x2x1024xf32, #tpu.memory_space<vmem>>
    %dma_start3A_89 = tpu.memref_squeeze %dma_start3A_88 : memref<1x2x1024xf32, #tpu.memory_space<vmem>> -> memref<2x1024xf32, #tpu.memory_space<vmem>>
    %dma_start3A_90 = arith.constant 0 : i32
    %dma_start3A_91 = tpu.memref_slice %arg3[%add3A_67, %dma_start3A_90] : memref<8192x1024xf32, #tpu.memory_space<hbm>> -> memref<2x1024xf32, #tpu.memory_space<hbm>>
    %dma_start3A_92 = arith.constant 0 : i32
    %dma_start3A_93 = arith.constant 0 : i32
    %dma_start3A_94 = tpu.memref_slice %arg6[%dma_start3A_85, %dma_start3A_92, %dma_start3A_93] : memref<8x2x1024xf32, #tpu.memory_space<vmem>> -> memref<1x2x1024xf32, #tpu.memory_space<vmem>>
    %dma_start3A_95 = tpu.memref_squeeze %dma_start3A_94 : memref<1x2x1024xf32, #tpu.memory_space<vmem>> -> memref<2x1024xf32, #tpu.memory_space<vmem>>
    %dma_start3A_96 = arith.constant 0 : i32
    %dma_start3A_97 = tpu.memref_slice %arg3[%add3A_67, %dma_start3A_96] : memref<8192x1024xf32, #tpu.memory_space<hbm>> -> memref<2x1024xf32, #tpu.memory_space<hbm>>
    tpu.enqueue_dma source(%dma_start3A_97 : memref<2x1024xf32, #tpu.memory_space<hbm>>) target(%dma_start3A_95 : memref<2x1024xf32, #tpu.memory_space<vmem>>) target_semaphore(%arg17 : memref<!tpu.dma_semaphore, #tpu.memory_space<semaphore_mem>>)
    %add3A_98 = arith.constant 6 : i32
    %add3A_99 = arith.addi %mul3A_2, %add3A_98 : i32
    %dma_start3A_100 = arith.constant 3 : i32
    %dma_start3A_101 = arith.constant 0 : i32
    %dma_start3A_102 = arith.constant 0 : i32
    %dma_start3A_103 = arith.constant 0 : i32
    %dma_start3A_104 = tpu.memref_slice %arg5[%dma_start3A_100, %dma_start3A_101, %dma_start3A_102, %dma_start3A_103] : memref<8x2x4x1024xf32, #tpu.memory_space<vmem>> -> memref<1x2x4x1024xf32, #tpu.memory_space<vmem>>
    %dma_start3A_105 = tpu.memref_squeeze %dma_start3A_104 : memref<1x2x4x1024xf32, #tpu.memory_space<vmem>> -> memref<2x4x1024xf32, #tpu.memory_space<vmem>>
    %dma_start3A_106 = arith.constant 0 : i32
    %dma_start3A_107 = arith.constant 0 : i32
    %dma_start3A_108 = tpu.memref_slice %arg2[%add3A_99, %dma_start3A_106, %dma_start3A_107] : memref<4096x4x1024xf32, #tpu.memory_space<hbm>> -> memref<2x4x1024xf32, #tpu.memory_space<hbm>>
    %dma_start3A_109 = arith.constant 0 : i32
    %dma_start3A_110 = arith.constant 0 : i32
    %dma_start3A_111 = arith.constant 0 : i32
    %dma_start3A_112 = tpu.memref_slice %arg5[%dma_start3A_100, %dma_start3A_109, %dma_start3A_110, %dma_start3A_111] : memref<8x2x4x1024xf32, #tpu.memory_space<vmem>> -> memref<1x2x4x1024xf32, #tpu.memory_space<vmem>>
    %dma_start3A_113 = tpu.memref_squeeze %dma_start3A_112 : memref<1x2x4x1024xf32, #tpu.memory_space<vmem>> -> memref<2x4x1024xf32, #tpu.memory_space<vmem>>
    %dma_start3A_114 = arith.constant 0 : i32
    %dma_start3A_115 = arith.constant 0 : i32
    %dma_start3A_116 = tpu.memref_slice %arg2[%add3A_99, %dma_start3A_114, %dma_start3A_115] : memref<4096x4x1024xf32, #tpu.memory_space<hbm>> -> memref<2x4x1024xf32, #tpu.memory_space<hbm>>
    tpu.enqueue_dma source(%dma_start3A_116 : memref<2x4x1024xf32, #tpu.memory_space<hbm>>) target(%dma_start3A_113 : memref<2x4x1024xf32, #tpu.memory_space<vmem>>) target_semaphore(%arg10 : memref<!tpu.dma_semaphore, #tpu.memory_space<semaphore_mem>>)
    %dma_start3A_117 = arith.constant 3 : i32
    %dma_start3A_118 = arith.constant 0 : i32
    %dma_start3A_119 = arith.constant 0 : i32
    %dma_start3A_120 = tpu.memref_slice %arg6[%dma_start3A_117, %dma_start3A_118, %dma_start3A_119] : memref<8x2x1024xf32, #tpu.memory_space<vmem>> -> memref<1x2x1024xf32, #tpu.memory_space<vmem>>
    %dma_start3A_121 = tpu.memref_squeeze %dma_start3A_120 : memref<1x2x1024xf32, #tpu.memory_space<vmem>> -> memref<2x1024xf32, #tpu.memory_space<vmem>>
    %dma_start3A_122 = arith.constant 0 : i32
    %dma_start3A_123 = tpu.memref_slice %arg3[%add3A_99, %dma_start3A_122] : memref<8192x1024xf32, #tpu.memory_space<hbm>> -> memref<2x1024xf32, #tpu.memory_space<hbm>>
    %dma_start3A_124 = arith.constant 0 : i32
    %dma_start3A_125 = arith.constant 0 : i32
    %dma_start3A_126 = tpu.memref_slice %arg6[%dma_start3A_117, %dma_start3A_124, %dma_start3A_125] : memref<8x2x1024xf32, #tpu.memory_space<vmem>> -> memref<1x2x1024xf32, #tpu.memory_space<vmem>>
    %dma_start3A_127 = tpu.memref_squeeze %dma_start3A_126 : memref<1x2x1024xf32, #tpu.memory_space<vmem>> -> memref<2x1024xf32, #tpu.memory_space<vmem>>
    %dma_start3A_128 = arith.constant 0 : i32
    %dma_start3A_129 = tpu.memref_slice %arg3[%add3A_99, %dma_start3A_128] : memref<8192x1024xf32, #tpu.memory_space<hbm>> -> memref<2x1024xf32, #tpu.memory_space<hbm>>
    tpu.enqueue_dma source(%dma_start3A_129 : memref<2x1024xf32, #tpu.memory_space<hbm>>) target(%dma_start3A_127 : memref<2x1024xf32, #tpu.memory_space<vmem>>) target_semaphore(%arg18 : memref<!tpu.dma_semaphore, #tpu.memory_space<semaphore_mem>>)
    %add3A_130 = arith.constant 8 : i32
    %add3A_131 = arith.addi %mul3A_2, %add3A_130 : i32
    %dma_start3A_132 = arith.constant 4 : i32
    %dma_start3A_133 = arith.constant 0 : i32
    %dma_start3A_134 = arith.constant 0 : i32
    %dma_start3A_135 = arith.constant 0 : i32
    %dma_start3A_136 = tpu.memref_slice %arg5[%dma_start3A_132, %dma_start3A_133, %dma_start3A_134, %dma_start3A_135] : memref<8x2x4x1024xf32, #tpu.memory_space<vmem>> -> memref<1x2x4x1024xf32, #tpu.memory_space<vmem>>
    %dma_start3A_137 = tpu.memref_squeeze %dma_start3A_136 : memref<1x2x4x1024xf32, #tpu.memory_space<vmem>> -> memref<2x4x1024xf32, #tpu.memory_space<vmem>>
    %dma_start3A_138 = arith.constant 0 : i32
    %dma_start3A_139 = arith.constant 0 : i32
    %dma_start3A_140 = tpu.memref_slice %arg2[%add3A_131, %dma_start3A_138, %dma_start3A_139] : memref<4096x4x1024xf32, #tpu.memory_space<hbm>> -> memref<2x4x1024xf32, #tpu.memory_space<hbm>>
    %dma_start3A_141 = arith.constant 0 : i32
    %dma_start3A_142 = arith.constant 0 : i32
    %dma_start3A_143 = arith.constant 0 : i32
    %dma_start3A_144 = tpu.memref_slice %arg5[%dma_start3A_132, %dma_start3A_141, %dma_start3A_142, %dma_start3A_143] : memref<8x2x4x1024xf32, #tpu.memory_space<vmem>> -> memref<1x2x4x1024xf32, #tpu.memory_space<vmem>>
    %dma_start3A_145 = tpu.memref_squeeze %dma_start3A_144 : memref<1x2x4x1024xf32, #tpu.memory_space<vmem>> -> memref<2x4x1024xf32, #tpu.memory_space<vmem>>
    %dma_start3A_146 = arith.constant 0 : i32
    %dma_start3A_147 = arith.constant 0 : i32
    %dma_start3A_148 = tpu.memref_slice %arg2[%add3A_131, %dma_start3A_146, %dma_start3A_147] : memref<4096x4x1024xf32, #tpu.memory_space<hbm>> -> memref<2x4x1024xf32, #tpu.memory_space<hbm>>
    tpu.enqueue_dma source(%dma_start3A_148 : memref<2x4x1024xf32, #tpu.memory_space<hbm>>) target(%dma_start3A_145 : memref<2x4x1024xf32, #tpu.memory_space<vmem>>) target_semaphore(%arg11 : memref<!tpu.dma_semaphore, #tpu.memory_space<semaphore_mem>>)
    %dma_start3A_149 = arith.constant 4 : i32
    %dma_start3A_150 = arith.constant 0 : i32
    %dma_start3A_151 = arith.constant 0 : i32
    %dma_start3A_152 = tpu.memref_slice %arg6[%dma_start3A_149, %dma_start3A_150, %dma_start3A_151] : memref<8x2x1024xf32, #tpu.memory_space<vmem>> -> memref<1x2x1024xf32, #tpu.memory_space<vmem>>
    %dma_start3A_153 = tpu.memref_squeeze %dma_start3A_152 : memref<1x2x1024xf32, #tpu.memory_space<vmem>> -> memref<2x1024xf32, #tpu.memory_space<vmem>>
    %dma_start3A_154 = arith.constant 0 : i32
    %dma_start3A_155 = tpu.memref_slice %arg3[%add3A_131, %dma_start3A_154] : memref<8192x1024xf32, #tpu.memory_space<hbm>> -> memref<2x1024xf32, #tpu.memory_space<hbm>>
    %dma_start3A_156 = arith.constant 0 : i32
    %dma_start3A_157 = arith.constant 0 : i32
    %dma_start3A_158 = tpu.memref_slice %arg6[%dma_start3A_149, %dma_start3A_156, %dma_start3A_157] : memref<8x2x1024xf32, #tpu.memory_space<vmem>> -> memref<1x2x1024xf32, #tpu.memory_space<vmem>>
    %dma_start3A_159 = tpu.memref_squeeze %dma_start3A_158 : memref<1x2x1024xf32, #tpu.memory_space<vmem>> -> memref<2x1024xf32, #tpu.memory_space<vmem>>
    %dma_start3A_160 = arith.constant 0 : i32
    %dma_start3A_161 = tpu.memref_slice %arg3[%add3A_131, %dma_start3A_160] : memref<8192x1024xf32, #tpu.memory_space<hbm>> -> memref<2x1024xf32, #tpu.memory_space<hbm>>
    tpu.enqueue_dma source(%dma_start3A_161 : memref<2x1024xf32, #tpu.memory_space<hbm>>) target(%dma_start3A_159 : memref<2x1024xf32, #tpu.memory_space<vmem>>) target_semaphore(%arg19 : memref<!tpu.dma_semaphore, #tpu.memory_space<semaphore_mem>>)
    %dma_wait3A = arith.constant 0 : i32
    %dma_wait3A_162 = arith.constant 0 : i32
    %dma_wait3A_163 = arith.constant 0 : i32
    %dma_wait3A_164 = arith.constant 0 : i32
    %dma_wait3A_165 = tpu.memref_slice %arg5[%dma_wait3A, %dma_wait3A_162, %dma_wait3A_163, %dma_wait3A_164] : memref<8x2x4x1024xf32, #tpu.memory_space<vmem>> -> memref<1x2x4x1024xf32, #tpu.memory_space<vmem>>
    %dma_wait3A_166 = tpu.memref_squeeze %dma_wait3A_165 : memref<1x2x4x1024xf32, #tpu.memory_space<vmem>> -> memref<2x4x1024xf32, #tpu.memory_space<vmem>>
    %dma_wait3A_167 = arith.constant 0 : i32
    %dma_wait3A_168 = arith.constant 0 : i32
    %dma_wait3A_169 = tpu.memref_slice %arg2[%mul3A_2, %dma_wait3A_167, %dma_wait3A_168] : memref<4096x4x1024xf32, #tpu.memory_space<hbm>> -> memref<2x4x1024xf32, #tpu.memory_space<hbm>>
    %dma_wait3A_170 = arith.constant 0 : i32
    %dma_wait3A_171 = arith.constant 0 : i32
    %dma_wait3A_172 = arith.constant 0 : i32
    %dma_wait3A_173 = tpu.memref_slice %arg5[%dma_wait3A, %dma_wait3A_170, %dma_wait3A_171, %dma_wait3A_172] : memref<8x2x4x1024xf32, #tpu.memory_space<vmem>> -> memref<1x2x4x1024xf32, #tpu.memory_space<vmem>>
    %dma_wait3A_174 = tpu.memref_squeeze %dma_wait3A_173 : memref<1x2x4x1024xf32, #tpu.memory_space<vmem>> -> memref<2x4x1024xf32, #tpu.memory_space<vmem>>
    %dma_wait3A_175 = arith.constant 0 : i32
    %dma_wait3A_176 = arith.constant 0 : i32
    %dma_wait3A_177 = tpu.memref_slice %arg2[%mul3A_2, %dma_wait3A_175, %dma_wait3A_176] : memref<4096x4x1024xf32, #tpu.memory_space<hbm>> -> memref<2x4x1024xf32, #tpu.memory_space<hbm>>
    tpu.wait_dma2 semaphore(%arg7 : memref<!tpu.dma_semaphore, #tpu.memory_space<semaphore_mem>>) src(%dma_wait3A_177 : memref<2x4x1024xf32, #tpu.memory_space<hbm>>) dst(%dma_wait3A_174 : memref<2x4x1024xf32, #tpu.memory_space<vmem>>)
    %dma_wait3A_178 = arith.constant 0 : i32
    %dma_wait3A_179 = arith.constant 0 : i32
    %dma_wait3A_180 = arith.constant 0 : i32
    %dma_wait3A_181 = tpu.memref_slice %arg6[%dma_wait3A_178, %dma_wait3A_179, %dma_wait3A_180] : memref<8x2x1024xf32, #tpu.memory_space<vmem>> -> memref<1x2x1024xf32, #tpu.memory_space<vmem>>
    %dma_wait3A_182 = tpu.memref_squeeze %dma_wait3A_181 : memref<1x2x1024xf32, #tpu.memory_space<vmem>> -> memref<2x1024xf32, #tpu.memory_space<vmem>>
    %dma_wait3A_183 = arith.constant 0 : i32
    %dma_wait3A_184 = tpu.memref_slice %arg3[%mul3A_2, %dma_wait3A_183] : memref<8192x1024xf32, #tpu.memory_space<hbm>> -> memref<2x1024xf32, #tpu.memory_space<hbm>>
    %dma_wait3A_185 = arith.constant 0 : i32
    %dma_wait3A_186 = arith.constant 0 : i32
    %dma_wait3A_187 = tpu.memref_slice %arg6[%dma_wait3A_178, %dma_wait3A_185, %dma_wait3A_186] : memref<8x2x1024xf32, #tpu.memory_space<vmem>> -> memref<1x2x1024xf32, #tpu.memory_space<vmem>>
    %dma_wait3A_188 = tpu.memref_squeeze %dma_wait3A_187 : memref<1x2x1024xf32, #tpu.memory_space<vmem>> -> memref<2x1024xf32, #tpu.memory_space<vmem>>
    %dma_wait3A_189 = arith.constant 0 : i32
    %dma_wait3A_190 = tpu.memref_slice %arg3[%mul3A_2, %dma_wait3A_189] : memref<8192x1024xf32, #tpu.memory_space<hbm>> -> memref<2x1024xf32, #tpu.memory_space<hbm>>
    tpu.wait_dma2 semaphore(%arg15 : memref<!tpu.dma_semaphore, #tpu.memory_space<semaphore_mem>>) src(%dma_wait3A_190 : memref<2x1024xf32, #tpu.memory_space<hbm>>) dst(%dma_wait3A_188 : memref<2x1024xf32, #tpu.memory_space<vmem>>)
    %scan3A = arith.constant 0 : i32
    %scan3A_191 = arith.constant 0 : i32
    %scan3A_192 = arith.constant 64 : i32
    %scan3A_193 = arith.addi %scan3A_191, %scan3A_192 : i32
    %scan3A_194 = arith.constant 1 : i32
    scf.for %scan3A_966 = %scan3A_191 to %scan3A_193 step %scan3A_194  : i32 {
      %mul3A_967 = arith.constant 16 : i32
      %mul3A_968 = arith.muli %scan3A_966, %mul3A_967 : i32
      %get3A = arith.constant 0 : i32
      %get3A_969 = arith.constant 0 : i32
      %get3A_970 = arith.index_cast %get3A : i32 to index
      %get3A_971 = arith.index_cast %get3A_969 : i32 to index
      %get3A_972 = arith.index_cast %mul3A_968 : i32 to index
      %get3A_973 = tpu.vector_load %arg6[%get3A_970, %get3A_971, %get3A_972] {strides = array<i32>} : memref<8x2x1024xf32, #tpu.memory_space<vmem>>, vector<1x1x16xf32>,
      %get3A_974 = vector.shape_cast %get3A_973 : vector<1x1x16xf32> to vector<16xf32>
      %swap3A = arith.constant 0 : i32
      %swap3A_975 = arith.constant 0 : i32
      %swap3A_976 = arith.constant 0 : i32
      %swap3A_977 = arith.index_cast %swap3A : i32 to index
      %swap3A_978 = arith.index_cast %swap3A_975 : i32 to index
      %swap3A_979 = arith.index_cast %swap3A_976 : i32 to index
      %swap3A_980 = arith.index_cast %mul3A_968 : i32 to index
      %swap3A_981 = tpu.vector_load %arg5[%swap3A_977, %swap3A_978, %swap3A_979, %swap3A_980] {strides = array<i32>} : memref<8x2x4x1024xf32, #tpu.memory_space<vmem>>, vector<1x1x1x16xf32>,
      %swap3A_982 = vector.shape_cast %swap3A_981 : vector<1x1x1x16xf32> to vector<16xf32>
      %swap3A_983 = vector.shape_cast %get3A_974 : vector<16xf32> to vector<1x1x1x16xf32>
      tpu.vector_store %arg5[%swap3A_977, %swap3A_978, %swap3A_979, %swap3A_980], %swap3A_983 {add = true, strides = array<i32>} : memref<8x2x4x1024xf32, #tpu.memory_space<vmem>>, vector<1x1x1x16xf32>,
      %swap3A_984 = arith.constant 0 : i32
      %swap3A_985 = arith.constant 0 : i32
      %swap3A_986 = arith.constant 1 : i32
      %swap3A_987 = arith.index_cast %swap3A_984 : i32 to index
      %swap3A_988 = arith.index_cast %swap3A_985 : i32 to index
      %swap3A_989 = arith.index_cast %swap3A_986 : i32 to index
      %swap3A_990 = arith.index_cast %mul3A_968 : i32 to index
      %swap3A_991 = tpu.vector_load %arg5[%swap3A_987, %swap3A_988, %swap3A_989, %swap3A_990] {strides = array<i32>} : memref<8x2x4x1024xf32, #tpu.memory_space<vmem>>, vector<1x1x1x16xf32>,
      %swap3A_992 = vector.shape_cast %swap3A_991 : vector<1x1x1x16xf32> to vector<16xf32>
      %swap3A_993 = vector.shape_cast %get3A_974 : vector<16xf32> to vector<1x1x1x16xf32>
      tpu.vector_store %arg5[%swap3A_987, %swap3A_988, %swap3A_989, %swap3A_990], %swap3A_993 {add = true, strides = array<i32>} : memref<8x2x4x1024xf32, #tpu.memory_space<vmem>>, vector<1x1x1x16xf32>,
      %swap3A_994 = arith.constant 0 : i32
      %swap3A_995 = arith.constant 0 : i32
      %swap3A_996 = arith.constant 2 : i32
      %swap3A_997 = arith.index_cast %swap3A_994 : i32 to index
      %swap3A_998 = arith.index_cast %swap3A_995 : i32 to index
      %swap3A_999 = arith.index_cast %swap3A_996 : i32 to index
      %swap3A_1000 = arith.index_cast %mul3A_968 : i32 to index
      %swap3A_1001 = tpu.vector_load %arg5[%swap3A_997, %swap3A_998, %swap3A_999, %swap3A_1000] {strides = array<i32>} : memref<8x2x4x1024xf32, #tpu.memory_space<vmem>>, vector<1x1x1x16xf32>,
      %swap3A_1002 = vector.shape_cast %swap3A_1001 : vector<1x1x1x16xf32> to vector<16xf32>
      %swap3A_1003 = vector.shape_cast %get3A_974 : vector<16xf32> to vector<1x1x1x16xf32>
      tpu.vector_store %arg5[%swap3A_997, %swap3A_998, %swap3A_999, %swap3A_1000], %swap3A_1003 {add = true, strides = array<i32>} : memref<8x2x4x1024xf32, #tpu.memory_space<vmem>>, vector<1x1x1x16xf32>,
      %swap3A_1004 = arith.constant 0 : i32
      %swap3A_1005 = arith.constant 0 : i32
      %swap3A_1006 = arith.constant 3 : i32
      %swap3A_1007 = arith.index_cast %swap3A_1004 : i32 to index
      %swap3A_1008 = arith.index_cast %swap3A_1005 : i32 to index
      %swap3A_1009 = arith.index_cast %swap3A_1006 : i32 to index
      %swap3A_1010 = arith.index_cast %mul3A_968 : i32 to index
      %swap3A_1011 = tpu.vector_load %arg5[%swap3A_1007, %swap3A_1008, %swap3A_1009, %swap3A_1010] {strides = array<i32>} : memref<8x2x4x1024xf32, #tpu.memory_space<vmem>>, vector<1x1x1x16xf32>,
      %swap3A_1012 = vector.shape_cast %swap3A_1011 : vector<1x1x1x16xf32> to vector<16xf32>
      %swap3A_1013 = vector.shape_cast %get3A_974 : vector<16xf32> to vector<1x1x1x16xf32>
      tpu.vector_store %arg5[%swap3A_1007, %swap3A_1008, %swap3A_1009, %swap3A_1010], %swap3A_1013 {add = true, strides = array<i32>} : memref<8x2x4x1024xf32, #tpu.memory_space<vmem>>, vector<1x1x1x16xf32>,
      %get3A_1014 = arith.constant 0 : i32
      %get3A_1015 = arith.constant 1 : i32
      %get3A_1016 = arith.index_cast %get3A_1014 : i32 to index
      %get3A_1017 = arith.index_cast %get3A_1015 : i32 to index
      %get3A_1018 = arith.index_cast %mul3A_968 : i32 to index
      %get3A_1019 = tpu.vector_load %arg6[%get3A_1016, %get3A_1017, %get3A_1018] {strides = array<i32>} : memref<8x2x1024xf32, #tpu.memory_space<vmem>>, vector<1x1x16xf32>,
      %get3A_1020 = vector.shape_cast %get3A_1019 : vector<1x1x16xf32> to vector<16xf32>
      %swap3A_1021 = arith.constant 0 : i32
      %swap3A_1022 = arith.constant 1 : i32
      %swap3A_1023 = arith.constant 0 : i32
      %swap3A_1024 = arith.index_cast %swap3A_1021 : i32 to index
      %swap3A_1025 = arith.index_cast %swap3A_1022 : i32 to index
      %swap3A_1026 = arith.index_cast %swap3A_1023 : i32 to index
      %swap3A_1027 = arith.index_cast %mul3A_968 : i32 to index
      %swap3A_1028 = tpu.vector_load %arg5[%swap3A_1024, %swap3A_1025, %swap3A_1026, %swap3A_1027] {strides = array<i32>} : memref<8x2x4x1024xf32, #tpu.memory_space<vmem>>, vector<1x1x1x16xf32>,
      %swap3A_1029 = vector.shape_cast %swap3A_1028 : vector<1x1x1x16xf32> to vector<16xf32>
      %swap3A_1030 = vector.shape_cast %get3A_1020 : vector<16xf32> to vector<1x1x1x16xf32>
      tpu.vector_store %arg5[%swap3A_1024, %swap3A_1025, %swap3A_1026, %swap3A_1027], %swap3A_1030 {add = true, strides = array<i32>} : memref<8x2x4x1024xf32, #tpu.memory_space<vmem>>, vector<1x1x1x16xf32>,
      %swap3A_1031 = arith.constant 0 : i32
      %swap3A_1032 = arith.constant 1 : i32
      %swap3A_1033 = arith.constant 1 : i32
      %swap3A_1034 = arith.index_cast %swap3A_1031 : i32 to index
      %swap3A_1035 = arith.index_cast %swap3A_1032 : i32 to index
      %swap3A_1036 = arith.index_cast %swap3A_1033 : i32 to index
      %swap3A_1037 = arith.index_cast %mul3A_968 : i32 to index
      %swap3A_1038 = tpu.vector_load %arg5[%swap3A_1034, %swap3A_1035, %swap3A_1036, %swap3A_1037] {strides = array<i32>} : memref<8x2x4x1024xf32, #tpu.memory_space<vmem>>, vector<1x1x1x16xf32>,
      %swap3A_1039 = vector.shape_cast %swap3A_1038 : vector<1x1x1x16xf32> to vector<16xf32>
      %swap3A_1040 = vector.shape_cast %get3A_1020 : vector<16xf32> to vector<1x1x1x16xf32>
      tpu.vector_store %arg5[%swap3A_1034, %swap3A_1035, %swap3A_1036, %swap3A_1037], %swap3A_1040 {add = true, strides = array<i32>} : memref<8x2x4x1024xf32, #tpu.memory_space<vmem>>, vector<1x1x1x16xf32>,
      %swap3A_1041 = arith.constant 0 : i32
      %swap3A_1042 = arith.constant 1 : i32
      %swap3A_1043 = arith.constant 2 : i32
      %swap3A_1044 = arith.index_cast %swap3A_1041 : i32 to index
      %swap3A_1045 = arith.index_cast %swap3A_1042 : i32 to index
      %swap3A_1046 = arith.index_cast %swap3A_1043 : i32 to index
      %swap3A_1047 = arith.index_cast %mul3A_968 : i32 to index
      %swap3A_1048 = tpu.vector_load %arg5[%swap3A_1044, %swap3A_1045, %swap3A_1046, %swap3A_1047] {strides = array<i32>} : memref<8x2x4x1024xf32, #tpu.memory_space<vmem>>, vector<1x1x1x16xf32>,
      %swap3A_1049 = vector.shape_cast %swap3A_1048 : vector<1x1x1x16xf32> to vector<16xf32>
      %swap3A_1050 = vector.shape_cast %get3A_1020 : vector<16xf32> to vector<1x1x1x16xf32>
      tpu.vector_store %arg5[%swap3A_1044, %swap3A_1045, %swap3A_1046, %swap3A_1047], %swap3A_1050 {add = true, strides = array<i32>} : memref<8x2x4x1024xf32, #tpu.memory_space<vmem>>, vector<1x1x1x16xf32>,
      %swap3A_1051 = arith.constant 0 : i32
      %swap3A_1052 = arith.constant 1 : i32
      %swap3A_1053 = arith.constant 3 : i32
      %swap3A_1054 = arith.index_cast %swap3A_1051 : i32 to index
      %swap3A_1055 = arith.index_cast %swap3A_1052 : i32 to index
      %swap3A_1056 = arith.index_cast %swap3A_1053 : i32 to index
      %swap3A_1057 = arith.index_cast %mul3A_968 : i32 to index
      %swap3A_1058 = tpu.vector_load %arg5[%swap3A_1054, %swap3A_1055, %swap3A_1056, %swap3A_1057] {strides = array<i32>} : memref<8x2x4x1024xf32, #tpu.memory_space<vmem>>, vector<1x1x1x16xf32>,
      %swap3A_1059 = vector.shape_cast %swap3A_1058 : vector<1x1x1x16xf32> to vector<16xf32>
      %swap3A_1060 = vector.shape_cast %get3A_1020 : vector<16xf32> to vector<1x1x1x16xf32>
      tpu.vector_store %arg5[%swap3A_1054, %swap3A_1055, %swap3A_1056, %swap3A_1057], %swap3A_1060 {add = true, strides = array<i32>} : memref<8x2x4x1024xf32, #tpu.memory_space<vmem>>, vector<1x1x1x16xf32>,
    }
    %scan3A_195 = arith.constant 64 : i32
    %add3A_196 = arith.constant 0 : i32
    %add3A_197 = arith.addi %mul3A_2, %add3A_196 : i32
    %dma_start3A_198 = arith.constant 0 : i32
    %dma_start3A_199 = arith.constant 0 : i32
    %dma_start3A_200 = arith.constant 0 : i32
    %dma_start3A_201 = arith.constant 0 : i32
    %dma_start3A_202 = tpu.memref_slice %arg5[%dma_start3A_198, %dma_start3A_199, %dma_start3A_200, %dma_start3A_201] : memref<8x2x4x1024xf32, #tpu.memory_space<vmem>> -> memref<1x2x4x1024xf32, #tpu.memory_space<vmem>>
    %dma_start3A_203 = tpu.memref_squeeze %dma_start3A_202 : memref<1x2x4x1024xf32, #tpu.memory_space<vmem>> -> memref<2x4x1024xf32, #tpu.memory_space<vmem>>
    %dma_start3A_204 = arith.constant 0 : i32
    %dma_start3A_205 = arith.constant 0 : i32
    %dma_start3A_206 = tpu.memref_slice %arg4[%add3A_197, %dma_start3A_204, %dma_start3A_205] : memref<4096x4x1024xf32, #tpu.memory_space<hbm>> -> memref<2x4x1024xf32, #tpu.memory_space<hbm>>
    %dma_start3A_207 = arith.constant 0 : i32
    %dma_start3A_208 = arith.constant 0 : i32
    %dma_start3A_209 = tpu.memref_slice %arg4[%add3A_197, %dma_start3A_207, %dma_start3A_208] : memref<4096x4x1024xf32, #tpu.memory_space<hbm>> -> memref<2x4x1024xf32, #tpu.memory_space<hbm>>
    %dma_start3A_210 = arith.constant 0 : i32
    %dma_start3A_211 = arith.constant 0 : i32
    %dma_start3A_212 = arith.constant 0 : i32
    %dma_start3A_213 = tpu.memref_slice %arg5[%dma_start3A_198, %dma_start3A_210, %dma_start3A_211, %dma_start3A_212] : memref<8x2x4x1024xf32, #tpu.memory_space<vmem>> -> memref<1x2x4x1024xf32, #tpu.memory_space<vmem>>
    %dma_start3A_214 = tpu.memref_squeeze %dma_start3A_213 : memref<1x2x4x1024xf32, #tpu.memory_space<vmem>> -> memref<2x4x1024xf32, #tpu.memory_space<vmem>>
    tpu.enqueue_dma source(%dma_start3A_214 : memref<2x4x1024xf32, #tpu.memory_space<vmem>>) target(%dma_start3A_209 : memref<2x4x1024xf32, #tpu.memory_space<hbm>>) target_semaphore(%arg23 : memref<!tpu.dma_semaphore, #tpu.memory_space<semaphore_mem>>)
    %add3A_215 = arith.constant 10 : i32
    %add3A_216 = arith.addi %mul3A_2, %add3A_215 : i32
    %dma_start3A_217 = arith.constant 5 : i32
    %dma_start3A_218 = arith.constant 0 : i32
    %dma_start3A_219 = arith.constant 0 : i32
    %dma_start3A_220 = arith.constant 0 : i32
    %dma_start3A_221 = tpu.memref_slice %arg5[%dma_start3A_217, %dma_start3A_218, %dma_start3A_219, %dma_start3A_220] : memref<8x2x4x1024xf32, #tpu.memory_space<vmem>> -> memref<1x2x4x1024xf32, #tpu.memory_space<vmem>>
    %dma_start3A_222 = tpu.memref_squeeze %dma_start3A_221 : memref<1x2x4x1024xf32, #tpu.memory_space<vmem>> -> memref<2x4x1024xf32, #tpu.memory_space<vmem>>
    %dma_start3A_223 = arith.constant 0 : i32
    %dma_start3A_224 = arith.constant 0 : i32
    %dma_start3A_225 = tpu.memref_slice %arg2[%add3A_216, %dma_start3A_223, %dma_start3A_224] : memref<4096x4x1024xf32, #tpu.memory_space<hbm>> -> memref<2x4x1024xf32, #tpu.memory_space<hbm>>
    %dma_start3A_226 = arith.constant 0 : i32
    %dma_start3A_227 = arith.constant 0 : i32
    %dma_start3A_228 = arith.constant 0 : i32
    %dma_start3A_229 = tpu.memref_slice %arg5[%dma_start3A_217, %dma_start3A_226, %dma_start3A_227, %dma_start3A_228] : memref<8x2x4x1024xf32, #tpu.memory_space<vmem>> -> memref<1x2x4x1024xf32, #tpu.memory_space<vmem>>
    %dma_start3A_230 = tpu.memref_squeeze %dma_start3A_229 : memref<1x2x4x1024xf32, #tpu.memory_space<vmem>> -> memref<2x4x1024xf32, #tpu.memory_space<vmem>>
    %dma_start3A_231 = arith.constant 0 : i32
    %dma_start3A_232 = arith.constant 0 : i32
    %dma_start3A_233 = tpu.memref_slice %arg2[%add3A_216, %dma_start3A_231, %dma_start3A_232] : memref<4096x4x1024xf32, #tpu.memory_space<hbm>> -> memref<2x4x1024xf32, #tpu.memory_space<hbm>>
    tpu.enqueue_dma source(%dma_start3A_233 : memref<2x4x1024xf32, #tpu.memory_space<hbm>>) target(%dma_start3A_230 : memref<2x4x1024xf32, #tpu.memory_space<vmem>>) target_semaphore(%arg12 : memref<!tpu.dma_semaphore, #tpu.memory_space<semaphore_mem>>)
    %dma_start3A_234 = arith.constant 5 : i32
    %dma_start3A_235 = arith.constant 0 : i32
    %dma_start3A_236 = arith.constant 0 : i32
    %dma_start3A_237 = tpu.memref_slice %arg6[%dma_start3A_234, %dma_start3A_235, %dma_start3A_236] : memref<8x2x1024xf32, #tpu.memory_space<vmem>> -> memref<1x2x1024xf32, #tpu.memory_space<vmem>>
    %dma_start3A_238 = tpu.memref_squeeze %dma_start3A_237 : memref<1x2x1024xf32, #tpu.memory_space<vmem>> -> memref<2x1024xf32, #tpu.memory_space<vmem>>
    %dma_start3A_239 = arith.constant 0 : i32
    %dma_start3A_240 = tpu.memref_slice %arg3[%add3A_216, %dma_start3A_239] : memref<8192x1024xf32, #tpu.memory_space<hbm>> -> memref<2x1024xf32, #tpu.memory_space<hbm>>
    %dma_start3A_241 = arith.constant 0 : i32
    %dma_start3A_242 = arith.constant 0 : i32
    %dma_start3A_243 = tpu.memref_slice %arg6[%dma_start3A_234, %dma_start3A_241, %dma_start3A_242] : memref<8x2x1024xf32, #tpu.memory_space<vmem>> -> memref<1x2x1024xf32, #tpu.memory_space<vmem>>
    %dma_start3A_244 = tpu.memref_squeeze %dma_start3A_243 : memref<1x2x1024xf32, #tpu.memory_space<vmem>> -> memref<2x1024xf32, #tpu.memory_space<vmem>>
    %dma_start3A_245 = arith.constant 0 : i32
    %dma_start3A_246 = tpu.memref_slice %arg3[%add3A_216, %dma_start3A_245] : memref<8192x1024xf32, #tpu.memory_space<hbm>> -> memref<2x1024xf32, #tpu.memory_space<hbm>>
    tpu.enqueue_dma source(%dma_start3A_246 : memref<2x1024xf32, #tpu.memory_space<hbm>>) target(%dma_start3A_244 : memref<2x1024xf32, #tpu.memory_space<vmem>>) target_semaphore(%arg20 : memref<!tpu.dma_semaphore, #tpu.memory_space<semaphore_mem>>)
    %dma_wait3A_247 = arith.constant 1 : i32
    %dma_wait3A_248 = arith.constant 0 : i32
    %dma_wait3A_249 = arith.constant 0 : i32
    %dma_wait3A_250 = arith.constant 0 : i32
    %dma_wait3A_251 = tpu.memref_slice %arg5[%dma_wait3A_247, %dma_wait3A_248, %dma_wait3A_249, %dma_wait3A_250] : memref<8x2x4x1024xf32, #tpu.memory_space<vmem>> -> memref<1x2x4x1024xf32, #tpu.memory_space<vmem>>
    %dma_wait3A_252 = tpu.memref_squeeze %dma_wait3A_251 : memref<1x2x4x1024xf32, #tpu.memory_space<vmem>> -> memref<2x4x1024xf32, #tpu.memory_space<vmem>>
    %dma_wait3A_253 = arith.constant 0 : i32
    %dma_wait3A_254 = arith.constant 0 : i32
    %dma_wait3A_255 = tpu.memref_slice %arg2[%mul3A_2, %dma_wait3A_253, %dma_wait3A_254] : memref<4096x4x1024xf32, #tpu.memory_space<hbm>> -> memref<2x4x1024xf32, #tpu.memory_space<hbm>>
    %dma_wait3A_256 = arith.constant 0 : i32
    %dma_wait3A_257 = arith.constant 0 : i32
    %dma_wait3A_258 = arith.constant 0 : i32
    %dma_wait3A_259 = tpu.memref_slice %arg5[%dma_wait3A_247, %dma_wait3A_256, %dma_wait3A_257, %dma_wait3A_258] : memref<8x2x4x1024xf32, #tpu.memory_space<vmem>> -> memref<1x2x4x1024xf32, #tpu.memory_space<vmem>>
    %dma_wait3A_260 = tpu.memref_squeeze %dma_wait3A_259 : memref<1x2x4x1024xf32, #tpu.memory_space<vmem>> -> memref<2x4x1024xf32, #tpu.memory_space<vmem>>
    %dma_wait3A_261 = arith.constant 0 : i32
    %dma_wait3A_262 = arith.constant 0 : i32
    %dma_wait3A_263 = tpu.memref_slice %arg2[%mul3A_2, %dma_wait3A_261, %dma_wait3A_262] : memref<4096x4x1024xf32, #tpu.memory_space<hbm>> -> memref<2x4x1024xf32, #tpu.memory_space<hbm>>
    tpu.wait_dma2 semaphore(%arg8 : memref<!tpu.dma_semaphore, #tpu.memory_space<semaphore_mem>>) src(%dma_wait3A_263 : memref<2x4x1024xf32, #tpu.memory_space<hbm>>) dst(%dma_wait3A_260 : memref<2x4x1024xf32, #tpu.memory_space<vmem>>)
    %dma_wait3A_264 = arith.constant 1 : i32
    %dma_wait3A_265 = arith.constant 0 : i32
    %dma_wait3A_266 = arith.constant 0 : i32
    %dma_wait3A_267 = tpu.memref_slice %arg6[%dma_wait3A_264, %dma_wait3A_265, %dma_wait3A_266] : memref<8x2x1024xf32, #tpu.memory_space<vmem>> -> memref<1x2x1024xf32, #tpu.memory_space<vmem>>
    %dma_wait3A_268 = tpu.memref_squeeze %dma_wait3A_267 : memref<1x2x1024xf32, #tpu.memory_space<vmem>> -> memref<2x1024xf32, #tpu.memory_space<vmem>>
    %dma_wait3A_269 = arith.constant 0 : i32
    %dma_wait3A_270 = tpu.memref_slice %arg3[%mul3A_2, %dma_wait3A_269] : memref<8192x1024xf32, #tpu.memory_space<hbm>> -> memref<2x1024xf32, #tpu.memory_space<hbm>>
    %dma_wait3A_271 = arith.constant 0 : i32
    %dma_wait3A_272 = arith.constant 0 : i32
    %dma_wait3A_273 = tpu.memref_slice %arg6[%dma_wait3A_264, %dma_wait3A_271, %dma_wait3A_272] : memref<8x2x1024xf32, #tpu.memory_space<vmem>> -> memref<1x2x1024xf32, #tpu.memory_space<vmem>>
    %dma_wait3A_274 = tpu.memref_squeeze %dma_wait3A_273 : memref<1x2x1024xf32, #tpu.memory_space<vmem>> -> memref<2x1024xf32, #tpu.memory_space<vmem>>
    %dma_wait3A_275 = arith.constant 0 : i32
    %dma_wait3A_276 = tpu.memref_slice %arg3[%mul3A_2, %dma_wait3A_275] : memref<8192x1024xf32, #tpu.memory_space<hbm>> -> memref<2x1024xf32, #tpu.memory_space<hbm>>
    tpu.wait_dma2 semaphore(%arg16 : memref<!tpu.dma_semaphore, #tpu.memory_space<semaphore_mem>>) src(%dma_wait3A_276 : memref<2x1024xf32, #tpu.memory_space<hbm>>) dst(%dma_wait3A_274 : memref<2x1024xf32, #tpu.memory_space<vmem>>)
    %scan3A_277 = arith.constant 0 : i32
    %scan3A_278 = arith.constant 0 : i32
    %scan3A_279 = arith.constant 64 : i32
    %scan3A_280 = arith.addi %scan3A_278, %scan3A_279 : i32
    %scan3A_281 = arith.constant 1 : i32
    scf.for %scan3A_966 = %scan3A_278 to %scan3A_280 step %scan3A_281  : i32 {
      %mul3A_967 = arith.constant 16 : i32
      %mul3A_968 = arith.muli %scan3A_966, %mul3A_967 : i32
      %get3A = arith.constant 1 : i32
      %get3A_969 = arith.constant 0 : i32
      %get3A_970 = arith.index_cast %get3A : i32 to index
      %get3A_971 = arith.index_cast %get3A_969 : i32 to index
      %get3A_972 = arith.index_cast %mul3A_968 : i32 to index
      %get3A_973 = tpu.vector_load %arg6[%get3A_970, %get3A_971, %get3A_972] {strides = array<i32>} : memref<8x2x1024xf32, #tpu.memory_space<vmem>>, vector<1x1x16xf32>,
      %get3A_974 = vector.shape_cast %get3A_973 : vector<1x1x16xf32> to vector<16xf32>
      %swap3A = arith.constant 1 : i32
      %swap3A_975 = arith.constant 0 : i32
      %swap3A_976 = arith.constant 0 : i32
      %swap3A_977 = arith.index_cast %swap3A : i32 to index
      %swap3A_978 = arith.index_cast %swap3A_975 : i32 to index
      %swap3A_979 = arith.index_cast %swap3A_976 : i32 to index
      %swap3A_980 = arith.index_cast %mul3A_968 : i32 to index
      %swap3A_981 = tpu.vector_load %arg5[%swap3A_977, %swap3A_978, %swap3A_979, %swap3A_980] {strides = array<i32>} : memref<8x2x4x1024xf32, #tpu.memory_space<vmem>>, vector<1x1x1x16xf32>,
      %swap3A_982 = vector.shape_cast %swap3A_981 : vector<1x1x1x16xf32> to vector<16xf32>
      %swap3A_983 = vector.shape_cast %get3A_974 : vector<16xf32> to vector<1x1x1x16xf32>
      tpu.vector_store %arg5[%swap3A_977, %swap3A_978, %swap3A_979, %swap3A_980], %swap3A_983 {add = true, strides = array<i32>} : memref<8x2x4x1024xf32, #tpu.memory_space<vmem>>, vector<1x1x1x16xf32>,
      %swap3A_984 = arith.constant 1 : i32
      %swap3A_985 = arith.constant 0 : i32
      %swap3A_986 = arith.constant 1 : i32
      %swap3A_987 = arith.index_cast %swap3A_984 : i32 to index
      %swap3A_988 = arith.index_cast %swap3A_985 : i32 to index
      %swap3A_989 = arith.index_cast %swap3A_986 : i32 to index
      %swap3A_990 = arith.index_cast %mul3A_968 : i32 to index
      %swap3A_991 = tpu.vector_load %arg5[%swap3A_987, %swap3A_988, %swap3A_989, %swap3A_990] {strides = array<i32>} : memref<8x2x4x1024xf32, #tpu.memory_space<vmem>>, vector<1x1x1x16xf32>,
      %swap3A_992 = vector.shape_cast %swap3A_991 : vector<1x1x1x16xf32> to vector<16xf32>
      %swap3A_993 = vector.shape_cast %get3A_974 : vector<16xf32> to vector<1x1x1x16xf32>
      tpu.vector_store %arg5[%swap3A_987, %swap3A_988, %swap3A_989, %swap3A_990], %swap3A_993 {add = true, strides = array<i32>} : memref<8x2x4x1024xf32, #tpu.memory_space<vmem>>, vector<1x1x1x16xf32>,
      %swap3A_994 = arith.constant 1 : i32
      %swap3A_995 = arith.constant 0 : i32
      %swap3A_996 = arith.constant 2 : i32
      %swap3A_997 = arith.index_cast %swap3A_994 : i32 to index
      %swap3A_998 = arith.index_cast %swap3A_995 : i32 to index
      %swap3A_999 = arith.index_cast %swap3A_996 : i32 to index
      %swap3A_1000 = arith.index_cast %mul3A_968 : i32 to index
      %swap3A_1001 = tpu.vector_load %arg5[%swap3A_997, %swap3A_998, %swap3A_999, %swap3A_1000] {strides = array<i32>} : memref<8x2x4x1024xf32, #tpu.memory_space<vmem>>, vector<1x1x1x16xf32>,
      %swap3A_1002 = vector.shape_cast %swap3A_1001 : vector<1x1x1x16xf32> to vector<16xf32>
      %swap3A_1003 = vector.shape_cast %get3A_974 : vector<16xf32> to vector<1x1x1x16xf32>
      tpu.vector_store %arg5[%swap3A_997, %swap3A_998, %swap3A_999, %swap3A_1000], %swap3A_1003 {add = true, strides = array<i32>} : memref<8x2x4x1024xf32, #tpu.memory_space<vmem>>, vector<1x1x1x16xf32>,
      %swap3A_1004 = arith.constant 1 : i32
      %swap3A_1005 = arith.constant 0 : i32
      %swap3A_1006 = arith.constant 3 : i32
      %swap3A_1007 = arith.index_cast %swap3A_1004 : i32 to index
      %swap3A_1008 = arith.index_cast %swap3A_1005 : i32 to index
      %swap3A_1009 = arith.index_cast %swap3A_1006 : i32 to index
      %swap3A_1010 = arith.index_cast %mul3A_968 : i32 to index
      %swap3A_1011 = tpu.vector_load %arg5[%swap3A_1007, %swap3A_1008, %swap3A_1009, %swap3A_1010] {strides = array<i32>} : memref<8x2x4x1024xf32, #tpu.memory_space<vmem>>, vector<1x1x1x16xf32>,
      %swap3A_1012 = vector.shape_cast %swap3A_1011 : vector<1x1x1x16xf32> to vector<16xf32>
      %swap3A_1013 = vector.shape_cast %get3A_974 : vector<16xf32> to vector<1x1x1x16xf32>
      tpu.vector_store %arg5[%swap3A_1007, %swap3A_1008, %swap3A_1009, %swap3A_1010], %swap3A_1013 {add = true, strides = array<i32>} : memref<8x2x4x1024xf32, #tpu.memory_space<vmem>>, vector<1x1x1x16xf32>,
      %get3A_1014 = arith.constant 1 : i32
      %get3A_1015 = arith.constant 1 : i32
      %get3A_1016 = arith.index_cast %get3A_1014 : i32 to index
      %get3A_1017 = arith.index_cast %get3A_1015 : i32 to index
      %get3A_1018 = arith.index_cast %mul3A_968 : i32 to index
      %get3A_1019 = tpu.vector_load %arg6[%get3A_1016, %get3A_1017, %get3A_1018] {strides = array<i32>} : memref<8x2x1024xf32, #tpu.memory_space<vmem>>, vector<1x1x16xf32>,
      %get3A_1020 = vector.shape_cast %get3A_1019 : vector<1x1x16xf32> to vector<16xf32>
      %swap3A_1021 = arith.constant 1 : i32
      %swap3A_1022 = arith.constant 1 : i32
      %swap3A_1023 = arith.constant 0 : i32
      %swap3A_1024 = arith.index_cast %swap3A_1021 : i32 to index
      %swap3A_1025 = arith.index_cast %swap3A_1022 : i32 to index
      %swap3A_1026 = arith.index_cast %swap3A_1023 : i32 to index
      %swap3A_1027 = arith.index_cast %mul3A_968 : i32 to index
      %swap3A_1028 = tpu.vector_load %arg5[%swap3A_1024, %swap3A_1025, %swap3A_1026, %swap3A_1027] {strides = array<i32>} : memref<8x2x4x1024xf32, #tpu.memory_space<vmem>>, vector<1x1x1x16xf32>,
      %swap3A_1029 = vector.shape_cast %swap3A_1028 : vector<1x1x1x16xf32> to vector<16xf32>
      %swap3A_1030 = vector.shape_cast %get3A_1020 : vector<16xf32> to vector<1x1x1x16xf32>
      tpu.vector_store %arg5[%swap3A_1024, %swap3A_1025, %swap3A_1026, %swap3A_1027], %swap3A_1030 {add = true, strides = array<i32>} : memref<8x2x4x1024xf32, #tpu.memory_space<vmem>>, vector<1x1x1x16xf32>,
      %swap3A_1031 = arith.constant 1 : i32
      %swap3A_1032 = arith.constant 1 : i32
      %swap3A_1033 = arith.constant 1 : i32
      %swap3A_1034 = arith.index_cast %swap3A_1031 : i32 to index
      %swap3A_1035 = arith.index_cast %swap3A_1032 : i32 to index
      %swap3A_1036 = arith.index_cast %swap3A_1033 : i32 to index
      %swap3A_1037 = arith.index_cast %mul3A_968 : i32 to index
      %swap3A_1038 = tpu.vector_load %arg5[%swap3A_1034, %swap3A_1035, %swap3A_1036, %swap3A_1037] {strides = array<i32>} : memref<8x2x4x1024xf32, #tpu.memory_space<vmem>>, vector<1x1x1x16xf32>,
      %swap3A_1039 = vector.shape_cast %swap3A_1038 : vector<1x1x1x16xf32> to vector<16xf32>
      %swap3A_1040 = vector.shape_cast %get3A_1020 : vector<16xf32> to vector<1x1x1x16xf32>
      tpu.vector_store %arg5[%swap3A_1034, %swap3A_1035, %swap3A_1036, %swap3A_1037], %swap3A_1040 {add = true, strides = array<i32>} : memref<8x2x4x1024xf32, #tpu.memory_space<vmem>>, vector<1x1x1x16xf32>,
      %swap3A_1041 = arith.constant 1 : i32
      %swap3A_1042 = arith.constant 1 : i32
      %swap3A_1043 = arith.constant 2 : i32
      %swap3A_1044 = arith.index_cast %swap3A_1041 : i32 to index
      %swap3A_1045 = arith.index_cast %swap3A_1042 : i32 to index
      %swap3A_1046 = arith.index_cast %swap3A_1043 : i32 to index
      %swap3A_1047 = arith.index_cast %mul3A_968 : i32 to index
      %swap3A_1048 = tpu.vector_load %arg5[%swap3A_1044, %swap3A_1045, %swap3A_1046, %swap3A_1047] {strides = array<i32>} : memref<8x2x4x1024xf32, #tpu.memory_space<vmem>>, vector<1x1x1x16xf32>,
      %swap3A_1049 = vector.shape_cast %swap3A_1048 : vector<1x1x1x16xf32> to vector<16xf32>
      %swap3A_1050 = vector.shape_cast %get3A_1020 : vector<16xf32> to vector<1x1x1x16xf32>
      tpu.vector_store %arg5[%swap3A_1044, %swap3A_1045, %swap3A_1046, %swap3A_1047], %swap3A_1050 {add = true, strides = array<i32>} : memref<8x2x4x1024xf32, #tpu.memory_space<vmem>>, vector<1x1x1x16xf32>,
      %swap3A_1051 = arith.constant 1 : i32
      %swap3A_1052 = arith.constant 1 : i32
      %swap3A_1053 = arith.constant 3 : i32
      %swap3A_1054 = arith.index_cast %swap3A_1051 : i32 to index
      %swap3A_1055 = arith.index_cast %swap3A_1052 : i32 to index
      %swap3A_1056 = arith.index_cast %swap3A_1053 : i32 to index
      %swap3A_1057 = arith.index_cast %mul3A_968 : i32 to index
      %swap3A_1058 = tpu.vector_load %arg5[%swap3A_1054, %swap3A_1055, %swap3A_1056, %swap3A_1057] {strides = array<i32>} : memref<8x2x4x1024xf32, #tpu.memory_space<vmem>>, vector<1x1x1x16xf32>,
      %swap3A_1059 = vector.shape_cast %swap3A_1058 : vector<1x1x1x16xf32> to vector<16xf32>
      %swap3A_1060 = vector.shape_cast %get3A_1020 : vector<16xf32> to vector<1x1x1x16xf32>
      tpu.vector_store %arg5[%swap3A_1054, %swap3A_1055, %swap3A_1056, %swap3A_1057], %swap3A_1060 {add = true, strides = array<i32>} : memref<8x2x4x1024xf32, #tpu.memory_space<vmem>>, vector<1x1x1x16xf32>,
    }
    %scan3A_282 = arith.constant 64 : i32
    %add3A_283 = arith.constant 2 : i32
    %add3A_284 = arith.addi %mul3A_2, %add3A_283 : i32
    %dma_start3A_285 = arith.constant 1 : i32
    %dma_start3A_286 = arith.constant 0 : i32
    %dma_start3A_287 = arith.constant 0 : i32
    %dma_start3A_288 = arith.constant 0 : i32
    %dma_start3A_289 = tpu.memref_slice %arg5[%dma_start3A_285, %dma_start3A_286, %dma_start3A_287, %dma_start3A_288] : memref<8x2x4x1024xf32, #tpu.memory_space<vmem>> -> memref<1x2x4x1024xf32, #tpu.memory_space<vmem>>
    %dma_start3A_290 = tpu.memref_squeeze %dma_start3A_289 : memref<1x2x4x1024xf32, #tpu.memory_space<vmem>> -> memref<2x4x1024xf32, #tpu.memory_space<vmem>>
    %dma_start3A_291 = arith.constant 0 : i32
    %dma_start3A_292 = arith.constant 0 : i32
    %dma_start3A_293 = tpu.memref_slice %arg4[%add3A_284, %dma_start3A_291, %dma_start3A_292] : memref<4096x4x1024xf32, #tpu.memory_space<hbm>> -> memref<2x4x1024xf32, #tpu.memory_space<hbm>>
    %dma_start3A_294 = arith.constant 0 : i32
    %dma_start3A_295 = arith.constant 0 : i32
    %dma_start3A_296 = tpu.memref_slice %arg4[%add3A_284, %dma_start3A_294, %dma_start3A_295] : memref<4096x4x1024xf32, #tpu.memory_space<hbm>> -> memref<2x4x1024xf32, #tpu.memory_space<hbm>>
    %dma_start3A_297 = arith.constant 0 : i32
    %dma_start3A_298 = arith.constant 0 : i32
    %dma_start3A_299 = arith.constant 0 : i32
    %dma_start3A_300 = tpu.memref_slice %arg5[%dma_start3A_285, %dma_start3A_297, %dma_start3A_298, %dma_start3A_299] : memref<8x2x4x1024xf32, #tpu.memory_space<vmem>> -> memref<1x2x4x1024xf32, #tpu.memory_space<vmem>>
    %dma_start3A_301 = tpu.memref_squeeze %dma_start3A_300 : memref<1x2x4x1024xf32, #tpu.memory_space<vmem>> -> memref<2x4x1024xf32, #tpu.memory_space<vmem>>
    tpu.enqueue_dma source(%dma_start3A_301 : memref<2x4x1024xf32, #tpu.memory_space<vmem>>) target(%dma_start3A_296 : memref<2x4x1024xf32, #tpu.memory_space<hbm>>) target_semaphore(%arg24 : memref<!tpu.dma_semaphore, #tpu.memory_space<semaphore_mem>>)
    %add3A_302 = arith.constant 12 : i32
    %add3A_303 = arith.addi %mul3A_2, %add3A_302 : i32
    %dma_start3A_304 = arith.constant 6 : i32
    %dma_start3A_305 = arith.constant 0 : i32
    %dma_start3A_306 = arith.constant 0 : i32
    %dma_start3A_307 = arith.constant 0 : i32
    %dma_start3A_308 = tpu.memref_slice %arg5[%dma_start3A_304, %dma_start3A_305, %dma_start3A_306, %dma_start3A_307] : memref<8x2x4x1024xf32, #tpu.memory_space<vmem>> -> memref<1x2x4x1024xf32, #tpu.memory_space<vmem>>
    %dma_start3A_309 = tpu.memref_squeeze %dma_start3A_308 : memref<1x2x4x1024xf32, #tpu.memory_space<vmem>> -> memref<2x4x1024xf32, #tpu.memory_space<vmem>>
    %dma_start3A_310 = arith.constant 0 : i32
    %dma_start3A_311 = arith.constant 0 : i32
    %dma_start3A_312 = tpu.memref_slice %arg2[%add3A_303, %dma_start3A_310, %dma_start3A_311] : memref<4096x4x1024xf32, #tpu.memory_space<hbm>> -> memref<2x4x1024xf32, #tpu.memory_space<hbm>>
    %dma_start3A_313 = arith.constant 0 : i32
    %dma_start3A_314 = arith.constant 0 : i32
    %dma_start3A_315 = arith.constant 0 : i32
    %dma_start3A_316 = tpu.memref_slice %arg5[%dma_start3A_304, %dma_start3A_313, %dma_start3A_314, %dma_start3A_315] : memref<8x2x4x1024xf32, #tpu.memory_space<vmem>> -> memref<1x2x4x1024xf32, #tpu.memory_space<vmem>>
    %dma_start3A_317 = tpu.memref_squeeze %dma_start3A_316 : memref<1x2x4x1024xf32, #tpu.memory_space<vmem>> -> memref<2x4x1024xf32, #tpu.memory_space<vmem>>
    %dma_start3A_318 = arith.constant 0 : i32
    %dma_start3A_319 = arith.constant 0 : i32
    %dma_start3A_320 = tpu.memref_slice %arg2[%add3A_303, %dma_start3A_318, %dma_start3A_319] : memref<4096x4x1024xf32, #tpu.memory_space<hbm>> -> memref<2x4x1024xf32, #tpu.memory_space<hbm>>
    tpu.enqueue_dma source(%dma_start3A_320 : memref<2x4x1024xf32, #tpu.memory_space<hbm>>) target(%dma_start3A_317 : memref<2x4x1024xf32, #tpu.memory_space<vmem>>) target_semaphore(%arg13 : memref<!tpu.dma_semaphore, #tpu.memory_space<semaphore_mem>>)
    %dma_start3A_321 = arith.constant 6 : i32
    %dma_start3A_322 = arith.constant 0 : i32
    %dma_start3A_323 = arith.constant 0 : i32
    %dma_start3A_324 = tpu.memref_slice %arg6[%dma_start3A_321, %dma_start3A_322, %dma_start3A_323] : memref<8x2x1024xf32, #tpu.memory_space<vmem>> -> memref<1x2x1024xf32, #tpu.memory_space<vmem>>
    %dma_start3A_325 = tpu.memref_squeeze %dma_start3A_324 : memref<1x2x1024xf32, #tpu.memory_space<vmem>> -> memref<2x1024xf32, #tpu.memory_space<vmem>>
    %dma_start3A_326 = arith.constant 0 : i32
    %dma_start3A_327 = tpu.memref_slice %arg3[%add3A_303, %dma_start3A_326] : memref<8192x1024xf32, #tpu.memory_space<hbm>> -> memref<2x1024xf32, #tpu.memory_space<hbm>>
    %dma_start3A_328 = arith.constant 0 : i32
    %dma_start3A_329 = arith.constant 0 : i32
    %dma_start3A_330 = tpu.memref_slice %arg6[%dma_start3A_321, %dma_start3A_328, %dma_start3A_329] : memref<8x2x1024xf32, #tpu.memory_space<vmem>> -> memref<1x2x1024xf32, #tpu.memory_space<vmem>>
    %dma_start3A_331 = tpu.memref_squeeze %dma_start3A_330 : memref<1x2x1024xf32, #tpu.memory_space<vmem>> -> memref<2x1024xf32, #tpu.memory_space<vmem>>
    %dma_start3A_332 = arith.constant 0 : i32
    %dma_start3A_333 = tpu.memref_slice %arg3[%add3A_303, %dma_start3A_332] : memref<8192x1024xf32, #tpu.memory_space<hbm>> -> memref<2x1024xf32, #tpu.memory_space<hbm>>
    tpu.enqueue_dma source(%dma_start3A_333 : memref<2x1024xf32, #tpu.memory_space<hbm>>) target(%dma_start3A_331 : memref<2x1024xf32, #tpu.memory_space<vmem>>) target_semaphore(%arg21 : memref<!tpu.dma_semaphore, #tpu.memory_space<semaphore_mem>>)
    %dma_wait3A_334 = arith.constant 2 : i32
    %dma_wait3A_335 = arith.constant 0 : i32
    %dma_wait3A_336 = arith.constant 0 : i32
    %dma_wait3A_337 = arith.constant 0 : i32
    %dma_wait3A_338 = tpu.memref_slice %arg5[%dma_wait3A_334, %dma_wait3A_335, %dma_wait3A_336, %dma_wait3A_337] : memref<8x2x4x1024xf32, #tpu.memory_space<vmem>> -> memref<1x2x4x1024xf32, #tpu.memory_space<vmem>>
    %dma_wait3A_339 = tpu.memref_squeeze %dma_wait3A_338 : memref<1x2x4x1024xf32, #tpu.memory_space<vmem>> -> memref<2x4x1024xf32, #tpu.memory_space<vmem>>
    %dma_wait3A_340 = arith.constant 0 : i32
    %dma_wait3A_341 = arith.constant 0 : i32
    %dma_wait3A_342 = tpu.memref_slice %arg2[%mul3A_2, %dma_wait3A_340, %dma_wait3A_341] : memref<4096x4x1024xf32, #tpu.memory_space<hbm>> -> memref<2x4x1024xf32, #tpu.memory_space<hbm>>
    %dma_wait3A_343 = arith.constant 0 : i32
    %dma_wait3A_344 = arith.constant 0 : i32
    %dma_wait3A_345 = arith.constant 0 : i32
    %dma_wait3A_346 = tpu.memref_slice %arg5[%dma_wait3A_334, %dma_wait3A_343, %dma_wait3A_344, %dma_wait3A_345] : memref<8x2x4x1024xf32, #tpu.memory_space<vmem>> -> memref<1x2x4x1024xf32, #tpu.memory_space<vmem>>
    %dma_wait3A_347 = tpu.memref_squeeze %dma_wait3A_346 : memref<1x2x4x1024xf32, #tpu.memory_space<vmem>> -> memref<2x4x1024xf32, #tpu.memory_space<vmem>>
    %dma_wait3A_348 = arith.constant 0 : i32
    %dma_wait3A_349 = arith.constant 0 : i32
    %dma_wait3A_350 = tpu.memref_slice %arg2[%mul3A_2, %dma_wait3A_348, %dma_wait3A_349] : memref<4096x4x1024xf32, #tpu.memory_space<hbm>> -> memref<2x4x1024xf32, #tpu.memory_space<hbm>>
    tpu.wait_dma2 semaphore(%arg9 : memref<!tpu.dma_semaphore, #tpu.memory_space<semaphore_mem>>) src(%dma_wait3A_350 : memref<2x4x1024xf32, #tpu.memory_space<hbm>>) dst(%dma_wait3A_347 : memref<2x4x1024xf32, #tpu.memory_space<vmem>>)
    %dma_wait3A_351 = arith.constant 2 : i32
    %dma_wait3A_352 = arith.constant 0 : i32
    %dma_wait3A_353 = arith.constant 0 : i32
    %dma_wait3A_354 = tpu.memref_slice %arg6[%dma_wait3A_351, %dma_wait3A_352, %dma_wait3A_353] : memref<8x2x1024xf32, #tpu.memory_space<vmem>> -> memref<1x2x1024xf32, #tpu.memory_space<vmem>>
    %dma_wait3A_355 = tpu.memref_squeeze %dma_wait3A_354 : memref<1x2x1024xf32, #tpu.memory_space<vmem>> -> memref<2x1024xf32, #tpu.memory_space<vmem>>
    %dma_wait3A_356 = arith.constant 0 : i32
    %dma_wait3A_357 = tpu.memref_slice %arg3[%mul3A_2, %dma_wait3A_356] : memref<8192x1024xf32, #tpu.memory_space<hbm>> -> memref<2x1024xf32, #tpu.memory_space<hbm>>
    %dma_wait3A_358 = arith.constant 0 : i32
    %dma_wait3A_359 = arith.constant 0 : i32
    %dma_wait3A_360 = tpu.memref_slice %arg6[%dma_wait3A_351, %dma_wait3A_358, %dma_wait3A_359] : memref<8x2x1024xf32, #tpu.memory_space<vmem>> -> memref<1x2x1024xf32, #tpu.memory_space<vmem>>
    %dma_wait3A_361 = tpu.memref_squeeze %dma_wait3A_360 : memref<1x2x1024xf32, #tpu.memory_space<vmem>> -> memref<2x1024xf32, #tpu.memory_space<vmem>>
    %dma_wait3A_362 = arith.constant 0 : i32
    %dma_wait3A_363 = tpu.memref_slice %arg3[%mul3A_2, %dma_wait3A_362] : memref<8192x1024xf32, #tpu.memory_space<hbm>> -> memref<2x1024xf32, #tpu.memory_space<hbm>>
    tpu.wait_dma2 semaphore(%arg17 : memref<!tpu.dma_semaphore, #tpu.memory_space<semaphore_mem>>) src(%dma_wait3A_363 : memref<2x1024xf32, #tpu.memory_space<hbm>>) dst(%dma_wait3A_361 : memref<2x1024xf32, #tpu.memory_space<vmem>>)
    %scan3A_364 = arith.constant 0 : i32
    %scan3A_365 = arith.constant 0 : i32
    %scan3A_366 = arith.constant 64 : i32
    %scan3A_367 = arith.addi %scan3A_365, %scan3A_366 : i32
    %scan3A_368 = arith.constant 1 : i32
    scf.for %scan3A_966 = %scan3A_365 to %scan3A_367 step %scan3A_368  : i32 {
      %mul3A_967 = arith.constant 16 : i32
      %mul3A_968 = arith.muli %scan3A_966, %mul3A_967 : i32
      %get3A = arith.constant 2 : i32
      %get3A_969 = arith.constant 0 : i32
      %get3A_970 = arith.index_cast %get3A : i32 to index
      %get3A_971 = arith.index_cast %get3A_969 : i32 to index
      %get3A_972 = arith.index_cast %mul3A_968 : i32 to index
      %get3A_973 = tpu.vector_load %arg6[%get3A_970, %get3A_971, %get3A_972] {strides = array<i32>} : memref<8x2x1024xf32, #tpu.memory_space<vmem>>, vector<1x1x16xf32>,
      %get3A_974 = vector.shape_cast %get3A_973 : vector<1x1x16xf32> to vector<16xf32>
      %swap3A = arith.constant 2 : i32
      %swap3A_975 = arith.constant 0 : i32
      %swap3A_976 = arith.constant 0 : i32
      %swap3A_977 = arith.index_cast %swap3A : i32 to index
      %swap3A_978 = arith.index_cast %swap3A_975 : i32 to index
      %swap3A_979 = arith.index_cast %swap3A_976 : i32 to index
      %swap3A_980 = arith.index_cast %mul3A_968 : i32 to index
      %swap3A_981 = tpu.vector_load %arg5[%swap3A_977, %swap3A_978, %swap3A_979, %swap3A_980] {strides = array<i32>} : memref<8x2x4x1024xf32, #tpu.memory_space<vmem>>, vector<1x1x1x16xf32>,
      %swap3A_982 = vector.shape_cast %swap3A_981 : vector<1x1x1x16xf32> to vector<16xf32>
      %swap3A_983 = vector.shape_cast %get3A_974 : vector<16xf32> to vector<1x1x1x16xf32>
      tpu.vector_store %arg5[%swap3A_977, %swap3A_978, %swap3A_979, %swap3A_980], %swap3A_983 {add = true, strides = array<i32>} : memref<8x2x4x1024xf32, #tpu.memory_space<vmem>>, vector<1x1x1x16xf32>,
      %swap3A_984 = arith.constant 2 : i32
      %swap3A_985 = arith.constant 0 : i32
      %swap3A_986 = arith.constant 1 : i32
      %swap3A_987 = arith.index_cast %swap3A_984 : i32 to index
      %swap3A_988 = arith.index_cast %swap3A_985 : i32 to index
      %swap3A_989 = arith.index_cast %swap3A_986 : i32 to index
      %swap3A_990 = arith.index_cast %mul3A_968 : i32 to index
      %swap3A_991 = tpu.vector_load %arg5[%swap3A_987, %swap3A_988, %swap3A_989, %swap3A_990] {strides = array<i32>} : memref<8x2x4x1024xf32, #tpu.memory_space<vmem>>, vector<1x1x1x16xf32>,
      %swap3A_992 = vector.shape_cast %swap3A_991 : vector<1x1x1x16xf32> to vector<16xf32>
      %swap3A_993 = vector.shape_cast %get3A_974 : vector<16xf32> to vector<1x1x1x16xf32>
      tpu.vector_store %arg5[%swap3A_987, %swap3A_988, %swap3A_989, %swap3A_990], %swap3A_993 {add = true, strides = array<i32>} : memref<8x2x4x1024xf32, #tpu.memory_space<vmem>>, vector<1x1x1x16xf32>,
      %swap3A_994 = arith.constant 2 : i32
      %swap3A_995 = arith.constant 0 : i32
      %swap3A_996 = arith.constant 2 : i32
      %swap3A_997 = arith.index_cast %swap3A_994 : i32 to index
      %swap3A_998 = arith.index_cast %swap3A_995 : i32 to index
      %swap3A_999 = arith.index_cast %swap3A_996 : i32 to index
      %swap3A_1000 = arith.index_cast %mul3A_968 : i32 to index
      %swap3A_1001 = tpu.vector_load %arg5[%swap3A_997, %swap3A_998, %swap3A_999, %swap3A_1000] {strides = array<i32>} : memref<8x2x4x1024xf32, #tpu.memory_space<vmem>>, vector<1x1x1x16xf32>,
      %swap3A_1002 = vector.shape_cast %swap3A_1001 : vector<1x1x1x16xf32> to vector<16xf32>
      %swap3A_1003 = vector.shape_cast %get3A_974 : vector<16xf32> to vector<1x1x1x16xf32>
      tpu.vector_store %arg5[%swap3A_997, %swap3A_998, %swap3A_999, %swap3A_1000], %swap3A_1003 {add = true, strides = array<i32>} : memref<8x2x4x1024xf32, #tpu.memory_space<vmem>>, vector<1x1x1x16xf32>,
      %swap3A_1004 = arith.constant 2 : i32
      %swap3A_1005 = arith.constant 0 : i32
      %swap3A_1006 = arith.constant 3 : i32
      %swap3A_1007 = arith.index_cast %swap3A_1004 : i32 to index
      %swap3A_1008 = arith.index_cast %swap3A_1005 : i32 to index
      %swap3A_1009 = arith.index_cast %swap3A_1006 : i32 to index
      %swap3A_1010 = arith.index_cast %mul3A_968 : i32 to index
      %swap3A_1011 = tpu.vector_load %arg5[%swap3A_1007, %swap3A_1008, %swap3A_1009, %swap3A_1010] {strides = array<i32>} : memref<8x2x4x1024xf32, #tpu.memory_space<vmem>>, vector<1x1x1x16xf32>,
      %swap3A_1012 = vector.shape_cast %swap3A_1011 : vector<1x1x1x16xf32> to vector<16xf32>
      %swap3A_1013 = vector.shape_cast %get3A_974 : vector<16xf32> to vector<1x1x1x16xf32>
      tpu.vector_store %arg5[%swap3A_1007, %swap3A_1008, %swap3A_1009, %swap3A_1010], %swap3A_1013 {add = true, strides = array<i32>} : memref<8x2x4x1024xf32, #tpu.memory_space<vmem>>, vector<1x1x1x16xf32>,
      %get3A_1014 = arith.constant 2 : i32
      %get3A_1015 = arith.constant 1 : i32
      %get3A_1016 = arith.index_cast %get3A_1014 : i32 to index
      %get3A_1017 = arith.index_cast %get3A_1015 : i32 to index
      %get3A_1018 = arith.index_cast %mul3A_968 : i32 to index
      %get3A_1019 = tpu.vector_load %arg6[%get3A_1016, %get3A_1017, %get3A_1018] {strides = array<i32>} : memref<8x2x1024xf32, #tpu.memory_space<vmem>>, vector<1x1x16xf32>,
      %get3A_1020 = vector.shape_cast %get3A_1019 : vector<1x1x16xf32> to vector<16xf32>
      %swap3A_1021 = arith.constant 2 : i32
      %swap3A_1022 = arith.constant 1 : i32
      %swap3A_1023 = arith.constant 0 : i32
      %swap3A_1024 = arith.index_cast %swap3A_1021 : i32 to index
      %swap3A_1025 = arith.index_cast %swap3A_1022 : i32 to index
      %swap3A_1026 = arith.index_cast %swap3A_1023 : i32 to index
      %swap3A_1027 = arith.index_cast %mul3A_968 : i32 to index
      %swap3A_1028 = tpu.vector_load %arg5[%swap3A_1024, %swap3A_1025, %swap3A_1026, %swap3A_1027] {strides = array<i32>} : memref<8x2x4x1024xf32, #tpu.memory_space<vmem>>, vector<1x1x1x16xf32>,
      %swap3A_1029 = vector.shape_cast %swap3A_1028 : vector<1x1x1x16xf32> to vector<16xf32>
      %swap3A_1030 = vector.shape_cast %get3A_1020 : vector<16xf32> to vector<1x1x1x16xf32>
      tpu.vector_store %arg5[%swap3A_1024, %swap3A_1025, %swap3A_1026, %swap3A_1027], %swap3A_1030 {add = true, strides = array<i32>} : memref<8x2x4x1024xf32, #tpu.memory_space<vmem>>, vector<1x1x1x16xf32>,
      %swap3A_1031 = arith.constant 2 : i32
      %swap3A_1032 = arith.constant 1 : i32
      %swap3A_1033 = arith.constant 1 : i32
      %swap3A_1034 = arith.index_cast %swap3A_1031 : i32 to index
      %swap3A_1035 = arith.index_cast %swap3A_1032 : i32 to index
      %swap3A_1036 = arith.index_cast %swap3A_1033 : i32 to index
      %swap3A_1037 = arith.index_cast %mul3A_968 : i32 to index
      %swap3A_1038 = tpu.vector_load %arg5[%swap3A_1034, %swap3A_1035, %swap3A_1036, %swap3A_1037] {strides = array<i32>} : memref<8x2x4x1024xf32, #tpu.memory_space<vmem>>, vector<1x1x1x16xf32>,
      %swap3A_1039 = vector.shape_cast %swap3A_1038 : vector<1x1x1x16xf32> to vector<16xf32>
      %swap3A_1040 = vector.shape_cast %get3A_1020 : vector<16xf32> to vector<1x1x1x16xf32>
      tpu.vector_store %arg5[%swap3A_1034, %swap3A_1035, %swap3A_1036, %swap3A_1037], %swap3A_1040 {add = true, strides = array<i32>} : memref<8x2x4x1024xf32, #tpu.memory_space<vmem>>, vector<1x1x1x16xf32>,
      %swap3A_1041 = arith.constant 2 : i32
      %swap3A_1042 = arith.constant 1 : i32
      %swap3A_1043 = arith.constant 2 : i32
      %swap3A_1044 = arith.index_cast %swap3A_1041 : i32 to index
      %swap3A_1045 = arith.index_cast %swap3A_1042 : i32 to index
      %swap3A_1046 = arith.index_cast %swap3A_1043 : i32 to index
      %swap3A_1047 = arith.index_cast %mul3A_968 : i32 to index
      %swap3A_1048 = tpu.vector_load %arg5[%swap3A_1044, %swap3A_1045, %swap3A_1046, %swap3A_1047] {strides = array<i32>} : memref<8x2x4x1024xf32, #tpu.memory_space<vmem>>, vector<1x1x1x16xf32>,
      %swap3A_1049 = vector.shape_cast %swap3A_1048 : vector<1x1x1x16xf32> to vector<16xf32>
      %swap3A_1050 = vector.shape_cast %get3A_1020 : vector<16xf32> to vector<1x1x1x16xf32>
      tpu.vector_store %arg5[%swap3A_1044, %swap3A_1045, %swap3A_1046, %swap3A_1047], %swap3A_1050 {add = true, strides = array<i32>} : memref<8x2x4x1024xf32, #tpu.memory_space<vmem>>, vector<1x1x1x16xf32>,
      %swap3A_1051 = arith.constant 2 : i32
      %swap3A_1052 = arith.constant 1 : i32
      %swap3A_1053 = arith.constant 3 : i32
      %swap3A_1054 = arith.index_cast %swap3A_1051 : i32 to index
      %swap3A_1055 = arith.index_cast %swap3A_1052 : i32 to index
      %swap3A_1056 = arith.index_cast %swap3A_1053 : i32 to index
      %swap3A_1057 = arith.index_cast %mul3A_968 : i32 to index
      %swap3A_1058 = tpu.vector_load %arg5[%swap3A_1054, %swap3A_1055, %swap3A_1056, %swap3A_1057] {strides = array<i32>} : memref<8x2x4x1024xf32, #tpu.memory_space<vmem>>, vector<1x1x1x16xf32>,
      %swap3A_1059 = vector.shape_cast %swap3A_1058 : vector<1x1x1x16xf32> to vector<16xf32>
      %swap3A_1060 = vector.shape_cast %get3A_1020 : vector<16xf32> to vector<1x1x1x16xf32>
      tpu.vector_store %arg5[%swap3A_1054, %swap3A_1055, %swap3A_1056, %swap3A_1057], %swap3A_1060 {add = true, strides = array<i32>} : memref<8x2x4x1024xf32, #tpu.memory_space<vmem>>, vector<1x1x1x16xf32>,
    }
    %scan3A_369 = arith.constant 64 : i32
    %add3A_370 = arith.constant 4 : i32
    %add3A_371 = arith.addi %mul3A_2, %add3A_370 : i32
    %dma_start3A_372 = arith.constant 2 : i32
    %dma_start3A_373 = arith.constant 0 : i32
    %dma_start3A_374 = arith.constant 0 : i32
    %dma_start3A_375 = arith.constant 0 : i32
    %dma_start3A_376 = tpu.memref_slice %arg5[%dma_start3A_372, %dma_start3A_373, %dma_start3A_374, %dma_start3A_375] : memref<8x2x4x1024xf32, #tpu.memory_space<vmem>> -> memref<1x2x4x1024xf32, #tpu.memory_space<vmem>>
    %dma_start3A_377 = tpu.memref_squeeze %dma_start3A_376 : memref<1x2x4x1024xf32, #tpu.memory_space<vmem>> -> memref<2x4x1024xf32, #tpu.memory_space<vmem>>
    %dma_start3A_378 = arith.constant 0 : i32
    %dma_start3A_379 = arith.constant 0 : i32
    %dma_start3A_380 = tpu.memref_slice %arg4[%add3A_371, %dma_start3A_378, %dma_start3A_379] : memref<4096x4x1024xf32, #tpu.memory_space<hbm>> -> memref<2x4x1024xf32, #tpu.memory_space<hbm>>
    %dma_start3A_381 = arith.constant 0 : i32
    %dma_start3A_382 = arith.constant 0 : i32
    %dma_start3A_383 = tpu.memref_slice %arg4[%add3A_371, %dma_start3A_381, %dma_start3A_382] : memref<4096x4x1024xf32, #tpu.memory_space<hbm>> -> memref<2x4x1024xf32, #tpu.memory_space<hbm>>
    %dma_start3A_384 = arith.constant 0 : i32
    %dma_start3A_385 = arith.constant 0 : i32
    %dma_start3A_386 = arith.constant 0 : i32
    %dma_start3A_387 = tpu.memref_slice %arg5[%dma_start3A_372, %dma_start3A_384, %dma_start3A_385, %dma_start3A_386] : memref<8x2x4x1024xf32, #tpu.memory_space<vmem>> -> memref<1x2x4x1024xf32, #tpu.memory_space<vmem>>
    %dma_start3A_388 = tpu.memref_squeeze %dma_start3A_387 : memref<1x2x4x1024xf32, #tpu.memory_space<vmem>> -> memref<2x4x1024xf32, #tpu.memory_space<vmem>>
    tpu.enqueue_dma source(%dma_start3A_388 : memref<2x4x1024xf32, #tpu.memory_space<vmem>>) target(%dma_start3A_383 : memref<2x4x1024xf32, #tpu.memory_space<hbm>>) target_semaphore(%arg25 : memref<!tpu.dma_semaphore, #tpu.memory_space<semaphore_mem>>)
    %add3A_389 = arith.constant 14 : i32
    %add3A_390 = arith.addi %mul3A_2, %add3A_389 : i32
    %dma_start3A_391 = arith.constant 7 : i32
    %dma_start3A_392 = arith.constant 0 : i32
    %dma_start3A_393 = arith.constant 0 : i32
    %dma_start3A_394 = arith.constant 0 : i32
    %dma_start3A_395 = tpu.memref_slice %arg5[%dma_start3A_391, %dma_start3A_392, %dma_start3A_393, %dma_start3A_394] : memref<8x2x4x1024xf32, #tpu.memory_space<vmem>> -> memref<1x2x4x1024xf32, #tpu.memory_space<vmem>>
    %dma_start3A_396 = tpu.memref_squeeze %dma_start3A_395 : memref<1x2x4x1024xf32, #tpu.memory_space<vmem>> -> memref<2x4x1024xf32, #tpu.memory_space<vmem>>
    %dma_start3A_397 = arith.constant 0 : i32
    %dma_start3A_398 = arith.constant 0 : i32
    %dma_start3A_399 = tpu.memref_slice %arg2[%add3A_390, %dma_start3A_397, %dma_start3A_398] : memref<4096x4x1024xf32, #tpu.memory_space<hbm>> -> memref<2x4x1024xf32, #tpu.memory_space<hbm>>
    %dma_start3A_400 = arith.constant 0 : i32
    %dma_start3A_401 = arith.constant 0 : i32
    %dma_start3A_402 = arith.constant 0 : i32
    %dma_start3A_403 = tpu.memref_slice %arg5[%dma_start3A_391, %dma_start3A_400, %dma_start3A_401, %dma_start3A_402] : memref<8x2x4x1024xf32, #tpu.memory_space<vmem>> -> memref<1x2x4x1024xf32, #tpu.memory_space<vmem>>
    %dma_start3A_404 = tpu.memref_squeeze %dma_start3A_403 : memref<1x2x4x1024xf32, #tpu.memory_space<vmem>> -> memref<2x4x1024xf32, #tpu.memory_space<vmem>>
    %dma_start3A_405 = arith.constant 0 : i32
    %dma_start3A_406 = arith.constant 0 : i32
    %dma_start3A_407 = tpu.memref_slice %arg2[%add3A_390, %dma_start3A_405, %dma_start3A_406] : memref<4096x4x1024xf32, #tpu.memory_space<hbm>> -> memref<2x4x1024xf32, #tpu.memory_space<hbm>>
    tpu.enqueue_dma source(%dma_start3A_407 : memref<2x4x1024xf32, #tpu.memory_space<hbm>>) target(%dma_start3A_404 : memref<2x4x1024xf32, #tpu.memory_space<vmem>>) target_semaphore(%arg14 : memref<!tpu.dma_semaphore, #tpu.memory_space<semaphore_mem>>)
    %dma_start3A_408 = arith.constant 7 : i32
    %dma_start3A_409 = arith.constant 0 : i32
    %dma_start3A_410 = arith.constant 0 : i32
    %dma_start3A_411 = tpu.memref_slice %arg6[%dma_start3A_408, %dma_start3A_409, %dma_start3A_410] : memref<8x2x1024xf32, #tpu.memory_space<vmem>> -> memref<1x2x1024xf32, #tpu.memory_space<vmem>>
    %dma_start3A_412 = tpu.memref_squeeze %dma_start3A_411 : memref<1x2x1024xf32, #tpu.memory_space<vmem>> -> memref<2x1024xf32, #tpu.memory_space<vmem>>
    %dma_start3A_413 = arith.constant 0 : i32
    %dma_start3A_414 = tpu.memref_slice %arg3[%add3A_390, %dma_start3A_413] : memref<8192x1024xf32, #tpu.memory_space<hbm>> -> memref<2x1024xf32, #tpu.memory_space<hbm>>
    %dma_start3A_415 = arith.constant 0 : i32
    %dma_start3A_416 = arith.constant 0 : i32
    %dma_start3A_417 = tpu.memref_slice %arg6[%dma_start3A_408, %dma_start3A_415, %dma_start3A_416] : memref<8x2x1024xf32, #tpu.memory_space<vmem>> -> memref<1x2x1024xf32, #tpu.memory_space<vmem>>
    %dma_start3A_418 = tpu.memref_squeeze %dma_start3A_417 : memref<1x2x1024xf32, #tpu.memory_space<vmem>> -> memref<2x1024xf32, #tpu.memory_space<vmem>>
    %dma_start3A_419 = arith.constant 0 : i32
    %dma_start3A_420 = tpu.memref_slice %arg3[%add3A_390, %dma_start3A_419] : memref<8192x1024xf32, #tpu.memory_space<hbm>> -> memref<2x1024xf32, #tpu.memory_space<hbm>>
    tpu.enqueue_dma source(%dma_start3A_420 : memref<2x1024xf32, #tpu.memory_space<hbm>>) target(%dma_start3A_418 : memref<2x1024xf32, #tpu.memory_space<vmem>>) target_semaphore(%arg22 : memref<!tpu.dma_semaphore, #tpu.memory_space<semaphore_mem>>)
    %dma_wait3A_421 = arith.constant 3 : i32
    %dma_wait3A_422 = arith.constant 0 : i32
    %dma_wait3A_423 = arith.constant 0 : i32
    %dma_wait3A_424 = arith.constant 0 : i32
    %dma_wait3A_425 = tpu.memref_slice %arg5[%dma_wait3A_421, %dma_wait3A_422, %dma_wait3A_423, %dma_wait3A_424] : memref<8x2x4x1024xf32, #tpu.memory_space<vmem>> -> memref<1x2x4x1024xf32, #tpu.memory_space<vmem>>
    %dma_wait3A_426 = tpu.memref_squeeze %dma_wait3A_425 : memref<1x2x4x1024xf32, #tpu.memory_space<vmem>> -> memref<2x4x1024xf32, #tpu.memory_space<vmem>>
    %dma_wait3A_427 = arith.constant 0 : i32
    %dma_wait3A_428 = arith.constant 0 : i32
    %dma_wait3A_429 = tpu.memref_slice %arg2[%mul3A_2, %dma_wait3A_427, %dma_wait3A_428] : memref<4096x4x1024xf32, #tpu.memory_space<hbm>> -> memref<2x4x1024xf32, #tpu.memory_space<hbm>>
    %dma_wait3A_430 = arith.constant 0 : i32
    %dma_wait3A_431 = arith.constant 0 : i32
    %dma_wait3A_432 = arith.constant 0 : i32
    %dma_wait3A_433 = tpu.memref_slice %arg5[%dma_wait3A_421, %dma_wait3A_430, %dma_wait3A_431, %dma_wait3A_432] : memref<8x2x4x1024xf32, #tpu.memory_space<vmem>> -> memref<1x2x4x1024xf32, #tpu.memory_space<vmem>>
    %dma_wait3A_434 = tpu.memref_squeeze %dma_wait3A_433 : memref<1x2x4x1024xf32, #tpu.memory_space<vmem>> -> memref<2x4x1024xf32, #tpu.memory_space<vmem>>
    %dma_wait3A_435 = arith.constant 0 : i32
    %dma_wait3A_436 = arith.constant 0 : i32
    %dma_wait3A_437 = tpu.memref_slice %arg2[%mul3A_2, %dma_wait3A_435, %dma_wait3A_436] : memref<4096x4x1024xf32, #tpu.memory_space<hbm>> -> memref<2x4x1024xf32, #tpu.memory_space<hbm>>
    tpu.wait_dma2 semaphore(%arg10 : memref<!tpu.dma_semaphore, #tpu.memory_space<semaphore_mem>>) src(%dma_wait3A_437 : memref<2x4x1024xf32, #tpu.memory_space<hbm>>) dst(%dma_wait3A_434 : memref<2x4x1024xf32, #tpu.memory_space<vmem>>)
    %dma_wait3A_438 = arith.constant 3 : i32
    %dma_wait3A_439 = arith.constant 0 : i32
    %dma_wait3A_440 = arith.constant 0 : i32
    %dma_wait3A_441 = tpu.memref_slice %arg6[%dma_wait3A_438, %dma_wait3A_439, %dma_wait3A_440] : memref<8x2x1024xf32, #tpu.memory_space<vmem>> -> memref<1x2x1024xf32, #tpu.memory_space<vmem>>
    %dma_wait3A_442 = tpu.memref_squeeze %dma_wait3A_441 : memref<1x2x1024xf32, #tpu.memory_space<vmem>> -> memref<2x1024xf32, #tpu.memory_space<vmem>>
    %dma_wait3A_443 = arith.constant 0 : i32
    %dma_wait3A_444 = tpu.memref_slice %arg3[%mul3A_2, %dma_wait3A_443] : memref<8192x1024xf32, #tpu.memory_space<hbm>> -> memref<2x1024xf32, #tpu.memory_space<hbm>>
    %dma_wait3A_445 = arith.constant 0 : i32
    %dma_wait3A_446 = arith.constant 0 : i32
    %dma_wait3A_447 = tpu.memref_slice %arg6[%dma_wait3A_438, %dma_wait3A_445, %dma_wait3A_446] : memref<8x2x1024xf32, #tpu.memory_space<vmem>> -> memref<1x2x1024xf32, #tpu.memory_space<vmem>>
    %dma_wait3A_448 = tpu.memref_squeeze %dma_wait3A_447 : memref<1x2x1024xf32, #tpu.memory_space<vmem>> -> memref<2x1024xf32, #tpu.memory_space<vmem>>
    %dma_wait3A_449 = arith.constant 0 : i32
    %dma_wait3A_450 = tpu.memref_slice %arg3[%mul3A_2, %dma_wait3A_449] : memref<8192x1024xf32, #tpu.memory_space<hbm>> -> memref<2x1024xf32, #tpu.memory_space<hbm>>
    tpu.wait_dma2 semaphore(%arg18 : memref<!tpu.dma_semaphore, #tpu.memory_space<semaphore_mem>>) src(%dma_wait3A_450 : memref<2x1024xf32, #tpu.memory_space<hbm>>) dst(%dma_wait3A_448 : memref<2x1024xf32, #tpu.memory_space<vmem>>)
    %scan3A_451 = arith.constant 0 : i32
    %scan3A_452 = arith.constant 0 : i32
    %scan3A_453 = arith.constant 64 : i32
    %scan3A_454 = arith.addi %scan3A_452, %scan3A_453 : i32
    %scan3A_455 = arith.constant 1 : i32
    scf.for %scan3A_966 = %scan3A_452 to %scan3A_454 step %scan3A_455  : i32 {
      %mul3A_967 = arith.constant 16 : i32
      %mul3A_968 = arith.muli %scan3A_966, %mul3A_967 : i32
      %get3A = arith.constant 3 : i32
      %get3A_969 = arith.constant 0 : i32
      %get3A_970 = arith.index_cast %get3A : i32 to index
      %get3A_971 = arith.index_cast %get3A_969 : i32 to index
      %get3A_972 = arith.index_cast %mul3A_968 : i32 to index
      %get3A_973 = tpu.vector_load %arg6[%get3A_970, %get3A_971, %get3A_972] {strides = array<i32>} : memref<8x2x1024xf32, #tpu.memory_space<vmem>>, vector<1x1x16xf32>,
      %get3A_974 = vector.shape_cast %get3A_973 : vector<1x1x16xf32> to vector<16xf32>
      %swap3A = arith.constant 3 : i32
      %swap3A_975 = arith.constant 0 : i32
      %swap3A_976 = arith.constant 0 : i32
      %swap3A_977 = arith.index_cast %swap3A : i32 to index
      %swap3A_978 = arith.index_cast %swap3A_975 : i32 to index
      %swap3A_979 = arith.index_cast %swap3A_976 : i32 to index
      %swap3A_980 = arith.index_cast %mul3A_968 : i32 to index
      %swap3A_981 = tpu.vector_load %arg5[%swap3A_977, %swap3A_978, %swap3A_979, %swap3A_980] {strides = array<i32>} : memref<8x2x4x1024xf32, #tpu.memory_space<vmem>>, vector<1x1x1x16xf32>,
      %swap3A_982 = vector.shape_cast %swap3A_981 : vector<1x1x1x16xf32> to vector<16xf32>
      %swap3A_983 = vector.shape_cast %get3A_974 : vector<16xf32> to vector<1x1x1x16xf32>
      tpu.vector_store %arg5[%swap3A_977, %swap3A_978, %swap3A_979, %swap3A_980], %swap3A_983 {add = true, strides = array<i32>} : memref<8x2x4x1024xf32, #tpu.memory_space<vmem>>, vector<1x1x1x16xf32>,
      %swap3A_984 = arith.constant 3 : i32
      %swap3A_985 = arith.constant 0 : i32
      %swap3A_986 = arith.constant 1 : i32
      %swap3A_987 = arith.index_cast %swap3A_984 : i32 to index
      %swap3A_988 = arith.index_cast %swap3A_985 : i32 to index
      %swap3A_989 = arith.index_cast %swap3A_986 : i32 to index
      %swap3A_990 = arith.index_cast %mul3A_968 : i32 to index
      %swap3A_991 = tpu.vector_load %arg5[%swap3A_987, %swap3A_988, %swap3A_989, %swap3A_990] {strides = array<i32>} : memref<8x2x4x1024xf32, #tpu.memory_space<vmem>>, vector<1x1x1x16xf32>,
      %swap3A_992 = vector.shape_cast %swap3A_991 : vector<1x1x1x16xf32> to vector<16xf32>
      %swap3A_993 = vector.shape_cast %get3A_974 : vector<16xf32> to vector<1x1x1x16xf32>
      tpu.vector_store %arg5[%swap3A_987, %swap3A_988, %swap3A_989, %swap3A_990], %swap3A_993 {add = true, strides = array<i32>} : memref<8x2x4x1024xf32, #tpu.memory_space<vmem>>, vector<1x1x1x16xf32>,
      %swap3A_994 = arith.constant 3 : i32
      %swap3A_995 = arith.constant 0 : i32
      %swap3A_996 = arith.constant 2 : i32
      %swap3A_997 = arith.index_cast %swap3A_994 : i32 to index
      %swap3A_998 = arith.index_cast %swap3A_995 : i32 to index
      %swap3A_999 = arith.index_cast %swap3A_996 : i32 to index
      %swap3A_1000 = arith.index_cast %mul3A_968 : i32 to index
      %swap3A_1001 = tpu.vector_load %arg5[%swap3A_997, %swap3A_998, %swap3A_999, %swap3A_1000] {strides = array<i32>} : memref<8x2x4x1024xf32, #tpu.memory_space<vmem>>, vector<1x1x1x16xf32>,
      %swap3A_1002 = vector.shape_cast %swap3A_1001 : vector<1x1x1x16xf32> to vector<16xf32>
      %swap3A_1003 = vector.shape_cast %get3A_974 : vector<16xf32> to vector<1x1x1x16xf32>
      tpu.vector_store %arg5[%swap3A_997, %swap3A_998, %swap3A_999, %swap3A_1000], %swap3A_1003 {add = true, strides = array<i32>} : memref<8x2x4x1024xf32, #tpu.memory_space<vmem>>, vector<1x1x1x16xf32>,
      %swap3A_1004 = arith.constant 3 : i32
      %swap3A_1005 = arith.constant 0 : i32
      %swap3A_1006 = arith.constant 3 : i32
      %swap3A_1007 = arith.index_cast %swap3A_1004 : i32 to index
      %swap3A_1008 = arith.index_cast %swap3A_1005 : i32 to index
      %swap3A_1009 = arith.index_cast %swap3A_1006 : i32 to index
      %swap3A_1010 = arith.index_cast %mul3A_968 : i32 to index
      %swap3A_1011 = tpu.vector_load %arg5[%swap3A_1007, %swap3A_1008, %swap3A_1009, %swap3A_1010] {strides = array<i32>} : memref<8x2x4x1024xf32, #tpu.memory_space<vmem>>, vector<1x1x1x16xf32>,
      %swap3A_1012 = vector.shape_cast %swap3A_1011 : vector<1x1x1x16xf32> to vector<16xf32>
      %swap3A_1013 = vector.shape_cast %get3A_974 : vector<16xf32> to vector<1x1x1x16xf32>
      tpu.vector_store %arg5[%swap3A_1007, %swap3A_1008, %swap3A_1009, %swap3A_1010], %swap3A_1013 {add = true, strides = array<i32>} : memref<8x2x4x1024xf32, #tpu.memory_space<vmem>>, vector<1x1x1x16xf32>,
      %get3A_1014 = arith.constant 3 : i32
      %get3A_1015 = arith.constant 1 : i32
      %get3A_1016 = arith.index_cast %get3A_1014 : i32 to index
      %get3A_1017 = arith.index_cast %get3A_1015 : i32 to index
      %get3A_1018 = arith.index_cast %mul3A_968 : i32 to index
      %get3A_1019 = tpu.vector_load %arg6[%get3A_1016, %get3A_1017, %get3A_1018] {strides = array<i32>} : memref<8x2x1024xf32, #tpu.memory_space<vmem>>, vector<1x1x16xf32>,
      %get3A_1020 = vector.shape_cast %get3A_1019 : vector<1x1x16xf32> to vector<16xf32>
      %swap3A_1021 = arith.constant 3 : i32
      %swap3A_1022 = arith.constant 1 : i32
      %swap3A_1023 = arith.constant 0 : i32
      %swap3A_1024 = arith.index_cast %swap3A_1021 : i32 to index
      %swap3A_1025 = arith.index_cast %swap3A_1022 : i32 to index
      %swap3A_1026 = arith.index_cast %swap3A_1023 : i32 to index
      %swap3A_1027 = arith.index_cast %mul3A_968 : i32 to index
      %swap3A_1028 = tpu.vector_load %arg5[%swap3A_1024, %swap3A_1025, %swap3A_1026, %swap3A_1027] {strides = array<i32>} : memref<8x2x4x1024xf32, #tpu.memory_space<vmem>>, vector<1x1x1x16xf32>,
      %swap3A_1029 = vector.shape_cast %swap3A_1028 : vector<1x1x1x16xf32> to vector<16xf32>
      %swap3A_1030 = vector.shape_cast %get3A_1020 : vector<16xf32> to vector<1x1x1x16xf32>
      tpu.vector_store %arg5[%swap3A_1024, %swap3A_1025, %swap3A_1026, %swap3A_1027], %swap3A_1030 {add = true, strides = array<i32>} : memref<8x2x4x1024xf32, #tpu.memory_space<vmem>>, vector<1x1x1x16xf32>,
      %swap3A_1031 = arith.constant 3 : i32
      %swap3A_1032 = arith.constant 1 : i32
      %swap3A_1033 = arith.constant 1 : i32
      %swap3A_1034 = arith.index_cast %swap3A_1031 : i32 to index
      %swap3A_1035 = arith.index_cast %swap3A_1032 : i32 to index
      %swap3A_1036 = arith.index_cast %swap3A_1033 : i32 to index
      %swap3A_1037 = arith.index_cast %mul3A_968 : i32 to index
      %swap3A_1038 = tpu.vector_load %arg5[%swap3A_1034, %swap3A_1035, %swap3A_1036, %swap3A_1037] {strides = array<i32>} : memref<8x2x4x1024xf32, #tpu.memory_space<vmem>>, vector<1x1x1x16xf32>,
      %swap3A_1039 = vector.shape_cast %swap3A_1038 : vector<1x1x1x16xf32> to vector<16xf32>
      %swap3A_1040 = vector.shape_cast %get3A_1020 : vector<16xf32> to vector<1x1x1x16xf32>
      tpu.vector_store %arg5[%swap3A_1034, %swap3A_1035, %swap3A_1036, %swap3A_1037], %swap3A_1040 {add = true, strides = array<i32>} : memref<8x2x4x1024xf32, #tpu.memory_space<vmem>>, vector<1x1x1x16xf32>,
      %swap3A_1041 = arith.constant 3 : i32
      %swap3A_1042 = arith.constant 1 : i32
      %swap3A_1043 = arith.constant 2 : i32
      %swap3A_1044 = arith.index_cast %swap3A_1041 : i32 to index
      %swap3A_1045 = arith.index_cast %swap3A_1042 : i32 to index
      %swap3A_1046 = arith.index_cast %swap3A_1043 : i32 to index
      %swap3A_1047 = arith.index_cast %mul3A_968 : i32 to index
      %swap3A_1048 = tpu.vector_load %arg5[%swap3A_1044, %swap3A_1045, %swap3A_1046, %swap3A_1047] {strides = array<i32>} : memref<8x2x4x1024xf32, #tpu.memory_space<vmem>>, vector<1x1x1x16xf32>,
      %swap3A_1049 = vector.shape_cast %swap3A_1048 : vector<1x1x1x16xf32> to vector<16xf32>
      %swap3A_1050 = vector.shape_cast %get3A_1020 : vector<16xf32> to vector<1x1x1x16xf32>
      tpu.vector_store %arg5[%swap3A_1044, %swap3A_1045, %swap3A_1046, %swap3A_1047], %swap3A_1050 {add = true, strides = array<i32>} : memref<8x2x4x1024xf32, #tpu.memory_space<vmem>>, vector<1x1x1x16xf32>,
      %swap3A_1051 = arith.constant 3 : i32
      %swap3A_1052 = arith.constant 1 : i32
      %swap3A_1053 = arith.constant 3 : i32
      %swap3A_1054 = arith.index_cast %swap3A_1051 : i32 to index
      %swap3A_1055 = arith.index_cast %swap3A_1052 : i32 to index
      %swap3A_1056 = arith.index_cast %swap3A_1053 : i32 to index
      %swap3A_1057 = arith.index_cast %mul3A_968 : i32 to index
      %swap3A_1058 = tpu.vector_load %arg5[%swap3A_1054, %swap3A_1055, %swap3A_1056, %swap3A_1057] {strides = array<i32>} : memref<8x2x4x1024xf32, #tpu.memory_space<vmem>>, vector<1x1x1x16xf32>,
      %swap3A_1059 = vector.shape_cast %swap3A_1058 : vector<1x1x1x16xf32> to vector<16xf32>
      %swap3A_1060 = vector.shape_cast %get3A_1020 : vector<16xf32> to vector<1x1x1x16xf32>
      tpu.vector_store %arg5[%swap3A_1054, %swap3A_1055, %swap3A_1056, %swap3A_1057], %swap3A_1060 {add = true, strides = array<i32>} : memref<8x2x4x1024xf32, #tpu.memory_space<vmem>>, vector<1x1x1x16xf32>,
    }
    %scan3A_456 = arith.constant 64 : i32
    %add3A_457 = arith.constant 6 : i32
    %add3A_458 = arith.addi %mul3A_2, %add3A_457 : i32
    %dma_start3A_459 = arith.constant 3 : i32
    %dma_start3A_460 = arith.constant 0 : i32
    %dma_start3A_461 = arith.constant 0 : i32
    %dma_start3A_462 = arith.constant 0 : i32
    %dma_start3A_463 = tpu.memref_slice %arg5[%dma_start3A_459, %dma_start3A_460, %dma_start3A_461, %dma_start3A_462] : memref<8x2x4x1024xf32, #tpu.memory_space<vmem>> -> memref<1x2x4x1024xf32, #tpu.memory_space<vmem>>
    %dma_start3A_464 = tpu.memref_squeeze %dma_start3A_463 : memref<1x2x4x1024xf32, #tpu.memory_space<vmem>> -> memref<2x4x1024xf32, #tpu.memory_space<vmem>>
    %dma_start3A_465 = arith.constant 0 : i32
    %dma_start3A_466 = arith.constant 0 : i32
    %dma_start3A_467 = tpu.memref_slice %arg4[%add3A_458, %dma_start3A_465, %dma_start3A_466] : memref<4096x4x1024xf32, #tpu.memory_space<hbm>> -> memref<2x4x1024xf32, #tpu.memory_space<hbm>>
    %dma_start3A_468 = arith.constant 0 : i32
    %dma_start3A_469 = arith.constant 0 : i32
    %dma_start3A_470 = tpu.memref_slice %arg4[%add3A_458, %dma_start3A_468, %dma_start3A_469] : memref<4096x4x1024xf32, #tpu.memory_space<hbm>> -> memref<2x4x1024xf32, #tpu.memory_space<hbm>>
    %dma_start3A_471 = arith.constant 0 : i32
    %dma_start3A_472 = arith.constant 0 : i32
    %dma_start3A_473 = arith.constant 0 : i32
    %dma_start3A_474 = tpu.memref_slice %arg5[%dma_start3A_459, %dma_start3A_471, %dma_start3A_472, %dma_start3A_473] : memref<8x2x4x1024xf32, #tpu.memory_space<vmem>> -> memref<1x2x4x1024xf32, #tpu.memory_space<vmem>>
    %dma_start3A_475 = tpu.memref_squeeze %dma_start3A_474 : memref<1x2x4x1024xf32, #tpu.memory_space<vmem>> -> memref<2x4x1024xf32, #tpu.memory_space<vmem>>
    tpu.enqueue_dma source(%dma_start3A_475 : memref<2x4x1024xf32, #tpu.memory_space<vmem>>) target(%dma_start3A_470 : memref<2x4x1024xf32, #tpu.memory_space<hbm>>) target_semaphore(%arg26 : memref<!tpu.dma_semaphore, #tpu.memory_space<semaphore_mem>>)
    %dma_wait3A_476 = arith.constant 0 : i32
    %dma_wait3A_477 = arith.constant 0 : i32
    %dma_wait3A_478 = arith.constant 0 : i32
    %dma_wait3A_479 = arith.constant 0 : i32
    %dma_wait3A_480 = tpu.memref_slice %arg5[%dma_wait3A_476, %dma_wait3A_477, %dma_wait3A_478, %dma_wait3A_479] : memref<8x2x4x1024xf32, #tpu.memory_space<vmem>> -> memref<1x2x4x1024xf32, #tpu.memory_space<vmem>>
    %dma_wait3A_481 = tpu.memref_squeeze %dma_wait3A_480 : memref<1x2x4x1024xf32, #tpu.memory_space<vmem>> -> memref<2x4x1024xf32, #tpu.memory_space<vmem>>
    %dma_wait3A_482 = arith.constant 0 : i32
    %dma_wait3A_483 = arith.constant 0 : i32
    %dma_wait3A_484 = tpu.memref_slice %arg4[%mul3A_2, %dma_wait3A_482, %dma_wait3A_483] : memref<4096x4x1024xf32, #tpu.memory_space<hbm>> -> memref<2x4x1024xf32, #tpu.memory_space<hbm>>
    %dma_wait3A_485 = arith.constant 0 : i32
    %dma_wait3A_486 = arith.constant 0 : i32
    %dma_wait3A_487 = tpu.memref_slice %arg4[%mul3A_2, %dma_wait3A_485, %dma_wait3A_486] : memref<4096x4x1024xf32, #tpu.memory_space<hbm>> -> memref<2x4x1024xf32, #tpu.memory_space<hbm>>
    %dma_wait3A_488 = arith.constant 0 : i32
    %dma_wait3A_489 = arith.constant 0 : i32
    %dma_wait3A_490 = arith.constant 0 : i32
    %dma_wait3A_491 = tpu.memref_slice %arg5[%dma_wait3A_476, %dma_wait3A_488, %dma_wait3A_489, %dma_wait3A_490] : memref<8x2x4x1024xf32, #tpu.memory_space<vmem>> -> memref<1x2x4x1024xf32, #tpu.memory_space<vmem>>
    %dma_wait3A_492 = tpu.memref_squeeze %dma_wait3A_491 : memref<1x2x4x1024xf32, #tpu.memory_space<vmem>> -> memref<2x4x1024xf32, #tpu.memory_space<vmem>>
    tpu.wait_dma2 semaphore(%arg23 : memref<!tpu.dma_semaphore, #tpu.memory_space<semaphore_mem>>) src(%dma_wait3A_492 : memref<2x4x1024xf32, #tpu.memory_space<vmem>>) dst(%dma_wait3A_487 : memref<2x4x1024xf32, #tpu.memory_space<hbm>>)
    %add3A_493 = arith.constant 16 : i32
    %add3A_494 = arith.addi %mul3A_2, %add3A_493 : i32
    %dma_start3A_495 = arith.constant 0 : i32
    %dma_start3A_496 = arith.constant 0 : i32
    %dma_start3A_497 = arith.constant 0 : i32
    %dma_start3A_498 = arith.constant 0 : i32
    %dma_start3A_499 = tpu.memref_slice %arg5[%dma_start3A_495, %dma_start3A_496, %dma_start3A_497, %dma_start3A_498] : memref<8x2x4x1024xf32, #tpu.memory_space<vmem>> -> memref<1x2x4x1024xf32, #tpu.memory_space<vmem>>
    %dma_start3A_500 = tpu.memref_squeeze %dma_start3A_499 : memref<1x2x4x1024xf32, #tpu.memory_space<vmem>> -> memref<2x4x1024xf32, #tpu.memory_space<vmem>>
    %dma_start3A_501 = arith.constant 0 : i32
    %dma_start3A_502 = arith.constant 0 : i32
    %dma_start3A_503 = tpu.memref_slice %arg2[%add3A_494, %dma_start3A_501, %dma_start3A_502] : memref<4096x4x1024xf32, #tpu.memory_space<hbm>> -> memref<2x4x1024xf32, #tpu.memory_space<hbm>>
    %dma_start3A_504 = arith.constant 0 : i32
    %dma_start3A_505 = arith.constant 0 : i32
    %dma_start3A_506 = arith.constant 0 : i32
    %dma_start3A_507 = tpu.memref_slice %arg5[%dma_start3A_495, %dma_start3A_504, %dma_start3A_505, %dma_start3A_506] : memref<8x2x4x1024xf32, #tpu.memory_space<vmem>> -> memref<1x2x4x1024xf32, #tpu.memory_space<vmem>>
    %dma_start3A_508 = tpu.memref_squeeze %dma_start3A_507 : memref<1x2x4x1024xf32, #tpu.memory_space<vmem>> -> memref<2x4x1024xf32, #tpu.memory_space<vmem>>
    %dma_start3A_509 = arith.constant 0 : i32
    %dma_start3A_510 = arith.constant 0 : i32
    %dma_start3A_511 = tpu.memref_slice %arg2[%add3A_494, %dma_start3A_509, %dma_start3A_510] : memref<4096x4x1024xf32, #tpu.memory_space<hbm>> -> memref<2x4x1024xf32, #tpu.memory_space<hbm>>
    tpu.enqueue_dma source(%dma_start3A_511 : memref<2x4x1024xf32, #tpu.memory_space<hbm>>) target(%dma_start3A_508 : memref<2x4x1024xf32, #tpu.memory_space<vmem>>) target_semaphore(%arg7 : memref<!tpu.dma_semaphore, #tpu.memory_space<semaphore_mem>>)
    %dma_start3A_512 = arith.constant 0 : i32
    %dma_start3A_513 = arith.constant 0 : i32
    %dma_start3A_514 = arith.constant 0 : i32
    %dma_start3A_515 = tpu.memref_slice %arg6[%dma_start3A_512, %dma_start3A_513, %dma_start3A_514] : memref<8x2x1024xf32, #tpu.memory_space<vmem>> -> memref<1x2x1024xf32, #tpu.memory_space<vmem>>
    %dma_start3A_516 = tpu.memref_squeeze %dma_start3A_515 : memref<1x2x1024xf32, #tpu.memory_space<vmem>> -> memref<2x1024xf32, #tpu.memory_space<vmem>>
    %dma_start3A_517 = arith.constant 0 : i32
    %dma_start3A_518 = tpu.memref_slice %arg3[%add3A_494, %dma_start3A_517] : memref<8192x1024xf32, #tpu.memory_space<hbm>> -> memref<2x1024xf32, #tpu.memory_space<hbm>>
    %dma_start3A_519 = arith.constant 0 : i32
    %dma_start3A_520 = arith.constant 0 : i32
    %dma_start3A_521 = tpu.memref_slice %arg6[%dma_start3A_512, %dma_start3A_519, %dma_start3A_520] : memref<8x2x1024xf32, #tpu.memory_space<vmem>> -> memref<1x2x1024xf32, #tpu.memory_space<vmem>>
    %dma_start3A_522 = tpu.memref_squeeze %dma_start3A_521 : memref<1x2x1024xf32, #tpu.memory_space<vmem>> -> memref<2x1024xf32, #tpu.memory_space<vmem>>
    %dma_start3A_523 = arith.constant 0 : i32
    %dma_start3A_524 = tpu.memref_slice %arg3[%add3A_494, %dma_start3A_523] : memref<8192x1024xf32, #tpu.memory_space<hbm>> -> memref<2x1024xf32, #tpu.memory_space<hbm>>
    tpu.enqueue_dma source(%dma_start3A_524 : memref<2x1024xf32, #tpu.memory_space<hbm>>) target(%dma_start3A_522 : memref<2x1024xf32, #tpu.memory_space<vmem>>) target_semaphore(%arg15 : memref<!tpu.dma_semaphore, #tpu.memory_space<semaphore_mem>>)
    %dma_wait3A_525 = arith.constant 4 : i32
    %dma_wait3A_526 = arith.constant 0 : i32
    %dma_wait3A_527 = arith.constant 0 : i32
    %dma_wait3A_528 = arith.constant 0 : i32
    %dma_wait3A_529 = tpu.memref_slice %arg5[%dma_wait3A_525, %dma_wait3A_526, %dma_wait3A_527, %dma_wait3A_528] : memref<8x2x4x1024xf32, #tpu.memory_space<vmem>> -> memref<1x2x4x1024xf32, #tpu.memory_space<vmem>>
    %dma_wait3A_530 = tpu.memref_squeeze %dma_wait3A_529 : memref<1x2x4x1024xf32, #tpu.memory_space<vmem>> -> memref<2x4x1024xf32, #tpu.memory_space<vmem>>
    %dma_wait3A_531 = arith.constant 0 : i32
    %dma_wait3A_532 = arith.constant 0 : i32
    %dma_wait3A_533 = tpu.memref_slice %arg2[%mul3A_2, %dma_wait3A_531, %dma_wait3A_532] : memref<4096x4x1024xf32, #tpu.memory_space<hbm>> -> memref<2x4x1024xf32, #tpu.memory_space<hbm>>
    %dma_wait3A_534 = arith.constant 0 : i32
    %dma_wait3A_535 = arith.constant 0 : i32
    %dma_wait3A_536 = arith.constant 0 : i32
    %dma_wait3A_537 = tpu.memref_slice %arg5[%dma_wait3A_525, %dma_wait3A_534, %dma_wait3A_535, %dma_wait3A_536] : memref<8x2x4x1024xf32, #tpu.memory_space<vmem>> -> memref<1x2x4x1024xf32, #tpu.memory_space<vmem>>
    %dma_wait3A_538 = tpu.memref_squeeze %dma_wait3A_537 : memref<1x2x4x1024xf32, #tpu.memory_space<vmem>> -> memref<2x4x1024xf32, #tpu.memory_space<vmem>>
    %dma_wait3A_539 = arith.constant 0 : i32
    %dma_wait3A_540 = arith.constant 0 : i32
    %dma_wait3A_541 = tpu.memref_slice %arg2[%mul3A_2, %dma_wait3A_539, %dma_wait3A_540] : memref<4096x4x1024xf32, #tpu.memory_space<hbm>> -> memref<2x4x1024xf32, #tpu.memory_space<hbm>>
    tpu.wait_dma2 semaphore(%arg11 : memref<!tpu.dma_semaphore, #tpu.memory_space<semaphore_mem>>) src(%dma_wait3A_541 : memref<2x4x1024xf32, #tpu.memory_space<hbm>>) dst(%dma_wait3A_538 : memref<2x4x1024xf32, #tpu.memory_space<vmem>>)
    %dma_wait3A_542 = arith.constant 4 : i32
    %dma_wait3A_543 = arith.constant 0 : i32
    %dma_wait3A_544 = arith.constant 0 : i32
    %dma_wait3A_545 = tpu.memref_slice %arg6[%dma_wait3A_542, %dma_wait3A_543, %dma_wait3A_544] : memref<8x2x1024xf32, #tpu.memory_space<vmem>> -> memref<1x2x1024xf32, #tpu.memory_space<vmem>>
    %dma_wait3A_546 = tpu.memref_squeeze %dma_wait3A_545 : memref<1x2x1024xf32, #tpu.memory_space<vmem>> -> memref<2x1024xf32, #tpu.memory_space<vmem>>
    %dma_wait3A_547 = arith.constant 0 : i32
    %dma_wait3A_548 = tpu.memref_slice %arg3[%mul3A_2, %dma_wait3A_547] : memref<8192x1024xf32, #tpu.memory_space<hbm>> -> memref<2x1024xf32, #tpu.memory_space<hbm>>
    %dma_wait3A_549 = arith.constant 0 : i32
    %dma_wait3A_550 = arith.constant 0 : i32
    %dma_wait3A_551 = tpu.memref_slice %arg6[%dma_wait3A_542, %dma_wait3A_549, %dma_wait3A_550] : memref<8x2x1024xf32, #tpu.memory_space<vmem>> -> memref<1x2x1024xf32, #tpu.memory_space<vmem>>
    %dma_wait3A_552 = tpu.memref_squeeze %dma_wait3A_551 : memref<1x2x1024xf32, #tpu.memory_space<vmem>> -> memref<2x1024xf32, #tpu.memory_space<vmem>>
    %dma_wait3A_553 = arith.constant 0 : i32
    %dma_wait3A_554 = tpu.memref_slice %arg3[%mul3A_2, %dma_wait3A_553] : memref<8192x1024xf32, #tpu.memory_space<hbm>> -> memref<2x1024xf32, #tpu.memory_space<hbm>>
    tpu.wait_dma2 semaphore(%arg19 : memref<!tpu.dma_semaphore, #tpu.memory_space<semaphore_mem>>) src(%dma_wait3A_554 : memref<2x1024xf32, #tpu.memory_space<hbm>>) dst(%dma_wait3A_552 : memref<2x1024xf32, #tpu.memory_space<vmem>>)
    %scan3A_555 = arith.constant 0 : i32
    %scan3A_556 = arith.constant 0 : i32
    %scan3A_557 = arith.constant 64 : i32
    %scan3A_558 = arith.addi %scan3A_556, %scan3A_557 : i32
    %scan3A_559 = arith.constant 1 : i32
    scf.for %scan3A_966 = %scan3A_556 to %scan3A_558 step %scan3A_559  : i32 {
      %mul3A_967 = arith.constant 16 : i32
      %mul3A_968 = arith.muli %scan3A_966, %mul3A_967 : i32
      %get3A = arith.constant 4 : i32
      %get3A_969 = arith.constant 0 : i32
      %get3A_970 = arith.index_cast %get3A : i32 to index
      %get3A_971 = arith.index_cast %get3A_969 : i32 to index
      %get3A_972 = arith.index_cast %mul3A_968 : i32 to index
      %get3A_973 = tpu.vector_load %arg6[%get3A_970, %get3A_971, %get3A_972] {strides = array<i32>} : memref<8x2x1024xf32, #tpu.memory_space<vmem>>, vector<1x1x16xf32>,
      %get3A_974 = vector.shape_cast %get3A_973 : vector<1x1x16xf32> to vector<16xf32>
      %swap3A = arith.constant 4 : i32
      %swap3A_975 = arith.constant 0 : i32
      %swap3A_976 = arith.constant 0 : i32
      %swap3A_977 = arith.index_cast %swap3A : i32 to index
      %swap3A_978 = arith.index_cast %swap3A_975 : i32 to index
      %swap3A_979 = arith.index_cast %swap3A_976 : i32 to index
      %swap3A_980 = arith.index_cast %mul3A_968 : i32 to index
      %swap3A_981 = tpu.vector_load %arg5[%swap3A_977, %swap3A_978, %swap3A_979, %swap3A_980] {strides = array<i32>} : memref<8x2x4x1024xf32, #tpu.memory_space<vmem>>, vector<1x1x1x16xf32>,
      %swap3A_982 = vector.shape_cast %swap3A_981 : vector<1x1x1x16xf32> to vector<16xf32>
      %swap3A_983 = vector.shape_cast %get3A_974 : vector<16xf32> to vector<1x1x1x16xf32>
      tpu.vector_store %arg5[%swap3A_977, %swap3A_978, %swap3A_979, %swap3A_980], %swap3A_983 {add = true, strides = array<i32>} : memref<8x2x4x1024xf32, #tpu.memory_space<vmem>>, vector<1x1x1x16xf32>,
      %swap3A_984 = arith.constant 4 : i32
      %swap3A_985 = arith.constant 0 : i32
      %swap3A_986 = arith.constant 1 : i32
      %swap3A_987 = arith.index_cast %swap3A_984 : i32 to index
      %swap3A_988 = arith.index_cast %swap3A_985 : i32 to index
      %swap3A_989 = arith.index_cast %swap3A_986 : i32 to index
      %swap3A_990 = arith.index_cast %mul3A_968 : i32 to index
      %swap3A_991 = tpu.vector_load %arg5[%swap3A_987, %swap3A_988, %swap3A_989, %swap3A_990] {strides = array<i32>} : memref<8x2x4x1024xf32, #tpu.memory_space<vmem>>, vector<1x1x1x16xf32>,
      %swap3A_992 = vector.shape_cast %swap3A_991 : vector<1x1x1x16xf32> to vector<16xf32>
      %swap3A_993 = vector.shape_cast %get3A_974 : vector<16xf32> to vector<1x1x1x16xf32>
      tpu.vector_store %arg5[%swap3A_987, %swap3A_988, %swap3A_989, %swap3A_990], %swap3A_993 {add = true, strides = array<i32>} : memref<8x2x4x1024xf32, #tpu.memory_space<vmem>>, vector<1x1x1x16xf32>,
      %swap3A_994 = arith.constant 4 : i32
      %swap3A_995 = arith.constant 0 : i32
      %swap3A_996 = arith.constant 2 : i32
      %swap3A_997 = arith.index_cast %swap3A_994 : i32 to index
      %swap3A_998 = arith.index_cast %swap3A_995 : i32 to index
      %swap3A_999 = arith.index_cast %swap3A_996 : i32 to index
      %swap3A_1000 = arith.index_cast %mul3A_968 : i32 to index
      %swap3A_1001 = tpu.vector_load %arg5[%swap3A_997, %swap3A_998, %swap3A_999, %swap3A_1000] {strides = array<i32>} : memref<8x2x4x1024xf32, #tpu.memory_space<vmem>>, vector<1x1x1x16xf32>,
      %swap3A_1002 = vector.shape_cast %swap3A_1001 : vector<1x1x1x16xf32> to vector<16xf32>
      %swap3A_1003 = vector.shape_cast %get3A_974 : vector<16xf32> to vector<1x1x1x16xf32>
      tpu.vector_store %arg5[%swap3A_997, %swap3A_998, %swap3A_999, %swap3A_1000], %swap3A_1003 {add = true, strides = array<i32>} : memref<8x2x4x1024xf32, #tpu.memory_space<vmem>>, vector<1x1x1x16xf32>,
      %swap3A_1004 = arith.constant 4 : i32
      %swap3A_1005 = arith.constant 0 : i32
      %swap3A_1006 = arith.constant 3 : i32
      %swap3A_1007 = arith.index_cast %swap3A_1004 : i32 to index
      %swap3A_1008 = arith.index_cast %swap3A_1005 : i32 to index
      %swap3A_1009 = arith.index_cast %swap3A_1006 : i32 to index
      %swap3A_1010 = arith.index_cast %mul3A_968 : i32 to index
      %swap3A_1011 = tpu.vector_load %arg5[%swap3A_1007, %swap3A_1008, %swap3A_1009, %swap3A_1010] {strides = array<i32>} : memref<8x2x4x1024xf32, #tpu.memory_space<vmem>>, vector<1x1x1x16xf32>,
      %swap3A_1012 = vector.shape_cast %swap3A_1011 : vector<1x1x1x16xf32> to vector<16xf32>
      %swap3A_1013 = vector.shape_cast %get3A_974 : vector<16xf32> to vector<1x1x1x16xf32>
      tpu.vector_store %arg5[%swap3A_1007, %swap3A_1008, %swap3A_1009, %swap3A_1010], %swap3A_1013 {add = true, strides = array<i32>} : memref<8x2x4x1024xf32, #tpu.memory_space<vmem>>, vector<1x1x1x16xf32>,
      %get3A_1014 = arith.constant 4 : i32
      %get3A_1015 = arith.constant 1 : i32
      %get3A_1016 = arith.index_cast %get3A_1014 : i32 to index
      %get3A_1017 = arith.index_cast %get3A_1015 : i32 to index
      %get3A_1018 = arith.index_cast %mul3A_968 : i32 to index
      %get3A_1019 = tpu.vector_load %arg6[%get3A_1016, %get3A_1017, %get3A_1018] {strides = array<i32>} : memref<8x2x1024xf32, #tpu.memory_space<vmem>>, vector<1x1x16xf32>,
      %get3A_1020 = vector.shape_cast %get3A_1019 : vector<1x1x16xf32> to vector<16xf32>
      %swap3A_1021 = arith.constant 4 : i32
      %swap3A_1022 = arith.constant 1 : i32
      %swap3A_1023 = arith.constant 0 : i32
      %swap3A_1024 = arith.index_cast %swap3A_1021 : i32 to index
      %swap3A_1025 = arith.index_cast %swap3A_1022 : i32 to index
      %swap3A_1026 = arith.index_cast %swap3A_1023 : i32 to index
      %swap3A_1027 = arith.index_cast %mul3A_968 : i32 to index
      %swap3A_1028 = tpu.vector_load %arg5[%swap3A_1024, %swap3A_1025, %swap3A_1026, %swap3A_1027] {strides = array<i32>} : memref<8x2x4x1024xf32, #tpu.memory_space<vmem>>, vector<1x1x1x16xf32>,
      %swap3A_1029 = vector.shape_cast %swap3A_1028 : vector<1x1x1x16xf32> to vector<16xf32>
      %swap3A_1030 = vector.shape_cast %get3A_1020 : vector<16xf32> to vector<1x1x1x16xf32>
      tpu.vector_store %arg5[%swap3A_1024, %swap3A_1025, %swap3A_1026, %swap3A_1027], %swap3A_1030 {add = true, strides = array<i32>} : memref<8x2x4x1024xf32, #tpu.memory_space<vmem>>, vector<1x1x1x16xf32>,
      %swap3A_1031 = arith.constant 4 : i32
      %swap3A_1032 = arith.constant 1 : i32
      %swap3A_1033 = arith.constant 1 : i32
      %swap3A_1034 = arith.index_cast %swap3A_1031 : i32 to index
      %swap3A_1035 = arith.index_cast %swap3A_1032 : i32 to index
      %swap3A_1036 = arith.index_cast %swap3A_1033 : i32 to index
      %swap3A_1037 = arith.index_cast %mul3A_968 : i32 to index
      %swap3A_1038 = tpu.vector_load %arg5[%swap3A_1034, %swap3A_1035, %swap3A_1036, %swap3A_1037] {strides = array<i32>} : memref<8x2x4x1024xf32, #tpu.memory_space<vmem>>, vector<1x1x1x16xf32>,
      %swap3A_1039 = vector.shape_cast %swap3A_1038 : vector<1x1x1x16xf32> to vector<16xf32>
      %swap3A_1040 = vector.shape_cast %get3A_1020 : vector<16xf32> to vector<1x1x1x16xf32>
      tpu.vector_store %arg5[%swap3A_1034, %swap3A_1035, %swap3A_1036, %swap3A_1037], %swap3A_1040 {add = true, strides = array<i32>} : memref<8x2x4x1024xf32, #tpu.memory_space<vmem>>, vector<1x1x1x16xf32>,
      %swap3A_1041 = arith.constant 4 : i32
      %swap3A_1042 = arith.constant 1 : i32
      %swap3A_1043 = arith.constant 2 : i32
      %swap3A_1044 = arith.index_cast %swap3A_1041 : i32 to index
      %swap3A_1045 = arith.index_cast %swap3A_1042 : i32 to index
      %swap3A_1046 = arith.index_cast %swap3A_1043 : i32 to index
      %swap3A_1047 = arith.index_cast %mul3A_968 : i32 to index
      %swap3A_1048 = tpu.vector_load %arg5[%swap3A_1044, %swap3A_1045, %swap3A_1046, %swap3A_1047] {strides = array<i32>} : memref<8x2x4x1024xf32, #tpu.memory_space<vmem>>, vector<1x1x1x16xf32>,
      %swap3A_1049 = vector.shape_cast %swap3A_1048 : vector<1x1x1x16xf32> to vector<16xf32>
      %swap3A_1050 = vector.shape_cast %get3A_1020 : vector<16xf32> to vector<1x1x1x16xf32>
      tpu.vector_store %arg5[%swap3A_1044, %swap3A_1045, %swap3A_1046, %swap3A_1047], %swap3A_1050 {add = true, strides = array<i32>} : memref<8x2x4x1024xf32, #tpu.memory_space<vmem>>, vector<1x1x1x16xf32>,
      %swap3A_1051 = arith.constant 4 : i32
      %swap3A_1052 = arith.constant 1 : i32
      %swap3A_1053 = arith.constant 3 : i32
      %swap3A_1054 = arith.index_cast %swap3A_1051 : i32 to index
      %swap3A_1055 = arith.index_cast %swap3A_1052 : i32 to index
      %swap3A_1056 = arith.index_cast %swap3A_1053 : i32 to index
      %swap3A_1057 = arith.index_cast %mul3A_968 : i32 to index
      %swap3A_1058 = tpu.vector_load %arg5[%swap3A_1054, %swap3A_1055, %swap3A_1056, %swap3A_1057] {strides = array<i32>} : memref<8x2x4x1024xf32, #tpu.memory_space<vmem>>, vector<1x1x1x16xf32>,
      %swap3A_1059 = vector.shape_cast %swap3A_1058 : vector<1x1x1x16xf32> to vector<16xf32>
      %swap3A_1060 = vector.shape_cast %get3A_1020 : vector<16xf32> to vector<1x1x1x16xf32>
      tpu.vector_store %arg5[%swap3A_1054, %swap3A_1055, %swap3A_1056, %swap3A_1057], %swap3A_1060 {add = true, strides = array<i32>} : memref<8x2x4x1024xf32, #tpu.memory_space<vmem>>, vector<1x1x1x16xf32>,
    }
    %scan3A_560 = arith.constant 64 : i32
    %add3A_561 = arith.constant 8 : i32
    %add3A_562 = arith.addi %mul3A_2, %add3A_561 : i32
    %dma_start3A_563 = arith.constant 4 : i32
    %dma_start3A_564 = arith.constant 0 : i32
    %dma_start3A_565 = arith.constant 0 : i32
    %dma_start3A_566 = arith.constant 0 : i32
    %dma_start3A_567 = tpu.memref_slice %arg5[%dma_start3A_563, %dma_start3A_564, %dma_start3A_565, %dma_start3A_566] : memref<8x2x4x1024xf32, #tpu.memory_space<vmem>> -> memref<1x2x4x1024xf32, #tpu.memory_space<vmem>>
    %dma_start3A_568 = tpu.memref_squeeze %dma_start3A_567 : memref<1x2x4x1024xf32, #tpu.memory_space<vmem>> -> memref<2x4x1024xf32, #tpu.memory_space<vmem>>
    %dma_start3A_569 = arith.constant 0 : i32
    %dma_start3A_570 = arith.constant 0 : i32
    %dma_start3A_571 = tpu.memref_slice %arg4[%add3A_562, %dma_start3A_569, %dma_start3A_570] : memref<4096x4x1024xf32, #tpu.memory_space<hbm>> -> memref<2x4x1024xf32, #tpu.memory_space<hbm>>
    %dma_start3A_572 = arith.constant 0 : i32
    %dma_start3A_573 = arith.constant 0 : i32
    %dma_start3A_574 = tpu.memref_slice %arg4[%add3A_562, %dma_start3A_572, %dma_start3A_573] : memref<4096x4x1024xf32, #tpu.memory_space<hbm>> -> memref<2x4x1024xf32, #tpu.memory_space<hbm>>
    %dma_start3A_575 = arith.constant 0 : i32
    %dma_start3A_576 = arith.constant 0 : i32
    %dma_start3A_577 = arith.constant 0 : i32
    %dma_start3A_578 = tpu.memref_slice %arg5[%dma_start3A_563, %dma_start3A_575, %dma_start3A_576, %dma_start3A_577] : memref<8x2x4x1024xf32, #tpu.memory_space<vmem>> -> memref<1x2x4x1024xf32, #tpu.memory_space<vmem>>
    %dma_start3A_579 = tpu.memref_squeeze %dma_start3A_578 : memref<1x2x4x1024xf32, #tpu.memory_space<vmem>> -> memref<2x4x1024xf32, #tpu.memory_space<vmem>>
    tpu.enqueue_dma source(%dma_start3A_579 : memref<2x4x1024xf32, #tpu.memory_space<vmem>>) target(%dma_start3A_574 : memref<2x4x1024xf32, #tpu.memory_space<hbm>>) target_semaphore(%arg27 : memref<!tpu.dma_semaphore, #tpu.memory_space<semaphore_mem>>)
    %dma_wait3A_580 = arith.constant 1 : i32
    %dma_wait3A_581 = arith.constant 0 : i32
    %dma_wait3A_582 = arith.constant 0 : i32
    %dma_wait3A_583 = arith.constant 0 : i32
    %dma_wait3A_584 = tpu.memref_slice %arg5[%dma_wait3A_580, %dma_wait3A_581, %dma_wait3A_582, %dma_wait3A_583] : memref<8x2x4x1024xf32, #tpu.memory_space<vmem>> -> memref<1x2x4x1024xf32, #tpu.memory_space<vmem>>
    %dma_wait3A_585 = tpu.memref_squeeze %dma_wait3A_584 : memref<1x2x4x1024xf32, #tpu.memory_space<vmem>> -> memref<2x4x1024xf32, #tpu.memory_space<vmem>>
    %dma_wait3A_586 = arith.constant 0 : i32
    %dma_wait3A_587 = arith.constant 0 : i32
    %dma_wait3A_588 = tpu.memref_slice %arg4[%mul3A_2, %dma_wait3A_586, %dma_wait3A_587] : memref<4096x4x1024xf32, #tpu.memory_space<hbm>> -> memref<2x4x1024xf32, #tpu.memory_space<hbm>>
    %dma_wait3A_589 = arith.constant 0 : i32
    %dma_wait3A_590 = arith.constant 0 : i32
    %dma_wait3A_591 = tpu.memref_slice %arg4[%mul3A_2, %dma_wait3A_589, %dma_wait3A_590] : memref<4096x4x1024xf32, #tpu.memory_space<hbm>> -> memref<2x4x1024xf32, #tpu.memory_space<hbm>>
    %dma_wait3A_592 = arith.constant 0 : i32
    %dma_wait3A_593 = arith.constant 0 : i32
    %dma_wait3A_594 = arith.constant 0 : i32
    %dma_wait3A_595 = tpu.memref_slice %arg5[%dma_wait3A_580, %dma_wait3A_592, %dma_wait3A_593, %dma_wait3A_594] : memref<8x2x4x1024xf32, #tpu.memory_space<vmem>> -> memref<1x2x4x1024xf32, #tpu.memory_space<vmem>>
    %dma_wait3A_596 = tpu.memref_squeeze %dma_wait3A_595 : memref<1x2x4x1024xf32, #tpu.memory_space<vmem>> -> memref<2x4x1024xf32, #tpu.memory_space<vmem>>
    tpu.wait_dma2 semaphore(%arg24 : memref<!tpu.dma_semaphore, #tpu.memory_space<semaphore_mem>>) src(%dma_wait3A_596 : memref<2x4x1024xf32, #tpu.memory_space<vmem>>) dst(%dma_wait3A_591 : memref<2x4x1024xf32, #tpu.memory_space<hbm>>)
    %add3A_597 = arith.constant 18 : i32
    %add3A_598 = arith.addi %mul3A_2, %add3A_597 : i32
    %dma_start3A_599 = arith.constant 1 : i32
    %dma_start3A_600 = arith.constant 0 : i32
    %dma_start3A_601 = arith.constant 0 : i32
    %dma_start3A_602 = arith.constant 0 : i32
    %dma_start3A_603 = tpu.memref_slice %arg5[%dma_start3A_599, %dma_start3A_600, %dma_start3A_601, %dma_start3A_602] : memref<8x2x4x1024xf32, #tpu.memory_space<vmem>> -> memref<1x2x4x1024xf32, #tpu.memory_space<vmem>>
    %dma_start3A_604 = tpu.memref_squeeze %dma_start3A_603 : memref<1x2x4x1024xf32, #tpu.memory_space<vmem>> -> memref<2x4x1024xf32, #tpu.memory_space<vmem>>
    %dma_start3A_605 = arith.constant 0 : i32
    %dma_start3A_606 = arith.constant 0 : i32
    %dma_start3A_607 = tpu.memref_slice %arg2[%add3A_598, %dma_start3A_605, %dma_start3A_606] : memref<4096x4x1024xf32, #tpu.memory_space<hbm>> -> memref<2x4x1024xf32, #tpu.memory_space<hbm>>
    %dma_start3A_608 = arith.constant 0 : i32
    %dma_start3A_609 = arith.constant 0 : i32
    %dma_start3A_610 = arith.constant 0 : i32
    %dma_start3A_611 = tpu.memref_slice %arg5[%dma_start3A_599, %dma_start3A_608, %dma_start3A_609, %dma_start3A_610] : memref<8x2x4x1024xf32, #tpu.memory_space<vmem>> -> memref<1x2x4x1024xf32, #tpu.memory_space<vmem>>
    %dma_start3A_612 = tpu.memref_squeeze %dma_start3A_611 : memref<1x2x4x1024xf32, #tpu.memory_space<vmem>> -> memref<2x4x1024xf32, #tpu.memory_space<vmem>>
    %dma_start3A_613 = arith.constant 0 : i32
    %dma_start3A_614 = arith.constant 0 : i32
    %dma_start3A_615 = tpu.memref_slice %arg2[%add3A_598, %dma_start3A_613, %dma_start3A_614] : memref<4096x4x1024xf32, #tpu.memory_space<hbm>> -> memref<2x4x1024xf32, #tpu.memory_space<hbm>>
    tpu.enqueue_dma source(%dma_start3A_615 : memref<2x4x1024xf32, #tpu.memory_space<hbm>>) target(%dma_start3A_612 : memref<2x4x1024xf32, #tpu.memory_space<vmem>>) target_semaphore(%arg8 : memref<!tpu.dma_semaphore, #tpu.memory_space<semaphore_mem>>)
    %dma_start3A_616 = arith.constant 1 : i32
    %dma_start3A_617 = arith.constant 0 : i32
    %dma_start3A_618 = arith.constant 0 : i32
    %dma_start3A_619 = tpu.memref_slice %arg6[%dma_start3A_616, %dma_start3A_617, %dma_start3A_618] : memref<8x2x1024xf32, #tpu.memory_space<vmem>> -> memref<1x2x1024xf32, #tpu.memory_space<vmem>>
    %dma_start3A_620 = tpu.memref_squeeze %dma_start3A_619 : memref<1x2x1024xf32, #tpu.memory_space<vmem>> -> memref<2x1024xf32, #tpu.memory_space<vmem>>
    %dma_start3A_621 = arith.constant 0 : i32
    %dma_start3A_622 = tpu.memref_slice %arg3[%add3A_598, %dma_start3A_621] : memref<8192x1024xf32, #tpu.memory_space<hbm>> -> memref<2x1024xf32, #tpu.memory_space<hbm>>
    %dma_start3A_623 = arith.constant 0 : i32
    %dma_start3A_624 = arith.constant 0 : i32
    %dma_start3A_625 = tpu.memref_slice %arg6[%dma_start3A_616, %dma_start3A_623, %dma_start3A_624] : memref<8x2x1024xf32, #tpu.memory_space<vmem>> -> memref<1x2x1024xf32, #tpu.memory_space<vmem>>
    %dma_start3A_626 = tpu.memref_squeeze %dma_start3A_625 : memref<1x2x1024xf32, #tpu.memory_space<vmem>> -> memref<2x1024xf32, #tpu.memory_space<vmem>>
    %dma_start3A_627 = arith.constant 0 : i32
    %dma_start3A_628 = tpu.memref_slice %arg3[%add3A_598, %dma_start3A_627] : memref<8192x1024xf32, #tpu.memory_space<hbm>> -> memref<2x1024xf32, #tpu.memory_space<hbm>>
    tpu.enqueue_dma source(%dma_start3A_628 : memref<2x1024xf32, #tpu.memory_space<hbm>>) target(%dma_start3A_626 : memref<2x1024xf32, #tpu.memory_space<vmem>>) target_semaphore(%arg16 : memref<!tpu.dma_semaphore, #tpu.memory_space<semaphore_mem>>)
    %dma_wait3A_629 = arith.constant 5 : i32
    %dma_wait3A_630 = arith.constant 0 : i32
    %dma_wait3A_631 = arith.constant 0 : i32
    %dma_wait3A_632 = arith.constant 0 : i32
    %dma_wait3A_633 = tpu.memref_slice %arg5[%dma_wait3A_629, %dma_wait3A_630, %dma_wait3A_631, %dma_wait3A_632] : memref<8x2x4x1024xf32, #tpu.memory_space<vmem>> -> memref<1x2x4x1024xf32, #tpu.memory_space<vmem>>
    %dma_wait3A_634 = tpu.memref_squeeze %dma_wait3A_633 : memref<1x2x4x1024xf32, #tpu.memory_space<vmem>> -> memref<2x4x1024xf32, #tpu.memory_space<vmem>>
    %dma_wait3A_635 = arith.constant 0 : i32
    %dma_wait3A_636 = arith.constant 0 : i32
    %dma_wait3A_637 = tpu.memref_slice %arg2[%mul3A_2, %dma_wait3A_635, %dma_wait3A_636] : memref<4096x4x1024xf32, #tpu.memory_space<hbm>> -> memref<2x4x1024xf32, #tpu.memory_space<hbm>>
    %dma_wait3A_638 = arith.constant 0 : i32
    %dma_wait3A_639 = arith.constant 0 : i32
    %dma_wait3A_640 = arith.constant 0 : i32
    %dma_wait3A_641 = tpu.memref_slice %arg5[%dma_wait3A_629, %dma_wait3A_638, %dma_wait3A_639, %dma_wait3A_640] : memref<8x2x4x1024xf32, #tpu.memory_space<vmem>> -> memref<1x2x4x1024xf32, #tpu.memory_space<vmem>>
    %dma_wait3A_642 = tpu.memref_squeeze %dma_wait3A_641 : memref<1x2x4x1024xf32, #tpu.memory_space<vmem>> -> memref<2x4x1024xf32, #tpu.memory_space<vmem>>
    %dma_wait3A_643 = arith.constant 0 : i32
    %dma_wait3A_644 = arith.constant 0 : i32
    %dma_wait3A_645 = tpu.memref_slice %arg2[%mul3A_2, %dma_wait3A_643, %dma_wait3A_644] : memref<4096x4x1024xf32, #tpu.memory_space<hbm>> -> memref<2x4x1024xf32, #tpu.memory_space<hbm>>
    tpu.wait_dma2 semaphore(%arg12 : memref<!tpu.dma_semaphore, #tpu.memory_space<semaphore_mem>>) src(%dma_wait3A_645 : memref<2x4x1024xf32, #tpu.memory_space<hbm>>) dst(%dma_wait3A_642 : memref<2x4x1024xf32, #tpu.memory_space<vmem>>)
    %dma_wait3A_646 = arith.constant 5 : i32
    %dma_wait3A_647 = arith.constant 0 : i32
    %dma_wait3A_648 = arith.constant 0 : i32
    %dma_wait3A_649 = tpu.memref_slice %arg6[%dma_wait3A_646, %dma_wait3A_647, %dma_wait3A_648] : memref<8x2x1024xf32, #tpu.memory_space<vmem>> -> memref<1x2x1024xf32, #tpu.memory_space<vmem>>
    %dma_wait3A_650 = tpu.memref_squeeze %dma_wait3A_649 : memref<1x2x1024xf32, #tpu.memory_space<vmem>> -> memref<2x1024xf32, #tpu.memory_space<vmem>>
    %dma_wait3A_651 = arith.constant 0 : i32
    %dma_wait3A_652 = tpu.memref_slice %arg3[%mul3A_2, %dma_wait3A_651] : memref<8192x1024xf32, #tpu.memory_space<hbm>> -> memref<2x1024xf32, #tpu.memory_space<hbm>>
    %dma_wait3A_653 = arith.constant 0 : i32
    %dma_wait3A_654 = arith.constant 0 : i32
    %dma_wait3A_655 = tpu.memref_slice %arg6[%dma_wait3A_646, %dma_wait3A_653, %dma_wait3A_654] : memref<8x2x1024xf32, #tpu.memory_space<vmem>> -> memref<1x2x1024xf32, #tpu.memory_space<vmem>>
    %dma_wait3A_656 = tpu.memref_squeeze %dma_wait3A_655 : memref<1x2x1024xf32, #tpu.memory_space<vmem>> -> memref<2x1024xf32, #tpu.memory_space<vmem>>
    %dma_wait3A_657 = arith.constant 0 : i32
    %dma_wait3A_658 = tpu.memref_slice %arg3[%mul3A_2, %dma_wait3A_657] : memref<8192x1024xf32, #tpu.memory_space<hbm>> -> memref<2x1024xf32, #tpu.memory_space<hbm>>
    tpu.wait_dma2 semaphore(%arg20 : memref<!tpu.dma_semaphore, #tpu.memory_space<semaphore_mem>>) src(%dma_wait3A_658 : memref<2x1024xf32, #tpu.memory_space<hbm>>) dst(%dma_wait3A_656 : memref<2x1024xf32, #tpu.memory_space<vmem>>)
    %scan3A_659 = arith.constant 0 : i32
    %scan3A_660 = arith.constant 0 : i32
    %scan3A_661 = arith.constant 64 : i32
    %scan3A_662 = arith.addi %scan3A_660, %scan3A_661 : i32
    %scan3A_663 = arith.constant 1 : i32
    scf.for %scan3A_966 = %scan3A_660 to %scan3A_662 step %scan3A_663  : i32 {
      %mul3A_967 = arith.constant 16 : i32
      %mul3A_968 = arith.muli %scan3A_966, %mul3A_967 : i32
      %get3A = arith.constant 5 : i32
      %get3A_969 = arith.constant 0 : i32
      %get3A_970 = arith.index_cast %get3A : i32 to index
      %get3A_971 = arith.index_cast %get3A_969 : i32 to index
      %get3A_972 = arith.index_cast %mul3A_968 : i32 to index
      %get3A_973 = tpu.vector_load %arg6[%get3A_970, %get3A_971, %get3A_972] {strides = array<i32>} : memref<8x2x1024xf32, #tpu.memory_space<vmem>>, vector<1x1x16xf32>,
      %get3A_974 = vector.shape_cast %get3A_973 : vector<1x1x16xf32> to vector<16xf32>
      %swap3A = arith.constant 5 : i32
      %swap3A_975 = arith.constant 0 : i32
      %swap3A_976 = arith.constant 0 : i32
      %swap3A_977 = arith.index_cast %swap3A : i32 to index
      %swap3A_978 = arith.index_cast %swap3A_975 : i32 to index
      %swap3A_979 = arith.index_cast %swap3A_976 : i32 to index
      %swap3A_980 = arith.index_cast %mul3A_968 : i32 to index
      %swap3A_981 = tpu.vector_load %arg5[%swap3A_977, %swap3A_978, %swap3A_979, %swap3A_980] {strides = array<i32>} : memref<8x2x4x1024xf32, #tpu.memory_space<vmem>>, vector<1x1x1x16xf32>,
      %swap3A_982 = vector.shape_cast %swap3A_981 : vector<1x1x1x16xf32> to vector<16xf32>
      %swap3A_983 = vector.shape_cast %get3A_974 : vector<16xf32> to vector<1x1x1x16xf32>
      tpu.vector_store %arg5[%swap3A_977, %swap3A_978, %swap3A_979, %swap3A_980], %swap3A_983 {add = true, strides = array<i32>} : memref<8x2x4x1024xf32, #tpu.memory_space<vmem>>, vector<1x1x1x16xf32>,
      %swap3A_984 = arith.constant 5 : i32
      %swap3A_985 = arith.constant 0 : i32
      %swap3A_986 = arith.constant 1 : i32
      %swap3A_987 = arith.index_cast %swap3A_984 : i32 to index
      %swap3A_988 = arith.index_cast %swap3A_985 : i32 to index
      %swap3A_989 = arith.index_cast %swap3A_986 : i32 to index
      %swap3A_990 = arith.index_cast %mul3A_968 : i32 to index
      %swap3A_991 = tpu.vector_load %arg5[%swap3A_987, %swap3A_988, %swap3A_989, %swap3A_990] {strides = array<i32>} : memref<8x2x4x1024xf32, #tpu.memory_space<vmem>>, vector<1x1x1x16xf32>,
      %swap3A_992 = vector.shape_cast %swap3A_991 : vector<1x1x1x16xf32> to vector<16xf32>
      %swap3A_993 = vector.shape_cast %get3A_974 : vector<16xf32> to vector<1x1x1x16xf32>
      tpu.vector_store %arg5[%swap3A_987, %swap3A_988, %swap3A_989, %swap3A_990], %swap3A_993 {add = true, strides = array<i32>} : memref<8x2x4x1024xf32, #tpu.memory_space<vmem>>, vector<1x1x1x16xf32>,
      %swap3A_994 = arith.constant 5 : i32
      %swap3A_995 = arith.constant 0 : i32
      %swap3A_996 = arith.constant 2 : i32
      %swap3A_997 = arith.index_cast %swap3A_994 : i32 to index
      %swap3A_998 = arith.index_cast %swap3A_995 : i32 to index
      %swap3A_999 = arith.index_cast %swap3A_996 : i32 to index
      %swap3A_1000 = arith.index_cast %mul3A_968 : i32 to index
      %swap3A_1001 = tpu.vector_load %arg5[%swap3A_997, %swap3A_998, %swap3A_999, %swap3A_1000] {strides = array<i32>} : memref<8x2x4x1024xf32, #tpu.memory_space<vmem>>, vector<1x1x1x16xf32>,
      %swap3A_1002 = vector.shape_cast %swap3A_1001 : vector<1x1x1x16xf32> to vector<16xf32>
      %swap3A_1003 = vector.shape_cast %get3A_974 : vector<16xf32> to vector<1x1x1x16xf32>
      tpu.vector_store %arg5[%swap3A_997, %swap3A_998, %swap3A_999, %swap3A_1000], %swap3A_1003 {add = true, strides = array<i32>} : memref<8x2x4x1024xf32, #tpu.memory_space<vmem>>, vector<1x1x1x16xf32>,
      %swap3A_1004 = arith.constant 5 : i32
      %swap3A_1005 = arith.constant 0 : i32
      %swap3A_1006 = arith.constant 3 : i32
      %swap3A_1007 = arith.index_cast %swap3A_1004 : i32 to index
      %swap3A_1008 = arith.index_cast %swap3A_1005 : i32 to index
      %swap3A_1009 = arith.index_cast %swap3A_1006 : i32 to index
      %swap3A_1010 = arith.index_cast %mul3A_968 : i32 to index
      %swap3A_1011 = tpu.vector_load %arg5[%swap3A_1007, %swap3A_1008, %swap3A_1009, %swap3A_1010] {strides = array<i32>} : memref<8x2x4x1024xf32, #tpu.memory_space<vmem>>, vector<1x1x1x16xf32>,
      %swap3A_1012 = vector.shape_cast %swap3A_1011 : vector<1x1x1x16xf32> to vector<16xf32>
      %swap3A_1013 = vector.shape_cast %get3A_974 : vector<16xf32> to vector<1x1x1x16xf32>
      tpu.vector_store %arg5[%swap3A_1007, %swap3A_1008, %swap3A_1009, %swap3A_1010], %swap3A_1013 {add = true, strides = array<i32>} : memref<8x2x4x1024xf32, #tpu.memory_space<vmem>>, vector<1x1x1x16xf32>,
      %get3A_1014 = arith.constant 5 : i32
      %get3A_1015 = arith.constant 1 : i32
      %get3A_1016 = arith.index_cast %get3A_1014 : i32 to index
      %get3A_1017 = arith.index_cast %get3A_1015 : i32 to index
      %get3A_1018 = arith.index_cast %mul3A_968 : i32 to index
      %get3A_1019 = tpu.vector_load %arg6[%get3A_1016, %get3A_1017, %get3A_1018] {strides = array<i32>} : memref<8x2x1024xf32, #tpu.memory_space<vmem>>, vector<1x1x16xf32>,
      %get3A_1020 = vector.shape_cast %get3A_1019 : vector<1x1x16xf32> to vector<16xf32>
      %swap3A_1021 = arith.constant 5 : i32
      %swap3A_1022 = arith.constant 1 : i32
      %swap3A_1023 = arith.constant 0 : i32
      %swap3A_1024 = arith.index_cast %swap3A_1021 : i32 to index
      %swap3A_1025 = arith.index_cast %swap3A_1022 : i32 to index
      %swap3A_1026 = arith.index_cast %swap3A_1023 : i32 to index
      %swap3A_1027 = arith.index_cast %mul3A_968 : i32 to index
      %swap3A_1028 = tpu.vector_load %arg5[%swap3A_1024, %swap3A_1025, %swap3A_1026, %swap3A_1027] {strides = array<i32>} : memref<8x2x4x1024xf32, #tpu.memory_space<vmem>>, vector<1x1x1x16xf32>,
      %swap3A_1029 = vector.shape_cast %swap3A_1028 : vector<1x1x1x16xf32> to vector<16xf32>
      %swap3A_1030 = vector.shape_cast %get3A_1020 : vector<16xf32> to vector<1x1x1x16xf32>
      tpu.vector_store %arg5[%swap3A_1024, %swap3A_1025, %swap3A_1026, %swap3A_1027], %swap3A_1030 {add = true, strides = array<i32>} : memref<8x2x4x1024xf32, #tpu.memory_space<vmem>>, vector<1x1x1x16xf32>,
      %swap3A_1031 = arith.constant 5 : i32
      %swap3A_1032 = arith.constant 1 : i32
      %swap3A_1033 = arith.constant 1 : i32
      %swap3A_1034 = arith.index_cast %swap3A_1031 : i32 to index
      %swap3A_1035 = arith.index_cast %swap3A_1032 : i32 to index
      %swap3A_1036 = arith.index_cast %swap3A_1033 : i32 to index
      %swap3A_1037 = arith.index_cast %mul3A_968 : i32 to index
      %swap3A_1038 = tpu.vector_load %arg5[%swap3A_1034, %swap3A_1035, %swap3A_1036, %swap3A_1037] {strides = array<i32>} : memref<8x2x4x1024xf32, #tpu.memory_space<vmem>>, vector<1x1x1x16xf32>,
      %swap3A_1039 = vector.shape_cast %swap3A_1038 : vector<1x1x1x16xf32> to vector<16xf32>
      %swap3A_1040 = vector.shape_cast %get3A_1020 : vector<16xf32> to vector<1x1x1x16xf32>
      tpu.vector_store %arg5[%swap3A_1034, %swap3A_1035, %swap3A_1036, %swap3A_1037], %swap3A_1040 {add = true, strides = array<i32>} : memref<8x2x4x1024xf32, #tpu.memory_space<vmem>>, vector<1x1x1x16xf32>,
      %swap3A_1041 = arith.constant 5 : i32
      %swap3A_1042 = arith.constant 1 : i32
      %swap3A_1043 = arith.constant 2 : i32
      %swap3A_1044 = arith.index_cast %swap3A_1041 : i32 to index
      %swap3A_1045 = arith.index_cast %swap3A_1042 : i32 to index
      %swap3A_1046 = arith.index_cast %swap3A_1043 : i32 to index
      %swap3A_1047 = arith.index_cast %mul3A_968 : i32 to index
      %swap3A_1048 = tpu.vector_load %arg5[%swap3A_1044, %swap3A_1045, %swap3A_1046, %swap3A_1047] {strides = array<i32>} : memref<8x2x4x1024xf32, #tpu.memory_space<vmem>>, vector<1x1x1x16xf32>,
      %swap3A_1049 = vector.shape_cast %swap3A_1048 : vector<1x1x1x16xf32> to vector<16xf32>
      %swap3A_1050 = vector.shape_cast %get3A_1020 : vector<16xf32> to vector<1x1x1x16xf32>
      tpu.vector_store %arg5[%swap3A_1044, %swap3A_1045, %swap3A_1046, %swap3A_1047], %swap3A_1050 {add = true, strides = array<i32>} : memref<8x2x4x1024xf32, #tpu.memory_space<vmem>>, vector<1x1x1x16xf32>,
      %swap3A_1051 = arith.constant 5 : i32
      %swap3A_1052 = arith.constant 1 : i32
      %swap3A_1053 = arith.constant 3 : i32
      %swap3A_1054 = arith.index_cast %swap3A_1051 : i32 to index
      %swap3A_1055 = arith.index_cast %swap3A_1052 : i32 to index
      %swap3A_1056 = arith.index_cast %swap3A_1053 : i32 to index
      %swap3A_1057 = arith.index_cast %mul3A_968 : i32 to index
      %swap3A_1058 = tpu.vector_load %arg5[%swap3A_1054, %swap3A_1055, %swap3A_1056, %swap3A_1057] {strides = array<i32>} : memref<8x2x4x1024xf32, #tpu.memory_space<vmem>>, vector<1x1x1x16xf32>,
      %swap3A_1059 = vector.shape_cast %swap3A_1058 : vector<1x1x1x16xf32> to vector<16xf32>
      %swap3A_1060 = vector.shape_cast %get3A_1020 : vector<16xf32> to vector<1x1x1x16xf32>
      tpu.vector_store %arg5[%swap3A_1054, %swap3A_1055, %swap3A_1056, %swap3A_1057], %swap3A_1060 {add = true, strides = array<i32>} : memref<8x2x4x1024xf32, #tpu.memory_space<vmem>>, vector<1x1x1x16xf32>,
    }
    %scan3A_664 = arith.constant 64 : i32
    %add3A_665 = arith.constant 10 : i32
    %add3A_666 = arith.addi %mul3A_2, %add3A_665 : i32
    %dma_start3A_667 = arith.constant 5 : i32
    %dma_start3A_668 = arith.constant 0 : i32
    %dma_start3A_669 = arith.constant 0 : i32
    %dma_start3A_670 = arith.constant 0 : i32
    %dma_start3A_671 = tpu.memref_slice %arg5[%dma_start3A_667, %dma_start3A_668, %dma_start3A_669, %dma_start3A_670] : memref<8x2x4x1024xf32, #tpu.memory_space<vmem>> -> memref<1x2x4x1024xf32, #tpu.memory_space<vmem>>
    %dma_start3A_672 = tpu.memref_squeeze %dma_start3A_671 : memref<1x2x4x1024xf32, #tpu.memory_space<vmem>> -> memref<2x4x1024xf32, #tpu.memory_space<vmem>>
    %dma_start3A_673 = arith.constant 0 : i32
    %dma_start3A_674 = arith.constant 0 : i32
    %dma_start3A_675 = tpu.memref_slice %arg4[%add3A_666, %dma_start3A_673, %dma_start3A_674] : memref<4096x4x1024xf32, #tpu.memory_space<hbm>> -> memref<2x4x1024xf32, #tpu.memory_space<hbm>>
    %dma_start3A_676 = arith.constant 0 : i32
    %dma_start3A_677 = arith.constant 0 : i32
    %dma_start3A_678 = tpu.memref_slice %arg4[%add3A_666, %dma_start3A_676, %dma_start3A_677] : memref<4096x4x1024xf32, #tpu.memory_space<hbm>> -> memref<2x4x1024xf32, #tpu.memory_space<hbm>>
    %dma_start3A_679 = arith.constant 0 : i32
    %dma_start3A_680 = arith.constant 0 : i32
    %dma_start3A_681 = arith.constant 0 : i32
    %dma_start3A_682 = tpu.memref_slice %arg5[%dma_start3A_667, %dma_start3A_679, %dma_start3A_680, %dma_start3A_681] : memref<8x2x4x1024xf32, #tpu.memory_space<vmem>> -> memref<1x2x4x1024xf32, #tpu.memory_space<vmem>>
    %dma_start3A_683 = tpu.memref_squeeze %dma_start3A_682 : memref<1x2x4x1024xf32, #tpu.memory_space<vmem>> -> memref<2x4x1024xf32, #tpu.memory_space<vmem>>
    tpu.enqueue_dma source(%dma_start3A_683 : memref<2x4x1024xf32, #tpu.memory_space<vmem>>) target(%dma_start3A_678 : memref<2x4x1024xf32, #tpu.memory_space<hbm>>) target_semaphore(%arg28 : memref<!tpu.dma_semaphore, #tpu.memory_space<semaphore_mem>>)
    %dma_wait3A_684 = arith.constant 2 : i32
    %dma_wait3A_685 = arith.constant 0 : i32
    %dma_wait3A_686 = arith.constant 0 : i32
    %dma_wait3A_687 = arith.constant 0 : i32
    %dma_wait3A_688 = tpu.memref_slice %arg5[%dma_wait3A_684, %dma_wait3A_685, %dma_wait3A_686, %dma_wait3A_687] : memref<8x2x4x1024xf32, #tpu.memory_space<vmem>> -> memref<1x2x4x1024xf32, #tpu.memory_space<vmem>>
    %dma_wait3A_689 = tpu.memref_squeeze %dma_wait3A_688 : memref<1x2x4x1024xf32, #tpu.memory_space<vmem>> -> memref<2x4x1024xf32, #tpu.memory_space<vmem>>
    %dma_wait3A_690 = arith.constant 0 : i32
    %dma_wait3A_691 = arith.constant 0 : i32
    %dma_wait3A_692 = tpu.memref_slice %arg4[%mul3A_2, %dma_wait3A_690, %dma_wait3A_691] : memref<4096x4x1024xf32, #tpu.memory_space<hbm>> -> memref<2x4x1024xf32, #tpu.memory_space<hbm>>
    %dma_wait3A_693 = arith.constant 0 : i32
    %dma_wait3A_694 = arith.constant 0 : i32
    %dma_wait3A_695 = tpu.memref_slice %arg4[%mul3A_2, %dma_wait3A_693, %dma_wait3A_694] : memref<4096x4x1024xf32, #tpu.memory_space<hbm>> -> memref<2x4x1024xf32, #tpu.memory_space<hbm>>
    %dma_wait3A_696 = arith.constant 0 : i32
    %dma_wait3A_697 = arith.constant 0 : i32
    %dma_wait3A_698 = arith.constant 0 : i32
    %dma_wait3A_699 = tpu.memref_slice %arg5[%dma_wait3A_684, %dma_wait3A_696, %dma_wait3A_697, %dma_wait3A_698] : memref<8x2x4x1024xf32, #tpu.memory_space<vmem>> -> memref<1x2x4x1024xf32, #tpu.memory_space<vmem>>
    %dma_wait3A_700 = tpu.memref_squeeze %dma_wait3A_699 : memref<1x2x4x1024xf32, #tpu.memory_space<vmem>> -> memref<2x4x1024xf32, #tpu.memory_space<vmem>>
    tpu.wait_dma2 semaphore(%arg25 : memref<!tpu.dma_semaphore, #tpu.memory_space<semaphore_mem>>) src(%dma_wait3A_700 : memref<2x4x1024xf32, #tpu.memory_space<vmem>>) dst(%dma_wait3A_695 : memref<2x4x1024xf32, #tpu.memory_space<hbm>>)
    %add3A_701 = arith.constant 20 : i32
    %add3A_702 = arith.addi %mul3A_2, %add3A_701 : i32
    %dma_start3A_703 = arith.constant 2 : i32
    %dma_start3A_704 = arith.constant 0 : i32
    %dma_start3A_705 = arith.constant 0 : i32
    %dma_start3A_706 = arith.constant 0 : i32
    %dma_start3A_707 = tpu.memref_slice %arg5[%dma_start3A_703, %dma_start3A_704, %dma_start3A_705, %dma_start3A_706] : memref<8x2x4x1024xf32, #tpu.memory_space<vmem>> -> memref<1x2x4x1024xf32, #tpu.memory_space<vmem>>
    %dma_start3A_708 = tpu.memref_squeeze %dma_start3A_707 : memref<1x2x4x1024xf32, #tpu.memory_space<vmem>> -> memref<2x4x1024xf32, #tpu.memory_space<vmem>>
    %dma_start3A_709 = arith.constant 0 : i32
    %dma_start3A_710 = arith.constant 0 : i32
    %dma_start3A_711 = tpu.memref_slice %arg2[%add3A_702, %dma_start3A_709, %dma_start3A_710] : memref<4096x4x1024xf32, #tpu.memory_space<hbm>> -> memref<2x4x1024xf32, #tpu.memory_space<hbm>>
    %dma_start3A_712 = arith.constant 0 : i32
    %dma_start3A_713 = arith.constant 0 : i32
    %dma_start3A_714 = arith.constant 0 : i32
    %dma_start3A_715 = tpu.memref_slice %arg5[%dma_start3A_703, %dma_start3A_712, %dma_start3A_713, %dma_start3A_714] : memref<8x2x4x1024xf32, #tpu.memory_space<vmem>> -> memref<1x2x4x1024xf32, #tpu.memory_space<vmem>>
    %dma_start3A_716 = tpu.memref_squeeze %dma_start3A_715 : memref<1x2x4x1024xf32, #tpu.memory_space<vmem>> -> memref<2x4x1024xf32, #tpu.memory_space<vmem>>
    %dma_start3A_717 = arith.constant 0 : i32
    %dma_start3A_718 = arith.constant 0 : i32
    %dma_start3A_719 = tpu.memref_slice %arg2[%add3A_702, %dma_start3A_717, %dma_start3A_718] : memref<4096x4x1024xf32, #tpu.memory_space<hbm>> -> memref<2x4x1024xf32, #tpu.memory_space<hbm>>
    tpu.enqueue_dma source(%dma_start3A_719 : memref<2x4x1024xf32, #tpu.memory_space<hbm>>) target(%dma_start3A_716 : memref<2x4x1024xf32, #tpu.memory_space<vmem>>) target_semaphore(%arg9 : memref<!tpu.dma_semaphore, #tpu.memory_space<semaphore_mem>>)
    %dma_start3A_720 = arith.constant 2 : i32
    %dma_start3A_721 = arith.constant 0 : i32
    %dma_start3A_722 = arith.constant 0 : i32
    %dma_start3A_723 = tpu.memref_slice %arg6[%dma_start3A_720, %dma_start3A_721, %dma_start3A_722] : memref<8x2x1024xf32, #tpu.memory_space<vmem>> -> memref<1x2x1024xf32, #tpu.memory_space<vmem>>
    %dma_start3A_724 = tpu.memref_squeeze %dma_start3A_723 : memref<1x2x1024xf32, #tpu.memory_space<vmem>> -> memref<2x1024xf32, #tpu.memory_space<vmem>>
    %dma_start3A_725 = arith.constant 0 : i32
    %dma_start3A_726 = tpu.memref_slice %arg3[%add3A_702, %dma_start3A_725] : memref<8192x1024xf32, #tpu.memory_space<hbm>> -> memref<2x1024xf32, #tpu.memory_space<hbm>>
    %dma_start3A_727 = arith.constant 0 : i32
    %dma_start3A_728 = arith.constant 0 : i32
    %dma_start3A_729 = tpu.memref_slice %arg6[%dma_start3A_720, %dma_start3A_727, %dma_start3A_728] : memref<8x2x1024xf32, #tpu.memory_space<vmem>> -> memref<1x2x1024xf32, #tpu.memory_space<vmem>>
    %dma_start3A_730 = tpu.memref_squeeze %dma_start3A_729 : memref<1x2x1024xf32, #tpu.memory_space<vmem>> -> memref<2x1024xf32, #tpu.memory_space<vmem>>
    %dma_start3A_731 = arith.constant 0 : i32
    %dma_start3A_732 = tpu.memref_slice %arg3[%add3A_702, %dma_start3A_731] : memref<8192x1024xf32, #tpu.memory_space<hbm>> -> memref<2x1024xf32, #tpu.memory_space<hbm>>
    tpu.enqueue_dma source(%dma_start3A_732 : memref<2x1024xf32, #tpu.memory_space<hbm>>) target(%dma_start3A_730 : memref<2x1024xf32, #tpu.memory_space<vmem>>) target_semaphore(%arg17 : memref<!tpu.dma_semaphore, #tpu.memory_space<semaphore_mem>>)
    %dma_wait3A_733 = arith.constant 6 : i32
    %dma_wait3A_734 = arith.constant 0 : i32
    %dma_wait3A_735 = arith.constant 0 : i32
    %dma_wait3A_736 = arith.constant 0 : i32
    %dma_wait3A_737 = tpu.memref_slice %arg5[%dma_wait3A_733, %dma_wait3A_734, %dma_wait3A_735, %dma_wait3A_736] : memref<8x2x4x1024xf32, #tpu.memory_space<vmem>> -> memref<1x2x4x1024xf32, #tpu.memory_space<vmem>>
    %dma_wait3A_738 = tpu.memref_squeeze %dma_wait3A_737 : memref<1x2x4x1024xf32, #tpu.memory_space<vmem>> -> memref<2x4x1024xf32, #tpu.memory_space<vmem>>
    %dma_wait3A_739 = arith.constant 0 : i32
    %dma_wait3A_740 = arith.constant 0 : i32
    %dma_wait3A_741 = tpu.memref_slice %arg2[%mul3A_2, %dma_wait3A_739, %dma_wait3A_740] : memref<4096x4x1024xf32, #tpu.memory_space<hbm>> -> memref<2x4x1024xf32, #tpu.memory_space<hbm>>
    %dma_wait3A_742 = arith.constant 0 : i32
    %dma_wait3A_743 = arith.constant 0 : i32
    %dma_wait3A_744 = arith.constant 0 : i32
    %dma_wait3A_745 = tpu.memref_slice %arg5[%dma_wait3A_733, %dma_wait3A_742, %dma_wait3A_743, %dma_wait3A_744] : memref<8x2x4x1024xf32, #tpu.memory_space<vmem>> -> memref<1x2x4x1024xf32, #tpu.memory_space<vmem>>
    %dma_wait3A_746 = tpu.memref_squeeze %dma_wait3A_745 : memref<1x2x4x1024xf32, #tpu.memory_space<vmem>> -> memref<2x4x1024xf32, #tpu.memory_space<vmem>>
    %dma_wait3A_747 = arith.constant 0 : i32
    %dma_wait3A_748 = arith.constant 0 : i32
    %dma_wait3A_749 = tpu.memref_slice %arg2[%mul3A_2, %dma_wait3A_747, %dma_wait3A_748] : memref<4096x4x1024xf32, #tpu.memory_space<hbm>> -> memref<2x4x1024xf32, #tpu.memory_space<hbm>>
    tpu.wait_dma2 semaphore(%arg13 : memref<!tpu.dma_semaphore, #tpu.memory_space<semaphore_mem>>) src(%dma_wait3A_749 : memref<2x4x1024xf32, #tpu.memory_space<hbm>>) dst(%dma_wait3A_746 : memref<2x4x1024xf32, #tpu.memory_space<vmem>>)
    %dma_wait3A_750 = arith.constant 6 : i32
    %dma_wait3A_751 = arith.constant 0 : i32
    %dma_wait3A_752 = arith.constant 0 : i32
    %dma_wait3A_753 = tpu.memref_slice %arg6[%dma_wait3A_750, %dma_wait3A_751, %dma_wait3A_752] : memref<8x2x1024xf32, #tpu.memory_space<vmem>> -> memref<1x2x1024xf32, #tpu.memory_space<vmem>>
    %dma_wait3A_754 = tpu.memref_squeeze %dma_wait3A_753 : memref<1x2x1024xf32, #tpu.memory_space<vmem>> -> memref<2x1024xf32, #tpu.memory_space<vmem>>
    %dma_wait3A_755 = arith.constant 0 : i32
    %dma_wait3A_756 = tpu.memref_slice %arg3[%mul3A_2, %dma_wait3A_755] : memref<8192x1024xf32, #tpu.memory_space<hbm>> -> memref<2x1024xf32, #tpu.memory_space<hbm>>
    %dma_wait3A_757 = arith.constant 0 : i32
    %dma_wait3A_758 = arith.constant 0 : i32
    %dma_wait3A_759 = tpu.memref_slice %arg6[%dma_wait3A_750, %dma_wait3A_757, %dma_wait3A_758] : memref<8x2x1024xf32, #tpu.memory_space<vmem>> -> memref<1x2x1024xf32, #tpu.memory_space<vmem>>
    %dma_wait3A_760 = tpu.memref_squeeze %dma_wait3A_759 : memref<1x2x1024xf32, #tpu.memory_space<vmem>> -> memref<2x1024xf32, #tpu.memory_space<vmem>>
    %dma_wait3A_761 = arith.constant 0 : i32
    %dma_wait3A_762 = tpu.memref_slice %arg3[%mul3A_2, %dma_wait3A_761] : memref<8192x1024xf32, #tpu.memory_space<hbm>> -> memref<2x1024xf32, #tpu.memory_space<hbm>>
    tpu.wait_dma2 semaphore(%arg21 : memref<!tpu.dma_semaphore, #tpu.memory_space<semaphore_mem>>) src(%dma_wait3A_762 : memref<2x1024xf32, #tpu.memory_space<hbm>>) dst(%dma_wait3A_760 : memref<2x1024xf32, #tpu.memory_space<vmem>>)
    %scan3A_763 = arith.constant 0 : i32
    %scan3A_764 = arith.constant 0 : i32
    %scan3A_765 = arith.constant 64 : i32
    %scan3A_766 = arith.addi %scan3A_764, %scan3A_765 : i32
    %scan3A_767 = arith.constant 1 : i32
    scf.for %scan3A_966 = %scan3A_764 to %scan3A_766 step %scan3A_767  : i32 {
      %mul3A_967 = arith.constant 16 : i32
      %mul3A_968 = arith.muli %scan3A_966, %mul3A_967 : i32
      %get3A = arith.constant 6 : i32
      %get3A_969 = arith.constant 0 : i32
      %get3A_970 = arith.index_cast %get3A : i32 to index
      %get3A_971 = arith.index_cast %get3A_969 : i32 to index
      %get3A_972 = arith.index_cast %mul3A_968 : i32 to index
      %get3A_973 = tpu.vector_load %arg6[%get3A_970, %get3A_971, %get3A_972] {strides = array<i32>} : memref<8x2x1024xf32, #tpu.memory_space<vmem>>, vector<1x1x16xf32>,
      %get3A_974 = vector.shape_cast %get3A_973 : vector<1x1x16xf32> to vector<16xf32>
      %swap3A = arith.constant 6 : i32
      %swap3A_975 = arith.constant 0 : i32
      %swap3A_976 = arith.constant 0 : i32
      %swap3A_977 = arith.index_cast %swap3A : i32 to index
      %swap3A_978 = arith.index_cast %swap3A_975 : i32 to index
      %swap3A_979 = arith.index_cast %swap3A_976 : i32 to index
      %swap3A_980 = arith.index_cast %mul3A_968 : i32 to index
      %swap3A_981 = tpu.vector_load %arg5[%swap3A_977, %swap3A_978, %swap3A_979, %swap3A_980] {strides = array<i32>} : memref<8x2x4x1024xf32, #tpu.memory_space<vmem>>, vector<1x1x1x16xf32>,
      %swap3A_982 = vector.shape_cast %swap3A_981 : vector<1x1x1x16xf32> to vector<16xf32>
      %swap3A_983 = vector.shape_cast %get3A_974 : vector<16xf32> to vector<1x1x1x16xf32>
      tpu.vector_store %arg5[%swap3A_977, %swap3A_978, %swap3A_979, %swap3A_980], %swap3A_983 {add = true, strides = array<i32>} : memref<8x2x4x1024xf32, #tpu.memory_space<vmem>>, vector<1x1x1x16xf32>,
      %swap3A_984 = arith.constant 6 : i32
      %swap3A_985 = arith.constant 0 : i32
      %swap3A_986 = arith.constant 1 : i32
      %swap3A_987 = arith.index_cast %swap3A_984 : i32 to index
      %swap3A_988 = arith.index_cast %swap3A_985 : i32 to index
      %swap3A_989 = arith.index_cast %swap3A_986 : i32 to index
      %swap3A_990 = arith.index_cast %mul3A_968 : i32 to index
      %swap3A_991 = tpu.vector_load %arg5[%swap3A_987, %swap3A_988, %swap3A_989, %swap3A_990] {strides = array<i32>} : memref<8x2x4x1024xf32, #tpu.memory_space<vmem>>, vector<1x1x1x16xf32>,
      %swap3A_992 = vector.shape_cast %swap3A_991 : vector<1x1x1x16xf32> to vector<16xf32>
      %swap3A_993 = vector.shape_cast %get3A_974 : vector<16xf32> to vector<1x1x1x16xf32>
      tpu.vector_store %arg5[%swap3A_987, %swap3A_988, %swap3A_989, %swap3A_990], %swap3A_993 {add = true, strides = array<i32>} : memref<8x2x4x1024xf32, #tpu.memory_space<vmem>>, vector<1x1x1x16xf32>,
      %swap3A_994 = arith.constant 6 : i32
      %swap3A_995 = arith.constant 0 : i32
      %swap3A_996 = arith.constant 2 : i32
      %swap3A_997 = arith.index_cast %swap3A_994 : i32 to index
      %swap3A_998 = arith.index_cast %swap3A_995 : i32 to index
      %swap3A_999 = arith.index_cast %swap3A_996 : i32 to index
      %swap3A_1000 = arith.index_cast %mul3A_968 : i32 to index
      %swap3A_1001 = tpu.vector_load %arg5[%swap3A_997, %swap3A_998, %swap3A_999, %swap3A_1000] {strides = array<i32>} : memref<8x2x4x1024xf32, #tpu.memory_space<vmem>>, vector<1x1x1x16xf32>,
      %swap3A_1002 = vector.shape_cast %swap3A_1001 : vector<1x1x1x16xf32> to vector<16xf32>
      %swap3A_1003 = vector.shape_cast %get3A_974 : vector<16xf32> to vector<1x1x1x16xf32>
      tpu.vector_store %arg5[%swap3A_997, %swap3A_998, %swap3A_999, %swap3A_1000], %swap3A_1003 {add = true, strides = array<i32>} : memref<8x2x4x1024xf32, #tpu.memory_space<vmem>>, vector<1x1x1x16xf32>,
      %swap3A_1004 = arith.constant 6 : i32
      %swap3A_1005 = arith.constant 0 : i32
      %swap3A_1006 = arith.constant 3 : i32
      %swap3A_1007 = arith.index_cast %swap3A_1004 : i32 to index
      %swap3A_1008 = arith.index_cast %swap3A_1005 : i32 to index
      %swap3A_1009 = arith.index_cast %swap3A_1006 : i32 to index
      %swap3A_1010 = arith.index_cast %mul3A_968 : i32 to index
      %swap3A_1011 = tpu.vector_load %arg5[%swap3A_1007, %swap3A_1008, %swap3A_1009, %swap3A_1010] {strides = array<i32>} : memref<8x2x4x1024xf32, #tpu.memory_space<vmem>>, vector<1x1x1x16xf32>,
      %swap3A_1012 = vector.shape_cast %swap3A_1011 : vector<1x1x1x16xf32> to vector<16xf32>
      %swap3A_1013 = vector.shape_cast %get3A_974 : vector<16xf32> to vector<1x1x1x16xf32>
      tpu.vector_store %arg5[%swap3A_1007, %swap3A_1008, %swap3A_1009, %swap3A_1010], %swap3A_1013 {add = true, strides = array<i32>} : memref<8x2x4x1024xf32, #tpu.memory_space<vmem>>, vector<1x1x1x16xf32>,
      %get3A_1014 = arith.constant 6 : i32
      %get3A_1015 = arith.constant 1 : i32
      %get3A_1016 = arith.index_cast %get3A_1014 : i32 to index
      %get3A_1017 = arith.index_cast %get3A_1015 : i32 to index
      %get3A_1018 = arith.index_cast %mul3A_968 : i32 to index
      %get3A_1019 = tpu.vector_load %arg6[%get3A_1016, %get3A_1017, %get3A_1018] {strides = array<i32>} : memref<8x2x1024xf32, #tpu.memory_space<vmem>>, vector<1x1x16xf32>,
      %get3A_1020 = vector.shape_cast %get3A_1019 : vector<1x1x16xf32> to vector<16xf32>
      %swap3A_1021 = arith.constant 6 : i32
      %swap3A_1022 = arith.constant 1 : i32
      %swap3A_1023 = arith.constant 0 : i32
      %swap3A_1024 = arith.index_cast %swap3A_1021 : i32 to index
      %swap3A_1025 = arith.index_cast %swap3A_1022 : i32 to index
      %swap3A_1026 = arith.index_cast %swap3A_1023 : i32 to index
      %swap3A_1027 = arith.index_cast %mul3A_968 : i32 to index
      %swap3A_1028 = tpu.vector_load %arg5[%swap3A_1024, %swap3A_1025, %swap3A_1026, %swap3A_1027] {strides = array<i32>} : memref<8x2x4x1024xf32, #tpu.memory_space<vmem>>, vector<1x1x1x16xf32>,
      %swap3A_1029 = vector.shape_cast %swap3A_1028 : vector<1x1x1x16xf32> to vector<16xf32>
      %swap3A_1030 = vector.shape_cast %get3A_1020 : vector<16xf32> to vector<1x1x1x16xf32>
      tpu.vector_store %arg5[%swap3A_1024, %swap3A_1025, %swap3A_1026, %swap3A_1027], %swap3A_1030 {add = true, strides = array<i32>} : memref<8x2x4x1024xf32, #tpu.memory_space<vmem>>, vector<1x1x1x16xf32>,
      %swap3A_1031 = arith.constant 6 : i32
      %swap3A_1032 = arith.constant 1 : i32
      %swap3A_1033 = arith.constant 1 : i32
      %swap3A_1034 = arith.index_cast %swap3A_1031 : i32 to index
      %swap3A_1035 = arith.index_cast %swap3A_1032 : i32 to index
      %swap3A_1036 = arith.index_cast %swap3A_1033 : i32 to index
      %swap3A_1037 = arith.index_cast %mul3A_968 : i32 to index
      %swap3A_1038 = tpu.vector_load %arg5[%swap3A_1034, %swap3A_1035, %swap3A_1036, %swap3A_1037] {strides = array<i32>} : memref<8x2x4x1024xf32, #tpu.memory_space<vmem>>, vector<1x1x1x16xf32>,
      %swap3A_1039 = vector.shape_cast %swap3A_1038 : vector<1x1x1x16xf32> to vector<16xf32>
      %swap3A_1040 = vector.shape_cast %get3A_1020 : vector<16xf32> to vector<1x1x1x16xf32>
      tpu.vector_store %arg5[%swap3A_1034, %swap3A_1035, %swap3A_1036, %swap3A_1037], %swap3A_1040 {add = true, strides = array<i32>} : memref<8x2x4x1024xf32, #tpu.memory_space<vmem>>, vector<1x1x1x16xf32>,
      %swap3A_1041 = arith.constant 6 : i32
      %swap3A_1042 = arith.constant 1 : i32
      %swap3A_1043 = arith.constant 2 : i32
      %swap3A_1044 = arith.index_cast %swap3A_1041 : i32 to index
      %swap3A_1045 = arith.index_cast %swap3A_1042 : i32 to index
      %swap3A_1046 = arith.index_cast %swap3A_1043 : i32 to index
      %swap3A_1047 = arith.index_cast %mul3A_968 : i32 to index
      %swap3A_1048 = tpu.vector_load %arg5[%swap3A_1044, %swap3A_1045, %swap3A_1046, %swap3A_1047] {strides = array<i32>} : memref<8x2x4x1024xf32, #tpu.memory_space<vmem>>, vector<1x1x1x16xf32>,
      %swap3A_1049 = vector.shape_cast %swap3A_1048 : vector<1x1x1x16xf32> to vector<16xf32>
      %swap3A_1050 = vector.shape_cast %get3A_1020 : vector<16xf32> to vector<1x1x1x16xf32>
      tpu.vector_store %arg5[%swap3A_1044, %swap3A_1045, %swap3A_1046, %swap3A_1047], %swap3A_1050 {add = true, strides = array<i32>} : memref<8x2x4x1024xf32, #tpu.memory_space<vmem>>, vector<1x1x1x16xf32>,
      %swap3A_1051 = arith.constant 6 : i32
      %swap3A_1052 = arith.constant 1 : i32
      %swap3A_1053 = arith.constant 3 : i32
      %swap3A_1054 = arith.index_cast %swap3A_1051 : i32 to index
      %swap3A_1055 = arith.index_cast %swap3A_1052 : i32 to index
      %swap3A_1056 = arith.index_cast %swap3A_1053 : i32 to index
      %swap3A_1057 = arith.index_cast %mul3A_968 : i32 to index
      %swap3A_1058 = tpu.vector_load %arg5[%swap3A_1054, %swap3A_1055, %swap3A_1056, %swap3A_1057] {strides = array<i32>} : memref<8x2x4x1024xf32, #tpu.memory_space<vmem>>, vector<1x1x1x16xf32>,
      %swap3A_1059 = vector.shape_cast %swap3A_1058 : vector<1x1x1x16xf32> to vector<16xf32>
      %swap3A_1060 = vector.shape_cast %get3A_1020 : vector<16xf32> to vector<1x1x1x16xf32>
      tpu.vector_store %arg5[%swap3A_1054, %swap3A_1055, %swap3A_1056, %swap3A_1057], %swap3A_1060 {add = true, strides = array<i32>} : memref<8x2x4x1024xf32, #tpu.memory_space<vmem>>, vector<1x1x1x16xf32>,
    }
    %scan3A_768 = arith.constant 64 : i32
    %add3A_769 = arith.constant 12 : i32
    %add3A_770 = arith.addi %mul3A_2, %add3A_769 : i32
    %dma_start3A_771 = arith.constant 6 : i32
    %dma_start3A_772 = arith.constant 0 : i32
    %dma_start3A_773 = arith.constant 0 : i32
    %dma_start3A_774 = arith.constant 0 : i32
    %dma_start3A_775 = tpu.memref_slice %arg5[%dma_start3A_771, %dma_start3A_772, %dma_start3A_773, %dma_start3A_774] : memref<8x2x4x1024xf32, #tpu.memory_space<vmem>> -> memref<1x2x4x1024xf32, #tpu.memory_space<vmem>>
    %dma_start3A_776 = tpu.memref_squeeze %dma_start3A_775 : memref<1x2x4x1024xf32, #tpu.memory_space<vmem>> -> memref<2x4x1024xf32, #tpu.memory_space<vmem>>
    %dma_start3A_777 = arith.constant 0 : i32
    %dma_start3A_778 = arith.constant 0 : i32
    %dma_start3A_779 = tpu.memref_slice %arg4[%add3A_770, %dma_start3A_777, %dma_start3A_778] : memref<4096x4x1024xf32, #tpu.memory_space<hbm>> -> memref<2x4x1024xf32, #tpu.memory_space<hbm>>
    %dma_start3A_780 = arith.constant 0 : i32
    %dma_start3A_781 = arith.constant 0 : i32
    %dma_start3A_782 = tpu.memref_slice %arg4[%add3A_770, %dma_start3A_780, %dma_start3A_781] : memref<4096x4x1024xf32, #tpu.memory_space<hbm>> -> memref<2x4x1024xf32, #tpu.memory_space<hbm>>
    %dma_start3A_783 = arith.constant 0 : i32
    %dma_start3A_784 = arith.constant 0 : i32
    %dma_start3A_785 = arith.constant 0 : i32
    %dma_start3A_786 = tpu.memref_slice %arg5[%dma_start3A_771, %dma_start3A_783, %dma_start3A_784, %dma_start3A_785] : memref<8x2x4x1024xf32, #tpu.memory_space<vmem>> -> memref<1x2x4x1024xf32, #tpu.memory_space<vmem>>
    %dma_start3A_787 = tpu.memref_squeeze %dma_start3A_786 : memref<1x2x4x1024xf32, #tpu.memory_space<vmem>> -> memref<2x4x1024xf32, #tpu.memory_space<vmem>>
    tpu.enqueue_dma source(%dma_start3A_787 : memref<2x4x1024xf32, #tpu.memory_space<vmem>>) target(%dma_start3A_782 : memref<2x4x1024xf32, #tpu.memory_space<hbm>>) target_semaphore(%arg29 : memref<!tpu.dma_semaphore, #tpu.memory_space<semaphore_mem>>)
    %dma_wait3A_788 = arith.constant 3 : i32
    %dma_wait3A_789 = arith.constant 0 : i32
    %dma_wait3A_790 = arith.constant 0 : i32
    %dma_wait3A_791 = arith.constant 0 : i32
    %dma_wait3A_792 = tpu.memref_slice %arg5[%dma_wait3A_788, %dma_wait3A_789, %dma_wait3A_790, %dma_wait3A_791] : memref<8x2x4x1024xf32, #tpu.memory_space<vmem>> -> memref<1x2x4x1024xf32, #tpu.memory_space<vmem>>
    %dma_wait3A_793 = tpu.memref_squeeze %dma_wait3A_792 : memref<1x2x4x1024xf32, #tpu.memory_space<vmem>> -> memref<2x4x1024xf32, #tpu.memory_space<vmem>>
    %dma_wait3A_794 = arith.constant 0 : i32
    %dma_wait3A_795 = arith.constant 0 : i32
    %dma_wait3A_796 = tpu.memref_slice %arg4[%mul3A_2, %dma_wait3A_794, %dma_wait3A_795] : memref<4096x4x1024xf32, #tpu.memory_space<hbm>> -> memref<2x4x1024xf32, #tpu.memory_space<hbm>>
    %dma_wait3A_797 = arith.constant 0 : i32
    %dma_wait3A_798 = arith.constant 0 : i32
    %dma_wait3A_799 = tpu.memref_slice %arg4[%mul3A_2, %dma_wait3A_797, %dma_wait3A_798] : memref<4096x4x1024xf32, #tpu.memory_space<hbm>> -> memref<2x4x1024xf32, #tpu.memory_space<hbm>>
    %dma_wait3A_800 = arith.constant 0 : i32
    %dma_wait3A_801 = arith.constant 0 : i32
    %dma_wait3A_802 = arith.constant 0 : i32
    %dma_wait3A_803 = tpu.memref_slice %arg5[%dma_wait3A_788, %dma_wait3A_800, %dma_wait3A_801, %dma_wait3A_802] : memref<8x2x4x1024xf32, #tpu.memory_space<vmem>> -> memref<1x2x4x1024xf32, #tpu.memory_space<vmem>>
    %dma_wait3A_804 = tpu.memref_squeeze %dma_wait3A_803 : memref<1x2x4x1024xf32, #tpu.memory_space<vmem>> -> memref<2x4x1024xf32, #tpu.memory_space<vmem>>
    tpu.wait_dma2 semaphore(%arg26 : memref<!tpu.dma_semaphore, #tpu.memory_space<semaphore_mem>>) src(%dma_wait3A_804 : memref<2x4x1024xf32, #tpu.memory_space<vmem>>) dst(%dma_wait3A_799 : memref<2x4x1024xf32, #tpu.memory_space<hbm>>)
    %add3A_805 = arith.constant 22 : i32
    %add3A_806 = arith.addi %mul3A_2, %add3A_805 : i32
    %dma_start3A_807 = arith.constant 3 : i32
    %dma_start3A_808 = arith.constant 0 : i32
    %dma_start3A_809 = arith.constant 0 : i32
    %dma_start3A_810 = arith.constant 0 : i32
    %dma_start3A_811 = tpu.memref_slice %arg5[%dma_start3A_807, %dma_start3A_808, %dma_start3A_809, %dma_start3A_810] : memref<8x2x4x1024xf32, #tpu.memory_space<vmem>> -> memref<1x2x4x1024xf32, #tpu.memory_space<vmem>>
    %dma_start3A_812 = tpu.memref_squeeze %dma_start3A_811 : memref<1x2x4x1024xf32, #tpu.memory_space<vmem>> -> memref<2x4x1024xf32, #tpu.memory_space<vmem>>
    %dma_start3A_813 = arith.constant 0 : i32
    %dma_start3A_814 = arith.constant 0 : i32
    %dma_start3A_815 = tpu.memref_slice %arg2[%add3A_806, %dma_start3A_813, %dma_start3A_814] : memref<4096x4x1024xf32, #tpu.memory_space<hbm>> -> memref<2x4x1024xf32, #tpu.memory_space<hbm>>
    %dma_start3A_816 = arith.constant 0 : i32
    %dma_start3A_817 = arith.constant 0 : i32
    %dma_start3A_818 = arith.constant 0 : i32
    %dma_start3A_819 = tpu.memref_slice %arg5[%dma_start3A_807, %dma_start3A_816, %dma_start3A_817, %dma_start3A_818] : memref<8x2x4x1024xf32, #tpu.memory_space<vmem>> -> memref<1x2x4x1024xf32, #tpu.memory_space<vmem>>
    %dma_start3A_820 = tpu.memref_squeeze %dma_start3A_819 : memref<1x2x4x1024xf32, #tpu.memory_space<vmem>> -> memref<2x4x1024xf32, #tpu.memory_space<vmem>>
    %dma_start3A_821 = arith.constant 0 : i32
    %dma_start3A_822 = arith.constant 0 : i32
    %dma_start3A_823 = tpu.memref_slice %arg2[%add3A_806, %dma_start3A_821, %dma_start3A_822] : memref<4096x4x1024xf32, #tpu.memory_space<hbm>> -> memref<2x4x1024xf32, #tpu.memory_space<hbm>>
    tpu.enqueue_dma source(%dma_start3A_823 : memref<2x4x1024xf32, #tpu.memory_space<hbm>>) target(%dma_start3A_820 : memref<2x4x1024xf32, #tpu.memory_space<vmem>>) target_semaphore(%arg10 : memref<!tpu.dma_semaphore, #tpu.memory_space<semaphore_mem>>)
    %dma_start3A_824 = arith.constant 3 : i32
    %dma_start3A_825 = arith.constant 0 : i32
    %dma_start3A_826 = arith.constant 0 : i32
    %dma_start3A_827 = tpu.memref_slice %arg6[%dma_start3A_824, %dma_start3A_825, %dma_start3A_826] : memref<8x2x1024xf32, #tpu.memory_space<vmem>> -> memref<1x2x1024xf32, #tpu.memory_space<vmem>>
    %dma_start3A_828 = tpu.memref_squeeze %dma_start3A_827 : memref<1x2x1024xf32, #tpu.memory_space<vmem>> -> memref<2x1024xf32, #tpu.memory_space<vmem>>
    %dma_start3A_829 = arith.constant 0 : i32
    %dma_start3A_830 = tpu.memref_slice %arg3[%add3A_806, %dma_start3A_829] : memref<8192x1024xf32, #tpu.memory_space<hbm>> -> memref<2x1024xf32, #tpu.memory_space<hbm>>
    %dma_start3A_831 = arith.constant 0 : i32
    %dma_start3A_832 = arith.constant 0 : i32
    %dma_start3A_833 = tpu.memref_slice %arg6[%dma_start3A_824, %dma_start3A_831, %dma_start3A_832] : memref<8x2x1024xf32, #tpu.memory_space<vmem>> -> memref<1x2x1024xf32, #tpu.memory_space<vmem>>
    %dma_start3A_834 = tpu.memref_squeeze %dma_start3A_833 : memref<1x2x1024xf32, #tpu.memory_space<vmem>> -> memref<2x1024xf32, #tpu.memory_space<vmem>>
    %dma_start3A_835 = arith.constant 0 : i32
    %dma_start3A_836 = tpu.memref_slice %arg3[%add3A_806, %dma_start3A_835] : memref<8192x1024xf32, #tpu.memory_space<hbm>> -> memref<2x1024xf32, #tpu.memory_space<hbm>>
    tpu.enqueue_dma source(%dma_start3A_836 : memref<2x1024xf32, #tpu.memory_space<hbm>>) target(%dma_start3A_834 : memref<2x1024xf32, #tpu.memory_space<vmem>>) target_semaphore(%arg18 : memref<!tpu.dma_semaphore, #tpu.memory_space<semaphore_mem>>)
    %dma_wait3A_837 = arith.constant 7 : i32
    %dma_wait3A_838 = arith.constant 0 : i32
    %dma_wait3A_839 = arith.constant 0 : i32
    %dma_wait3A_840 = arith.constant 0 : i32
    %dma_wait3A_841 = tpu.memref_slice %arg5[%dma_wait3A_837, %dma_wait3A_838, %dma_wait3A_839, %dma_wait3A_840] : memref<8x2x4x1024xf32, #tpu.memory_space<vmem>> -> memref<1x2x4x1024xf32, #tpu.memory_space<vmem>>
    %dma_wait3A_842 = tpu.memref_squeeze %dma_wait3A_841 : memref<1x2x4x1024xf32, #tpu.memory_space<vmem>> -> memref<2x4x1024xf32, #tpu.memory_space<vmem>>
    %dma_wait3A_843 = arith.constant 0 : i32
    %dma_wait3A_844 = arith.constant 0 : i32
    %dma_wait3A_845 = tpu.memref_slice %arg2[%mul3A_2, %dma_wait3A_843, %dma_wait3A_844] : memref<4096x4x1024xf32, #tpu.memory_space<hbm>> -> memref<2x4x1024xf32, #tpu.memory_space<hbm>>
    %dma_wait3A_846 = arith.constant 0 : i32
    %dma_wait3A_847 = arith.constant 0 : i32
    %dma_wait3A_848 = arith.constant 0 : i32
    %dma_wait3A_849 = tpu.memref_slice %arg5[%dma_wait3A_837, %dma_wait3A_846, %dma_wait3A_847, %dma_wait3A_848] : memref<8x2x4x1024xf32, #tpu.memory_space<vmem>> -> memref<1x2x4x1024xf32, #tpu.memory_space<vmem>>
    %dma_wait3A_850 = tpu.memref_squeeze %dma_wait3A_849 : memref<1x2x4x1024xf32, #tpu.memory_space<vmem>> -> memref<2x4x1024xf32, #tpu.memory_space<vmem>>
    %dma_wait3A_851 = arith.constant 0 : i32
    %dma_wait3A_852 = arith.constant 0 : i32
    %dma_wait3A_853 = tpu.memref_slice %arg2[%mul3A_2, %dma_wait3A_851, %dma_wait3A_852] : memref<4096x4x1024xf32, #tpu.memory_space<hbm>> -> memref<2x4x1024xf32, #tpu.memory_space<hbm>>
    tpu.wait_dma2 semaphore(%arg14 : memref<!tpu.dma_semaphore, #tpu.memory_space<semaphore_mem>>) src(%dma_wait3A_853 : memref<2x4x1024xf32, #tpu.memory_space<hbm>>) dst(%dma_wait3A_850 : memref<2x4x1024xf32, #tpu.memory_space<vmem>>)
    %dma_wait3A_854 = arith.constant 7 : i32
    %dma_wait3A_855 = arith.constant 0 : i32
    %dma_wait3A_856 = arith.constant 0 : i32
    %dma_wait3A_857 = tpu.memref_slice %arg6[%dma_wait3A_854, %dma_wait3A_855, %dma_wait3A_856] : memref<8x2x1024xf32, #tpu.memory_space<vmem>> -> memref<1x2x1024xf32, #tpu.memory_space<vmem>>
    %dma_wait3A_858 = tpu.memref_squeeze %dma_wait3A_857 : memref<1x2x1024xf32, #tpu.memory_space<vmem>> -> memref<2x1024xf32, #tpu.memory_space<vmem>>
    %dma_wait3A_859 = arith.constant 0 : i32
    %dma_wait3A_860 = tpu.memref_slice %arg3[%mul3A_2, %dma_wait3A_859] : memref<8192x1024xf32, #tpu.memory_space<hbm>> -> memref<2x1024xf32, #tpu.memory_space<hbm>>
    %dma_wait3A_861 = arith.constant 0 : i32
    %dma_wait3A_862 = arith.constant 0 : i32
    %dma_wait3A_863 = tpu.memref_slice %arg6[%dma_wait3A_854, %dma_wait3A_861, %dma_wait3A_862] : memref<8x2x1024xf32, #tpu.memory_space<vmem>> -> memref<1x2x1024xf32, #tpu.memory_space<vmem>>
    %dma_wait3A_864 = tpu.memref_squeeze %dma_wait3A_863 : memref<1x2x1024xf32, #tpu.memory_space<vmem>> -> memref<2x1024xf32, #tpu.memory_space<vmem>>
    %dma_wait3A_865 = arith.constant 0 : i32
    %dma_wait3A_866 = tpu.memref_slice %arg3[%mul3A_2, %dma_wait3A_865] : memref<8192x1024xf32, #tpu.memory_space<hbm>> -> memref<2x1024xf32, #tpu.memory_space<hbm>>
    tpu.wait_dma2 semaphore(%arg22 : memref<!tpu.dma_semaphore, #tpu.memory_space<semaphore_mem>>) src(%dma_wait3A_866 : memref<2x1024xf32, #tpu.memory_space<hbm>>) dst(%dma_wait3A_864 : memref<2x1024xf32, #tpu.memory_space<vmem>>)
    %scan3A_867 = arith.constant 0 : i32
    %scan3A_868 = arith.constant 0 : i32
    %scan3A_869 = arith.constant 64 : i32
    %scan3A_870 = arith.addi %scan3A_868, %scan3A_869 : i32
    %scan3A_871 = arith.constant 1 : i32
    scf.for %scan3A_966 = %scan3A_868 to %scan3A_870 step %scan3A_871  : i32 {
      %mul3A_967 = arith.constant 16 : i32
      %mul3A_968 = arith.muli %scan3A_966, %mul3A_967 : i32
      %get3A = arith.constant 7 : i32
      %get3A_969 = arith.constant 0 : i32
      %get3A_970 = arith.index_cast %get3A : i32 to index
      %get3A_971 = arith.index_cast %get3A_969 : i32 to index
      %get3A_972 = arith.index_cast %mul3A_968 : i32 to index
      %get3A_973 = tpu.vector_load %arg6[%get3A_970, %get3A_971, %get3A_972] {strides = array<i32>} : memref<8x2x1024xf32, #tpu.memory_space<vmem>>, vector<1x1x16xf32>,
      %get3A_974 = vector.shape_cast %get3A_973 : vector<1x1x16xf32> to vector<16xf32>
      %swap3A = arith.constant 7 : i32
      %swap3A_975 = arith.constant 0 : i32
      %swap3A_976 = arith.constant 0 : i32
      %swap3A_977 = arith.index_cast %swap3A : i32 to index
      %swap3A_978 = arith.index_cast %swap3A_975 : i32 to index
      %swap3A_979 = arith.index_cast %swap3A_976 : i32 to index
      %swap3A_980 = arith.index_cast %mul3A_968 : i32 to index
      %swap3A_981 = tpu.vector_load %arg5[%swap3A_977, %swap3A_978, %swap3A_979, %swap3A_980] {strides = array<i32>} : memref<8x2x4x1024xf32, #tpu.memory_space<vmem>>, vector<1x1x1x16xf32>,
      %swap3A_982 = vector.shape_cast %swap3A_981 : vector<1x1x1x16xf32> to vector<16xf32>
      %swap3A_983 = vector.shape_cast %get3A_974 : vector<16xf32> to vector<1x1x1x16xf32>
      tpu.vector_store %arg5[%swap3A_977, %swap3A_978, %swap3A_979, %swap3A_980], %swap3A_983 {add = true, strides = array<i32>} : memref<8x2x4x1024xf32, #tpu.memory_space<vmem>>, vector<1x1x1x16xf32>,
      %swap3A_984 = arith.constant 7 : i32
      %swap3A_985 = arith.constant 0 : i32
      %swap3A_986 = arith.constant 1 : i32
      %swap3A_987 = arith.index_cast %swap3A_984 : i32 to index
      %swap3A_988 = arith.index_cast %swap3A_985 : i32 to index
      %swap3A_989 = arith.index_cast %swap3A_986 : i32 to index
      %swap3A_990 = arith.index_cast %mul3A_968 : i32 to index
      %swap3A_991 = tpu.vector_load %arg5[%swap3A_987, %swap3A_988, %swap3A_989, %swap3A_990] {strides = array<i32>} : memref<8x2x4x1024xf32, #tpu.memory_space<vmem>>, vector<1x1x1x16xf32>,
      %swap3A_992 = vector.shape_cast %swap3A_991 : vector<1x1x1x16xf32> to vector<16xf32>
      %swap3A_993 = vector.shape_cast %get3A_974 : vector<16xf32> to vector<1x1x1x16xf32>
      tpu.vector_store %arg5[%swap3A_987, %swap3A_988, %swap3A_989, %swap3A_990], %swap3A_993 {add = true, strides = array<i32>} : memref<8x2x4x1024xf32, #tpu.memory_space<vmem>>, vector<1x1x1x16xf32>,
      %swap3A_994 = arith.constant 7 : i32
      %swap3A_995 = arith.constant 0 : i32
      %swap3A_996 = arith.constant 2 : i32
      %swap3A_997 = arith.index_cast %swap3A_994 : i32 to index
      %swap3A_998 = arith.index_cast %swap3A_995 : i32 to index
      %swap3A_999 = arith.index_cast %swap3A_996 : i32 to index
      %swap3A_1000 = arith.index_cast %mul3A_968 : i32 to index
      %swap3A_1001 = tpu.vector_load %arg5[%swap3A_997, %swap3A_998, %swap3A_999, %swap3A_1000] {strides = array<i32>} : memref<8x2x4x1024xf32, #tpu.memory_space<vmem>>, vector<1x1x1x16xf32>,
      %swap3A_1002 = vector.shape_cast %swap3A_1001 : vector<1x1x1x16xf32> to vector<16xf32>
      %swap3A_1003 = vector.shape_cast %get3A_974 : vector<16xf32> to vector<1x1x1x16xf32>
      tpu.vector_store %arg5[%swap3A_997, %swap3A_998, %swap3A_999, %swap3A_1000], %swap3A_1003 {add = true, strides = array<i32>} : memref<8x2x4x1024xf32, #tpu.memory_space<vmem>>, vector<1x1x1x16xf32>,
      %swap3A_1004 = arith.constant 7 : i32
      %swap3A_1005 = arith.constant 0 : i32
      %swap3A_1006 = arith.constant 3 : i32
      %swap3A_1007 = arith.index_cast %swap3A_1004 : i32 to index
      %swap3A_1008 = arith.index_cast %swap3A_1005 : i32 to index
      %swap3A_1009 = arith.index_cast %swap3A_1006 : i32 to index
      %swap3A_1010 = arith.index_cast %mul3A_968 : i32 to index
      %swap3A_1011 = tpu.vector_load %arg5[%swap3A_1007, %swap3A_1008, %swap3A_1009, %swap3A_1010] {strides = array<i32>} : memref<8x2x4x1024xf32, #tpu.memory_space<vmem>>, vector<1x1x1x16xf32>,
      %swap3A_1012 = vector.shape_cast %swap3A_1011 : vector<1x1x1x16xf32> to vector<16xf32>
      %swap3A_1013 = vector.shape_cast %get3A_974 : vector<16xf32> to vector<1x1x1x16xf32>
      tpu.vector_store %arg5[%swap3A_1007, %swap3A_1008, %swap3A_1009, %swap3A_1010], %swap3A_1013 {add = true, strides = array<i32>} : memref<8x2x4x1024xf32, #tpu.memory_space<vmem>>, vector<1x1x1x16xf32>,
      %get3A_1014 = arith.constant 7 : i32
      %get3A_1015 = arith.constant 1 : i32
      %get3A_1016 = arith.index_cast %get3A_1014 : i32 to index
      %get3A_1017 = arith.index_cast %get3A_1015 : i32 to index
      %get3A_1018 = arith.index_cast %mul3A_968 : i32 to index
      %get3A_1019 = tpu.vector_load %arg6[%get3A_1016, %get3A_1017, %get3A_1018] {strides = array<i32>} : memref<8x2x1024xf32, #tpu.memory_space<vmem>>, vector<1x1x16xf32>,
      %get3A_1020 = vector.shape_cast %get3A_1019 : vector<1x1x16xf32> to vector<16xf32>
      %swap3A_1021 = arith.constant 7 : i32
      %swap3A_1022 = arith.constant 1 : i32
      %swap3A_1023 = arith.constant 0 : i32
      %swap3A_1024 = arith.index_cast %swap3A_1021 : i32 to index
      %swap3A_1025 = arith.index_cast %swap3A_1022 : i32 to index
      %swap3A_1026 = arith.index_cast %swap3A_1023 : i32 to index
      %swap3A_1027 = arith.index_cast %mul3A_968 : i32 to index
      %swap3A_1028 = tpu.vector_load %arg5[%swap3A_1024, %swap3A_1025, %swap3A_1026, %swap3A_1027] {strides = array<i32>} : memref<8x2x4x1024xf32, #tpu.memory_space<vmem>>, vector<1x1x1x16xf32>,
      %swap3A_1029 = vector.shape_cast %swap3A_1028 : vector<1x1x1x16xf32> to vector<16xf32>
      %swap3A_1030 = vector.shape_cast %get3A_1020 : vector<16xf32> to vector<1x1x1x16xf32>
      tpu.vector_store %arg5[%swap3A_1024, %swap3A_1025, %swap3A_1026, %swap3A_1027], %swap3A_1030 {add = true, strides = array<i32>} : memref<8x2x4x1024xf32, #tpu.memory_space<vmem>>, vector<1x1x1x16xf32>,
      %swap3A_1031 = arith.constant 7 : i32
      %swap3A_1032 = arith.constant 1 : i32
      %swap3A_1033 = arith.constant 1 : i32
      %swap3A_1034 = arith.index_cast %swap3A_1031 : i32 to index
      %swap3A_1035 = arith.index_cast %swap3A_1032 : i32 to index
      %swap3A_1036 = arith.index_cast %swap3A_1033 : i32 to index
      %swap3A_1037 = arith.index_cast %mul3A_968 : i32 to index
      %swap3A_1038 = tpu.vector_load %arg5[%swap3A_1034, %swap3A_1035, %swap3A_1036, %swap3A_1037] {strides = array<i32>} : memref<8x2x4x1024xf32, #tpu.memory_space<vmem>>, vector<1x1x1x16xf32>,
      %swap3A_1039 = vector.shape_cast %swap3A_1038 : vector<1x1x1x16xf32> to vector<16xf32>
      %swap3A_1040 = vector.shape_cast %get3A_1020 : vector<16xf32> to vector<1x1x1x16xf32>
      tpu.vector_store %arg5[%swap3A_1034, %swap3A_1035, %swap3A_1036, %swap3A_1037], %swap3A_1040 {add = true, strides = array<i32>} : memref<8x2x4x1024xf32, #tpu.memory_space<vmem>>, vector<1x1x1x16xf32>,
      %swap3A_1041 = arith.constant 7 : i32
      %swap3A_1042 = arith.constant 1 : i32
      %swap3A_1043 = arith.constant 2 : i32
      %swap3A_1044 = arith.index_cast %swap3A_1041 : i32 to index
      %swap3A_1045 = arith.index_cast %swap3A_1042 : i32 to index
      %swap3A_1046 = arith.index_cast %swap3A_1043 : i32 to index
      %swap3A_1047 = arith.index_cast %mul3A_968 : i32 to index
      %swap3A_1048 = tpu.vector_load %arg5[%swap3A_1044, %swap3A_1045, %swap3A_1046, %swap3A_1047] {strides = array<i32>} : memref<8x2x4x1024xf32, #tpu.memory_space<vmem>>, vector<1x1x1x16xf32>,
      %swap3A_1049 = vector.shape_cast %swap3A_1048 : vector<1x1x1x16xf32> to vector<16xf32>
      %swap3A_1050 = vector.shape_cast %get3A_1020 : vector<16xf32> to vector<1x1x1x16xf32>
      tpu.vector_store %arg5[%swap3A_1044, %swap3A_1045, %swap3A_1046, %swap3A_1047], %swap3A_1050 {add = true, strides = array<i32>} : memref<8x2x4x1024xf32, #tpu.memory_space<vmem>>, vector<1x1x1x16xf32>,
      %swap3A_1051 = arith.constant 7 : i32
      %swap3A_1052 = arith.constant 1 : i32
      %swap3A_1053 = arith.constant 3 : i32
      %swap3A_1054 = arith.index_cast %swap3A_1051 : i32 to index
      %swap3A_1055 = arith.index_cast %swap3A_1052 : i32 to index
      %swap3A_1056 = arith.index_cast %swap3A_1053 : i32 to index
      %swap3A_1057 = arith.index_cast %mul3A_968 : i32 to index
      %swap3A_1058 = tpu.vector_load %arg5[%swap3A_1054, %swap3A_1055, %swap3A_1056, %swap3A_1057] {strides = array<i32>} : memref<8x2x4x1024xf32, #tpu.memory_space<vmem>>, vector<1x1x1x16xf32>,
      %swap3A_1059 = vector.shape_cast %swap3A_1058 : vector<1x1x1x16xf32> to vector<16xf32>
      %swap3A_1060 = vector.shape_cast %get3A_1020 : vector<16xf32> to vector<1x1x1x16xf32>
      tpu.vector_store %arg5[%swap3A_1054, %swap3A_1055, %swap3A_1056, %swap3A_1057], %swap3A_1060 {add = true, strides = array<i32>} : memref<8x2x4x1024xf32, #tpu.memory_space<vmem>>, vector<1x1x1x16xf32>,
    }
    %scan3A_872 = arith.constant 64 : i32
    %add3A_873 = arith.constant 14 : i32
    %add3A_874 = arith.addi %mul3A_2, %add3A_873 : i32
    %dma_start3A_875 = arith.constant 7 : i32
    %dma_start3A_876 = arith.constant 0 : i32
    %dma_start3A_877 = arith.constant 0 : i32
    %dma_start3A_878 = arith.constant 0 : i32
    %dma_start3A_879 = tpu.memref_slice %arg5[%dma_start3A_875, %dma_start3A_876, %dma_start3A_877, %dma_start3A_878] : memref<8x2x4x1024xf32, #tpu.memory_space<vmem>> -> memref<1x2x4x1024xf32, #tpu.memory_space<vmem>>
    %dma_start3A_880 = tpu.memref_squeeze %dma_start3A_879 : memref<1x2x4x1024xf32, #tpu.memory_space<vmem>> -> memref<2x4x1024xf32, #tpu.memory_space<vmem>>
    %dma_start3A_881 = arith.constant 0 : i32
    %dma_start3A_882 = arith.constant 0 : i32
    %dma_start3A_883 = tpu.memref_slice %arg4[%add3A_874, %dma_start3A_881, %dma_start3A_882] : memref<4096x4x1024xf32, #tpu.memory_space<hbm>> -> memref<2x4x1024xf32, #tpu.memory_space<hbm>>
    %dma_start3A_884 = arith.constant 0 : i32
    %dma_start3A_885 = arith.constant 0 : i32
    %dma_start3A_886 = tpu.memref_slice %arg4[%add3A_874, %dma_start3A_884, %dma_start3A_885] : memref<4096x4x1024xf32, #tpu.memory_space<hbm>> -> memref<2x4x1024xf32, #tpu.memory_space<hbm>>
    %dma_start3A_887 = arith.constant 0 : i32
    %dma_start3A_888 = arith.constant 0 : i32
    %dma_start3A_889 = arith.constant 0 : i32
    %dma_start3A_890 = tpu.memref_slice %arg5[%dma_start3A_875, %dma_start3A_887, %dma_start3A_888, %dma_start3A_889] : memref<8x2x4x1024xf32, #tpu.memory_space<vmem>> -> memref<1x2x4x1024xf32, #tpu.memory_space<vmem>>
    %dma_start3A_891 = tpu.memref_squeeze %dma_start3A_890 : memref<1x2x4x1024xf32, #tpu.memory_space<vmem>> -> memref<2x4x1024xf32, #tpu.memory_space<vmem>>
    tpu.enqueue_dma source(%dma_start3A_891 : memref<2x4x1024xf32, #tpu.memory_space<vmem>>) target(%dma_start3A_886 : memref<2x4x1024xf32, #tpu.memory_space<hbm>>) target_semaphore(%arg30 : memref<!tpu.dma_semaphore, #tpu.memory_space<semaphore_mem>>)
    %scan3A_892 = arith.constant 0 : i32
    %scan3A_893 = arith.constant 1 : i32
    %scan3A_894 = arith.constant 7 : i32
    %scan3A_895 = arith.addi %scan3A_893, %scan3A_894 : i32
    %scan3A_896 = arith.constant 1 : i32
    scf.for %scan3A_966 = %scan3A_893 to %scan3A_895 step %scan3A_896  : i32 {
      %mul3A_967 = arith.constant 8 : i32
      %mul3A_968 = arith.muli %scan3A_966, %mul3A_967 : i32
      %add3A_969 = arith.constant 0 : i32
      %add3A_970 = arith.addi %mul3A_968, %add3A_969 : i32
      %add3A_971 = arith.constant 4 : i32
      %add3A_972 = arith.addi %add3A_970, %add3A_971 : i32
      %dma_wait3A_973 = arith.constant 4 : i32
      %dma_wait3A_974 = arith.constant 0 : i32
      %dma_wait3A_975 = arith.constant 0 : i32
      %dma_wait3A_976 = arith.constant 0 : i32
      %dma_wait3A_977 = tpu.memref_slice %arg5[%dma_wait3A_973, %dma_wait3A_974, %dma_wait3A_975, %dma_wait3A_976] : memref<8x2x4x1024xf32, #tpu.memory_space<vmem>> -> memref<1x2x4x1024xf32, #tpu.memory_space<vmem>>
      %dma_wait3A_978 = tpu.memref_squeeze %dma_wait3A_977 : memref<1x2x4x1024xf32, #tpu.memory_space<vmem>> -> memref<2x4x1024xf32, #tpu.memory_space<vmem>>
      %dma_wait3A_979 = arith.constant 0 : i32
      %dma_wait3A_980 = arith.constant 0 : i32
      %dma_wait3A_981 = tpu.memref_slice %arg4[%mul3A_2, %dma_wait3A_979, %dma_wait3A_980] : memref<4096x4x1024xf32, #tpu.memory_space<hbm>> -> memref<2x4x1024xf32, #tpu.memory_space<hbm>>
      %dma_wait3A_982 = arith.constant 0 : i32
      %dma_wait3A_983 = arith.constant 0 : i32
      %dma_wait3A_984 = tpu.memref_slice %arg4[%mul3A_2, %dma_wait3A_982, %dma_wait3A_983] : memref<4096x4x1024xf32, #tpu.memory_space<hbm>> -> memref<2x4x1024xf32, #tpu.memory_space<hbm>>
      %dma_wait3A_985 = arith.constant 0 : i32
      %dma_wait3A_986 = arith.constant 0 : i32
      %dma_wait3A_987 = arith.constant 0 : i32
      %dma_wait3A_988 = tpu.memref_slice %arg5[%dma_wait3A_973, %dma_wait3A_985, %dma_wait3A_986, %dma_wait3A_987] : memref<8x2x4x1024xf32, #tpu.memory_space<vmem>> -> memref<1x2x4x1024xf32, #tpu.memory_space<vmem>>
      %dma_wait3A_989 = tpu.memref_squeeze %dma_wait3A_988 : memref<1x2x4x1024xf32, #tpu.memory_space<vmem>> -> memref<2x4x1024xf32, #tpu.memory_space<vmem>>
      tpu.wait_dma2 semaphore(%arg27 : memref<!tpu.dma_semaphore, #tpu.memory_space<semaphore_mem>>) src(%dma_wait3A_989 : memref<2x4x1024xf32, #tpu.memory_space<vmem>>) dst(%dma_wait3A_984 : memref<2x4x1024xf32, #tpu.memory_space<hbm>>)
      %lt3A = arith.constant 64 : i32
      %lt3A_990 = arith.cmpi slt, %add3A_972, %lt3A : i32
      %convert_element_type3A = arith.extui %lt3A_990 : i1 to i32
      %cond3A = arith.constant 0 : i32
      %cond3A_991 = arith.cmpi ne, %convert_element_type3A, %cond3A : i32
      scf.if %cond3A_991 {
        %mul3A_1636 = arith.constant 2 : i32
        %mul3A_1637 = arith.muli %add3A_972, %mul3A_1636 : i32
        %add3A_1638 = arith.addi %mul3A_2, %mul3A_1637 : i32
        %dma_start3A_1639 = arith.constant 4 : i32
        %dma_start3A_1640 = arith.constant 0 : i32
        %dma_start3A_1641 = arith.constant 0 : i32
        %dma_start3A_1642 = arith.constant 0 : i32
        %dma_start3A_1643 = tpu.memref_slice %arg5[%dma_start3A_1639, %dma_start3A_1640, %dma_start3A_1641, %dma_start3A_1642] : memref<8x2x4x1024xf32, #tpu.memory_space<vmem>> -> memref<1x2x4x1024xf32, #tpu.memory_space<vmem>>
        %dma_start3A_1644 = tpu.memref_squeeze %dma_start3A_1643 : memref<1x2x4x1024xf32, #tpu.memory_space<vmem>> -> memref<2x4x1024xf32, #tpu.memory_space<vmem>>
        %dma_start3A_1645 = arith.constant 0 : i32
        %dma_start3A_1646 = arith.constant 0 : i32
        %dma_start3A_1647 = tpu.memref_slice %arg2[%add3A_1638, %dma_start3A_1645, %dma_start3A_1646] : memref<4096x4x1024xf32, #tpu.memory_space<hbm>> -> memref<2x4x1024xf32, #tpu.memory_space<hbm>>
        %dma_start3A_1648 = arith.constant 0 : i32
        %dma_start3A_1649 = arith.constant 0 : i32
        %dma_start3A_1650 = arith.constant 0 : i32
        %dma_start3A_1651 = tpu.memref_slice %arg5[%dma_start3A_1639, %dma_start3A_1648, %dma_start3A_1649, %dma_start3A_1650] : memref<8x2x4x1024xf32, #tpu.memory_space<vmem>> -> memref<1x2x4x1024xf32, #tpu.memory_space<vmem>>
        %dma_start3A_1652 = tpu.memref_squeeze %dma_start3A_1651 : memref<1x2x4x1024xf32, #tpu.memory_space<vmem>> -> memref<2x4x1024xf32, #tpu.memory_space<vmem>>
        %dma_start3A_1653 = arith.constant 0 : i32
        %dma_start3A_1654 = arith.constant 0 : i32
        %dma_start3A_1655 = tpu.memref_slice %arg2[%add3A_1638, %dma_start3A_1653, %dma_start3A_1654] : memref<4096x4x1024xf32, #tpu.memory_space<hbm>> -> memref<2x4x1024xf32, #tpu.memory_space<hbm>>
        tpu.enqueue_dma source(%dma_start3A_1655 : memref<2x4x1024xf32, #tpu.memory_space<hbm>>) target(%dma_start3A_1652 : memref<2x4x1024xf32, #tpu.memory_space<vmem>>) target_semaphore(%arg11 : memref<!tpu.dma_semaphore, #tpu.memory_space<semaphore_mem>>)
        %dma_start3A_1656 = arith.constant 4 : i32
        %dma_start3A_1657 = arith.constant 0 : i32
        %dma_start3A_1658 = arith.constant 0 : i32
        %dma_start3A_1659 = tpu.memref_slice %arg6[%dma_start3A_1656, %dma_start3A_1657, %dma_start3A_1658] : memref<8x2x1024xf32, #tpu.memory_space<vmem>> -> memref<1x2x1024xf32, #tpu.memory_space<vmem>>
        %dma_start3A_1660 = tpu.memref_squeeze %dma_start3A_1659 : memref<1x2x1024xf32, #tpu.memory_space<vmem>> -> memref<2x1024xf32, #tpu.memory_space<vmem>>
        %dma_start3A_1661 = arith.constant 0 : i32
        %dma_start3A_1662 = tpu.memref_slice %arg3[%add3A_1638, %dma_start3A_1661] : memref<8192x1024xf32, #tpu.memory_space<hbm>> -> memref<2x1024xf32, #tpu.memory_space<hbm>>
        %dma_start3A_1663 = arith.constant 0 : i32
        %dma_start3A_1664 = arith.constant 0 : i32
        %dma_start3A_1665 = tpu.memref_slice %arg6[%dma_start3A_1656, %dma_start3A_1663, %dma_start3A_1664] : memref<8x2x1024xf32, #tpu.memory_space<vmem>> -> memref<1x2x1024xf32, #tpu.memory_space<vmem>>
        %dma_start3A_1666 = tpu.memref_squeeze %dma_start3A_1665 : memref<1x2x1024xf32, #tpu.memory_space<vmem>> -> memref<2x1024xf32, #tpu.memory_space<vmem>>
        %dma_start3A_1667 = arith.constant 0 : i32
        %dma_start3A_1668 = tpu.memref_slice %arg3[%add3A_1638, %dma_start3A_1667] : memref<8192x1024xf32, #tpu.memory_space<hbm>> -> memref<2x1024xf32, #tpu.memory_space<hbm>>
        tpu.enqueue_dma source(%dma_start3A_1668 : memref<2x1024xf32, #tpu.memory_space<hbm>>) target(%dma_start3A_1666 : memref<2x1024xf32, #tpu.memory_space<vmem>>) target_semaphore(%arg19 : memref<!tpu.dma_semaphore, #tpu.memory_space<semaphore_mem>>)
      } else {
      }
      %dma_wait3A_992 = arith.constant 0 : i32
      %dma_wait3A_993 = arith.constant 0 : i32
      %dma_wait3A_994 = arith.constant 0 : i32
      %dma_wait3A_995 = arith.constant 0 : i32
      %dma_wait3A_996 = tpu.memref_slice %arg5[%dma_wait3A_992, %dma_wait3A_993, %dma_wait3A_994, %dma_wait3A_995] : memref<8x2x4x1024xf32, #tpu.memory_space<vmem>> -> memref<1x2x4x1024xf32, #tpu.memory_space<vmem>>
      %dma_wait3A_997 = tpu.memref_squeeze %dma_wait3A_996 : memref<1x2x4x1024xf32, #tpu.memory_space<vmem>> -> memref<2x4x1024xf32, #tpu.memory_space<vmem>>
      %dma_wait3A_998 = arith.constant 0 : i32
      %dma_wait3A_999 = arith.constant 0 : i32
      %dma_wait3A_1000 = tpu.memref_slice %arg2[%mul3A_2, %dma_wait3A_998, %dma_wait3A_999] : memref<4096x4x1024xf32, #tpu.memory_space<hbm>> -> memref<2x4x1024xf32, #tpu.memory_space<hbm>>
      %dma_wait3A_1001 = arith.constant 0 : i32
      %dma_wait3A_1002 = arith.constant 0 : i32
      %dma_wait3A_1003 = arith.constant 0 : i32
      %dma_wait3A_1004 = tpu.memref_slice %arg5[%dma_wait3A_992, %dma_wait3A_1001, %dma_wait3A_1002, %dma_wait3A_1003] : memref<8x2x4x1024xf32, #tpu.memory_space<vmem>> -> memref<1x2x4x1024xf32, #tpu.memory_space<vmem>>
      %dma_wait3A_1005 = tpu.memref_squeeze %dma_wait3A_1004 : memref<1x2x4x1024xf32, #tpu.memory_space<vmem>> -> memref<2x4x1024xf32, #tpu.memory_space<vmem>>
      %dma_wait3A_1006 = arith.constant 0 : i32
      %dma_wait3A_1007 = arith.constant 0 : i32
      %dma_wait3A_1008 = tpu.memref_slice %arg2[%mul3A_2, %dma_wait3A_1006, %dma_wait3A_1007] : memref<4096x4x1024xf32, #tpu.memory_space<hbm>> -> memref<2x4x1024xf32, #tpu.memory_space<hbm>>
      tpu.wait_dma2 semaphore(%arg7 : memref<!tpu.dma_semaphore, #tpu.memory_space<semaphore_mem>>) src(%dma_wait3A_1008 : memref<2x4x1024xf32, #tpu.memory_space<hbm>>) dst(%dma_wait3A_1005 : memref<2x4x1024xf32, #tpu.memory_space<vmem>>)
      %dma_wait3A_1009 = arith.constant 0 : i32
      %dma_wait3A_1010 = arith.constant 0 : i32
      %dma_wait3A_1011 = arith.constant 0 : i32
      %dma_wait3A_1012 = tpu.memref_slice %arg6[%dma_wait3A_1009, %dma_wait3A_1010, %dma_wait3A_1011] : memref<8x2x1024xf32, #tpu.memory_space<vmem>> -> memref<1x2x1024xf32, #tpu.memory_space<vmem>>
      %dma_wait3A_1013 = tpu.memref_squeeze %dma_wait3A_1012 : memref<1x2x1024xf32, #tpu.memory_space<vmem>> -> memref<2x1024xf32, #tpu.memory_space<vmem>>
      %dma_wait3A_1014 = arith.constant 0 : i32
      %dma_wait3A_1015 = tpu.memref_slice %arg3[%mul3A_2, %dma_wait3A_1014] : memref<8192x1024xf32, #tpu.memory_space<hbm>> -> memref<2x1024xf32, #tpu.memory_space<hbm>>
      %dma_wait3A_1016 = arith.constant 0 : i32
      %dma_wait3A_1017 = arith.constant 0 : i32
      %dma_wait3A_1018 = tpu.memref_slice %arg6[%dma_wait3A_1009, %dma_wait3A_1016, %dma_wait3A_1017] : memref<8x2x1024xf32, #tpu.memory_space<vmem>> -> memref<1x2x1024xf32, #tpu.memory_space<vmem>>
      %dma_wait3A_1019 = tpu.memref_squeeze %dma_wait3A_1018 : memref<1x2x1024xf32, #tpu.memory_space<vmem>> -> memref<2x1024xf32, #tpu.memory_space<vmem>>
      %dma_wait3A_1020 = arith.constant 0 : i32
      %dma_wait3A_1021 = tpu.memref_slice %arg3[%mul3A_2, %dma_wait3A_1020] : memref<8192x1024xf32, #tpu.memory_space<hbm>> -> memref<2x1024xf32, #tpu.memory_space<hbm>>
      tpu.wait_dma2 semaphore(%arg15 : memref<!tpu.dma_semaphore, #tpu.memory_space<semaphore_mem>>) src(%dma_wait3A_1021 : memref<2x1024xf32, #tpu.memory_space<hbm>>) dst(%dma_wait3A_1019 : memref<2x1024xf32, #tpu.memory_space<vmem>>)
      %scan3A_1022 = arith.constant 0 : i32
      %scan3A_1023 = arith.constant 0 : i32
      %scan3A_1024 = arith.constant 64 : i32
      %scan3A_1025 = arith.addi %scan3A_1023, %scan3A_1024 : i32
      %scan3A_1026 = arith.constant 1 : i32
      scf.for %scan3A_1636 = %scan3A_1023 to %scan3A_1025 step %scan3A_1026  : i32 {
        %mul3A_1637 = arith.constant 16 : i32
        %mul3A_1638 = arith.muli %scan3A_1636, %mul3A_1637 : i32
        %get3A = arith.constant 0 : i32
        %get3A_1639 = arith.constant 0 : i32
        %get3A_1640 = arith.index_cast %get3A : i32 to index
        %get3A_1641 = arith.index_cast %get3A_1639 : i32 to index
        %get3A_1642 = arith.index_cast %mul3A_1638 : i32 to index
        %get3A_1643 = tpu.vector_load %arg6[%get3A_1640, %get3A_1641, %get3A_1642] {strides = array<i32>} : memref<8x2x1024xf32, #tpu.memory_space<vmem>>, vector<1x1x16xf32>,
        %get3A_1644 = vector.shape_cast %get3A_1643 : vector<1x1x16xf32> to vector<16xf32>
        %swap3A = arith.constant 0 : i32
        %swap3A_1645 = arith.constant 0 : i32
        %swap3A_1646 = arith.constant 0 : i32
        %swap3A_1647 = arith.index_cast %swap3A : i32 to index
        %swap3A_1648 = arith.index_cast %swap3A_1645 : i32 to index
        %swap3A_1649 = arith.index_cast %swap3A_1646 : i32 to index
        %swap3A_1650 = arith.index_cast %mul3A_1638 : i32 to index
        %swap3A_1651 = tpu.vector_load %arg5[%swap3A_1647, %swap3A_1648, %swap3A_1649, %swap3A_1650] {strides = array<i32>} : memref<8x2x4x1024xf32, #tpu.memory_space<vmem>>, vector<1x1x1x16xf32>,
        %swap3A_1652 = vector.shape_cast %swap3A_1651 : vector<1x1x1x16xf32> to vector<16xf32>
        %swap3A_1653 = vector.shape_cast %get3A_1644 : vector<16xf32> to vector<1x1x1x16xf32>
        tpu.vector_store %arg5[%swap3A_1647, %swap3A_1648, %swap3A_1649, %swap3A_1650], %swap3A_1653 {add = true, strides = array<i32>} : memref<8x2x4x1024xf32, #tpu.memory_space<vmem>>, vector<1x1x1x16xf32>,
        %swap3A_1654 = arith.constant 0 : i32
        %swap3A_1655 = arith.constant 0 : i32
        %swap3A_1656 = arith.constant 1 : i32
        %swap3A_1657 = arith.index_cast %swap3A_1654 : i32 to index
        %swap3A_1658 = arith.index_cast %swap3A_1655 : i32 to index
        %swap3A_1659 = arith.index_cast %swap3A_1656 : i32 to index
        %swap3A_1660 = arith.index_cast %mul3A_1638 : i32 to index
        %swap3A_1661 = tpu.vector_load %arg5[%swap3A_1657, %swap3A_1658, %swap3A_1659, %swap3A_1660] {strides = array<i32>} : memref<8x2x4x1024xf32, #tpu.memory_space<vmem>>, vector<1x1x1x16xf32>,
        %swap3A_1662 = vector.shape_cast %swap3A_1661 : vector<1x1x1x16xf32> to vector<16xf32>
        %swap3A_1663 = vector.shape_cast %get3A_1644 : vector<16xf32> to vector<1x1x1x16xf32>
        tpu.vector_store %arg5[%swap3A_1657, %swap3A_1658, %swap3A_1659, %swap3A_1660], %swap3A_1663 {add = true, strides = array<i32>} : memref<8x2x4x1024xf32, #tpu.memory_space<vmem>>, vector<1x1x1x16xf32>,
        %swap3A_1664 = arith.constant 0 : i32
        %swap3A_1665 = arith.constant 0 : i32
        %swap3A_1666 = arith.constant 2 : i32
        %swap3A_1667 = arith.index_cast %swap3A_1664 : i32 to index
        %swap3A_1668 = arith.index_cast %swap3A_1665 : i32 to index
        %swap3A_1669 = arith.index_cast %swap3A_1666 : i32 to index
        %swap3A_1670 = arith.index_cast %mul3A_1638 : i32 to index
        %swap3A_1671 = tpu.vector_load %arg5[%swap3A_1667, %swap3A_1668, %swap3A_1669, %swap3A_1670] {strides = array<i32>} : memref<8x2x4x1024xf32, #tpu.memory_space<vmem>>, vector<1x1x1x16xf32>,
        %swap3A_1672 = vector.shape_cast %swap3A_1671 : vector<1x1x1x16xf32> to vector<16xf32>
        %swap3A_1673 = vector.shape_cast %get3A_1644 : vector<16xf32> to vector<1x1x1x16xf32>
        tpu.vector_store %arg5[%swap3A_1667, %swap3A_1668, %swap3A_1669, %swap3A_1670], %swap3A_1673 {add = true, strides = array<i32>} : memref<8x2x4x1024xf32, #tpu.memory_space<vmem>>, vector<1x1x1x16xf32>,
        %swap3A_1674 = arith.constant 0 : i32
        %swap3A_1675 = arith.constant 0 : i32
        %swap3A_1676 = arith.constant 3 : i32
        %swap3A_1677 = arith.index_cast %swap3A_1674 : i32 to index
        %swap3A_1678 = arith.index_cast %swap3A_1675 : i32 to index
        %swap3A_1679 = arith.index_cast %swap3A_1676 : i32 to index
        %swap3A_1680 = arith.index_cast %mul3A_1638 : i32 to index
        %swap3A_1681 = tpu.vector_load %arg5[%swap3A_1677, %swap3A_1678, %swap3A_1679, %swap3A_1680] {strides = array<i32>} : memref<8x2x4x1024xf32, #tpu.memory_space<vmem>>, vector<1x1x1x16xf32>,
        %swap3A_1682 = vector.shape_cast %swap3A_1681 : vector<1x1x1x16xf32> to vector<16xf32>
        %swap3A_1683 = vector.shape_cast %get3A_1644 : vector<16xf32> to vector<1x1x1x16xf32>
        tpu.vector_store %arg5[%swap3A_1677, %swap3A_1678, %swap3A_1679, %swap3A_1680], %swap3A_1683 {add = true, strides = array<i32>} : memref<8x2x4x1024xf32, #tpu.memory_space<vmem>>, vector<1x1x1x16xf32>,
        %get3A_1684 = arith.constant 0 : i32
        %get3A_1685 = arith.constant 1 : i32
        %get3A_1686 = arith.index_cast %get3A_1684 : i32 to index
        %get3A_1687 = arith.index_cast %get3A_1685 : i32 to index
        %get3A_1688 = arith.index_cast %mul3A_1638 : i32 to index
        %get3A_1689 = tpu.vector_load %arg6[%get3A_1686, %get3A_1687, %get3A_1688] {strides = array<i32>} : memref<8x2x1024xf32, #tpu.memory_space<vmem>>, vector<1x1x16xf32>,
        %get3A_1690 = vector.shape_cast %get3A_1689 : vector<1x1x16xf32> to vector<16xf32>
        %swap3A_1691 = arith.constant 0 : i32
        %swap3A_1692 = arith.constant 1 : i32
        %swap3A_1693 = arith.constant 0 : i32
        %swap3A_1694 = arith.index_cast %swap3A_1691 : i32 to index
        %swap3A_1695 = arith.index_cast %swap3A_1692 : i32 to index
        %swap3A_1696 = arith.index_cast %swap3A_1693 : i32 to index
        %swap3A_1697 = arith.index_cast %mul3A_1638 : i32 to index
        %swap3A_1698 = tpu.vector_load %arg5[%swap3A_1694, %swap3A_1695, %swap3A_1696, %swap3A_1697] {strides = array<i32>} : memref<8x2x4x1024xf32, #tpu.memory_space<vmem>>, vector<1x1x1x16xf32>,
        %swap3A_1699 = vector.shape_cast %swap3A_1698 : vector<1x1x1x16xf32> to vector<16xf32>
        %swap3A_1700 = vector.shape_cast %get3A_1690 : vector<16xf32> to vector<1x1x1x16xf32>
        tpu.vector_store %arg5[%swap3A_1694, %swap3A_1695, %swap3A_1696, %swap3A_1697], %swap3A_1700 {add = true, strides = array<i32>} : memref<8x2x4x1024xf32, #tpu.memory_space<vmem>>, vector<1x1x1x16xf32>,
        %swap3A_1701 = arith.constant 0 : i32
        %swap3A_1702 = arith.constant 1 : i32
        %swap3A_1703 = arith.constant 1 : i32
        %swap3A_1704 = arith.index_cast %swap3A_1701 : i32 to index
        %swap3A_1705 = arith.index_cast %swap3A_1702 : i32 to index
        %swap3A_1706 = arith.index_cast %swap3A_1703 : i32 to index
        %swap3A_1707 = arith.index_cast %mul3A_1638 : i32 to index
        %swap3A_1708 = tpu.vector_load %arg5[%swap3A_1704, %swap3A_1705, %swap3A_1706, %swap3A_1707] {strides = array<i32>} : memref<8x2x4x1024xf32, #tpu.memory_space<vmem>>, vector<1x1x1x16xf32>,
        %swap3A_1709 = vector.shape_cast %swap3A_1708 : vector<1x1x1x16xf32> to vector<16xf32>
        %swap3A_1710 = vector.shape_cast %get3A_1690 : vector<16xf32> to vector<1x1x1x16xf32>
        tpu.vector_store %arg5[%swap3A_1704, %swap3A_1705, %swap3A_1706, %swap3A_1707], %swap3A_1710 {add = true, strides = array<i32>} : memref<8x2x4x1024xf32, #tpu.memory_space<vmem>>, vector<1x1x1x16xf32>,
        %swap3A_1711 = arith.constant 0 : i32
        %swap3A_1712 = arith.constant 1 : i32
        %swap3A_1713 = arith.constant 2 : i32
        %swap3A_1714 = arith.index_cast %swap3A_1711 : i32 to index
        %swap3A_1715 = arith.index_cast %swap3A_1712 : i32 to index
        %swap3A_1716 = arith.index_cast %swap3A_1713 : i32 to index
        %swap3A_1717 = arith.index_cast %mul3A_1638 : i32 to index
        %swap3A_1718 = tpu.vector_load %arg5[%swap3A_1714, %swap3A_1715, %swap3A_1716, %swap3A_1717] {strides = array<i32>} : memref<8x2x4x1024xf32, #tpu.memory_space<vmem>>, vector<1x1x1x16xf32>,
        %swap3A_1719 = vector.shape_cast %swap3A_1718 : vector<1x1x1x16xf32> to vector<16xf32>
        %swap3A_1720 = vector.shape_cast %get3A_1690 : vector<16xf32> to vector<1x1x1x16xf32>
        tpu.vector_store %arg5[%swap3A_1714, %swap3A_1715, %swap3A_1716, %swap3A_1717], %swap3A_1720 {add = true, strides = array<i32>} : memref<8x2x4x1024xf32, #tpu.memory_space<vmem>>, vector<1x1x1x16xf32>,
        %swap3A_1721 = arith.constant 0 : i32
        %swap3A_1722 = arith.constant 1 : i32
        %swap3A_1723 = arith.constant 3 : i32
        %swap3A_1724 = arith.index_cast %swap3A_1721 : i32 to index
        %swap3A_1725 = arith.index_cast %swap3A_1722 : i32 to index
        %swap3A_1726 = arith.index_cast %swap3A_1723 : i32 to index
        %swap3A_1727 = arith.index_cast %mul3A_1638 : i32 to index
        %swap3A_1728 = tpu.vector_load %arg5[%swap3A_1724, %swap3A_1725, %swap3A_1726, %swap3A_1727] {strides = array<i32>} : memref<8x2x4x1024xf32, #tpu.memory_space<vmem>>, vector<1x1x1x16xf32>,
        %swap3A_1729 = vector.shape_cast %swap3A_1728 : vector<1x1x1x16xf32> to vector<16xf32>
        %swap3A_1730 = vector.shape_cast %get3A_1690 : vector<16xf32> to vector<1x1x1x16xf32>
        tpu.vector_store %arg5[%swap3A_1724, %swap3A_1725, %swap3A_1726, %swap3A_1727], %swap3A_1730 {add = true, strides = array<i32>} : memref<8x2x4x1024xf32, #tpu.memory_space<vmem>>, vector<1x1x1x16xf32>,
      }
      %scan3A_1027 = arith.constant 64 : i32
      %mul3A_1028 = arith.constant 2 : i32
      %mul3A_1029 = arith.muli %add3A_970, %mul3A_1028 : i32
      %add3A_1030 = arith.addi %mul3A_2, %mul3A_1029 : i32
      %dma_start3A_1031 = arith.constant 0 : i32
      %dma_start3A_1032 = arith.constant 0 : i32
      %dma_start3A_1033 = arith.constant 0 : i32
      %dma_start3A_1034 = arith.constant 0 : i32
      %dma_start3A_1035 = tpu.memref_slice %arg5[%dma_start3A_1031, %dma_start3A_1032, %dma_start3A_1033, %dma_start3A_1034] : memref<8x2x4x1024xf32, #tpu.memory_space<vmem>> -> memref<1x2x4x1024xf32, #tpu.memory_space<vmem>>
      %dma_start3A_1036 = tpu.memref_squeeze %dma_start3A_1035 : memref<1x2x4x1024xf32, #tpu.memory_space<vmem>> -> memref<2x4x1024xf32, #tpu.memory_space<vmem>>
      %dma_start3A_1037 = arith.constant 0 : i32
      %dma_start3A_1038 = arith.constant 0 : i32
      %dma_start3A_1039 = tpu.memref_slice %arg4[%add3A_1030, %dma_start3A_1037, %dma_start3A_1038] : memref<4096x4x1024xf32, #tpu.memory_space<hbm>> -> memref<2x4x1024xf32, #tpu.memory_space<hbm>>
      %dma_start3A_1040 = arith.constant 0 : i32
      %dma_start3A_1041 = arith.constant 0 : i32
      %dma_start3A_1042 = tpu.memref_slice %arg4[%add3A_1030, %dma_start3A_1040, %dma_start3A_1041] : memref<4096x4x1024xf32, #tpu.memory_space<hbm>> -> memref<2x4x1024xf32, #tpu.memory_space<hbm>>
      %dma_start3A_1043 = arith.constant 0 : i32
      %dma_start3A_1044 = arith.constant 0 : i32
      %dma_start3A_1045 = arith.constant 0 : i32
      %dma_start3A_1046 = tpu.memref_slice %arg5[%dma_start3A_1031, %dma_start3A_1043, %dma_start3A_1044, %dma_start3A_1045] : memref<8x2x4x1024xf32, #tpu.memory_space<vmem>> -> memref<1x2x4x1024xf32, #tpu.memory_space<vmem>>
      %dma_start3A_1047 = tpu.memref_squeeze %dma_start3A_1046 : memref<1x2x4x1024xf32, #tpu.memory_space<vmem>> -> memref<2x4x1024xf32, #tpu.memory_space<vmem>>
      tpu.enqueue_dma source(%dma_start3A_1047 : memref<2x4x1024xf32, #tpu.memory_space<vmem>>) target(%dma_start3A_1042 : memref<2x4x1024xf32, #tpu.memory_space<hbm>>) target_semaphore(%arg23 : memref<!tpu.dma_semaphore, #tpu.memory_space<semaphore_mem>>)
      %mul3A_1048 = arith.constant 8 : i32
      %mul3A_1049 = arith.muli %scan3A_966, %mul3A_1048 : i32
      %add3A_1050 = arith.constant 1 : i32
      %add3A_1051 = arith.addi %mul3A_1049, %add3A_1050 : i32
      %add3A_1052 = arith.constant 4 : i32
      %add3A_1053 = arith.addi %add3A_1051, %add3A_1052 : i32
      %dma_wait3A_1054 = arith.constant 5 : i32
      %dma_wait3A_1055 = arith.constant 0 : i32
      %dma_wait3A_1056 = arith.constant 0 : i32
      %dma_wait3A_1057 = arith.constant 0 : i32
      %dma_wait3A_1058 = tpu.memref_slice %arg5[%dma_wait3A_1054, %dma_wait3A_1055, %dma_wait3A_1056, %dma_wait3A_1057] : memref<8x2x4x1024xf32, #tpu.memory_space<vmem>> -> memref<1x2x4x1024xf32, #tpu.memory_space<vmem>>
      %dma_wait3A_1059 = tpu.memref_squeeze %dma_wait3A_1058 : memref<1x2x4x1024xf32, #tpu.memory_space<vmem>> -> memref<2x4x1024xf32, #tpu.memory_space<vmem>>
      %dma_wait3A_1060 = arith.constant 0 : i32
      %dma_wait3A_1061 = arith.constant 0 : i32
      %dma_wait3A_1062 = tpu.memref_slice %arg4[%mul3A_2, %dma_wait3A_1060, %dma_wait3A_1061] : memref<4096x4x1024xf32, #tpu.memory_space<hbm>> -> memref<2x4x1024xf32, #tpu.memory_space<hbm>>
      %dma_wait3A_1063 = arith.constant 0 : i32
      %dma_wait3A_1064 = arith.constant 0 : i32
      %dma_wait3A_1065 = tpu.memref_slice %arg4[%mul3A_2, %dma_wait3A_1063, %dma_wait3A_1064] : memref<4096x4x1024xf32, #tpu.memory_space<hbm>> -> memref<2x4x1024xf32, #tpu.memory_space<hbm>>
      %dma_wait3A_1066 = arith.constant 0 : i32
      %dma_wait3A_1067 = arith.constant 0 : i32
      %dma_wait3A_1068 = arith.constant 0 : i32
      %dma_wait3A_1069 = tpu.memref_slice %arg5[%dma_wait3A_1054, %dma_wait3A_1066, %dma_wait3A_1067, %dma_wait3A_1068] : memref<8x2x4x1024xf32, #tpu.memory_space<vmem>> -> memref<1x2x4x1024xf32, #tpu.memory_space<vmem>>
      %dma_wait3A_1070 = tpu.memref_squeeze %dma_wait3A_1069 : memref<1x2x4x1024xf32, #tpu.memory_space<vmem>> -> memref<2x4x1024xf32, #tpu.memory_space<vmem>>
      tpu.wait_dma2 semaphore(%arg28 : memref<!tpu.dma_semaphore, #tpu.memory_space<semaphore_mem>>) src(%dma_wait3A_1070 : memref<2x4x1024xf32, #tpu.memory_space<vmem>>) dst(%dma_wait3A_1065 : memref<2x4x1024xf32, #tpu.memory_space<hbm>>)
      %lt3A_1071 = arith.constant 64 : i32
      %lt3A_1072 = arith.cmpi slt, %add3A_1053, %lt3A_1071 : i32
      %convert_element_type3A_1073 = arith.extui %lt3A_1072 : i1 to i32
      %cond3A_1074 = arith.constant 0 : i32
      %cond3A_1075 = arith.cmpi ne, %convert_element_type3A_1073, %cond3A_1074 : i32
      scf.if %cond3A_1075 {
        %mul3A_1636 = arith.constant 2 : i32
        %mul3A_1637 = arith.muli %add3A_1053, %mul3A_1636 : i32
        %add3A_1638 = arith.addi %mul3A_2, %mul3A_1637 : i32
        %dma_start3A_1639 = arith.constant 5 : i32
        %dma_start3A_1640 = arith.constant 0 : i32
        %dma_start3A_1641 = arith.constant 0 : i32
        %dma_start3A_1642 = arith.constant 0 : i32
        %dma_start3A_1643 = tpu.memref_slice %arg5[%dma_start3A_1639, %dma_start3A_1640, %dma_start3A_1641, %dma_start3A_1642] : memref<8x2x4x1024xf32, #tpu.memory_space<vmem>> -> memref<1x2x4x1024xf32, #tpu.memory_space<vmem>>
        %dma_start3A_1644 = tpu.memref_squeeze %dma_start3A_1643 : memref<1x2x4x1024xf32, #tpu.memory_space<vmem>> -> memref<2x4x1024xf32, #tpu.memory_space<vmem>>
        %dma_start3A_1645 = arith.constant 0 : i32
        %dma_start3A_1646 = arith.constant 0 : i32
        %dma_start3A_1647 = tpu.memref_slice %arg2[%add3A_1638, %dma_start3A_1645, %dma_start3A_1646] : memref<4096x4x1024xf32, #tpu.memory_space<hbm>> -> memref<2x4x1024xf32, #tpu.memory_space<hbm>>
        %dma_start3A_1648 = arith.constant 0 : i32
        %dma_start3A_1649 = arith.constant 0 : i32
        %dma_start3A_1650 = arith.constant 0 : i32
        %dma_start3A_1651 = tpu.memref_slice %arg5[%dma_start3A_1639, %dma_start3A_1648, %dma_start3A_1649, %dma_start3A_1650] : memref<8x2x4x1024xf32, #tpu.memory_space<vmem>> -> memref<1x2x4x1024xf32, #tpu.memory_space<vmem>>
        %dma_start3A_1652 = tpu.memref_squeeze %dma_start3A_1651 : memref<1x2x4x1024xf32, #tpu.memory_space<vmem>> -> memref<2x4x1024xf32, #tpu.memory_space<vmem>>
        %dma_start3A_1653 = arith.constant 0 : i32
        %dma_start3A_1654 = arith.constant 0 : i32
        %dma_start3A_1655 = tpu.memref_slice %arg2[%add3A_1638, %dma_start3A_1653, %dma_start3A_1654] : memref<4096x4x1024xf32, #tpu.memory_space<hbm>> -> memref<2x4x1024xf32, #tpu.memory_space<hbm>>
        tpu.enqueue_dma source(%dma_start3A_1655 : memref<2x4x1024xf32, #tpu.memory_space<hbm>>) target(%dma_start3A_1652 : memref<2x4x1024xf32, #tpu.memory_space<vmem>>) target_semaphore(%arg12 : memref<!tpu.dma_semaphore, #tpu.memory_space<semaphore_mem>>)
        %dma_start3A_1656 = arith.constant 5 : i32
        %dma_start3A_1657 = arith.constant 0 : i32
        %dma_start3A_1658 = arith.constant 0 : i32
        %dma_start3A_1659 = tpu.memref_slice %arg6[%dma_start3A_1656, %dma_start3A_1657, %dma_start3A_1658] : memref<8x2x1024xf32, #tpu.memory_space<vmem>> -> memref<1x2x1024xf32, #tpu.memory_space<vmem>>
        %dma_start3A_1660 = tpu.memref_squeeze %dma_start3A_1659 : memref<1x2x1024xf32, #tpu.memory_space<vmem>> -> memref<2x1024xf32, #tpu.memory_space<vmem>>
        %dma_start3A_1661 = arith.constant 0 : i32
        %dma_start3A_1662 = tpu.memref_slice %arg3[%add3A_1638, %dma_start3A_1661] : memref<8192x1024xf32, #tpu.memory_space<hbm>> -> memref<2x1024xf32, #tpu.memory_space<hbm>>
        %dma_start3A_1663 = arith.constant 0 : i32
        %dma_start3A_1664 = arith.constant 0 : i32
        %dma_start3A_1665 = tpu.memref_slice %arg6[%dma_start3A_1656, %dma_start3A_1663, %dma_start3A_1664] : memref<8x2x1024xf32, #tpu.memory_space<vmem>> -> memref<1x2x1024xf32, #tpu.memory_space<vmem>>
        %dma_start3A_1666 = tpu.memref_squeeze %dma_start3A_1665 : memref<1x2x1024xf32, #tpu.memory_space<vmem>> -> memref<2x1024xf32, #tpu.memory_space<vmem>>
        %dma_start3A_1667 = arith.constant 0 : i32
        %dma_start3A_1668 = tpu.memref_slice %arg3[%add3A_1638, %dma_start3A_1667] : memref<8192x1024xf32, #tpu.memory_space<hbm>> -> memref<2x1024xf32, #tpu.memory_space<hbm>>
        tpu.enqueue_dma source(%dma_start3A_1668 : memref<2x1024xf32, #tpu.memory_space<hbm>>) target(%dma_start3A_1666 : memref<2x1024xf32, #tpu.memory_space<vmem>>) target_semaphore(%arg20 : memref<!tpu.dma_semaphore, #tpu.memory_space<semaphore_mem>>)
      } else {
      }
      %dma_wait3A_1076 = arith.constant 1 : i32
      %dma_wait3A_1077 = arith.constant 0 : i32
      %dma_wait3A_1078 = arith.constant 0 : i32
      %dma_wait3A_1079 = arith.constant 0 : i32
      %dma_wait3A_1080 = tpu.memref_slice %arg5[%dma_wait3A_1076, %dma_wait3A_1077, %dma_wait3A_1078, %dma_wait3A_1079] : memref<8x2x4x1024xf32, #tpu.memory_space<vmem>> -> memref<1x2x4x1024xf32, #tpu.memory_space<vmem>>
      %dma_wait3A_1081 = tpu.memref_squeeze %dma_wait3A_1080 : memref<1x2x4x1024xf32, #tpu.memory_space<vmem>> -> memref<2x4x1024xf32, #tpu.memory_space<vmem>>
      %dma_wait3A_1082 = arith.constant 0 : i32
      %dma_wait3A_1083 = arith.constant 0 : i32
      %dma_wait3A_1084 = tpu.memref_slice %arg2[%mul3A_2, %dma_wait3A_1082, %dma_wait3A_1083] : memref<4096x4x1024xf32, #tpu.memory_space<hbm>> -> memref<2x4x1024xf32, #tpu.memory_space<hbm>>
      %dma_wait3A_1085 = arith.constant 0 : i32
      %dma_wait3A_1086 = arith.constant 0 : i32
      %dma_wait3A_1087 = arith.constant 0 : i32
      %dma_wait3A_1088 = tpu.memref_slice %arg5[%dma_wait3A_1076, %dma_wait3A_1085, %dma_wait3A_1086, %dma_wait3A_1087] : memref<8x2x4x1024xf32, #tpu.memory_space<vmem>> -> memref<1x2x4x1024xf32, #tpu.memory_space<vmem>>
      %dma_wait3A_1089 = tpu.memref_squeeze %dma_wait3A_1088 : memref<1x2x4x1024xf32, #tpu.memory_space<vmem>> -> memref<2x4x1024xf32, #tpu.memory_space<vmem>>
      %dma_wait3A_1090 = arith.constant 0 : i32
      %dma_wait3A_1091 = arith.constant 0 : i32
      %dma_wait3A_1092 = tpu.memref_slice %arg2[%mul3A_2, %dma_wait3A_1090, %dma_wait3A_1091] : memref<4096x4x1024xf32, #tpu.memory_space<hbm>> -> memref<2x4x1024xf32, #tpu.memory_space<hbm>>
      tpu.wait_dma2 semaphore(%arg8 : memref<!tpu.dma_semaphore, #tpu.memory_space<semaphore_mem>>) src(%dma_wait3A_1092 : memref<2x4x1024xf32, #tpu.memory_space<hbm>>) dst(%dma_wait3A_1089 : memref<2x4x1024xf32, #tpu.memory_space<vmem>>)
      %dma_wait3A_1093 = arith.constant 1 : i32
      %dma_wait3A_1094 = arith.constant 0 : i32
      %dma_wait3A_1095 = arith.constant 0 : i32
      %dma_wait3A_1096 = tpu.memref_slice %arg6[%dma_wait3A_1093, %dma_wait3A_1094, %dma_wait3A_1095] : memref<8x2x1024xf32, #tpu.memory_space<vmem>> -> memref<1x2x1024xf32, #tpu.memory_space<vmem>>
      %dma_wait3A_1097 = tpu.memref_squeeze %dma_wait3A_1096 : memref<1x2x1024xf32, #tpu.memory_space<vmem>> -> memref<2x1024xf32, #tpu.memory_space<vmem>>
      %dma_wait3A_1098 = arith.constant 0 : i32
      %dma_wait3A_1099 = tpu.memref_slice %arg3[%mul3A_2, %dma_wait3A_1098] : memref<8192x1024xf32, #tpu.memory_space<hbm>> -> memref<2x1024xf32, #tpu.memory_space<hbm>>
      %dma_wait3A_1100 = arith.constant 0 : i32
      %dma_wait3A_1101 = arith.constant 0 : i32
      %dma_wait3A_1102 = tpu.memref_slice %arg6[%dma_wait3A_1093, %dma_wait3A_1100, %dma_wait3A_1101] : memref<8x2x1024xf32, #tpu.memory_space<vmem>> -> memref<1x2x1024xf32, #tpu.memory_space<vmem>>
      %dma_wait3A_1103 = tpu.memref_squeeze %dma_wait3A_1102 : memref<1x2x1024xf32, #tpu.memory_space<vmem>> -> memref<2x1024xf32, #tpu.memory_space<vmem>>
      %dma_wait3A_1104 = arith.constant 0 : i32
      %dma_wait3A_1105 = tpu.memref_slice %arg3[%mul3A_2, %dma_wait3A_1104] : memref<8192x1024xf32, #tpu.memory_space<hbm>> -> memref<2x1024xf32, #tpu.memory_space<hbm>>
      tpu.wait_dma2 semaphore(%arg16 : memref<!tpu.dma_semaphore, #tpu.memory_space<semaphore_mem>>) src(%dma_wait3A_1105 : memref<2x1024xf32, #tpu.memory_space<hbm>>) dst(%dma_wait3A_1103 : memref<2x1024xf32, #tpu.memory_space<vmem>>)
      %scan3A_1106 = arith.constant 0 : i32
      %scan3A_1107 = arith.constant 0 : i32
      %scan3A_1108 = arith.constant 64 : i32
      %scan3A_1109 = arith.addi %scan3A_1107, %scan3A_1108 : i32
      %scan3A_1110 = arith.constant 1 : i32
      scf.for %scan3A_1636 = %scan3A_1107 to %scan3A_1109 step %scan3A_1110  : i32 {
        %mul3A_1637 = arith.constant 16 : i32
        %mul3A_1638 = arith.muli %scan3A_1636, %mul3A_1637 : i32
        %get3A = arith.constant 1 : i32
        %get3A_1639 = arith.constant 0 : i32
        %get3A_1640 = arith.index_cast %get3A : i32 to index
        %get3A_1641 = arith.index_cast %get3A_1639 : i32 to index
        %get3A_1642 = arith.index_cast %mul3A_1638 : i32 to index
        %get3A_1643 = tpu.vector_load %arg6[%get3A_1640, %get3A_1641, %get3A_1642] {strides = array<i32>} : memref<8x2x1024xf32, #tpu.memory_space<vmem>>, vector<1x1x16xf32>,
        %get3A_1644 = vector.shape_cast %get3A_1643 : vector<1x1x16xf32> to vector<16xf32>
        %swap3A = arith.constant 1 : i32
        %swap3A_1645 = arith.constant 0 : i32
        %swap3A_1646 = arith.constant 0 : i32
        %swap3A_1647 = arith.index_cast %swap3A : i32 to index
        %swap3A_1648 = arith.index_cast %swap3A_1645 : i32 to index
        %swap3A_1649 = arith.index_cast %swap3A_1646 : i32 to index
        %swap3A_1650 = arith.index_cast %mul3A_1638 : i32 to index
        %swap3A_1651 = tpu.vector_load %arg5[%swap3A_1647, %swap3A_1648, %swap3A_1649, %swap3A_1650] {strides = array<i32>} : memref<8x2x4x1024xf32, #tpu.memory_space<vmem>>, vector<1x1x1x16xf32>,
        %swap3A_1652 = vector.shape_cast %swap3A_1651 : vector<1x1x1x16xf32> to vector<16xf32>
        %swap3A_1653 = vector.shape_cast %get3A_1644 : vector<16xf32> to vector<1x1x1x16xf32>
        tpu.vector_store %arg5[%swap3A_1647, %swap3A_1648, %swap3A_1649, %swap3A_1650], %swap3A_1653 {add = true, strides = array<i32>} : memref<8x2x4x1024xf32, #tpu.memory_space<vmem>>, vector<1x1x1x16xf32>,
        %swap3A_1654 = arith.constant 1 : i32
        %swap3A_1655 = arith.constant 0 : i32
        %swap3A_1656 = arith.constant 1 : i32
        %swap3A_1657 = arith.index_cast %swap3A_1654 : i32 to index
        %swap3A_1658 = arith.index_cast %swap3A_1655 : i32 to index
        %swap3A_1659 = arith.index_cast %swap3A_1656 : i32 to index
        %swap3A_1660 = arith.index_cast %mul3A_1638 : i32 to index
        %swap3A_1661 = tpu.vector_load %arg5[%swap3A_1657, %swap3A_1658, %swap3A_1659, %swap3A_1660] {strides = array<i32>} : memref<8x2x4x1024xf32, #tpu.memory_space<vmem>>, vector<1x1x1x16xf32>,
        %swap3A_1662 = vector.shape_cast %swap3A_1661 : vector<1x1x1x16xf32> to vector<16xf32>
        %swap3A_1663 = vector.shape_cast %get3A_1644 : vector<16xf32> to vector<1x1x1x16xf32>
        tpu.vector_store %arg5[%swap3A_1657, %swap3A_1658, %swap3A_1659, %swap3A_1660], %swap3A_1663 {add = true, strides = array<i32>} : memref<8x2x4x1024xf32, #tpu.memory_space<vmem>>, vector<1x1x1x16xf32>,
        %swap3A_1664 = arith.constant 1 : i32
        %swap3A_1665 = arith.constant 0 : i32
        %swap3A_1666 = arith.constant 2 : i32
        %swap3A_1667 = arith.index_cast %swap3A_1664 : i32 to index
        %swap3A_1668 = arith.index_cast %swap3A_1665 : i32 to index
        %swap3A_1669 = arith.index_cast %swap3A_1666 : i32 to index
        %swap3A_1670 = arith.index_cast %mul3A_1638 : i32 to index
        %swap3A_1671 = tpu.vector_load %arg5[%swap3A_1667, %swap3A_1668, %swap3A_1669, %swap3A_1670] {strides = array<i32>} : memref<8x2x4x1024xf32, #tpu.memory_space<vmem>>, vector<1x1x1x16xf32>,
        %swap3A_1672 = vector.shape_cast %swap3A_1671 : vector<1x1x1x16xf32> to vector<16xf32>
        %swap3A_1673 = vector.shape_cast %get3A_1644 : vector<16xf32> to vector<1x1x1x16xf32>
        tpu.vector_store %arg5[%swap3A_1667, %swap3A_1668, %swap3A_1669, %swap3A_1670], %swap3A_1673 {add = true, strides = array<i32>} : memref<8x2x4x1024xf32, #tpu.memory_space<vmem>>, vector<1x1x1x16xf32>,
        %swap3A_1674 = arith.constant 1 : i32
        %swap3A_1675 = arith.constant 0 : i32
        %swap3A_1676 = arith.constant 3 : i32
        %swap3A_1677 = arith.index_cast %swap3A_1674 : i32 to index
        %swap3A_1678 = arith.index_cast %swap3A_1675 : i32 to index
        %swap3A_1679 = arith.index_cast %swap3A_1676 : i32 to index
        %swap3A_1680 = arith.index_cast %mul3A_1638 : i32 to index
        %swap3A_1681 = tpu.vector_load %arg5[%swap3A_1677, %swap3A_1678, %swap3A_1679, %swap3A_1680] {strides = array<i32>} : memref<8x2x4x1024xf32, #tpu.memory_space<vmem>>, vector<1x1x1x16xf32>,
        %swap3A_1682 = vector.shape_cast %swap3A_1681 : vector<1x1x1x16xf32> to vector<16xf32>
        %swap3A_1683 = vector.shape_cast %get3A_1644 : vector<16xf32> to vector<1x1x1x16xf32>
        tpu.vector_store %arg5[%swap3A_1677, %swap3A_1678, %swap3A_1679, %swap3A_1680], %swap3A_1683 {add = true, strides = array<i32>} : memref<8x2x4x1024xf32, #tpu.memory_space<vmem>>, vector<1x1x1x16xf32>,
        %get3A_1684 = arith.constant 1 : i32
        %get3A_1685 = arith.constant 1 : i32
        %get3A_1686 = arith.index_cast %get3A_1684 : i32 to index
        %get3A_1687 = arith.index_cast %get3A_1685 : i32 to index
        %get3A_1688 = arith.index_cast %mul3A_1638 : i32 to index
        %get3A_1689 = tpu.vector_load %arg6[%get3A_1686, %get3A_1687, %get3A_1688] {strides = array<i32>} : memref<8x2x1024xf32, #tpu.memory_space<vmem>>, vector<1x1x16xf32>,
        %get3A_1690 = vector.shape_cast %get3A_1689 : vector<1x1x16xf32> to vector<16xf32>
        %swap3A_1691 = arith.constant 1 : i32
        %swap3A_1692 = arith.constant 1 : i32
        %swap3A_1693 = arith.constant 0 : i32
        %swap3A_1694 = arith.index_cast %swap3A_1691 : i32 to index
        %swap3A_1695 = arith.index_cast %swap3A_1692 : i32 to index
        %swap3A_1696 = arith.index_cast %swap3A_1693 : i32 to index
        %swap3A_1697 = arith.index_cast %mul3A_1638 : i32 to index
        %swap3A_1698 = tpu.vector_load %arg5[%swap3A_1694, %swap3A_1695, %swap3A_1696, %swap3A_1697] {strides = array<i32>} : memref<8x2x4x1024xf32, #tpu.memory_space<vmem>>, vector<1x1x1x16xf32>,
        %swap3A_1699 = vector.shape_cast %swap3A_1698 : vector<1x1x1x16xf32> to vector<16xf32>
        %swap3A_1700 = vector.shape_cast %get3A_1690 : vector<16xf32> to vector<1x1x1x16xf32>
        tpu.vector_store %arg5[%swap3A_1694, %swap3A_1695, %swap3A_1696, %swap3A_1697], %swap3A_1700 {add = true, strides = array<i32>} : memref<8x2x4x1024xf32, #tpu.memory_space<vmem>>, vector<1x1x1x16xf32>,
        %swap3A_1701 = arith.constant 1 : i32
        %swap3A_1702 = arith.constant 1 : i32
        %swap3A_1703 = arith.constant 1 : i32
        %swap3A_1704 = arith.index_cast %swap3A_1701 : i32 to index
        %swap3A_1705 = arith.index_cast %swap3A_1702 : i32 to index
        %swap3A_1706 = arith.index_cast %swap3A_1703 : i32 to index
        %swap3A_1707 = arith.index_cast %mul3A_1638 : i32 to index
        %swap3A_1708 = tpu.vector_load %arg5[%swap3A_1704, %swap3A_1705, %swap3A_1706, %swap3A_1707] {strides = array<i32>} : memref<8x2x4x1024xf32, #tpu.memory_space<vmem>>, vector<1x1x1x16xf32>,
        %swap3A_1709 = vector.shape_cast %swap3A_1708 : vector<1x1x1x16xf32> to vector<16xf32>
        %swap3A_1710 = vector.shape_cast %get3A_1690 : vector<16xf32> to vector<1x1x1x16xf32>
        tpu.vector_store %arg5[%swap3A_1704, %swap3A_1705, %swap3A_1706, %swap3A_1707], %swap3A_1710 {add = true, strides = array<i32>} : memref<8x2x4x1024xf32, #tpu.memory_space<vmem>>, vector<1x1x1x16xf32>,
        %swap3A_1711 = arith.constant 1 : i32
        %swap3A_1712 = arith.constant 1 : i32
        %swap3A_1713 = arith.constant 2 : i32
        %swap3A_1714 = arith.index_cast %swap3A_1711 : i32 to index
        %swap3A_1715 = arith.index_cast %swap3A_1712 : i32 to index
        %swap3A_1716 = arith.index_cast %swap3A_1713 : i32 to index
        %swap3A_1717 = arith.index_cast %mul3A_1638 : i32 to index
        %swap3A_1718 = tpu.vector_load %arg5[%swap3A_1714, %swap3A_1715, %swap3A_1716, %swap3A_1717] {strides = array<i32>} : memref<8x2x4x1024xf32, #tpu.memory_space<vmem>>, vector<1x1x1x16xf32>,
        %swap3A_1719 = vector.shape_cast %swap3A_1718 : vector<1x1x1x16xf32> to vector<16xf32>
        %swap3A_1720 = vector.shape_cast %get3A_1690 : vector<16xf32> to vector<1x1x1x16xf32>
        tpu.vector_store %arg5[%swap3A_1714, %swap3A_1715, %swap3A_1716, %swap3A_1717], %swap3A_1720 {add = true, strides = array<i32>} : memref<8x2x4x1024xf32, #tpu.memory_space<vmem>>, vector<1x1x1x16xf32>,
        %swap3A_1721 = arith.constant 1 : i32
        %swap3A_1722 = arith.constant 1 : i32
        %swap3A_1723 = arith.constant 3 : i32
        %swap3A_1724 = arith.index_cast %swap3A_1721 : i32 to index
        %swap3A_1725 = arith.index_cast %swap3A_1722 : i32 to index
        %swap3A_1726 = arith.index_cast %swap3A_1723 : i32 to index
        %swap3A_1727 = arith.index_cast %mul3A_1638 : i32 to index
        %swap3A_1728 = tpu.vector_load %arg5[%swap3A_1724, %swap3A_1725, %swap3A_1726, %swap3A_1727] {strides = array<i32>} : memref<8x2x4x1024xf32, #tpu.memory_space<vmem>>, vector<1x1x1x16xf32>,
        %swap3A_1729 = vector.shape_cast %swap3A_1728 : vector<1x1x1x16xf32> to vector<16xf32>
        %swap3A_1730 = vector.shape_cast %get3A_1690 : vector<16xf32> to vector<1x1x1x16xf32>
        tpu.vector_store %arg5[%swap3A_1724, %swap3A_1725, %swap3A_1726, %swap3A_1727], %swap3A_1730 {add = true, strides = array<i32>} : memref<8x2x4x1024xf32, #tpu.memory_space<vmem>>, vector<1x1x1x16xf32>,
      }
      %scan3A_1111 = arith.constant 64 : i32
      %mul3A_1112 = arith.constant 2 : i32
      %mul3A_1113 = arith.muli %add3A_1051, %mul3A_1112 : i32
      %add3A_1114 = arith.addi %mul3A_2, %mul3A_1113 : i32
      %dma_start3A_1115 = arith.constant 1 : i32
      %dma_start3A_1116 = arith.constant 0 : i32
      %dma_start3A_1117 = arith.constant 0 : i32
      %dma_start3A_1118 = arith.constant 0 : i32
      %dma_start3A_1119 = tpu.memref_slice %arg5[%dma_start3A_1115, %dma_start3A_1116, %dma_start3A_1117, %dma_start3A_1118] : memref<8x2x4x1024xf32, #tpu.memory_space<vmem>> -> memref<1x2x4x1024xf32, #tpu.memory_space<vmem>>
      %dma_start3A_1120 = tpu.memref_squeeze %dma_start3A_1119 : memref<1x2x4x1024xf32, #tpu.memory_space<vmem>> -> memref<2x4x1024xf32, #tpu.memory_space<vmem>>
      %dma_start3A_1121 = arith.constant 0 : i32
      %dma_start3A_1122 = arith.constant 0 : i32
      %dma_start3A_1123 = tpu.memref_slice %arg4[%add3A_1114, %dma_start3A_1121, %dma_start3A_1122] : memref<4096x4x1024xf32, #tpu.memory_space<hbm>> -> memref<2x4x1024xf32, #tpu.memory_space<hbm>>
      %dma_start3A_1124 = arith.constant 0 : i32
      %dma_start3A_1125 = arith.constant 0 : i32
      %dma_start3A_1126 = tpu.memref_slice %arg4[%add3A_1114, %dma_start3A_1124, %dma_start3A_1125] : memref<4096x4x1024xf32, #tpu.memory_space<hbm>> -> memref<2x4x1024xf32, #tpu.memory_space<hbm>>
      %dma_start3A_1127 = arith.constant 0 : i32
      %dma_start3A_1128 = arith.constant 0 : i32
      %dma_start3A_1129 = arith.constant 0 : i32
      %dma_start3A_1130 = tpu.memref_slice %arg5[%dma_start3A_1115, %dma_start3A_1127, %dma_start3A_1128, %dma_start3A_1129] : memref<8x2x4x1024xf32, #tpu.memory_space<vmem>> -> memref<1x2x4x1024xf32, #tpu.memory_space<vmem>>
      %dma_start3A_1131 = tpu.memref_squeeze %dma_start3A_1130 : memref<1x2x4x1024xf32, #tpu.memory_space<vmem>> -> memref<2x4x1024xf32, #tpu.memory_space<vmem>>
      tpu.enqueue_dma source(%dma_start3A_1131 : memref<2x4x1024xf32, #tpu.memory_space<vmem>>) target(%dma_start3A_1126 : memref<2x4x1024xf32, #tpu.memory_space<hbm>>) target_semaphore(%arg24 : memref<!tpu.dma_semaphore, #tpu.memory_space<semaphore_mem>>)
      %mul3A_1132 = arith.constant 8 : i32
      %mul3A_1133 = arith.muli %scan3A_966, %mul3A_1132 : i32
      %add3A_1134 = arith.constant 2 : i32
      %add3A_1135 = arith.addi %mul3A_1133, %add3A_1134 : i32
      %add3A_1136 = arith.constant 4 : i32
      %add3A_1137 = arith.addi %add3A_1135, %add3A_1136 : i32
      %dma_wait3A_1138 = arith.constant 6 : i32
      %dma_wait3A_1139 = arith.constant 0 : i32
      %dma_wait3A_1140 = arith.constant 0 : i32
      %dma_wait3A_1141 = arith.constant 0 : i32
      %dma_wait3A_1142 = tpu.memref_slice %arg5[%dma_wait3A_1138, %dma_wait3A_1139, %dma_wait3A_1140, %dma_wait3A_1141] : memref<8x2x4x1024xf32, #tpu.memory_space<vmem>> -> memref<1x2x4x1024xf32, #tpu.memory_space<vmem>>
      %dma_wait3A_1143 = tpu.memref_squeeze %dma_wait3A_1142 : memref<1x2x4x1024xf32, #tpu.memory_space<vmem>> -> memref<2x4x1024xf32, #tpu.memory_space<vmem>>
      %dma_wait3A_1144 = arith.constant 0 : i32
      %dma_wait3A_1145 = arith.constant 0 : i32
      %dma_wait3A_1146 = tpu.memref_slice %arg4[%mul3A_2, %dma_wait3A_1144, %dma_wait3A_1145] : memref<4096x4x1024xf32, #tpu.memory_space<hbm>> -> memref<2x4x1024xf32, #tpu.memory_space<hbm>>
      %dma_wait3A_1147 = arith.constant 0 : i32
      %dma_wait3A_1148 = arith.constant 0 : i32
      %dma_wait3A_1149 = tpu.memref_slice %arg4[%mul3A_2, %dma_wait3A_1147, %dma_wait3A_1148] : memref<4096x4x1024xf32, #tpu.memory_space<hbm>> -> memref<2x4x1024xf32, #tpu.memory_space<hbm>>
      %dma_wait3A_1150 = arith.constant 0 : i32
      %dma_wait3A_1151 = arith.constant 0 : i32
      %dma_wait3A_1152 = arith.constant 0 : i32
      %dma_wait3A_1153 = tpu.memref_slice %arg5[%dma_wait3A_1138, %dma_wait3A_1150, %dma_wait3A_1151, %dma_wait3A_1152] : memref<8x2x4x1024xf32, #tpu.memory_space<vmem>> -> memref<1x2x4x1024xf32, #tpu.memory_space<vmem>>
      %dma_wait3A_1154 = tpu.memref_squeeze %dma_wait3A_1153 : memref<1x2x4x1024xf32, #tpu.memory_space<vmem>> -> memref<2x4x1024xf32, #tpu.memory_space<vmem>>
      tpu.wait_dma2 semaphore(%arg29 : memref<!tpu.dma_semaphore, #tpu.memory_space<semaphore_mem>>) src(%dma_wait3A_1154 : memref<2x4x1024xf32, #tpu.memory_space<vmem>>) dst(%dma_wait3A_1149 : memref<2x4x1024xf32, #tpu.memory_space<hbm>>)
      %lt3A_1155 = arith.constant 64 : i32
      %lt3A_1156 = arith.cmpi slt, %add3A_1137, %lt3A_1155 : i32
      %convert_element_type3A_1157 = arith.extui %lt3A_1156 : i1 to i32
      %cond3A_1158 = arith.constant 0 : i32
      %cond3A_1159 = arith.cmpi ne, %convert_element_type3A_1157, %cond3A_1158 : i32
      scf.if %cond3A_1159 {
        %mul3A_1636 = arith.constant 2 : i32
        %mul3A_1637 = arith.muli %add3A_1137, %mul3A_1636 : i32
        %add3A_1638 = arith.addi %mul3A_2, %mul3A_1637 : i32
        %dma_start3A_1639 = arith.constant 6 : i32
        %dma_start3A_1640 = arith.constant 0 : i32
        %dma_start3A_1641 = arith.constant 0 : i32
        %dma_start3A_1642 = arith.constant 0 : i32
        %dma_start3A_1643 = tpu.memref_slice %arg5[%dma_start3A_1639, %dma_start3A_1640, %dma_start3A_1641, %dma_start3A_1642] : memref<8x2x4x1024xf32, #tpu.memory_space<vmem>> -> memref<1x2x4x1024xf32, #tpu.memory_space<vmem>>
        %dma_start3A_1644 = tpu.memref_squeeze %dma_start3A_1643 : memref<1x2x4x1024xf32, #tpu.memory_space<vmem>> -> memref<2x4x1024xf32, #tpu.memory_space<vmem>>
        %dma_start3A_1645 = arith.constant 0 : i32
        %dma_start3A_1646 = arith.constant 0 : i32
        %dma_start3A_1647 = tpu.memref_slice %arg2[%add3A_1638, %dma_start3A_1645, %dma_start3A_1646] : memref<4096x4x1024xf32, #tpu.memory_space<hbm>> -> memref<2x4x1024xf32, #tpu.memory_space<hbm>>
        %dma_start3A_1648 = arith.constant 0 : i32
        %dma_start3A_1649 = arith.constant 0 : i32
        %dma_start3A_1650 = arith.constant 0 : i32
        %dma_start3A_1651 = tpu.memref_slice %arg5[%dma_start3A_1639, %dma_start3A_1648, %dma_start3A_1649, %dma_start3A_1650] : memref<8x2x4x1024xf32, #tpu.memory_space<vmem>> -> memref<1x2x4x1024xf32, #tpu.memory_space<vmem>>
        %dma_start3A_1652 = tpu.memref_squeeze %dma_start3A_1651 : memref<1x2x4x1024xf32, #tpu.memory_space<vmem>> -> memref<2x4x1024xf32, #tpu.memory_space<vmem>>
        %dma_start3A_1653 = arith.constant 0 : i32
        %dma_start3A_1654 = arith.constant 0 : i32
        %dma_start3A_1655 = tpu.memref_slice %arg2[%add3A_1638, %dma_start3A_1653, %dma_start3A_1654] : memref<4096x4x1024xf32, #tpu.memory_space<hbm>> -> memref<2x4x1024xf32, #tpu.memory_space<hbm>>
        tpu.enqueue_dma source(%dma_start3A_1655 : memref<2x4x1024xf32, #tpu.memory_space<hbm>>) target(%dma_start3A_1652 : memref<2x4x1024xf32, #tpu.memory_space<vmem>>) target_semaphore(%arg13 : memref<!tpu.dma_semaphore, #tpu.memory_space<semaphore_mem>>)
        %dma_start3A_1656 = arith.constant 6 : i32
        %dma_start3A_1657 = arith.constant 0 : i32
        %dma_start3A_1658 = arith.constant 0 : i32
        %dma_start3A_1659 = tpu.memref_slice %arg6[%dma_start3A_1656, %dma_start3A_1657, %dma_start3A_1658] : memref<8x2x1024xf32, #tpu.memory_space<vmem>> -> memref<1x2x1024xf32, #tpu.memory_space<vmem>>
        %dma_start3A_1660 = tpu.memref_squeeze %dma_start3A_1659 : memref<1x2x1024xf32, #tpu.memory_space<vmem>> -> memref<2x1024xf32, #tpu.memory_space<vmem>>
        %dma_start3A_1661 = arith.constant 0 : i32
        %dma_start3A_1662 = tpu.memref_slice %arg3[%add3A_1638, %dma_start3A_1661] : memref<8192x1024xf32, #tpu.memory_space<hbm>> -> memref<2x1024xf32, #tpu.memory_space<hbm>>
        %dma_start3A_1663 = arith.constant 0 : i32
        %dma_start3A_1664 = arith.constant 0 : i32
        %dma_start3A_1665 = tpu.memref_slice %arg6[%dma_start3A_1656, %dma_start3A_1663, %dma_start3A_1664] : memref<8x2x1024xf32, #tpu.memory_space<vmem>> -> memref<1x2x1024xf32, #tpu.memory_space<vmem>>
        %dma_start3A_1666 = tpu.memref_squeeze %dma_start3A_1665 : memref<1x2x1024xf32, #tpu.memory_space<vmem>> -> memref<2x1024xf32, #tpu.memory_space<vmem>>
        %dma_start3A_1667 = arith.constant 0 : i32
        %dma_start3A_1668 = tpu.memref_slice %arg3[%add3A_1638, %dma_start3A_1667] : memref<8192x1024xf32, #tpu.memory_space<hbm>> -> memref<2x1024xf32, #tpu.memory_space<hbm>>
        tpu.enqueue_dma source(%dma_start3A_1668 : memref<2x1024xf32, #tpu.memory_space<hbm>>) target(%dma_start3A_1666 : memref<2x1024xf32, #tpu.memory_space<vmem>>) target_semaphore(%arg21 : memref<!tpu.dma_semaphore, #tpu.memory_space<semaphore_mem>>)
      } else {
      }
      %dma_wait3A_1160 = arith.constant 2 : i32
      %dma_wait3A_1161 = arith.constant 0 : i32
      %dma_wait3A_1162 = arith.constant 0 : i32
      %dma_wait3A_1163 = arith.constant 0 : i32
      %dma_wait3A_1164 = tpu.memref_slice %arg5[%dma_wait3A_1160, %dma_wait3A_1161, %dma_wait3A_1162, %dma_wait3A_1163] : memref<8x2x4x1024xf32, #tpu.memory_space<vmem>> -> memref<1x2x4x1024xf32, #tpu.memory_space<vmem>>
      %dma_wait3A_1165 = tpu.memref_squeeze %dma_wait3A_1164 : memref<1x2x4x1024xf32, #tpu.memory_space<vmem>> -> memref<2x4x1024xf32, #tpu.memory_space<vmem>>
      %dma_wait3A_1166 = arith.constant 0 : i32
      %dma_wait3A_1167 = arith.constant 0 : i32
      %dma_wait3A_1168 = tpu.memref_slice %arg2[%mul3A_2, %dma_wait3A_1166, %dma_wait3A_1167] : memref<4096x4x1024xf32, #tpu.memory_space<hbm>> -> memref<2x4x1024xf32, #tpu.memory_space<hbm>>
      %dma_wait3A_1169 = arith.constant 0 : i32
      %dma_wait3A_1170 = arith.constant 0 : i32
      %dma_wait3A_1171 = arith.constant 0 : i32
      %dma_wait3A_1172 = tpu.memref_slice %arg5[%dma_wait3A_1160, %dma_wait3A_1169, %dma_wait3A_1170, %dma_wait3A_1171] : memref<8x2x4x1024xf32, #tpu.memory_space<vmem>> -> memref<1x2x4x1024xf32, #tpu.memory_space<vmem>>
      %dma_wait3A_1173 = tpu.memref_squeeze %dma_wait3A_1172 : memref<1x2x4x1024xf32, #tpu.memory_space<vmem>> -> memref<2x4x1024xf32, #tpu.memory_space<vmem>>
      %dma_wait3A_1174 = arith.constant 0 : i32
      %dma_wait3A_1175 = arith.constant 0 : i32
      %dma_wait3A_1176 = tpu.memref_slice %arg2[%mul3A_2, %dma_wait3A_1174, %dma_wait3A_1175] : memref<4096x4x1024xf32, #tpu.memory_space<hbm>> -> memref<2x4x1024xf32, #tpu.memory_space<hbm>>
      tpu.wait_dma2 semaphore(%arg9 : memref<!tpu.dma_semaphore, #tpu.memory_space<semaphore_mem>>) src(%dma_wait3A_1176 : memref<2x4x1024xf32, #tpu.memory_space<hbm>>) dst(%dma_wait3A_1173 : memref<2x4x1024xf32, #tpu.memory_space<vmem>>)
      %dma_wait3A_1177 = arith.constant 2 : i32
      %dma_wait3A_1178 = arith.constant 0 : i32
      %dma_wait3A_1179 = arith.constant 0 : i32
      %dma_wait3A_1180 = tpu.memref_slice %arg6[%dma_wait3A_1177, %dma_wait3A_1178, %dma_wait3A_1179] : memref<8x2x1024xf32, #tpu.memory_space<vmem>> -> memref<1x2x1024xf32, #tpu.memory_space<vmem>>
      %dma_wait3A_1181 = tpu.memref_squeeze %dma_wait3A_1180 : memref<1x2x1024xf32, #tpu.memory_space<vmem>> -> memref<2x1024xf32, #tpu.memory_space<vmem>>
      %dma_wait3A_1182 = arith.constant 0 : i32
      %dma_wait3A_1183 = tpu.memref_slice %arg3[%mul3A_2, %dma_wait3A_1182] : memref<8192x1024xf32, #tpu.memory_space<hbm>> -> memref<2x1024xf32, #tpu.memory_space<hbm>>
      %dma_wait3A_1184 = arith.constant 0 : i32
      %dma_wait3A_1185 = arith.constant 0 : i32
      %dma_wait3A_1186 = tpu.memref_slice %arg6[%dma_wait3A_1177, %dma_wait3A_1184, %dma_wait3A_1185] : memref<8x2x1024xf32, #tpu.memory_space<vmem>> -> memref<1x2x1024xf32, #tpu.memory_space<vmem>>
      %dma_wait3A_1187 = tpu.memref_squeeze %dma_wait3A_1186 : memref<1x2x1024xf32, #tpu.memory_space<vmem>> -> memref<2x1024xf32, #tpu.memory_space<vmem>>
      %dma_wait3A_1188 = arith.constant 0 : i32
      %dma_wait3A_1189 = tpu.memref_slice %arg3[%mul3A_2, %dma_wait3A_1188] : memref<8192x1024xf32, #tpu.memory_space<hbm>> -> memref<2x1024xf32, #tpu.memory_space<hbm>>
      tpu.wait_dma2 semaphore(%arg17 : memref<!tpu.dma_semaphore, #tpu.memory_space<semaphore_mem>>) src(%dma_wait3A_1189 : memref<2x1024xf32, #tpu.memory_space<hbm>>) dst(%dma_wait3A_1187 : memref<2x1024xf32, #tpu.memory_space<vmem>>)
      %scan3A_1190 = arith.constant 0 : i32
      %scan3A_1191 = arith.constant 0 : i32
      %scan3A_1192 = arith.constant 64 : i32
      %scan3A_1193 = arith.addi %scan3A_1191, %scan3A_1192 : i32
      %scan3A_1194 = arith.constant 1 : i32
      scf.for %scan3A_1636 = %scan3A_1191 to %scan3A_1193 step %scan3A_1194  : i32 {
        %mul3A_1637 = arith.constant 16 : i32
        %mul3A_1638 = arith.muli %scan3A_1636, %mul3A_1637 : i32
        %get3A = arith.constant 2 : i32
        %get3A_1639 = arith.constant 0 : i32
        %get3A_1640 = arith.index_cast %get3A : i32 to index
        %get3A_1641 = arith.index_cast %get3A_1639 : i32 to index
        %get3A_1642 = arith.index_cast %mul3A_1638 : i32 to index
        %get3A_1643 = tpu.vector_load %arg6[%get3A_1640, %get3A_1641, %get3A_1642] {strides = array<i32>} : memref<8x2x1024xf32, #tpu.memory_space<vmem>>, vector<1x1x16xf32>,
        %get3A_1644 = vector.shape_cast %get3A_1643 : vector<1x1x16xf32> to vector<16xf32>
        %swap3A = arith.constant 2 : i32
        %swap3A_1645 = arith.constant 0 : i32
        %swap3A_1646 = arith.constant 0 : i32
        %swap3A_1647 = arith.index_cast %swap3A : i32 to index
        %swap3A_1648 = arith.index_cast %swap3A_1645 : i32 to index
        %swap3A_1649 = arith.index_cast %swap3A_1646 : i32 to index
        %swap3A_1650 = arith.index_cast %mul3A_1638 : i32 to index
        %swap3A_1651 = tpu.vector_load %arg5[%swap3A_1647, %swap3A_1648, %swap3A_1649, %swap3A_1650] {strides = array<i32>} : memref<8x2x4x1024xf32, #tpu.memory_space<vmem>>, vector<1x1x1x16xf32>,
        %swap3A_1652 = vector.shape_cast %swap3A_1651 : vector<1x1x1x16xf32> to vector<16xf32>
        %swap3A_1653 = vector.shape_cast %get3A_1644 : vector<16xf32> to vector<1x1x1x16xf32>
        tpu.vector_store %arg5[%swap3A_1647, %swap3A_1648, %swap3A_1649, %swap3A_1650], %swap3A_1653 {add = true, strides = array<i32>} : memref<8x2x4x1024xf32, #tpu.memory_space<vmem>>, vector<1x1x1x16xf32>,
        %swap3A_1654 = arith.constant 2 : i32
        %swap3A_1655 = arith.constant 0 : i32
        %swap3A_1656 = arith.constant 1 : i32
        %swap3A_1657 = arith.index_cast %swap3A_1654 : i32 to index
        %swap3A_1658 = arith.index_cast %swap3A_1655 : i32 to index
        %swap3A_1659 = arith.index_cast %swap3A_1656 : i32 to index
        %swap3A_1660 = arith.index_cast %mul3A_1638 : i32 to index
        %swap3A_1661 = tpu.vector_load %arg5[%swap3A_1657, %swap3A_1658, %swap3A_1659, %swap3A_1660] {strides = array<i32>} : memref<8x2x4x1024xf32, #tpu.memory_space<vmem>>, vector<1x1x1x16xf32>,
        %swap3A_1662 = vector.shape_cast %swap3A_1661 : vector<1x1x1x16xf32> to vector<16xf32>
        %swap3A_1663 = vector.shape_cast %get3A_1644 : vector<16xf32> to vector<1x1x1x16xf32>
        tpu.vector_store %arg5[%swap3A_1657, %swap3A_1658, %swap3A_1659, %swap3A_1660], %swap3A_1663 {add = true, strides = array<i32>} : memref<8x2x4x1024xf32, #tpu.memory_space<vmem>>, vector<1x1x1x16xf32>,
        %swap3A_1664 = arith.constant 2 : i32
        %swap3A_1665 = arith.constant 0 : i32
        %swap3A_1666 = arith.constant 2 : i32
        %swap3A_1667 = arith.index_cast %swap3A_1664 : i32 to index
        %swap3A_1668 = arith.index_cast %swap3A_1665 : i32 to index
        %swap3A_1669 = arith.index_cast %swap3A_1666 : i32 to index
        %swap3A_1670 = arith.index_cast %mul3A_1638 : i32 to index
        %swap3A_1671 = tpu.vector_load %arg5[%swap3A_1667, %swap3A_1668, %swap3A_1669, %swap3A_1670] {strides = array<i32>} : memref<8x2x4x1024xf32, #tpu.memory_space<vmem>>, vector<1x1x1x16xf32>,
        %swap3A_1672 = vector.shape_cast %swap3A_1671 : vector<1x1x1x16xf32> to vector<16xf32>
        %swap3A_1673 = vector.shape_cast %get3A_1644 : vector<16xf32> to vector<1x1x1x16xf32>
        tpu.vector_store %arg5[%swap3A_1667, %swap3A_1668, %swap3A_1669, %swap3A_1670], %swap3A_1673 {add = true, strides = array<i32>} : memref<8x2x4x1024xf32, #tpu.memory_space<vmem>>, vector<1x1x1x16xf32>,
        %swap3A_1674 = arith.constant 2 : i32
        %swap3A_1675 = arith.constant 0 : i32
        %swap3A_1676 = arith.constant 3 : i32
        %swap3A_1677 = arith.index_cast %swap3A_1674 : i32 to index
        %swap3A_1678 = arith.index_cast %swap3A_1675 : i32 to index
        %swap3A_1679 = arith.index_cast %swap3A_1676 : i32 to index
        %swap3A_1680 = arith.index_cast %mul3A_1638 : i32 to index
        %swap3A_1681 = tpu.vector_load %arg5[%swap3A_1677, %swap3A_1678, %swap3A_1679, %swap3A_1680] {strides = array<i32>} : memref<8x2x4x1024xf32, #tpu.memory_space<vmem>>, vector<1x1x1x16xf32>,
        %swap3A_1682 = vector.shape_cast %swap3A_1681 : vector<1x1x1x16xf32> to vector<16xf32>
        %swap3A_1683 = vector.shape_cast %get3A_1644 : vector<16xf32> to vector<1x1x1x16xf32>
        tpu.vector_store %arg5[%swap3A_1677, %swap3A_1678, %swap3A_1679, %swap3A_1680], %swap3A_1683 {add = true, strides = array<i32>} : memref<8x2x4x1024xf32, #tpu.memory_space<vmem>>, vector<1x1x1x16xf32>,
        %get3A_1684 = arith.constant 2 : i32
        %get3A_1685 = arith.constant 1 : i32
        %get3A_1686 = arith.index_cast %get3A_1684 : i32 to index
        %get3A_1687 = arith.index_cast %get3A_1685 : i32 to index
        %get3A_1688 = arith.index_cast %mul3A_1638 : i32 to index
        %get3A_1689 = tpu.vector_load %arg6[%get3A_1686, %get3A_1687, %get3A_1688] {strides = array<i32>} : memref<8x2x1024xf32, #tpu.memory_space<vmem>>, vector<1x1x16xf32>,
        %get3A_1690 = vector.shape_cast %get3A_1689 : vector<1x1x16xf32> to vector<16xf32>
        %swap3A_1691 = arith.constant 2 : i32
        %swap3A_1692 = arith.constant 1 : i32
        %swap3A_1693 = arith.constant 0 : i32
        %swap3A_1694 = arith.index_cast %swap3A_1691 : i32 to index
        %swap3A_1695 = arith.index_cast %swap3A_1692 : i32 to index
        %swap3A_1696 = arith.index_cast %swap3A_1693 : i32 to index
        %swap3A_1697 = arith.index_cast %mul3A_1638 : i32 to index
        %swap3A_1698 = tpu.vector_load %arg5[%swap3A_1694, %swap3A_1695, %swap3A_1696, %swap3A_1697] {strides = array<i32>} : memref<8x2x4x1024xf32, #tpu.memory_space<vmem>>, vector<1x1x1x16xf32>,
        %swap3A_1699 = vector.shape_cast %swap3A_1698 : vector<1x1x1x16xf32> to vector<16xf32>
        %swap3A_1700 = vector.shape_cast %get3A_1690 : vector<16xf32> to vector<1x1x1x16xf32>
        tpu.vector_store %arg5[%swap3A_1694, %swap3A_1695, %swap3A_1696, %swap3A_1697], %swap3A_1700 {add = true, strides = array<i32>} : memref<8x2x4x1024xf32, #tpu.memory_space<vmem>>, vector<1x1x1x16xf32>,
        %swap3A_1701 = arith.constant 2 : i32
        %swap3A_1702 = arith.constant 1 : i32
        %swap3A_1703 = arith.constant 1 : i32
        %swap3A_1704 = arith.index_cast %swap3A_1701 : i32 to index
        %swap3A_1705 = arith.index_cast %swap3A_1702 : i32 to index
        %swap3A_1706 = arith.index_cast %swap3A_1703 : i32 to index
        %swap3A_1707 = arith.index_cast %mul3A_1638 : i32 to index
        %swap3A_1708 = tpu.vector_load %arg5[%swap3A_1704, %swap3A_1705, %swap3A_1706, %swap3A_1707] {strides = array<i32>} : memref<8x2x4x1024xf32, #tpu.memory_space<vmem>>, vector<1x1x1x16xf32>,
        %swap3A_1709 = vector.shape_cast %swap3A_1708 : vector<1x1x1x16xf32> to vector<16xf32>
        %swap3A_1710 = vector.shape_cast %get3A_1690 : vector<16xf32> to vector<1x1x1x16xf32>
        tpu.vector_store %arg5[%swap3A_1704, %swap3A_1705, %swap3A_1706, %swap3A_1707], %swap3A_1710 {add = true, strides = array<i32>} : memref<8x2x4x1024xf32, #tpu.memory_space<vmem>>, vector<1x1x1x16xf32>,
        %swap3A_1711 = arith.constant 2 : i32
        %swap3A_1712 = arith.constant 1 : i32
        %swap3A_1713 = arith.constant 2 : i32
        %swap3A_1714 = arith.index_cast %swap3A_1711 : i32 to index
        %swap3A_1715 = arith.index_cast %swap3A_1712 : i32 to index
        %swap3A_1716 = arith.index_cast %swap3A_1713 : i32 to index
        %swap3A_1717 = arith.index_cast %mul3A_1638 : i32 to index
        %swap3A_1718 = tpu.vector_load %arg5[%swap3A_1714, %swap3A_1715, %swap3A_1716, %swap3A_1717] {strides = array<i32>} : memref<8x2x4x1024xf32, #tpu.memory_space<vmem>>, vector<1x1x1x16xf32>,
        %swap3A_1719 = vector.shape_cast %swap3A_1718 : vector<1x1x1x16xf32> to vector<16xf32>
        %swap3A_1720 = vector.shape_cast %get3A_1690 : vector<16xf32> to vector<1x1x1x16xf32>
        tpu.vector_store %arg5[%swap3A_1714, %swap3A_1715, %swap3A_1716, %swap3A_1717], %swap3A_1720 {add = true, strides = array<i32>} : memref<8x2x4x1024xf32, #tpu.memory_space<vmem>>, vector<1x1x1x16xf32>,
        %swap3A_1721 = arith.constant 2 : i32
        %swap3A_1722 = arith.constant 1 : i32
        %swap3A_1723 = arith.constant 3 : i32
        %swap3A_1724 = arith.index_cast %swap3A_1721 : i32 to index
        %swap3A_1725 = arith.index_cast %swap3A_1722 : i32 to index
        %swap3A_1726 = arith.index_cast %swap3A_1723 : i32 to index
        %swap3A_1727 = arith.index_cast %mul3A_1638 : i32 to index
        %swap3A_1728 = tpu.vector_load %arg5[%swap3A_1724, %swap3A_1725, %swap3A_1726, %swap3A_1727] {strides = array<i32>} : memref<8x2x4x1024xf32, #tpu.memory_space<vmem>>, vector<1x1x1x16xf32>,
        %swap3A_1729 = vector.shape_cast %swap3A_1728 : vector<1x1x1x16xf32> to vector<16xf32>
        %swap3A_1730 = vector.shape_cast %get3A_1690 : vector<16xf32> to vector<1x1x1x16xf32>
        tpu.vector_store %arg5[%swap3A_1724, %swap3A_1725, %swap3A_1726, %swap3A_1727], %swap3A_1730 {add = true, strides = array<i32>} : memref<8x2x4x1024xf32, #tpu.memory_space<vmem>>, vector<1x1x1x16xf32>,
      }
      %scan3A_1195 = arith.constant 64 : i32
      %mul3A_1196 = arith.constant 2 : i32
      %mul3A_1197 = arith.muli %add3A_1135, %mul3A_1196 : i32
      %add3A_1198 = arith.addi %mul3A_2, %mul3A_1197 : i32
      %dma_start3A_1199 = arith.constant 2 : i32
      %dma_start3A_1200 = arith.constant 0 : i32
      %dma_start3A_1201 = arith.constant 0 : i32
      %dma_start3A_1202 = arith.constant 0 : i32
      %dma_start3A_1203 = tpu.memref_slice %arg5[%dma_start3A_1199, %dma_start3A_1200, %dma_start3A_1201, %dma_start3A_1202] : memref<8x2x4x1024xf32, #tpu.memory_space<vmem>> -> memref<1x2x4x1024xf32, #tpu.memory_space<vmem>>
      %dma_start3A_1204 = tpu.memref_squeeze %dma_start3A_1203 : memref<1x2x4x1024xf32, #tpu.memory_space<vmem>> -> memref<2x4x1024xf32, #tpu.memory_space<vmem>>
      %dma_start3A_1205 = arith.constant 0 : i32
      %dma_start3A_1206 = arith.constant 0 : i32
      %dma_start3A_1207 = tpu.memref_slice %arg4[%add3A_1198, %dma_start3A_1205, %dma_start3A_1206] : memref<4096x4x1024xf32, #tpu.memory_space<hbm>> -> memref<2x4x1024xf32, #tpu.memory_space<hbm>>
      %dma_start3A_1208 = arith.constant 0 : i32
      %dma_start3A_1209 = arith.constant 0 : i32
      %dma_start3A_1210 = tpu.memref_slice %arg4[%add3A_1198, %dma_start3A_1208, %dma_start3A_1209] : memref<4096x4x1024xf32, #tpu.memory_space<hbm>> -> memref<2x4x1024xf32, #tpu.memory_space<hbm>>
      %dma_start3A_1211 = arith.constant 0 : i32
      %dma_start3A_1212 = arith.constant 0 : i32
      %dma_start3A_1213 = arith.constant 0 : i32
      %dma_start3A_1214 = tpu.memref_slice %arg5[%dma_start3A_1199, %dma_start3A_1211, %dma_start3A_1212, %dma_start3A_1213] : memref<8x2x4x1024xf32, #tpu.memory_space<vmem>> -> memref<1x2x4x1024xf32, #tpu.memory_space<vmem>>
      %dma_start3A_1215 = tpu.memref_squeeze %dma_start3A_1214 : memref<1x2x4x1024xf32, #tpu.memory_space<vmem>> -> memref<2x4x1024xf32, #tpu.memory_space<vmem>>
      tpu.enqueue_dma source(%dma_start3A_1215 : memref<2x4x1024xf32, #tpu.memory_space<vmem>>) target(%dma_start3A_1210 : memref<2x4x1024xf32, #tpu.memory_space<hbm>>) target_semaphore(%arg25 : memref<!tpu.dma_semaphore, #tpu.memory_space<semaphore_mem>>)
      %mul3A_1216 = arith.constant 8 : i32
      %mul3A_1217 = arith.muli %scan3A_966, %mul3A_1216 : i32
      %add3A_1218 = arith.constant 3 : i32
      %add3A_1219 = arith.addi %mul3A_1217, %add3A_1218 : i32
      %add3A_1220 = arith.constant 4 : i32
      %add3A_1221 = arith.addi %add3A_1219, %add3A_1220 : i32
      %dma_wait3A_1222 = arith.constant 7 : i32
      %dma_wait3A_1223 = arith.constant 0 : i32
      %dma_wait3A_1224 = arith.constant 0 : i32
      %dma_wait3A_1225 = arith.constant 0 : i32
      %dma_wait3A_1226 = tpu.memref_slice %arg5[%dma_wait3A_1222, %dma_wait3A_1223, %dma_wait3A_1224, %dma_wait3A_1225] : memref<8x2x4x1024xf32, #tpu.memory_space<vmem>> -> memref<1x2x4x1024xf32, #tpu.memory_space<vmem>>
      %dma_wait3A_1227 = tpu.memref_squeeze %dma_wait3A_1226 : memref<1x2x4x1024xf32, #tpu.memory_space<vmem>> -> memref<2x4x1024xf32, #tpu.memory_space<vmem>>
      %dma_wait3A_1228 = arith.constant 0 : i32
      %dma_wait3A_1229 = arith.constant 0 : i32
      %dma_wait3A_1230 = tpu.memref_slice %arg4[%mul3A_2, %dma_wait3A_1228, %dma_wait3A_1229] : memref<4096x4x1024xf32, #tpu.memory_space<hbm>> -> memref<2x4x1024xf32, #tpu.memory_space<hbm>>
      %dma_wait3A_1231 = arith.constant 0 : i32
      %dma_wait3A_1232 = arith.constant 0 : i32
      %dma_wait3A_1233 = tpu.memref_slice %arg4[%mul3A_2, %dma_wait3A_1231, %dma_wait3A_1232] : memref<4096x4x1024xf32, #tpu.memory_space<hbm>> -> memref<2x4x1024xf32, #tpu.memory_space<hbm>>
      %dma_wait3A_1234 = arith.constant 0 : i32
      %dma_wait3A_1235 = arith.constant 0 : i32
      %dma_wait3A_1236 = arith.constant 0 : i32
      %dma_wait3A_1237 = tpu.memref_slice %arg5[%dma_wait3A_1222, %dma_wait3A_1234, %dma_wait3A_1235, %dma_wait3A_1236] : memref<8x2x4x1024xf32, #tpu.memory_space<vmem>> -> memref<1x2x4x1024xf32, #tpu.memory_space<vmem>>
      %dma_wait3A_1238 = tpu.memref_squeeze %dma_wait3A_1237 : memref<1x2x4x1024xf32, #tpu.memory_space<vmem>> -> memref<2x4x1024xf32, #tpu.memory_space<vmem>>
      tpu.wait_dma2 semaphore(%arg30 : memref<!tpu.dma_semaphore, #tpu.memory_space<semaphore_mem>>) src(%dma_wait3A_1238 : memref<2x4x1024xf32, #tpu.memory_space<vmem>>) dst(%dma_wait3A_1233 : memref<2x4x1024xf32, #tpu.memory_space<hbm>>)
      %lt3A_1239 = arith.constant 64 : i32
      %lt3A_1240 = arith.cmpi slt, %add3A_1221, %lt3A_1239 : i32
      %convert_element_type3A_1241 = arith.extui %lt3A_1240 : i1 to i32
      %cond3A_1242 = arith.constant 0 : i32
      %cond3A_1243 = arith.cmpi ne, %convert_element_type3A_1241, %cond3A_1242 : i32
      scf.if %cond3A_1243 {
        %mul3A_1636 = arith.constant 2 : i32
        %mul3A_1637 = arith.muli %add3A_1221, %mul3A_1636 : i32
        %add3A_1638 = arith.addi %mul3A_2, %mul3A_1637 : i32
        %dma_start3A_1639 = arith.constant 7 : i32
        %dma_start3A_1640 = arith.constant 0 : i32
        %dma_start3A_1641 = arith.constant 0 : i32
        %dma_start3A_1642 = arith.constant 0 : i32
        %dma_start3A_1643 = tpu.memref_slice %arg5[%dma_start3A_1639, %dma_start3A_1640, %dma_start3A_1641, %dma_start3A_1642] : memref<8x2x4x1024xf32, #tpu.memory_space<vmem>> -> memref<1x2x4x1024xf32, #tpu.memory_space<vmem>>
        %dma_start3A_1644 = tpu.memref_squeeze %dma_start3A_1643 : memref<1x2x4x1024xf32, #tpu.memory_space<vmem>> -> memref<2x4x1024xf32, #tpu.memory_space<vmem>>
        %dma_start3A_1645 = arith.constant 0 : i32
        %dma_start3A_1646 = arith.constant 0 : i32
        %dma_start3A_1647 = tpu.memref_slice %arg2[%add3A_1638, %dma_start3A_1645, %dma_start3A_1646] : memref<4096x4x1024xf32, #tpu.memory_space<hbm>> -> memref<2x4x1024xf32, #tpu.memory_space<hbm>>
        %dma_start3A_1648 = arith.constant 0 : i32
        %dma_start3A_1649 = arith.constant 0 : i32
        %dma_start3A_1650 = arith.constant 0 : i32
        %dma_start3A_1651 = tpu.memref_slice %arg5[%dma_start3A_1639, %dma_start3A_1648, %dma_start3A_1649, %dma_start3A_1650] : memref<8x2x4x1024xf32, #tpu.memory_space<vmem>> -> memref<1x2x4x1024xf32, #tpu.memory_space<vmem>>
        %dma_start3A_1652 = tpu.memref_squeeze %dma_start3A_1651 : memref<1x2x4x1024xf32, #tpu.memory_space<vmem>> -> memref<2x4x1024xf32, #tpu.memory_space<vmem>>
        %dma_start3A_1653 = arith.constant 0 : i32
        %dma_start3A_1654 = arith.constant 0 : i32
        %dma_start3A_1655 = tpu.memref_slice %arg2[%add3A_1638, %dma_start3A_1653, %dma_start3A_1654] : memref<4096x4x1024xf32, #tpu.memory_space<hbm>> -> memref<2x4x1024xf32, #tpu.memory_space<hbm>>
        tpu.enqueue_dma source(%dma_start3A_1655 : memref<2x4x1024xf32, #tpu.memory_space<hbm>>) target(%dma_start3A_1652 : memref<2x4x1024xf32, #tpu.memory_space<vmem>>) target_semaphore(%arg14 : memref<!tpu.dma_semaphore, #tpu.memory_space<semaphore_mem>>)
        %dma_start3A_1656 = arith.constant 7 : i32
        %dma_start3A_1657 = arith.constant 0 : i32
        %dma_start3A_1658 = arith.constant 0 : i32
        %dma_start3A_1659 = tpu.memref_slice %arg6[%dma_start3A_1656, %dma_start3A_1657, %dma_start3A_1658] : memref<8x2x1024xf32, #tpu.memory_space<vmem>> -> memref<1x2x1024xf32, #tpu.memory_space<vmem>>
        %dma_start3A_1660 = tpu.memref_squeeze %dma_start3A_1659 : memref<1x2x1024xf32, #tpu.memory_space<vmem>> -> memref<2x1024xf32, #tpu.memory_space<vmem>>
        %dma_start3A_1661 = arith.constant 0 : i32
        %dma_start3A_1662 = tpu.memref_slice %arg3[%add3A_1638, %dma_start3A_1661] : memref<8192x1024xf32, #tpu.memory_space<hbm>> -> memref<2x1024xf32, #tpu.memory_space<hbm>>
        %dma_start3A_1663 = arith.constant 0 : i32
        %dma_start3A_1664 = arith.constant 0 : i32
        %dma_start3A_1665 = tpu.memref_slice %arg6[%dma_start3A_1656, %dma_start3A_1663, %dma_start3A_1664] : memref<8x2x1024xf32, #tpu.memory_space<vmem>> -> memref<1x2x1024xf32, #tpu.memory_space<vmem>>
        %dma_start3A_1666 = tpu.memref_squeeze %dma_start3A_1665 : memref<1x2x1024xf32, #tpu.memory_space<vmem>> -> memref<2x1024xf32, #tpu.memory_space<vmem>>
        %dma_start3A_1667 = arith.constant 0 : i32
        %dma_start3A_1668 = tpu.memref_slice %arg3[%add3A_1638, %dma_start3A_1667] : memref<8192x1024xf32, #tpu.memory_space<hbm>> -> memref<2x1024xf32, #tpu.memory_space<hbm>>
        tpu.enqueue_dma source(%dma_start3A_1668 : memref<2x1024xf32, #tpu.memory_space<hbm>>) target(%dma_start3A_1666 : memref<2x1024xf32, #tpu.memory_space<vmem>>) target_semaphore(%arg22 : memref<!tpu.dma_semaphore, #tpu.memory_space<semaphore_mem>>)
      } else {
      }
      %dma_wait3A_1244 = arith.constant 3 : i32
      %dma_wait3A_1245 = arith.constant 0 : i32
      %dma_wait3A_1246 = arith.constant 0 : i32
      %dma_wait3A_1247 = arith.constant 0 : i32
      %dma_wait3A_1248 = tpu.memref_slice %arg5[%dma_wait3A_1244, %dma_wait3A_1245, %dma_wait3A_1246, %dma_wait3A_1247] : memref<8x2x4x1024xf32, #tpu.memory_space<vmem>> -> memref<1x2x4x1024xf32, #tpu.memory_space<vmem>>
      %dma_wait3A_1249 = tpu.memref_squeeze %dma_wait3A_1248 : memref<1x2x4x1024xf32, #tpu.memory_space<vmem>> -> memref<2x4x1024xf32, #tpu.memory_space<vmem>>
      %dma_wait3A_1250 = arith.constant 0 : i32
      %dma_wait3A_1251 = arith.constant 0 : i32
      %dma_wait3A_1252 = tpu.memref_slice %arg2[%mul3A_2, %dma_wait3A_1250, %dma_wait3A_1251] : memref<4096x4x1024xf32, #tpu.memory_space<hbm>> -> memref<2x4x1024xf32, #tpu.memory_space<hbm>>
      %dma_wait3A_1253 = arith.constant 0 : i32
      %dma_wait3A_1254 = arith.constant 0 : i32
      %dma_wait3A_1255 = arith.constant 0 : i32
      %dma_wait3A_1256 = tpu.memref_slice %arg5[%dma_wait3A_1244, %dma_wait3A_1253, %dma_wait3A_1254, %dma_wait3A_1255] : memref<8x2x4x1024xf32, #tpu.memory_space<vmem>> -> memref<1x2x4x1024xf32, #tpu.memory_space<vmem>>
      %dma_wait3A_1257 = tpu.memref_squeeze %dma_wait3A_1256 : memref<1x2x4x1024xf32, #tpu.memory_space<vmem>> -> memref<2x4x1024xf32, #tpu.memory_space<vmem>>
      %dma_wait3A_1258 = arith.constant 0 : i32
      %dma_wait3A_1259 = arith.constant 0 : i32
      %dma_wait3A_1260 = tpu.memref_slice %arg2[%mul3A_2, %dma_wait3A_1258, %dma_wait3A_1259] : memref<4096x4x1024xf32, #tpu.memory_space<hbm>> -> memref<2x4x1024xf32, #tpu.memory_space<hbm>>
      tpu.wait_dma2 semaphore(%arg10 : memref<!tpu.dma_semaphore, #tpu.memory_space<semaphore_mem>>) src(%dma_wait3A_1260 : memref<2x4x1024xf32, #tpu.memory_space<hbm>>) dst(%dma_wait3A_1257 : memref<2x4x1024xf32, #tpu.memory_space<vmem>>)
      %dma_wait3A_1261 = arith.constant 3 : i32
      %dma_wait3A_1262 = arith.constant 0 : i32
      %dma_wait3A_1263 = arith.constant 0 : i32
      %dma_wait3A_1264 = tpu.memref_slice %arg6[%dma_wait3A_1261, %dma_wait3A_1262, %dma_wait3A_1263] : memref<8x2x1024xf32, #tpu.memory_space<vmem>> -> memref<1x2x1024xf32, #tpu.memory_space<vmem>>
      %dma_wait3A_1265 = tpu.memref_squeeze %dma_wait3A_1264 : memref<1x2x1024xf32, #tpu.memory_space<vmem>> -> memref<2x1024xf32, #tpu.memory_space<vmem>>
      %dma_wait3A_1266 = arith.constant 0 : i32
      %dma_wait3A_1267 = tpu.memref_slice %arg3[%mul3A_2, %dma_wait3A_1266] : memref<8192x1024xf32, #tpu.memory_space<hbm>> -> memref<2x1024xf32, #tpu.memory_space<hbm>>
      %dma_wait3A_1268 = arith.constant 0 : i32
      %dma_wait3A_1269 = arith.constant 0 : i32
      %dma_wait3A_1270 = tpu.memref_slice %arg6[%dma_wait3A_1261, %dma_wait3A_1268, %dma_wait3A_1269] : memref<8x2x1024xf32, #tpu.memory_space<vmem>> -> memref<1x2x1024xf32, #tpu.memory_space<vmem>>
      %dma_wait3A_1271 = tpu.memref_squeeze %dma_wait3A_1270 : memref<1x2x1024xf32, #tpu.memory_space<vmem>> -> memref<2x1024xf32, #tpu.memory_space<vmem>>
      %dma_wait3A_1272 = arith.constant 0 : i32
      %dma_wait3A_1273 = tpu.memref_slice %arg3[%mul3A_2, %dma_wait3A_1272] : memref<8192x1024xf32, #tpu.memory_space<hbm>> -> memref<2x1024xf32, #tpu.memory_space<hbm>>
      tpu.wait_dma2 semaphore(%arg18 : memref<!tpu.dma_semaphore, #tpu.memory_space<semaphore_mem>>) src(%dma_wait3A_1273 : memref<2x1024xf32, #tpu.memory_space<hbm>>) dst(%dma_wait3A_1271 : memref<2x1024xf32, #tpu.memory_space<vmem>>)
      %scan3A_1274 = arith.constant 0 : i32
      %scan3A_1275 = arith.constant 0 : i32
      %scan3A_1276 = arith.constant 64 : i32
      %scan3A_1277 = arith.addi %scan3A_1275, %scan3A_1276 : i32
      %scan3A_1278 = arith.constant 1 : i32
      scf.for %scan3A_1636 = %scan3A_1275 to %scan3A_1277 step %scan3A_1278  : i32 {
        %mul3A_1637 = arith.constant 16 : i32
        %mul3A_1638 = arith.muli %scan3A_1636, %mul3A_1637 : i32
        %get3A = arith.constant 3 : i32
        %get3A_1639 = arith.constant 0 : i32
        %get3A_1640 = arith.index_cast %get3A : i32 to index
        %get3A_1641 = arith.index_cast %get3A_1639 : i32 to index
        %get3A_1642 = arith.index_cast %mul3A_1638 : i32 to index
        %get3A_1643 = tpu.vector_load %arg6[%get3A_1640, %get3A_1641, %get3A_1642] {strides = array<i32>} : memref<8x2x1024xf32, #tpu.memory_space<vmem>>, vector<1x1x16xf32>,
        %get3A_1644 = vector.shape_cast %get3A_1643 : vector<1x1x16xf32> to vector<16xf32>
        %swap3A = arith.constant 3 : i32
        %swap3A_1645 = arith.constant 0 : i32
        %swap3A_1646 = arith.constant 0 : i32
        %swap3A_1647 = arith.index_cast %swap3A : i32 to index
        %swap3A_1648 = arith.index_cast %swap3A_1645 : i32 to index
        %swap3A_1649 = arith.index_cast %swap3A_1646 : i32 to index
        %swap3A_1650 = arith.index_cast %mul3A_1638 : i32 to index
        %swap3A_1651 = tpu.vector_load %arg5[%swap3A_1647, %swap3A_1648, %swap3A_1649, %swap3A_1650] {strides = array<i32>} : memref<8x2x4x1024xf32, #tpu.memory_space<vmem>>, vector<1x1x1x16xf32>,
        %swap3A_1652 = vector.shape_cast %swap3A_1651 : vector<1x1x1x16xf32> to vector<16xf32>
        %swap3A_1653 = vector.shape_cast %get3A_1644 : vector<16xf32> to vector<1x1x1x16xf32>
        tpu.vector_store %arg5[%swap3A_1647, %swap3A_1648, %swap3A_1649, %swap3A_1650], %swap3A_1653 {add = true, strides = array<i32>} : memref<8x2x4x1024xf32, #tpu.memory_space<vmem>>, vector<1x1x1x16xf32>,
        %swap3A_1654 = arith.constant 3 : i32
        %swap3A_1655 = arith.constant 0 : i32
        %swap3A_1656 = arith.constant 1 : i32
        %swap3A_1657 = arith.index_cast %swap3A_1654 : i32 to index
        %swap3A_1658 = arith.index_cast %swap3A_1655 : i32 to index
        %swap3A_1659 = arith.index_cast %swap3A_1656 : i32 to index
        %swap3A_1660 = arith.index_cast %mul3A_1638 : i32 to index
        %swap3A_1661 = tpu.vector_load %arg5[%swap3A_1657, %swap3A_1658, %swap3A_1659, %swap3A_1660] {strides = array<i32>} : memref<8x2x4x1024xf32, #tpu.memory_space<vmem>>, vector<1x1x1x16xf32>,
        %swap3A_1662 = vector.shape_cast %swap3A_1661 : vector<1x1x1x16xf32> to vector<16xf32>
        %swap3A_1663 = vector.shape_cast %get3A_1644 : vector<16xf32> to vector<1x1x1x16xf32>
        tpu.vector_store %arg5[%swap3A_1657, %swap3A_1658, %swap3A_1659, %swap3A_1660], %swap3A_1663 {add = true, strides = array<i32>} : memref<8x2x4x1024xf32, #tpu.memory_space<vmem>>, vector<1x1x1x16xf32>,
        %swap3A_1664 = arith.constant 3 : i32
        %swap3A_1665 = arith.constant 0 : i32
        %swap3A_1666 = arith.constant 2 : i32
        %swap3A_1667 = arith.index_cast %swap3A_1664 : i32 to index
        %swap3A_1668 = arith.index_cast %swap3A_1665 : i32 to index
        %swap3A_1669 = arith.index_cast %swap3A_1666 : i32 to index
        %swap3A_1670 = arith.index_cast %mul3A_1638 : i32 to index
        %swap3A_1671 = tpu.vector_load %arg5[%swap3A_1667, %swap3A_1668, %swap3A_1669, %swap3A_1670] {strides = array<i32>} : memref<8x2x4x1024xf32, #tpu.memory_space<vmem>>, vector<1x1x1x16xf32>,
        %swap3A_1672 = vector.shape_cast %swap3A_1671 : vector<1x1x1x16xf32> to vector<16xf32>
        %swap3A_1673 = vector.shape_cast %get3A_1644 : vector<16xf32> to vector<1x1x1x16xf32>
        tpu.vector_store %arg5[%swap3A_1667, %swap3A_1668, %swap3A_1669, %swap3A_1670], %swap3A_1673 {add = true, strides = array<i32>} : memref<8x2x4x1024xf32, #tpu.memory_space<vmem>>, vector<1x1x1x16xf32>,
        %swap3A_1674 = arith.constant 3 : i32
        %swap3A_1675 = arith.constant 0 : i32
        %swap3A_1676 = arith.constant 3 : i32
        %swap3A_1677 = arith.index_cast %swap3A_1674 : i32 to index
        %swap3A_1678 = arith.index_cast %swap3A_1675 : i32 to index
        %swap3A_1679 = arith.index_cast %swap3A_1676 : i32 to index
        %swap3A_1680 = arith.index_cast %mul3A_1638 : i32 to index
        %swap3A_1681 = tpu.vector_load %arg5[%swap3A_1677, %swap3A_1678, %swap3A_1679, %swap3A_1680] {strides = array<i32>} : memref<8x2x4x1024xf32, #tpu.memory_space<vmem>>, vector<1x1x1x16xf32>,
        %swap3A_1682 = vector.shape_cast %swap3A_1681 : vector<1x1x1x16xf32> to vector<16xf32>
        %swap3A_1683 = vector.shape_cast %get3A_1644 : vector<16xf32> to vector<1x1x1x16xf32>
        tpu.vector_store %arg5[%swap3A_1677, %swap3A_1678, %swap3A_1679, %swap3A_1680], %swap3A_1683 {add = true, strides = array<i32>} : memref<8x2x4x1024xf32, #tpu.memory_space<vmem>>, vector<1x1x1x16xf32>,
        %get3A_1684 = arith.constant 3 : i32
        %get3A_1685 = arith.constant 1 : i32
        %get3A_1686 = arith.index_cast %get3A_1684 : i32 to index
        %get3A_1687 = arith.index_cast %get3A_1685 : i32 to index
        %get3A_1688 = arith.index_cast %mul3A_1638 : i32 to index
        %get3A_1689 = tpu.vector_load %arg6[%get3A_1686, %get3A_1687, %get3A_1688] {strides = array<i32>} : memref<8x2x1024xf32, #tpu.memory_space<vmem>>, vector<1x1x16xf32>,
        %get3A_1690 = vector.shape_cast %get3A_1689 : vector<1x1x16xf32> to vector<16xf32>
        %swap3A_1691 = arith.constant 3 : i32
        %swap3A_1692 = arith.constant 1 : i32
        %swap3A_1693 = arith.constant 0 : i32
        %swap3A_1694 = arith.index_cast %swap3A_1691 : i32 to index
        %swap3A_1695 = arith.index_cast %swap3A_1692 : i32 to index
        %swap3A_1696 = arith.index_cast %swap3A_1693 : i32 to index
        %swap3A_1697 = arith.index_cast %mul3A_1638 : i32 to index
        %swap3A_1698 = tpu.vector_load %arg5[%swap3A_1694, %swap3A_1695, %swap3A_1696, %swap3A_1697] {strides = array<i32>} : memref<8x2x4x1024xf32, #tpu.memory_space<vmem>>, vector<1x1x1x16xf32>,
        %swap3A_1699 = vector.shape_cast %swap3A_1698 : vector<1x1x1x16xf32> to vector<16xf32>
        %swap3A_1700 = vector.shape_cast %get3A_1690 : vector<16xf32> to vector<1x1x1x16xf32>
        tpu.vector_store %arg5[%swap3A_1694, %swap3A_1695, %swap3A_1696, %swap3A_1697], %swap3A_1700 {add = true, strides = array<i32>} : memref<8x2x4x1024xf32, #tpu.memory_space<vmem>>, vector<1x1x1x16xf32>,
        %swap3A_1701 = arith.constant 3 : i32
        %swap3A_1702 = arith.constant 1 : i32
        %swap3A_1703 = arith.constant 1 : i32
        %swap3A_1704 = arith.index_cast %swap3A_1701 : i32 to index
        %swap3A_1705 = arith.index_cast %swap3A_1702 : i32 to index
        %swap3A_1706 = arith.index_cast %swap3A_1703 : i32 to index
        %swap3A_1707 = arith.index_cast %mul3A_1638 : i32 to index
        %swap3A_1708 = tpu.vector_load %arg5[%swap3A_1704, %swap3A_1705, %swap3A_1706, %swap3A_1707] {strides = array<i32>} : memref<8x2x4x1024xf32, #tpu.memory_space<vmem>>, vector<1x1x1x16xf32>,
        %swap3A_1709 = vector.shape_cast %swap3A_1708 : vector<1x1x1x16xf32> to vector<16xf32>
        %swap3A_1710 = vector.shape_cast %get3A_1690 : vector<16xf32> to vector<1x1x1x16xf32>
        tpu.vector_store %arg5[%swap3A_1704, %swap3A_1705, %swap3A_1706, %swap3A_1707], %swap3A_1710 {add = true, strides = array<i32>} : memref<8x2x4x1024xf32, #tpu.memory_space<vmem>>, vector<1x1x1x16xf32>,
        %swap3A_1711 = arith.constant 3 : i32
        %swap3A_1712 = arith.constant 1 : i32
        %swap3A_1713 = arith.constant 2 : i32
        %swap3A_1714 = arith.index_cast %swap3A_1711 : i32 to index
        %swap3A_1715 = arith.index_cast %swap3A_1712 : i32 to index
        %swap3A_1716 = arith.index_cast %swap3A_1713 : i32 to index
        %swap3A_1717 = arith.index_cast %mul3A_1638 : i32 to index
        %swap3A_1718 = tpu.vector_load %arg5[%swap3A_1714, %swap3A_1715, %swap3A_1716, %swap3A_1717] {strides = array<i32>} : memref<8x2x4x1024xf32, #tpu.memory_space<vmem>>, vector<1x1x1x16xf32>,
        %swap3A_1719 = vector.shape_cast %swap3A_1718 : vector<1x1x1x16xf32> to vector<16xf32>
        %swap3A_1720 = vector.shape_cast %get3A_1690 : vector<16xf32> to vector<1x1x1x16xf32>
        tpu.vector_store %arg5[%swap3A_1714, %swap3A_1715, %swap3A_1716, %swap3A_1717], %swap3A_1720 {add = true, strides = array<i32>} : memref<8x2x4x1024xf32, #tpu.memory_space<vmem>>, vector<1x1x1x16xf32>,
        %swap3A_1721 = arith.constant 3 : i32
        %swap3A_1722 = arith.constant 1 : i32
        %swap3A_1723 = arith.constant 3 : i32
        %swap3A_1724 = arith.index_cast %swap3A_1721 : i32 to index
        %swap3A_1725 = arith.index_cast %swap3A_1722 : i32 to index
        %swap3A_1726 = arith.index_cast %swap3A_1723 : i32 to index
        %swap3A_1727 = arith.index_cast %mul3A_1638 : i32 to index
        %swap3A_1728 = tpu.vector_load %arg5[%swap3A_1724, %swap3A_1725, %swap3A_1726, %swap3A_1727] {strides = array<i32>} : memref<8x2x4x1024xf32, #tpu.memory_space<vmem>>, vector<1x1x1x16xf32>,
        %swap3A_1729 = vector.shape_cast %swap3A_1728 : vector<1x1x1x16xf32> to vector<16xf32>
        %swap3A_1730 = vector.shape_cast %get3A_1690 : vector<16xf32> to vector<1x1x1x16xf32>
        tpu.vector_store %arg5[%swap3A_1724, %swap3A_1725, %swap3A_1726, %swap3A_1727], %swap3A_1730 {add = true, strides = array<i32>} : memref<8x2x4x1024xf32, #tpu.memory_space<vmem>>, vector<1x1x1x16xf32>,
      }
      %scan3A_1279 = arith.constant 64 : i32
      %mul3A_1280 = arith.constant 2 : i32
      %mul3A_1281 = arith.muli %add3A_1219, %mul3A_1280 : i32
      %add3A_1282 = arith.addi %mul3A_2, %mul3A_1281 : i32
      %dma_start3A_1283 = arith.constant 3 : i32
      %dma_start3A_1284 = arith.constant 0 : i32
      %dma_start3A_1285 = arith.constant 0 : i32
      %dma_start3A_1286 = arith.constant 0 : i32
      %dma_start3A_1287 = tpu.memref_slice %arg5[%dma_start3A_1283, %dma_start3A_1284, %dma_start3A_1285, %dma_start3A_1286] : memref<8x2x4x1024xf32, #tpu.memory_space<vmem>> -> memref<1x2x4x1024xf32, #tpu.memory_space<vmem>>
      %dma_start3A_1288 = tpu.memref_squeeze %dma_start3A_1287 : memref<1x2x4x1024xf32, #tpu.memory_space<vmem>> -> memref<2x4x1024xf32, #tpu.memory_space<vmem>>
      %dma_start3A_1289 = arith.constant 0 : i32
      %dma_start3A_1290 = arith.constant 0 : i32
      %dma_start3A_1291 = tpu.memref_slice %arg4[%add3A_1282, %dma_start3A_1289, %dma_start3A_1290] : memref<4096x4x1024xf32, #tpu.memory_space<hbm>> -> memref<2x4x1024xf32, #tpu.memory_space<hbm>>
      %dma_start3A_1292 = arith.constant 0 : i32
      %dma_start3A_1293 = arith.constant 0 : i32
      %dma_start3A_1294 = tpu.memref_slice %arg4[%add3A_1282, %dma_start3A_1292, %dma_start3A_1293] : memref<4096x4x1024xf32, #tpu.memory_space<hbm>> -> memref<2x4x1024xf32, #tpu.memory_space<hbm>>
      %dma_start3A_1295 = arith.constant 0 : i32
      %dma_start3A_1296 = arith.constant 0 : i32
      %dma_start3A_1297 = arith.constant 0 : i32
      %dma_start3A_1298 = tpu.memref_slice %arg5[%dma_start3A_1283, %dma_start3A_1295, %dma_start3A_1296, %dma_start3A_1297] : memref<8x2x4x1024xf32, #tpu.memory_space<vmem>> -> memref<1x2x4x1024xf32, #tpu.memory_space<vmem>>
      %dma_start3A_1299 = tpu.memref_squeeze %dma_start3A_1298 : memref<1x2x4x1024xf32, #tpu.memory_space<vmem>> -> memref<2x4x1024xf32, #tpu.memory_space<vmem>>
      tpu.enqueue_dma source(%dma_start3A_1299 : memref<2x4x1024xf32, #tpu.memory_space<vmem>>) target(%dma_start3A_1294 : memref<2x4x1024xf32, #tpu.memory_space<hbm>>) target_semaphore(%arg26 : memref<!tpu.dma_semaphore, #tpu.memory_space<semaphore_mem>>)
      %mul3A_1300 = arith.constant 8 : i32
      %mul3A_1301 = arith.muli %scan3A_966, %mul3A_1300 : i32
      %add3A_1302 = arith.constant 4 : i32
      %add3A_1303 = arith.addi %mul3A_1301, %add3A_1302 : i32
      %add3A_1304 = arith.constant 4 : i32
      %add3A_1305 = arith.addi %add3A_1303, %add3A_1304 : i32
      %dma_wait3A_1306 = arith.constant 0 : i32
      %dma_wait3A_1307 = arith.constant 0 : i32
      %dma_wait3A_1308 = arith.constant 0 : i32
      %dma_wait3A_1309 = arith.constant 0 : i32
      %dma_wait3A_1310 = tpu.memref_slice %arg5[%dma_wait3A_1306, %dma_wait3A_1307, %dma_wait3A_1308, %dma_wait3A_1309] : memref<8x2x4x1024xf32, #tpu.memory_space<vmem>> -> memref<1x2x4x1024xf32, #tpu.memory_space<vmem>>
      %dma_wait3A_1311 = tpu.memref_squeeze %dma_wait3A_1310 : memref<1x2x4x1024xf32, #tpu.memory_space<vmem>> -> memref<2x4x1024xf32, #tpu.memory_space<vmem>>
      %dma_wait3A_1312 = arith.constant 0 : i32
      %dma_wait3A_1313 = arith.constant 0 : i32
      %dma_wait3A_1314 = tpu.memref_slice %arg4[%mul3A_2, %dma_wait3A_1312, %dma_wait3A_1313] : memref<4096x4x1024xf32, #tpu.memory_space<hbm>> -> memref<2x4x1024xf32, #tpu.memory_space<hbm>>
      %dma_wait3A_1315 = arith.constant 0 : i32
      %dma_wait3A_1316 = arith.constant 0 : i32
      %dma_wait3A_1317 = tpu.memref_slice %arg4[%mul3A_2, %dma_wait3A_1315, %dma_wait3A_1316] : memref<4096x4x1024xf32, #tpu.memory_space<hbm>> -> memref<2x4x1024xf32, #tpu.memory_space<hbm>>
      %dma_wait3A_1318 = arith.constant 0 : i32
      %dma_wait3A_1319 = arith.constant 0 : i32
      %dma_wait3A_1320 = arith.constant 0 : i32
      %dma_wait3A_1321 = tpu.memref_slice %arg5[%dma_wait3A_1306, %dma_wait3A_1318, %dma_wait3A_1319, %dma_wait3A_1320] : memref<8x2x4x1024xf32, #tpu.memory_space<vmem>> -> memref<1x2x4x1024xf32, #tpu.memory_space<vmem>>
      %dma_wait3A_1322 = tpu.memref_squeeze %dma_wait3A_1321 : memref<1x2x4x1024xf32, #tpu.memory_space<vmem>> -> memref<2x4x1024xf32, #tpu.memory_space<vmem>>
      tpu.wait_dma2 semaphore(%arg23 : memref<!tpu.dma_semaphore, #tpu.memory_space<semaphore_mem>>) src(%dma_wait3A_1322 : memref<2x4x1024xf32, #tpu.memory_space<vmem>>) dst(%dma_wait3A_1317 : memref<2x4x1024xf32, #tpu.memory_space<hbm>>)
      %lt3A_1323 = arith.constant 64 : i32
      %lt3A_1324 = arith.cmpi slt, %add3A_1305, %lt3A_1323 : i32
      %convert_element_type3A_1325 = arith.extui %lt3A_1324 : i1 to i32
      %cond3A_1326 = arith.constant 0 : i32
      %cond3A_1327 = arith.cmpi ne, %convert_element_type3A_1325, %cond3A_1326 : i32
      scf.if %cond3A_1327 {
        %mul3A_1636 = arith.constant 2 : i32
        %mul3A_1637 = arith.muli %add3A_1305, %mul3A_1636 : i32
        %add3A_1638 = arith.addi %mul3A_2, %mul3A_1637 : i32
        %dma_start3A_1639 = arith.constant 0 : i32
        %dma_start3A_1640 = arith.constant 0 : i32
        %dma_start3A_1641 = arith.constant 0 : i32
        %dma_start3A_1642 = arith.constant 0 : i32
        %dma_start3A_1643 = tpu.memref_slice %arg5[%dma_start3A_1639, %dma_start3A_1640, %dma_start3A_1641, %dma_start3A_1642] : memref<8x2x4x1024xf32, #tpu.memory_space<vmem>> -> memref<1x2x4x1024xf32, #tpu.memory_space<vmem>>
        %dma_start3A_1644 = tpu.memref_squeeze %dma_start3A_1643 : memref<1x2x4x1024xf32, #tpu.memory_space<vmem>> -> memref<2x4x1024xf32, #tpu.memory_space<vmem>>
        %dma_start3A_1645 = arith.constant 0 : i32
        %dma_start3A_1646 = arith.constant 0 : i32
        %dma_start3A_1647 = tpu.memref_slice %arg2[%add3A_1638, %dma_start3A_1645, %dma_start3A_1646] : memref<4096x4x1024xf32, #tpu.memory_space<hbm>> -> memref<2x4x1024xf32, #tpu.memory_space<hbm>>
        %dma_start3A_1648 = arith.constant 0 : i32
        %dma_start3A_1649 = arith.constant 0 : i32
        %dma_start3A_1650 = arith.constant 0 : i32
        %dma_start3A_1651 = tpu.memref_slice %arg5[%dma_start3A_1639, %dma_start3A_1648, %dma_start3A_1649, %dma_start3A_1650] : memref<8x2x4x1024xf32, #tpu.memory_space<vmem>> -> memref<1x2x4x1024xf32, #tpu.memory_space<vmem>>
        %dma_start3A_1652 = tpu.memref_squeeze %dma_start3A_1651 : memref<1x2x4x1024xf32, #tpu.memory_space<vmem>> -> memref<2x4x1024xf32, #tpu.memory_space<vmem>>
        %dma_start3A_1653 = arith.constant 0 : i32
        %dma_start3A_1654 = arith.constant 0 : i32
        %dma_start3A_1655 = tpu.memref_slice %arg2[%add3A_1638, %dma_start3A_1653, %dma_start3A_1654] : memref<4096x4x1024xf32, #tpu.memory_space<hbm>> -> memref<2x4x1024xf32, #tpu.memory_space<hbm>>
        tpu.enqueue_dma source(%dma_start3A_1655 : memref<2x4x1024xf32, #tpu.memory_space<hbm>>) target(%dma_start3A_1652 : memref<2x4x1024xf32, #tpu.memory_space<vmem>>) target_semaphore(%arg7 : memref<!tpu.dma_semaphore, #tpu.memory_space<semaphore_mem>>)
        %dma_start3A_1656 = arith.constant 0 : i32
        %dma_start3A_1657 = arith.constant 0 : i32
        %dma_start3A_1658 = arith.constant 0 : i32
        %dma_start3A_1659 = tpu.memref_slice %arg6[%dma_start3A_1656, %dma_start3A_1657, %dma_start3A_1658] : memref<8x2x1024xf32, #tpu.memory_space<vmem>> -> memref<1x2x1024xf32, #tpu.memory_space<vmem>>
        %dma_start3A_1660 = tpu.memref_squeeze %dma_start3A_1659 : memref<1x2x1024xf32, #tpu.memory_space<vmem>> -> memref<2x1024xf32, #tpu.memory_space<vmem>>
        %dma_start3A_1661 = arith.constant 0 : i32
        %dma_start3A_1662 = tpu.memref_slice %arg3[%add3A_1638, %dma_start3A_1661] : memref<8192x1024xf32, #tpu.memory_space<hbm>> -> memref<2x1024xf32, #tpu.memory_space<hbm>>
        %dma_start3A_1663 = arith.constant 0 : i32
        %dma_start3A_1664 = arith.constant 0 : i32
        %dma_start3A_1665 = tpu.memref_slice %arg6[%dma_start3A_1656, %dma_start3A_1663, %dma_start3A_1664] : memref<8x2x1024xf32, #tpu.memory_space<vmem>> -> memref<1x2x1024xf32, #tpu.memory_space<vmem>>
        %dma_start3A_1666 = tpu.memref_squeeze %dma_start3A_1665 : memref<1x2x1024xf32, #tpu.memory_space<vmem>> -> memref<2x1024xf32, #tpu.memory_space<vmem>>
        %dma_start3A_1667 = arith.constant 0 : i32
        %dma_start3A_1668 = tpu.memref_slice %arg3[%add3A_1638, %dma_start3A_1667] : memref<8192x1024xf32, #tpu.memory_space<hbm>> -> memref<2x1024xf32, #tpu.memory_space<hbm>>
        tpu.enqueue_dma source(%dma_start3A_1668 : memref<2x1024xf32, #tpu.memory_space<hbm>>) target(%dma_start3A_1666 : memref<2x1024xf32, #tpu.memory_space<vmem>>) target_semaphore(%arg15 : memref<!tpu.dma_semaphore, #tpu.memory_space<semaphore_mem>>)
      } else {
      }
      %dma_wait3A_1328 = arith.constant 4 : i32
      %dma_wait3A_1329 = arith.constant 0 : i32
      %dma_wait3A_1330 = arith.constant 0 : i32
      %dma_wait3A_1331 = arith.constant 0 : i32
      %dma_wait3A_1332 = tpu.memref_slice %arg5[%dma_wait3A_1328, %dma_wait3A_1329, %dma_wait3A_1330, %dma_wait3A_1331] : memref<8x2x4x1024xf32, #tpu.memory_space<vmem>> -> memref<1x2x4x1024xf32, #tpu.memory_space<vmem>>
      %dma_wait3A_1333 = tpu.memref_squeeze %dma_wait3A_1332 : memref<1x2x4x1024xf32, #tpu.memory_space<vmem>> -> memref<2x4x1024xf32, #tpu.memory_space<vmem>>
      %dma_wait3A_1334 = arith.constant 0 : i32
      %dma_wait3A_1335 = arith.constant 0 : i32
      %dma_wait3A_1336 = tpu.memref_slice %arg2[%mul3A_2, %dma_wait3A_1334, %dma_wait3A_1335] : memref<4096x4x1024xf32, #tpu.memory_space<hbm>> -> memref<2x4x1024xf32, #tpu.memory_space<hbm>>
      %dma_wait3A_1337 = arith.constant 0 : i32
      %dma_wait3A_1338 = arith.constant 0 : i32
      %dma_wait3A_1339 = arith.constant 0 : i32
      %dma_wait3A_1340 = tpu.memref_slice %arg5[%dma_wait3A_1328, %dma_wait3A_1337, %dma_wait3A_1338, %dma_wait3A_1339] : memref<8x2x4x1024xf32, #tpu.memory_space<vmem>> -> memref<1x2x4x1024xf32, #tpu.memory_space<vmem>>
      %dma_wait3A_1341 = tpu.memref_squeeze %dma_wait3A_1340 : memref<1x2x4x1024xf32, #tpu.memory_space<vmem>> -> memref<2x4x1024xf32, #tpu.memory_space<vmem>>
      %dma_wait3A_1342 = arith.constant 0 : i32
      %dma_wait3A_1343 = arith.constant 0 : i32
      %dma_wait3A_1344 = tpu.memref_slice %arg2[%mul3A_2, %dma_wait3A_1342, %dma_wait3A_1343] : memref<4096x4x1024xf32, #tpu.memory_space<hbm>> -> memref<2x4x1024xf32, #tpu.memory_space<hbm>>
      tpu.wait_dma2 semaphore(%arg11 : memref<!tpu.dma_semaphore, #tpu.memory_space<semaphore_mem>>) src(%dma_wait3A_1344 : memref<2x4x1024xf32, #tpu.memory_space<hbm>>) dst(%dma_wait3A_1341 : memref<2x4x1024xf32, #tpu.memory_space<vmem>>)
      %dma_wait3A_1345 = arith.constant 4 : i32
      %dma_wait3A_1346 = arith.constant 0 : i32
      %dma_wait3A_1347 = arith.constant 0 : i32
      %dma_wait3A_1348 = tpu.memref_slice %arg6[%dma_wait3A_1345, %dma_wait3A_1346, %dma_wait3A_1347] : memref<8x2x1024xf32, #tpu.memory_space<vmem>> -> memref<1x2x1024xf32, #tpu.memory_space<vmem>>
      %dma_wait3A_1349 = tpu.memref_squeeze %dma_wait3A_1348 : memref<1x2x1024xf32, #tpu.memory_space<vmem>> -> memref<2x1024xf32, #tpu.memory_space<vmem>>
      %dma_wait3A_1350 = arith.constant 0 : i32
      %dma_wait3A_1351 = tpu.memref_slice %arg3[%mul3A_2, %dma_wait3A_1350] : memref<8192x1024xf32, #tpu.memory_space<hbm>> -> memref<2x1024xf32, #tpu.memory_space<hbm>>
      %dma_wait3A_1352 = arith.constant 0 : i32
      %dma_wait3A_1353 = arith.constant 0 : i32
      %dma_wait3A_1354 = tpu.memref_slice %arg6[%dma_wait3A_1345, %dma_wait3A_1352, %dma_wait3A_1353] : memref<8x2x1024xf32, #tpu.memory_space<vmem>> -> memref<1x2x1024xf32, #tpu.memory_space<vmem>>
      %dma_wait3A_1355 = tpu.memref_squeeze %dma_wait3A_1354 : memref<1x2x1024xf32, #tpu.memory_space<vmem>> -> memref<2x1024xf32, #tpu.memory_space<vmem>>
      %dma_wait3A_1356 = arith.constant 0 : i32
      %dma_wait3A_1357 = tpu.memref_slice %arg3[%mul3A_2, %dma_wait3A_1356] : memref<8192x1024xf32, #tpu.memory_space<hbm>> -> memref<2x1024xf32, #tpu.memory_space<hbm>>
      tpu.wait_dma2 semaphore(%arg19 : memref<!tpu.dma_semaphore, #tpu.memory_space<semaphore_mem>>) src(%dma_wait3A_1357 : memref<2x1024xf32, #tpu.memory_space<hbm>>) dst(%dma_wait3A_1355 : memref<2x1024xf32, #tpu.memory_space<vmem>>)
      %scan3A_1358 = arith.constant 0 : i32
      %scan3A_1359 = arith.constant 0 : i32
      %scan3A_1360 = arith.constant 64 : i32
      %scan3A_1361 = arith.addi %scan3A_1359, %scan3A_1360 : i32
      %scan3A_1362 = arith.constant 1 : i32
      scf.for %scan3A_1636 = %scan3A_1359 to %scan3A_1361 step %scan3A_1362  : i32 {
        %mul3A_1637 = arith.constant 16 : i32
        %mul3A_1638 = arith.muli %scan3A_1636, %mul3A_1637 : i32
        %get3A = arith.constant 4 : i32
        %get3A_1639 = arith.constant 0 : i32
        %get3A_1640 = arith.index_cast %get3A : i32 to index
        %get3A_1641 = arith.index_cast %get3A_1639 : i32 to index
        %get3A_1642 = arith.index_cast %mul3A_1638 : i32 to index
        %get3A_1643 = tpu.vector_load %arg6[%get3A_1640, %get3A_1641, %get3A_1642] {strides = array<i32>} : memref<8x2x1024xf32, #tpu.memory_space<vmem>>, vector<1x1x16xf32>,
        %get3A_1644 = vector.shape_cast %get3A_1643 : vector<1x1x16xf32> to vector<16xf32>
        %swap3A = arith.constant 4 : i32
        %swap3A_1645 = arith.constant 0 : i32
        %swap3A_1646 = arith.constant 0 : i32
        %swap3A_1647 = arith.index_cast %swap3A : i32 to index
        %swap3A_1648 = arith.index_cast %swap3A_1645 : i32 to index
        %swap3A_1649 = arith.index_cast %swap3A_1646 : i32 to index
        %swap3A_1650 = arith.index_cast %mul3A_1638 : i32 to index
        %swap3A_1651 = tpu.vector_load %arg5[%swap3A_1647, %swap3A_1648, %swap3A_1649, %swap3A_1650] {strides = array<i32>} : memref<8x2x4x1024xf32, #tpu.memory_space<vmem>>, vector<1x1x1x16xf32>,
        %swap3A_1652 = vector.shape_cast %swap3A_1651 : vector<1x1x1x16xf32> to vector<16xf32>
        %swap3A_1653 = vector.shape_cast %get3A_1644 : vector<16xf32> to vector<1x1x1x16xf32>
        tpu.vector_store %arg5[%swap3A_1647, %swap3A_1648, %swap3A_1649, %swap3A_1650], %swap3A_1653 {add = true, strides = array<i32>} : memref<8x2x4x1024xf32, #tpu.memory_space<vmem>>, vector<1x1x1x16xf32>,
        %swap3A_1654 = arith.constant 4 : i32
        %swap3A_1655 = arith.constant 0 : i32
        %swap3A_1656 = arith.constant 1 : i32
        %swap3A_1657 = arith.index_cast %swap3A_1654 : i32 to index
        %swap3A_1658 = arith.index_cast %swap3A_1655 : i32 to index
        %swap3A_1659 = arith.index_cast %swap3A_1656 : i32 to index
        %swap3A_1660 = arith.index_cast %mul3A_1638 : i32 to index
        %swap3A_1661 = tpu.vector_load %arg5[%swap3A_1657, %swap3A_1658, %swap3A_1659, %swap3A_1660] {strides = array<i32>} : memref<8x2x4x1024xf32, #tpu.memory_space<vmem>>, vector<1x1x1x16xf32>,
        %swap3A_1662 = vector.shape_cast %swap3A_1661 : vector<1x1x1x16xf32> to vector<16xf32>
        %swap3A_1663 = vector.shape_cast %get3A_1644 : vector<16xf32> to vector<1x1x1x16xf32>
        tpu.vector_store %arg5[%swap3A_1657, %swap3A_1658, %swap3A_1659, %swap3A_1660], %swap3A_1663 {add = true, strides = array<i32>} : memref<8x2x4x1024xf32, #tpu.memory_space<vmem>>, vector<1x1x1x16xf32>,
        %swap3A_1664 = arith.constant 4 : i32
        %swap3A_1665 = arith.constant 0 : i32
        %swap3A_1666 = arith.constant 2 : i32
        %swap3A_1667 = arith.index_cast %swap3A_1664 : i32 to index
        %swap3A_1668 = arith.index_cast %swap3A_1665 : i32 to index
        %swap3A_1669 = arith.index_cast %swap3A_1666 : i32 to index
        %swap3A_1670 = arith.index_cast %mul3A_1638 : i32 to index
        %swap3A_1671 = tpu.vector_load %arg5[%swap3A_1667, %swap3A_1668, %swap3A_1669, %swap3A_1670] {strides = array<i32>} : memref<8x2x4x1024xf32, #tpu.memory_space<vmem>>, vector<1x1x1x16xf32>,
        %swap3A_1672 = vector.shape_cast %swap3A_1671 : vector<1x1x1x16xf32> to vector<16xf32>
        %swap3A_1673 = vector.shape_cast %get3A_1644 : vector<16xf32> to vector<1x1x1x16xf32>
        tpu.vector_store %arg5[%swap3A_1667, %swap3A_1668, %swap3A_1669, %swap3A_1670], %swap3A_1673 {add = true, strides = array<i32>} : memref<8x2x4x1024xf32, #tpu.memory_space<vmem>>, vector<1x1x1x16xf32>,
        %swap3A_1674 = arith.constant 4 : i32
        %swap3A_1675 = arith.constant 0 : i32
        %swap3A_1676 = arith.constant 3 : i32
        %swap3A_1677 = arith.index_cast %swap3A_1674 : i32 to index
        %swap3A_1678 = arith.index_cast %swap3A_1675 : i32 to index
        %swap3A_1679 = arith.index_cast %swap3A_1676 : i32 to index
        %swap3A_1680 = arith.index_cast %mul3A_1638 : i32 to index
        %swap3A_1681 = tpu.vector_load %arg5[%swap3A_1677, %swap3A_1678, %swap3A_1679, %swap3A_1680] {strides = array<i32>} : memref<8x2x4x1024xf32, #tpu.memory_space<vmem>>, vector<1x1x1x16xf32>,
        %swap3A_1682 = vector.shape_cast %swap3A_1681 : vector<1x1x1x16xf32> to vector<16xf32>
        %swap3A_1683 = vector.shape_cast %get3A_1644 : vector<16xf32> to vector<1x1x1x16xf32>
        tpu.vector_store %arg5[%swap3A_1677, %swap3A_1678, %swap3A_1679, %swap3A_1680], %swap3A_1683 {add = true, strides = array<i32>} : memref<8x2x4x1024xf32, #tpu.memory_space<vmem>>, vector<1x1x1x16xf32>,
        %get3A_1684 = arith.constant 4 : i32
        %get3A_1685 = arith.constant 1 : i32
        %get3A_1686 = arith.index_cast %get3A_1684 : i32 to index
        %get3A_1687 = arith.index_cast %get3A_1685 : i32 to index
        %get3A_1688 = arith.index_cast %mul3A_1638 : i32 to index
        %get3A_1689 = tpu.vector_load %arg6[%get3A_1686, %get3A_1687, %get3A_1688] {strides = array<i32>} : memref<8x2x1024xf32, #tpu.memory_space<vmem>>, vector<1x1x16xf32>,
        %get3A_1690 = vector.shape_cast %get3A_1689 : vector<1x1x16xf32> to vector<16xf32>
        %swap3A_1691 = arith.constant 4 : i32
        %swap3A_1692 = arith.constant 1 : i32
        %swap3A_1693 = arith.constant 0 : i32
        %swap3A_1694 = arith.index_cast %swap3A_1691 : i32 to index
        %swap3A_1695 = arith.index_cast %swap3A_1692 : i32 to index
        %swap3A_1696 = arith.index_cast %swap3A_1693 : i32 to index
        %swap3A_1697 = arith.index_cast %mul3A_1638 : i32 to index
        %swap3A_1698 = tpu.vector_load %arg5[%swap3A_1694, %swap3A_1695, %swap3A_1696, %swap3A_1697] {strides = array<i32>} : memref<8x2x4x1024xf32, #tpu.memory_space<vmem>>, vector<1x1x1x16xf32>,
        %swap3A_1699 = vector.shape_cast %swap3A_1698 : vector<1x1x1x16xf32> to vector<16xf32>
        %swap3A_1700 = vector.shape_cast %get3A_1690 : vector<16xf32> to vector<1x1x1x16xf32>
        tpu.vector_store %arg5[%swap3A_1694, %swap3A_1695, %swap3A_1696, %swap3A_1697], %swap3A_1700 {add = true, strides = array<i32>} : memref<8x2x4x1024xf32, #tpu.memory_space<vmem>>, vector<1x1x1x16xf32>,
        %swap3A_1701 = arith.constant 4 : i32
        %swap3A_1702 = arith.constant 1 : i32
        %swap3A_1703 = arith.constant 1 : i32
        %swap3A_1704 = arith.index_cast %swap3A_1701 : i32 to index
        %swap3A_1705 = arith.index_cast %swap3A_1702 : i32 to index
        %swap3A_1706 = arith.index_cast %swap3A_1703 : i32 to index
        %swap3A_1707 = arith.index_cast %mul3A_1638 : i32 to index
        %swap3A_1708 = tpu.vector_load %arg5[%swap3A_1704, %swap3A_1705, %swap3A_1706, %swap3A_1707] {strides = array<i32>} : memref<8x2x4x1024xf32, #tpu.memory_space<vmem>>, vector<1x1x1x16xf32>,
        %swap3A_1709 = vector.shape_cast %swap3A_1708 : vector<1x1x1x16xf32> to vector<16xf32>
        %swap3A_1710 = vector.shape_cast %get3A_1690 : vector<16xf32> to vector<1x1x1x16xf32>
        tpu.vector_store %arg5[%swap3A_1704, %swap3A_1705, %swap3A_1706, %swap3A_1707], %swap3A_1710 {add = true, strides = array<i32>} : memref<8x2x4x1024xf32, #tpu.memory_space<vmem>>, vector<1x1x1x16xf32>,
        %swap3A_1711 = arith.constant 4 : i32
        %swap3A_1712 = arith.constant 1 : i32
        %swap3A_1713 = arith.constant 2 : i32
        %swap3A_1714 = arith.index_cast %swap3A_1711 : i32 to index
        %swap3A_1715 = arith.index_cast %swap3A_1712 : i32 to index
        %swap3A_1716 = arith.index_cast %swap3A_1713 : i32 to index
        %swap3A_1717 = arith.index_cast %mul3A_1638 : i32 to index
        %swap3A_1718 = tpu.vector_load %arg5[%swap3A_1714, %swap3A_1715, %swap3A_1716, %swap3A_1717] {strides = array<i32>} : memref<8x2x4x1024xf32, #tpu.memory_space<vmem>>, vector<1x1x1x16xf32>,
        %swap3A_1719 = vector.shape_cast %swap3A_1718 : vector<1x1x1x16xf32> to vector<16xf32>
        %swap3A_1720 = vector.shape_cast %get3A_1690 : vector<16xf32> to vector<1x1x1x16xf32>
        tpu.vector_store %arg5[%swap3A_1714, %swap3A_1715, %swap3A_1716, %swap3A_1717], %swap3A_1720 {add = true, strides = array<i32>} : memref<8x2x4x1024xf32, #tpu.memory_space<vmem>>, vector<1x1x1x16xf32>,
        %swap3A_1721 = arith.constant 4 : i32
        %swap3A_1722 = arith.constant 1 : i32
        %swap3A_1723 = arith.constant 3 : i32
        %swap3A_1724 = arith.index_cast %swap3A_1721 : i32 to index
        %swap3A_1725 = arith.index_cast %swap3A_1722 : i32 to index
        %swap3A_1726 = arith.index_cast %swap3A_1723 : i32 to index
        %swap3A_1727 = arith.index_cast %mul3A_1638 : i32 to index
        %swap3A_1728 = tpu.vector_load %arg5[%swap3A_1724, %swap3A_1725, %swap3A_1726, %swap3A_1727] {strides = array<i32>} : memref<8x2x4x1024xf32, #tpu.memory_space<vmem>>, vector<1x1x1x16xf32>,
        %swap3A_1729 = vector.shape_cast %swap3A_1728 : vector<1x1x1x16xf32> to vector<16xf32>
        %swap3A_1730 = vector.shape_cast %get3A_1690 : vector<16xf32> to vector<1x1x1x16xf32>
        tpu.vector_store %arg5[%swap3A_1724, %swap3A_1725, %swap3A_1726, %swap3A_1727], %swap3A_1730 {add = true, strides = array<i32>} : memref<8x2x4x1024xf32, #tpu.memory_space<vmem>>, vector<1x1x1x16xf32>,
      }
      %scan3A_1363 = arith.constant 64 : i32
      %mul3A_1364 = arith.constant 2 : i32
      %mul3A_1365 = arith.muli %add3A_1303, %mul3A_1364 : i32
      %add3A_1366 = arith.addi %mul3A_2, %mul3A_1365 : i32
      %dma_start3A_1367 = arith.constant 4 : i32
      %dma_start3A_1368 = arith.constant 0 : i32
      %dma_start3A_1369 = arith.constant 0 : i32
      %dma_start3A_1370 = arith.constant 0 : i32
      %dma_start3A_1371 = tpu.memref_slice %arg5[%dma_start3A_1367, %dma_start3A_1368, %dma_start3A_1369, %dma_start3A_1370] : memref<8x2x4x1024xf32, #tpu.memory_space<vmem>> -> memref<1x2x4x1024xf32, #tpu.memory_space<vmem>>
      %dma_start3A_1372 = tpu.memref_squeeze %dma_start3A_1371 : memref<1x2x4x1024xf32, #tpu.memory_space<vmem>> -> memref<2x4x1024xf32, #tpu.memory_space<vmem>>
      %dma_start3A_1373 = arith.constant 0 : i32
      %dma_start3A_1374 = arith.constant 0 : i32
      %dma_start3A_1375 = tpu.memref_slice %arg4[%add3A_1366, %dma_start3A_1373, %dma_start3A_1374] : memref<4096x4x1024xf32, #tpu.memory_space<hbm>> -> memref<2x4x1024xf32, #tpu.memory_space<hbm>>
      %dma_start3A_1376 = arith.constant 0 : i32
      %dma_start3A_1377 = arith.constant 0 : i32
      %dma_start3A_1378 = tpu.memref_slice %arg4[%add3A_1366, %dma_start3A_1376, %dma_start3A_1377] : memref<4096x4x1024xf32, #tpu.memory_space<hbm>> -> memref<2x4x1024xf32, #tpu.memory_space<hbm>>
      %dma_start3A_1379 = arith.constant 0 : i32
      %dma_start3A_1380 = arith.constant 0 : i32
      %dma_start3A_1381 = arith.constant 0 : i32
      %dma_start3A_1382 = tpu.memref_slice %arg5[%dma_start3A_1367, %dma_start3A_1379, %dma_start3A_1380, %dma_start3A_1381] : memref<8x2x4x1024xf32, #tpu.memory_space<vmem>> -> memref<1x2x4x1024xf32, #tpu.memory_space<vmem>>
      %dma_start3A_1383 = tpu.memref_squeeze %dma_start3A_1382 : memref<1x2x4x1024xf32, #tpu.memory_space<vmem>> -> memref<2x4x1024xf32, #tpu.memory_space<vmem>>
      tpu.enqueue_dma source(%dma_start3A_1383 : memref<2x4x1024xf32, #tpu.memory_space<vmem>>) target(%dma_start3A_1378 : memref<2x4x1024xf32, #tpu.memory_space<hbm>>) target_semaphore(%arg27 : memref<!tpu.dma_semaphore, #tpu.memory_space<semaphore_mem>>)
      %mul3A_1384 = arith.constant 8 : i32
      %mul3A_1385 = arith.muli %scan3A_966, %mul3A_1384 : i32
      %add3A_1386 = arith.constant 5 : i32
      %add3A_1387 = arith.addi %mul3A_1385, %add3A_1386 : i32
      %add3A_1388 = arith.constant 4 : i32
      %add3A_1389 = arith.addi %add3A_1387, %add3A_1388 : i32
      %dma_wait3A_1390 = arith.constant 1 : i32
      %dma_wait3A_1391 = arith.constant 0 : i32
      %dma_wait3A_1392 = arith.constant 0 : i32
      %dma_wait3A_1393 = arith.constant 0 : i32
      %dma_wait3A_1394 = tpu.memref_slice %arg5[%dma_wait3A_1390, %dma_wait3A_1391, %dma_wait3A_1392, %dma_wait3A_1393] : memref<8x2x4x1024xf32, #tpu.memory_space<vmem>> -> memref<1x2x4x1024xf32, #tpu.memory_space<vmem>>
      %dma_wait3A_1395 = tpu.memref_squeeze %dma_wait3A_1394 : memref<1x2x4x1024xf32, #tpu.memory_space<vmem>> -> memref<2x4x1024xf32, #tpu.memory_space<vmem>>
      %dma_wait3A_1396 = arith.constant 0 : i32
      %dma_wait3A_1397 = arith.constant 0 : i32
      %dma_wait3A_1398 = tpu.memref_slice %arg4[%mul3A_2, %dma_wait3A_1396, %dma_wait3A_1397] : memref<4096x4x1024xf32, #tpu.memory_space<hbm>> -> memref<2x4x1024xf32, #tpu.memory_space<hbm>>
      %dma_wait3A_1399 = arith.constant 0 : i32
      %dma_wait3A_1400 = arith.constant 0 : i32
      %dma_wait3A_1401 = tpu.memref_slice %arg4[%mul3A_2, %dma_wait3A_1399, %dma_wait3A_1400] : memref<4096x4x1024xf32, #tpu.memory_space<hbm>> -> memref<2x4x1024xf32, #tpu.memory_space<hbm>>
      %dma_wait3A_1402 = arith.constant 0 : i32
      %dma_wait3A_1403 = arith.constant 0 : i32
      %dma_wait3A_1404 = arith.constant 0 : i32
      %dma_wait3A_1405 = tpu.memref_slice %arg5[%dma_wait3A_1390, %dma_wait3A_1402, %dma_wait3A_1403, %dma_wait3A_1404] : memref<8x2x4x1024xf32, #tpu.memory_space<vmem>> -> memref<1x2x4x1024xf32, #tpu.memory_space<vmem>>
      %dma_wait3A_1406 = tpu.memref_squeeze %dma_wait3A_1405 : memref<1x2x4x1024xf32, #tpu.memory_space<vmem>> -> memref<2x4x1024xf32, #tpu.memory_space<vmem>>
      tpu.wait_dma2 semaphore(%arg24 : memref<!tpu.dma_semaphore, #tpu.memory_space<semaphore_mem>>) src(%dma_wait3A_1406 : memref<2x4x1024xf32, #tpu.memory_space<vmem>>) dst(%dma_wait3A_1401 : memref<2x4x1024xf32, #tpu.memory_space<hbm>>)
      %lt3A_1407 = arith.constant 64 : i32
      %lt3A_1408 = arith.cmpi slt, %add3A_1389, %lt3A_1407 : i32
      %convert_element_type3A_1409 = arith.extui %lt3A_1408 : i1 to i32
      %cond3A_1410 = arith.constant 0 : i32
      %cond3A_1411 = arith.cmpi ne, %convert_element_type3A_1409, %cond3A_1410 : i32
      scf.if %cond3A_1411 {
        %mul3A_1636 = arith.constant 2 : i32
        %mul3A_1637 = arith.muli %add3A_1389, %mul3A_1636 : i32
        %add3A_1638 = arith.addi %mul3A_2, %mul3A_1637 : i32
        %dma_start3A_1639 = arith.constant 1 : i32
        %dma_start3A_1640 = arith.constant 0 : i32
        %dma_start3A_1641 = arith.constant 0 : i32
        %dma_start3A_1642 = arith.constant 0 : i32
        %dma_start3A_1643 = tpu.memref_slice %arg5[%dma_start3A_1639, %dma_start3A_1640, %dma_start3A_1641, %dma_start3A_1642] : memref<8x2x4x1024xf32, #tpu.memory_space<vmem>> -> memref<1x2x4x1024xf32, #tpu.memory_space<vmem>>
        %dma_start3A_1644 = tpu.memref_squeeze %dma_start3A_1643 : memref<1x2x4x1024xf32, #tpu.memory_space<vmem>> -> memref<2x4x1024xf32, #tpu.memory_space<vmem>>
        %dma_start3A_1645 = arith.constant 0 : i32
        %dma_start3A_1646 = arith.constant 0 : i32
        %dma_start3A_1647 = tpu.memref_slice %arg2[%add3A_1638, %dma_start3A_1645, %dma_start3A_1646] : memref<4096x4x1024xf32, #tpu.memory_space<hbm>> -> memref<2x4x1024xf32, #tpu.memory_space<hbm>>
        %dma_start3A_1648 = arith.constant 0 : i32
        %dma_start3A_1649 = arith.constant 0 : i32
        %dma_start3A_1650 = arith.constant 0 : i32
        %dma_start3A_1651 = tpu.memref_slice %arg5[%dma_start3A_1639, %dma_start3A_1648, %dma_start3A_1649, %dma_start3A_1650] : memref<8x2x4x1024xf32, #tpu.memory_space<vmem>> -> memref<1x2x4x1024xf32, #tpu.memory_space<vmem>>
        %dma_start3A_1652 = tpu.memref_squeeze %dma_start3A_1651 : memref<1x2x4x1024xf32, #tpu.memory_space<vmem>> -> memref<2x4x1024xf32, #tpu.memory_space<vmem>>
        %dma_start3A_1653 = arith.constant 0 : i32
        %dma_start3A_1654 = arith.constant 0 : i32
        %dma_start3A_1655 = tpu.memref_slice %arg2[%add3A_1638, %dma_start3A_1653, %dma_start3A_1654] : memref<4096x4x1024xf32, #tpu.memory_space<hbm>> -> memref<2x4x1024xf32, #tpu.memory_space<hbm>>
        tpu.enqueue_dma source(%dma_start3A_1655 : memref<2x4x1024xf32, #tpu.memory_space<hbm>>) target(%dma_start3A_1652 : memref<2x4x1024xf32, #tpu.memory_space<vmem>>) target_semaphore(%arg8 : memref<!tpu.dma_semaphore, #tpu.memory_space<semaphore_mem>>)
        %dma_start3A_1656 = arith.constant 1 : i32
        %dma_start3A_1657 = arith.constant 0 : i32
        %dma_start3A_1658 = arith.constant 0 : i32
        %dma_start3A_1659 = tpu.memref_slice %arg6[%dma_start3A_1656, %dma_start3A_1657, %dma_start3A_1658] : memref<8x2x1024xf32, #tpu.memory_space<vmem>> -> memref<1x2x1024xf32, #tpu.memory_space<vmem>>
        %dma_start3A_1660 = tpu.memref_squeeze %dma_start3A_1659 : memref<1x2x1024xf32, #tpu.memory_space<vmem>> -> memref<2x1024xf32, #tpu.memory_space<vmem>>
        %dma_start3A_1661 = arith.constant 0 : i32
        %dma_start3A_1662 = tpu.memref_slice %arg3[%add3A_1638, %dma_start3A_1661] : memref<8192x1024xf32, #tpu.memory_space<hbm>> -> memref<2x1024xf32, #tpu.memory_space<hbm>>
        %dma_start3A_1663 = arith.constant 0 : i32
        %dma_start3A_1664 = arith.constant 0 : i32
        %dma_start3A_1665 = tpu.memref_slice %arg6[%dma_start3A_1656, %dma_start3A_1663, %dma_start3A_1664] : memref<8x2x1024xf32, #tpu.memory_space<vmem>> -> memref<1x2x1024xf32, #tpu.memory_space<vmem>>
        %dma_start3A_1666 = tpu.memref_squeeze %dma_start3A_1665 : memref<1x2x1024xf32, #tpu.memory_space<vmem>> -> memref<2x1024xf32, #tpu.memory_space<vmem>>
        %dma_start3A_1667 = arith.constant 0 : i32
        %dma_start3A_1668 = tpu.memref_slice %arg3[%add3A_1638, %dma_start3A_1667] : memref<8192x1024xf32, #tpu.memory_space<hbm>> -> memref<2x1024xf32, #tpu.memory_space<hbm>>
        tpu.enqueue_dma source(%dma_start3A_1668 : memref<2x1024xf32, #tpu.memory_space<hbm>>) target(%dma_start3A_1666 : memref<2x1024xf32, #tpu.memory_space<vmem>>) target_semaphore(%arg16 : memref<!tpu.dma_semaphore, #tpu.memory_space<semaphore_mem>>)
      } else {
      }
      %dma_wait3A_1412 = arith.constant 5 : i32
      %dma_wait3A_1413 = arith.constant 0 : i32
      %dma_wait3A_1414 = arith.constant 0 : i32
      %dma_wait3A_1415 = arith.constant 0 : i32
      %dma_wait3A_1416 = tpu.memref_slice %arg5[%dma_wait3A_1412, %dma_wait3A_1413, %dma_wait3A_1414, %dma_wait3A_1415] : memref<8x2x4x1024xf32, #tpu.memory_space<vmem>> -> memref<1x2x4x1024xf32, #tpu.memory_space<vmem>>
      %dma_wait3A_1417 = tpu.memref_squeeze %dma_wait3A_1416 : memref<1x2x4x1024xf32, #tpu.memory_space<vmem>> -> memref<2x4x1024xf32, #tpu.memory_space<vmem>>
      %dma_wait3A_1418 = arith.constant 0 : i32
      %dma_wait3A_1419 = arith.constant 0 : i32
      %dma_wait3A_1420 = tpu.memref_slice %arg2[%mul3A_2, %dma_wait3A_1418, %dma_wait3A_1419] : memref<4096x4x1024xf32, #tpu.memory_space<hbm>> -> memref<2x4x1024xf32, #tpu.memory_space<hbm>>
      %dma_wait3A_1421 = arith.constant 0 : i32
      %dma_wait3A_1422 = arith.constant 0 : i32
      %dma_wait3A_1423 = arith.constant 0 : i32
      %dma_wait3A_1424 = tpu.memref_slice %arg5[%dma_wait3A_1412, %dma_wait3A_1421, %dma_wait3A_1422, %dma_wait3A_1423] : memref<8x2x4x1024xf32, #tpu.memory_space<vmem>> -> memref<1x2x4x1024xf32, #tpu.memory_space<vmem>>
      %dma_wait3A_1425 = tpu.memref_squeeze %dma_wait3A_1424 : memref<1x2x4x1024xf32, #tpu.memory_space<vmem>> -> memref<2x4x1024xf32, #tpu.memory_space<vmem>>
      %dma_wait3A_1426 = arith.constant 0 : i32
      %dma_wait3A_1427 = arith.constant 0 : i32
      %dma_wait3A_1428 = tpu.memref_slice %arg2[%mul3A_2, %dma_wait3A_1426, %dma_wait3A_1427] : memref<4096x4x1024xf32, #tpu.memory_space<hbm>> -> memref<2x4x1024xf32, #tpu.memory_space<hbm>>
      tpu.wait_dma2 semaphore(%arg12 : memref<!tpu.dma_semaphore, #tpu.memory_space<semaphore_mem>>) src(%dma_wait3A_1428 : memref<2x4x1024xf32, #tpu.memory_space<hbm>>) dst(%dma_wait3A_1425 : memref<2x4x1024xf32, #tpu.memory_space<vmem>>)
      %dma_wait3A_1429 = arith.constant 5 : i32
      %dma_wait3A_1430 = arith.constant 0 : i32
      %dma_wait3A_1431 = arith.constant 0 : i32
      %dma_wait3A_1432 = tpu.memref_slice %arg6[%dma_wait3A_1429, %dma_wait3A_1430, %dma_wait3A_1431] : memref<8x2x1024xf32, #tpu.memory_space<vmem>> -> memref<1x2x1024xf32, #tpu.memory_space<vmem>>
      %dma_wait3A_1433 = tpu.memref_squeeze %dma_wait3A_1432 : memref<1x2x1024xf32, #tpu.memory_space<vmem>> -> memref<2x1024xf32, #tpu.memory_space<vmem>>
      %dma_wait3A_1434 = arith.constant 0 : i32
      %dma_wait3A_1435 = tpu.memref_slice %arg3[%mul3A_2, %dma_wait3A_1434] : memref<8192x1024xf32, #tpu.memory_space<hbm>> -> memref<2x1024xf32, #tpu.memory_space<hbm>>
      %dma_wait3A_1436 = arith.constant 0 : i32
      %dma_wait3A_1437 = arith.constant 0 : i32
      %dma_wait3A_1438 = tpu.memref_slice %arg6[%dma_wait3A_1429, %dma_wait3A_1436, %dma_wait3A_1437] : memref<8x2x1024xf32, #tpu.memory_space<vmem>> -> memref<1x2x1024xf32, #tpu.memory_space<vmem>>
      %dma_wait3A_1439 = tpu.memref_squeeze %dma_wait3A_1438 : memref<1x2x1024xf32, #tpu.memory_space<vmem>> -> memref<2x1024xf32, #tpu.memory_space<vmem>>
      %dma_wait3A_1440 = arith.constant 0 : i32
      %dma_wait3A_1441 = tpu.memref_slice %arg3[%mul3A_2, %dma_wait3A_1440] : memref<8192x1024xf32, #tpu.memory_space<hbm>> -> memref<2x1024xf32, #tpu.memory_space<hbm>>
      tpu.wait_dma2 semaphore(%arg20 : memref<!tpu.dma_semaphore, #tpu.memory_space<semaphore_mem>>) src(%dma_wait3A_1441 : memref<2x1024xf32, #tpu.memory_space<hbm>>) dst(%dma_wait3A_1439 : memref<2x1024xf32, #tpu.memory_space<vmem>>)
      %scan3A_1442 = arith.constant 0 : i32
      %scan3A_1443 = arith.constant 0 : i32
      %scan3A_1444 = arith.constant 64 : i32
      %scan3A_1445 = arith.addi %scan3A_1443, %scan3A_1444 : i32
      %scan3A_1446 = arith.constant 1 : i32
      scf.for %scan3A_1636 = %scan3A_1443 to %scan3A_1445 step %scan3A_1446  : i32 {
        %mul3A_1637 = arith.constant 16 : i32
        %mul3A_1638 = arith.muli %scan3A_1636, %mul3A_1637 : i32
        %get3A = arith.constant 5 : i32
        %get3A_1639 = arith.constant 0 : i32
        %get3A_1640 = arith.index_cast %get3A : i32 to index
        %get3A_1641 = arith.index_cast %get3A_1639 : i32 to index
        %get3A_1642 = arith.index_cast %mul3A_1638 : i32 to index
        %get3A_1643 = tpu.vector_load %arg6[%get3A_1640, %get3A_1641, %get3A_1642] {strides = array<i32>} : memref<8x2x1024xf32, #tpu.memory_space<vmem>>, vector<1x1x16xf32>,
        %get3A_1644 = vector.shape_cast %get3A_1643 : vector<1x1x16xf32> to vector<16xf32>
        %swap3A = arith.constant 5 : i32
        %swap3A_1645 = arith.constant 0 : i32
        %swap3A_1646 = arith.constant 0 : i32
        %swap3A_1647 = arith.index_cast %swap3A : i32 to index
        %swap3A_1648 = arith.index_cast %swap3A_1645 : i32 to index
        %swap3A_1649 = arith.index_cast %swap3A_1646 : i32 to index
        %swap3A_1650 = arith.index_cast %mul3A_1638 : i32 to index
        %swap3A_1651 = tpu.vector_load %arg5[%swap3A_1647, %swap3A_1648, %swap3A_1649, %swap3A_1650] {strides = array<i32>} : memref<8x2x4x1024xf32, #tpu.memory_space<vmem>>, vector<1x1x1x16xf32>,
        %swap3A_1652 = vector.shape_cast %swap3A_1651 : vector<1x1x1x16xf32> to vector<16xf32>
        %swap3A_1653 = vector.shape_cast %get3A_1644 : vector<16xf32> to vector<1x1x1x16xf32>
        tpu.vector_store %arg5[%swap3A_1647, %swap3A_1648, %swap3A_1649, %swap3A_1650], %swap3A_1653 {add = true, strides = array<i32>} : memref<8x2x4x1024xf32, #tpu.memory_space<vmem>>, vector<1x1x1x16xf32>,
        %swap3A_1654 = arith.constant 5 : i32
        %swap3A_1655 = arith.constant 0 : i32
        %swap3A_1656 = arith.constant 1 : i32
        %swap3A_1657 = arith.index_cast %swap3A_1654 : i32 to index
        %swap3A_1658 = arith.index_cast %swap3A_1655 : i32 to index
        %swap3A_1659 = arith.index_cast %swap3A_1656 : i32 to index
        %swap3A_1660 = arith.index_cast %mul3A_1638 : i32 to index
        %swap3A_1661 = tpu.vector_load %arg5[%swap3A_1657, %swap3A_1658, %swap3A_1659, %swap3A_1660] {strides = array<i32>} : memref<8x2x4x1024xf32, #tpu.memory_space<vmem>>, vector<1x1x1x16xf32>,
        %swap3A_1662 = vector.shape_cast %swap3A_1661 : vector<1x1x1x16xf32> to vector<16xf32>
        %swap3A_1663 = vector.shape_cast %get3A_1644 : vector<16xf32> to vector<1x1x1x16xf32>
        tpu.vector_store %arg5[%swap3A_1657, %swap3A_1658, %swap3A_1659, %swap3A_1660], %swap3A_1663 {add = true, strides = array<i32>} : memref<8x2x4x1024xf32, #tpu.memory_space<vmem>>, vector<1x1x1x16xf32>,
        %swap3A_1664 = arith.constant 5 : i32
        %swap3A_1665 = arith.constant 0 : i32
        %swap3A_1666 = arith.constant 2 : i32
        %swap3A_1667 = arith.index_cast %swap3A_1664 : i32 to index
        %swap3A_1668 = arith.index_cast %swap3A_1665 : i32 to index
        %swap3A_1669 = arith.index_cast %swap3A_1666 : i32 to index
        %swap3A_1670 = arith.index_cast %mul3A_1638 : i32 to index
        %swap3A_1671 = tpu.vector_load %arg5[%swap3A_1667, %swap3A_1668, %swap3A_1669, %swap3A_1670] {strides = array<i32>} : memref<8x2x4x1024xf32, #tpu.memory_space<vmem>>, vector<1x1x1x16xf32>,
        %swap3A_1672 = vector.shape_cast %swap3A_1671 : vector<1x1x1x16xf32> to vector<16xf32>
        %swap3A_1673 = vector.shape_cast %get3A_1644 : vector<16xf32> to vector<1x1x1x16xf32>
        tpu.vector_store %arg5[%swap3A_1667, %swap3A_1668, %swap3A_1669, %swap3A_1670], %swap3A_1673 {add = true, strides = array<i32>} : memref<8x2x4x1024xf32, #tpu.memory_space<vmem>>, vector<1x1x1x16xf32>,
        %swap3A_1674 = arith.constant 5 : i32
        %swap3A_1675 = arith.constant 0 : i32
        %swap3A_1676 = arith.constant 3 : i32
        %swap3A_1677 = arith.index_cast %swap3A_1674 : i32 to index
        %swap3A_1678 = arith.index_cast %swap3A_1675 : i32 to index
        %swap3A_1679 = arith.index_cast %swap3A_1676 : i32 to index
        %swap3A_1680 = arith.index_cast %mul3A_1638 : i32 to index
        %swap3A_1681 = tpu.vector_load %arg5[%swap3A_1677, %swap3A_1678, %swap3A_1679, %swap3A_1680] {strides = array<i32>} : memref<8x2x4x1024xf32, #tpu.memory_space<vmem>>, vector<1x1x1x16xf32>,
        %swap3A_1682 = vector.shape_cast %swap3A_1681 : vector<1x1x1x16xf32> to vector<16xf32>
        %swap3A_1683 = vector.shape_cast %get3A_1644 : vector<16xf32> to vector<1x1x1x16xf32>
        tpu.vector_store %arg5[%swap3A_1677, %swap3A_1678, %swap3A_1679, %swap3A_1680], %swap3A_1683 {add = true, strides = array<i32>} : memref<8x2x4x1024xf32, #tpu.memory_space<vmem>>, vector<1x1x1x16xf32>,
        %get3A_1684 = arith.constant 5 : i32
        %get3A_1685 = arith.constant 1 : i32
        %get3A_1686 = arith.index_cast %get3A_1684 : i32 to index
        %get3A_1687 = arith.index_cast %get3A_1685 : i32 to index
        %get3A_1688 = arith.index_cast %mul3A_1638 : i32 to index
        %get3A_1689 = tpu.vector_load %arg6[%get3A_1686, %get3A_1687, %get3A_1688] {strides = array<i32>} : memref<8x2x1024xf32, #tpu.memory_space<vmem>>, vector<1x1x16xf32>,
        %get3A_1690 = vector.shape_cast %get3A_1689 : vector<1x1x16xf32> to vector<16xf32>
        %swap3A_1691 = arith.constant 5 : i32
        %swap3A_1692 = arith.constant 1 : i32
        %swap3A_1693 = arith.constant 0 : i32
        %swap3A_1694 = arith.index_cast %swap3A_1691 : i32 to index
        %swap3A_1695 = arith.index_cast %swap3A_1692 : i32 to index
        %swap3A_1696 = arith.index_cast %swap3A_1693 : i32 to index
        %swap3A_1697 = arith.index_cast %mul3A_1638 : i32 to index
        %swap3A_1698 = tpu.vector_load %arg5[%swap3A_1694, %swap3A_1695, %swap3A_1696, %swap3A_1697] {strides = array<i32>} : memref<8x2x4x1024xf32, #tpu.memory_space<vmem>>, vector<1x1x1x16xf32>,
        %swap3A_1699 = vector.shape_cast %swap3A_1698 : vector<1x1x1x16xf32> to vector<16xf32>
        %swap3A_1700 = vector.shape_cast %get3A_1690 : vector<16xf32> to vector<1x1x1x16xf32>
        tpu.vector_store %arg5[%swap3A_1694, %swap3A_1695, %swap3A_1696, %swap3A_1697], %swap3A_1700 {add = true, strides = array<i32>} : memref<8x2x4x1024xf32, #tpu.memory_space<vmem>>, vector<1x1x1x16xf32>,
        %swap3A_1701 = arith.constant 5 : i32
        %swap3A_1702 = arith.constant 1 : i32
        %swap3A_1703 = arith.constant 1 : i32
        %swap3A_1704 = arith.index_cast %swap3A_1701 : i32 to index
        %swap3A_1705 = arith.index_cast %swap3A_1702 : i32 to index
        %swap3A_1706 = arith.index_cast %swap3A_1703 : i32 to index
        %swap3A_1707 = arith.index_cast %mul3A_1638 : i32 to index
        %swap3A_1708 = tpu.vector_load %arg5[%swap3A_1704, %swap3A_1705, %swap3A_1706, %swap3A_1707] {strides = array<i32>} : memref<8x2x4x1024xf32, #tpu.memory_space<vmem>>, vector<1x1x1x16xf32>,
        %swap3A_1709 = vector.shape_cast %swap3A_1708 : vector<1x1x1x16xf32> to vector<16xf32>
        %swap3A_1710 = vector.shape_cast %get3A_1690 : vector<16xf32> to vector<1x1x1x16xf32>
        tpu.vector_store %arg5[%swap3A_1704, %swap3A_1705, %swap3A_1706, %swap3A_1707], %swap3A_1710 {add = true, strides = array<i32>} : memref<8x2x4x1024xf32, #tpu.memory_space<vmem>>, vector<1x1x1x16xf32>,
        %swap3A_1711 = arith.constant 5 : i32
        %swap3A_1712 = arith.constant 1 : i32
        %swap3A_1713 = arith.constant 2 : i32
        %swap3A_1714 = arith.index_cast %swap3A_1711 : i32 to index
        %swap3A_1715 = arith.index_cast %swap3A_1712 : i32 to index
        %swap3A_1716 = arith.index_cast %swap3A_1713 : i32 to index
        %swap3A_1717 = arith.index_cast %mul3A_1638 : i32 to index
        %swap3A_1718 = tpu.vector_load %arg5[%swap3A_1714, %swap3A_1715, %swap3A_1716, %swap3A_1717] {strides = array<i32>} : memref<8x2x4x1024xf32, #tpu.memory_space<vmem>>, vector<1x1x1x16xf32>,
        %swap3A_1719 = vector.shape_cast %swap3A_1718 : vector<1x1x1x16xf32> to vector<16xf32>
        %swap3A_1720 = vector.shape_cast %get3A_1690 : vector<16xf32> to vector<1x1x1x16xf32>
        tpu.vector_store %arg5[%swap3A_1714, %swap3A_1715, %swap3A_1716, %swap3A_1717], %swap3A_1720 {add = true, strides = array<i32>} : memref<8x2x4x1024xf32, #tpu.memory_space<vmem>>, vector<1x1x1x16xf32>,
        %swap3A_1721 = arith.constant 5 : i32
        %swap3A_1722 = arith.constant 1 : i32
        %swap3A_1723 = arith.constant 3 : i32
        %swap3A_1724 = arith.index_cast %swap3A_1721 : i32 to index
        %swap3A_1725 = arith.index_cast %swap3A_1722 : i32 to index
        %swap3A_1726 = arith.index_cast %swap3A_1723 : i32 to index
        %swap3A_1727 = arith.index_cast %mul3A_1638 : i32 to index
        %swap3A_1728 = tpu.vector_load %arg5[%swap3A_1724, %swap3A_1725, %swap3A_1726, %swap3A_1727] {strides = array<i32>} : memref<8x2x4x1024xf32, #tpu.memory_space<vmem>>, vector<1x1x1x16xf32>,
        %swap3A_1729 = vector.shape_cast %swap3A_1728 : vector<1x1x1x16xf32> to vector<16xf32>
        %swap3A_1730 = vector.shape_cast %get3A_1690 : vector<16xf32> to vector<1x1x1x16xf32>
        tpu.vector_store %arg5[%swap3A_1724, %swap3A_1725, %swap3A_1726, %swap3A_1727], %swap3A_1730 {add = true, strides = array<i32>} : memref<8x2x4x1024xf32, #tpu.memory_space<vmem>>, vector<1x1x1x16xf32>,
      }
      %scan3A_1447 = arith.constant 64 : i32
      %mul3A_1448 = arith.constant 2 : i32
      %mul3A_1449 = arith.muli %add3A_1387, %mul3A_1448 : i32
      %add3A_1450 = arith.addi %mul3A_2, %mul3A_1449 : i32
      %dma_start3A_1451 = arith.constant 5 : i32
      %dma_start3A_1452 = arith.constant 0 : i32
      %dma_start3A_1453 = arith.constant 0 : i32
      %dma_start3A_1454 = arith.constant 0 : i32
      %dma_start3A_1455 = tpu.memref_slice %arg5[%dma_start3A_1451, %dma_start3A_1452, %dma_start3A_1453, %dma_start3A_1454] : memref<8x2x4x1024xf32, #tpu.memory_space<vmem>> -> memref<1x2x4x1024xf32, #tpu.memory_space<vmem>>
      %dma_start3A_1456 = tpu.memref_squeeze %dma_start3A_1455 : memref<1x2x4x1024xf32, #tpu.memory_space<vmem>> -> memref<2x4x1024xf32, #tpu.memory_space<vmem>>
      %dma_start3A_1457 = arith.constant 0 : i32
      %dma_start3A_1458 = arith.constant 0 : i32
      %dma_start3A_1459 = tpu.memref_slice %arg4[%add3A_1450, %dma_start3A_1457, %dma_start3A_1458] : memref<4096x4x1024xf32, #tpu.memory_space<hbm>> -> memref<2x4x1024xf32, #tpu.memory_space<hbm>>
      %dma_start3A_1460 = arith.constant 0 : i32
      %dma_start3A_1461 = arith.constant 0 : i32
      %dma_start3A_1462 = tpu.memref_slice %arg4[%add3A_1450, %dma_start3A_1460, %dma_start3A_1461] : memref<4096x4x1024xf32, #tpu.memory_space<hbm>> -> memref<2x4x1024xf32, #tpu.memory_space<hbm>>
      %dma_start3A_1463 = arith.constant 0 : i32
      %dma_start3A_1464 = arith.constant 0 : i32
      %dma_start3A_1465 = arith.constant 0 : i32
      %dma_start3A_1466 = tpu.memref_slice %arg5[%dma_start3A_1451, %dma_start3A_1463, %dma_start3A_1464, %dma_start3A_1465] : memref<8x2x4x1024xf32, #tpu.memory_space<vmem>> -> memref<1x2x4x1024xf32, #tpu.memory_space<vmem>>
      %dma_start3A_1467 = tpu.memref_squeeze %dma_start3A_1466 : memref<1x2x4x1024xf32, #tpu.memory_space<vmem>> -> memref<2x4x1024xf32, #tpu.memory_space<vmem>>
      tpu.enqueue_dma source(%dma_start3A_1467 : memref<2x4x1024xf32, #tpu.memory_space<vmem>>) target(%dma_start3A_1462 : memref<2x4x1024xf32, #tpu.memory_space<hbm>>) target_semaphore(%arg28 : memref<!tpu.dma_semaphore, #tpu.memory_space<semaphore_mem>>)
      %mul3A_1468 = arith.constant 8 : i32
      %mul3A_1469 = arith.muli %scan3A_966, %mul3A_1468 : i32
      %add3A_1470 = arith.constant 6 : i32
      %add3A_1471 = arith.addi %mul3A_1469, %add3A_1470 : i32
      %add3A_1472 = arith.constant 4 : i32
      %add3A_1473 = arith.addi %add3A_1471, %add3A_1472 : i32
      %dma_wait3A_1474 = arith.constant 2 : i32
      %dma_wait3A_1475 = arith.constant 0 : i32
      %dma_wait3A_1476 = arith.constant 0 : i32
      %dma_wait3A_1477 = arith.constant 0 : i32
      %dma_wait3A_1478 = tpu.memref_slice %arg5[%dma_wait3A_1474, %dma_wait3A_1475, %dma_wait3A_1476, %dma_wait3A_1477] : memref<8x2x4x1024xf32, #tpu.memory_space<vmem>> -> memref<1x2x4x1024xf32, #tpu.memory_space<vmem>>
      %dma_wait3A_1479 = tpu.memref_squeeze %dma_wait3A_1478 : memref<1x2x4x1024xf32, #tpu.memory_space<vmem>> -> memref<2x4x1024xf32, #tpu.memory_space<vmem>>
      %dma_wait3A_1480 = arith.constant 0 : i32
      %dma_wait3A_1481 = arith.constant 0 : i32
      %dma_wait3A_1482 = tpu.memref_slice %arg4[%mul3A_2, %dma_wait3A_1480, %dma_wait3A_1481] : memref<4096x4x1024xf32, #tpu.memory_space<hbm>> -> memref<2x4x1024xf32, #tpu.memory_space<hbm>>
      %dma_wait3A_1483 = arith.constant 0 : i32
      %dma_wait3A_1484 = arith.constant 0 : i32
      %dma_wait3A_1485 = tpu.memref_slice %arg4[%mul3A_2, %dma_wait3A_1483, %dma_wait3A_1484] : memref<4096x4x1024xf32, #tpu.memory_space<hbm>> -> memref<2x4x1024xf32, #tpu.memory_space<hbm>>
      %dma_wait3A_1486 = arith.constant 0 : i32
      %dma_wait3A_1487 = arith.constant 0 : i32
      %dma_wait3A_1488 = arith.constant 0 : i32
      %dma_wait3A_1489 = tpu.memref_slice %arg5[%dma_wait3A_1474, %dma_wait3A_1486, %dma_wait3A_1487, %dma_wait3A_1488] : memref<8x2x4x1024xf32, #tpu.memory_space<vmem>> -> memref<1x2x4x1024xf32, #tpu.memory_space<vmem>>
      %dma_wait3A_1490 = tpu.memref_squeeze %dma_wait3A_1489 : memref<1x2x4x1024xf32, #tpu.memory_space<vmem>> -> memref<2x4x1024xf32, #tpu.memory_space<vmem>>
      tpu.wait_dma2 semaphore(%arg25 : memref<!tpu.dma_semaphore, #tpu.memory_space<semaphore_mem>>) src(%dma_wait3A_1490 : memref<2x4x1024xf32, #tpu.memory_space<vmem>>) dst(%dma_wait3A_1485 : memref<2x4x1024xf32, #tpu.memory_space<hbm>>)
      %lt3A_1491 = arith.constant 64 : i32
      %lt3A_1492 = arith.cmpi slt, %add3A_1473, %lt3A_1491 : i32
      %convert_element_type3A_1493 = arith.extui %lt3A_1492 : i1 to i32
      %cond3A_1494 = arith.constant 0 : i32
      %cond3A_1495 = arith.cmpi ne, %convert_element_type3A_1493, %cond3A_1494 : i32
      scf.if %cond3A_1495 {
        %mul3A_1636 = arith.constant 2 : i32
        %mul3A_1637 = arith.muli %add3A_1473, %mul3A_1636 : i32
        %add3A_1638 = arith.addi %mul3A_2, %mul3A_1637 : i32
        %dma_start3A_1639 = arith.constant 2 : i32
        %dma_start3A_1640 = arith.constant 0 : i32
        %dma_start3A_1641 = arith.constant 0 : i32
        %dma_start3A_1642 = arith.constant 0 : i32
        %dma_start3A_1643 = tpu.memref_slice %arg5[%dma_start3A_1639, %dma_start3A_1640, %dma_start3A_1641, %dma_start3A_1642] : memref<8x2x4x1024xf32, #tpu.memory_space<vmem>> -> memref<1x2x4x1024xf32, #tpu.memory_space<vmem>>
        %dma_start3A_1644 = tpu.memref_squeeze %dma_start3A_1643 : memref<1x2x4x1024xf32, #tpu.memory_space<vmem>> -> memref<2x4x1024xf32, #tpu.memory_space<vmem>>
        %dma_start3A_1645 = arith.constant 0 : i32
        %dma_start3A_1646 = arith.constant 0 : i32
        %dma_start3A_1647 = tpu.memref_slice %arg2[%add3A_1638, %dma_start3A_1645, %dma_start3A_1646] : memref<4096x4x1024xf32, #tpu.memory_space<hbm>> -> memref<2x4x1024xf32, #tpu.memory_space<hbm>>
        %dma_start3A_1648 = arith.constant 0 : i32
        %dma_start3A_1649 = arith.constant 0 : i32
        %dma_start3A_1650 = arith.constant 0 : i32
        %dma_start3A_1651 = tpu.memref_slice %arg5[%dma_start3A_1639, %dma_start3A_1648, %dma_start3A_1649, %dma_start3A_1650] : memref<8x2x4x1024xf32, #tpu.memory_space<vmem>> -> memref<1x2x4x1024xf32, #tpu.memory_space<vmem>>
        %dma_start3A_1652 = tpu.memref_squeeze %dma_start3A_1651 : memref<1x2x4x1024xf32, #tpu.memory_space<vmem>> -> memref<2x4x1024xf32, #tpu.memory_space<vmem>>
        %dma_start3A_1653 = arith.constant 0 : i32
        %dma_start3A_1654 = arith.constant 0 : i32
        %dma_start3A_1655 = tpu.memref_slice %arg2[%add3A_1638, %dma_start3A_1653, %dma_start3A_1654] : memref<4096x4x1024xf32, #tpu.memory_space<hbm>> -> memref<2x4x1024xf32, #tpu.memory_space<hbm>>
        tpu.enqueue_dma source(%dma_start3A_1655 : memref<2x4x1024xf32, #tpu.memory_space<hbm>>) target(%dma_start3A_1652 : memref<2x4x1024xf32, #tpu.memory_space<vmem>>) target_semaphore(%arg9 : memref<!tpu.dma_semaphore, #tpu.memory_space<semaphore_mem>>)
        %dma_start3A_1656 = arith.constant 2 : i32
        %dma_start3A_1657 = arith.constant 0 : i32
        %dma_start3A_1658 = arith.constant 0 : i32
        %dma_start3A_1659 = tpu.memref_slice %arg6[%dma_start3A_1656, %dma_start3A_1657, %dma_start3A_1658] : memref<8x2x1024xf32, #tpu.memory_space<vmem>> -> memref<1x2x1024xf32, #tpu.memory_space<vmem>>
        %dma_start3A_1660 = tpu.memref_squeeze %dma_start3A_1659 : memref<1x2x1024xf32, #tpu.memory_space<vmem>> -> memref<2x1024xf32, #tpu.memory_space<vmem>>
        %dma_start3A_1661 = arith.constant 0 : i32
        %dma_start3A_1662 = tpu.memref_slice %arg3[%add3A_1638, %dma_start3A_1661] : memref<8192x1024xf32, #tpu.memory_space<hbm>> -> memref<2x1024xf32, #tpu.memory_space<hbm>>
        %dma_start3A_1663 = arith.constant 0 : i32
        %dma_start3A_1664 = arith.constant 0 : i32
        %dma_start3A_1665 = tpu.memref_slice %arg6[%dma_start3A_1656, %dma_start3A_1663, %dma_start3A_1664] : memref<8x2x1024xf32, #tpu.memory_space<vmem>> -> memref<1x2x1024xf32, #tpu.memory_space<vmem>>
        %dma_start3A_1666 = tpu.memref_squeeze %dma_start3A_1665 : memref<1x2x1024xf32, #tpu.memory_space<vmem>> -> memref<2x1024xf32, #tpu.memory_space<vmem>>
        %dma_start3A_1667 = arith.constant 0 : i32
        %dma_start3A_1668 = tpu.memref_slice %arg3[%add3A_1638, %dma_start3A_1667] : memref<8192x1024xf32, #tpu.memory_space<hbm>> -> memref<2x1024xf32, #tpu.memory_space<hbm>>
        tpu.enqueue_dma source(%dma_start3A_1668 : memref<2x1024xf32, #tpu.memory_space<hbm>>) target(%dma_start3A_1666 : memref<2x1024xf32, #tpu.memory_space<vmem>>) target_semaphore(%arg17 : memref<!tpu.dma_semaphore, #tpu.memory_space<semaphore_mem>>)
      } else {
      }
      %dma_wait3A_1496 = arith.constant 6 : i32
      %dma_wait3A_1497 = arith.constant 0 : i32
      %dma_wait3A_1498 = arith.constant 0 : i32
      %dma_wait3A_1499 = arith.constant 0 : i32
      %dma_wait3A_1500 = tpu.memref_slice %arg5[%dma_wait3A_1496, %dma_wait3A_1497, %dma_wait3A_1498, %dma_wait3A_1499] : memref<8x2x4x1024xf32, #tpu.memory_space<vmem>> -> memref<1x2x4x1024xf32, #tpu.memory_space<vmem>>
      %dma_wait3A_1501 = tpu.memref_squeeze %dma_wait3A_1500 : memref<1x2x4x1024xf32, #tpu.memory_space<vmem>> -> memref<2x4x1024xf32, #tpu.memory_space<vmem>>
      %dma_wait3A_1502 = arith.constant 0 : i32
      %dma_wait3A_1503 = arith.constant 0 : i32
      %dma_wait3A_1504 = tpu.memref_slice %arg2[%mul3A_2, %dma_wait3A_1502, %dma_wait3A_1503] : memref<4096x4x1024xf32, #tpu.memory_space<hbm>> -> memref<2x4x1024xf32, #tpu.memory_space<hbm>>
      %dma_wait3A_1505 = arith.constant 0 : i32
      %dma_wait3A_1506 = arith.constant 0 : i32
      %dma_wait3A_1507 = arith.constant 0 : i32
      %dma_wait3A_1508 = tpu.memref_slice %arg5[%dma_wait3A_1496, %dma_wait3A_1505, %dma_wait3A_1506, %dma_wait3A_1507] : memref<8x2x4x1024xf32, #tpu.memory_space<vmem>> -> memref<1x2x4x1024xf32, #tpu.memory_space<vmem>>
      %dma_wait3A_1509 = tpu.memref_squeeze %dma_wait3A_1508 : memref<1x2x4x1024xf32, #tpu.memory_space<vmem>> -> memref<2x4x1024xf32, #tpu.memory_space<vmem>>
      %dma_wait3A_1510 = arith.constant 0 : i32
      %dma_wait3A_1511 = arith.constant 0 : i32
      %dma_wait3A_1512 = tpu.memref_slice %arg2[%mul3A_2, %dma_wait3A_1510, %dma_wait3A_1511] : memref<4096x4x1024xf32, #tpu.memory_space<hbm>> -> memref<2x4x1024xf32, #tpu.memory_space<hbm>>
      tpu.wait_dma2 semaphore(%arg13 : memref<!tpu.dma_semaphore, #tpu.memory_space<semaphore_mem>>) src(%dma_wait3A_1512 : memref<2x4x1024xf32, #tpu.memory_space<hbm>>) dst(%dma_wait3A_1509 : memref<2x4x1024xf32, #tpu.memory_space<vmem>>)
      %dma_wait3A_1513 = arith.constant 6 : i32
      %dma_wait3A_1514 = arith.constant 0 : i32
      %dma_wait3A_1515 = arith.constant 0 : i32
      %dma_wait3A_1516 = tpu.memref_slice %arg6[%dma_wait3A_1513, %dma_wait3A_1514, %dma_wait3A_1515] : memref<8x2x1024xf32, #tpu.memory_space<vmem>> -> memref<1x2x1024xf32, #tpu.memory_space<vmem>>
      %dma_wait3A_1517 = tpu.memref_squeeze %dma_wait3A_1516 : memref<1x2x1024xf32, #tpu.memory_space<vmem>> -> memref<2x1024xf32, #tpu.memory_space<vmem>>
      %dma_wait3A_1518 = arith.constant 0 : i32
      %dma_wait3A_1519 = tpu.memref_slice %arg3[%mul3A_2, %dma_wait3A_1518] : memref<8192x1024xf32, #tpu.memory_space<hbm>> -> memref<2x1024xf32, #tpu.memory_space<hbm>>
      %dma_wait3A_1520 = arith.constant 0 : i32
      %dma_wait3A_1521 = arith.constant 0 : i32
      %dma_wait3A_1522 = tpu.memref_slice %arg6[%dma_wait3A_1513, %dma_wait3A_1520, %dma_wait3A_1521] : memref<8x2x1024xf32, #tpu.memory_space<vmem>> -> memref<1x2x1024xf32, #tpu.memory_space<vmem>>
      %dma_wait3A_1523 = tpu.memref_squeeze %dma_wait3A_1522 : memref<1x2x1024xf32, #tpu.memory_space<vmem>> -> memref<2x1024xf32, #tpu.memory_space<vmem>>
      %dma_wait3A_1524 = arith.constant 0 : i32
      %dma_wait3A_1525 = tpu.memref_slice %arg3[%mul3A_2, %dma_wait3A_1524] : memref<8192x1024xf32, #tpu.memory_space<hbm>> -> memref<2x1024xf32, #tpu.memory_space<hbm>>
      tpu.wait_dma2 semaphore(%arg21 : memref<!tpu.dma_semaphore, #tpu.memory_space<semaphore_mem>>) src(%dma_wait3A_1525 : memref<2x1024xf32, #tpu.memory_space<hbm>>) dst(%dma_wait3A_1523 : memref<2x1024xf32, #tpu.memory_space<vmem>>)
      %scan3A_1526 = arith.constant 0 : i32
      %scan3A_1527 = arith.constant 0 : i32
      %scan3A_1528 = arith.constant 64 : i32
      %scan3A_1529 = arith.addi %scan3A_1527, %scan3A_1528 : i32
      %scan3A_1530 = arith.constant 1 : i32
      scf.for %scan3A_1636 = %scan3A_1527 to %scan3A_1529 step %scan3A_1530  : i32 {
        %mul3A_1637 = arith.constant 16 : i32
        %mul3A_1638 = arith.muli %scan3A_1636, %mul3A_1637 : i32
        %get3A = arith.constant 6 : i32
        %get3A_1639 = arith.constant 0 : i32
        %get3A_1640 = arith.index_cast %get3A : i32 to index
        %get3A_1641 = arith.index_cast %get3A_1639 : i32 to index
        %get3A_1642 = arith.index_cast %mul3A_1638 : i32 to index
        %get3A_1643 = tpu.vector_load %arg6[%get3A_1640, %get3A_1641, %get3A_1642] {strides = array<i32>} : memref<8x2x1024xf32, #tpu.memory_space<vmem>>, vector<1x1x16xf32>,
        %get3A_1644 = vector.shape_cast %get3A_1643 : vector<1x1x16xf32> to vector<16xf32>
        %swap3A = arith.constant 6 : i32
        %swap3A_1645 = arith.constant 0 : i32
        %swap3A_1646 = arith.constant 0 : i32
        %swap3A_1647 = arith.index_cast %swap3A : i32 to index
        %swap3A_1648 = arith.index_cast %swap3A_1645 : i32 to index
        %swap3A_1649 = arith.index_cast %swap3A_1646 : i32 to index
        %swap3A_1650 = arith.index_cast %mul3A_1638 : i32 to index
        %swap3A_1651 = tpu.vector_load %arg5[%swap3A_1647, %swap3A_1648, %swap3A_1649, %swap3A_1650] {strides = array<i32>} : memref<8x2x4x1024xf32, #tpu.memory_space<vmem>>, vector<1x1x1x16xf32>,
        %swap3A_1652 = vector.shape_cast %swap3A_1651 : vector<1x1x1x16xf32> to vector<16xf32>
        %swap3A_1653 = vector.shape_cast %get3A_1644 : vector<16xf32> to vector<1x1x1x16xf32>
        tpu.vector_store %arg5[%swap3A_1647, %swap3A_1648, %swap3A_1649, %swap3A_1650], %swap3A_1653 {add = true, strides = array<i32>} : memref<8x2x4x1024xf32, #tpu.memory_space<vmem>>, vector<1x1x1x16xf32>,
        %swap3A_1654 = arith.constant 6 : i32
        %swap3A_1655 = arith.constant 0 : i32
        %swap3A_1656 = arith.constant 1 : i32
        %swap3A_1657 = arith.index_cast %swap3A_1654 : i32 to index
        %swap3A_1658 = arith.index_cast %swap3A_1655 : i32 to index
        %swap3A_1659 = arith.index_cast %swap3A_1656 : i32 to index
        %swap3A_1660 = arith.index_cast %mul3A_1638 : i32 to index
        %swap3A_1661 = tpu.vector_load %arg5[%swap3A_1657, %swap3A_1658, %swap3A_1659, %swap3A_1660] {strides = array<i32>} : memref<8x2x4x1024xf32, #tpu.memory_space<vmem>>, vector<1x1x1x16xf32>,
        %swap3A_1662 = vector.shape_cast %swap3A_1661 : vector<1x1x1x16xf32> to vector<16xf32>
        %swap3A_1663 = vector.shape_cast %get3A_1644 : vector<16xf32> to vector<1x1x1x16xf32>
        tpu.vector_store %arg5[%swap3A_1657, %swap3A_1658, %swap3A_1659, %swap3A_1660], %swap3A_1663 {add = true, strides = array<i32>} : memref<8x2x4x1024xf32, #tpu.memory_space<vmem>>, vector<1x1x1x16xf32>,
        %swap3A_1664 = arith.constant 6 : i32
        %swap3A_1665 = arith.constant 0 : i32
        %swap3A_1666 = arith.constant 2 : i32
        %swap3A_1667 = arith.index_cast %swap3A_1664 : i32 to index
        %swap3A_1668 = arith.index_cast %swap3A_1665 : i32 to index
        %swap3A_1669 = arith.index_cast %swap3A_1666 : i32 to index
        %swap3A_1670 = arith.index_cast %mul3A_1638 : i32 to index
        %swap3A_1671 = tpu.vector_load %arg5[%swap3A_1667, %swap3A_1668, %swap3A_1669, %swap3A_1670] {strides = array<i32>} : memref<8x2x4x1024xf32, #tpu.memory_space<vmem>>, vector<1x1x1x16xf32>,
        %swap3A_1672 = vector.shape_cast %swap3A_1671 : vector<1x1x1x16xf32> to vector<16xf32>
        %swap3A_1673 = vector.shape_cast %get3A_1644 : vector<16xf32> to vector<1x1x1x16xf32>
        tpu.vector_store %arg5[%swap3A_1667, %swap3A_1668, %swap3A_1669, %swap3A_1670], %swap3A_1673 {add = true, strides = array<i32>} : memref<8x2x4x1024xf32, #tpu.memory_space<vmem>>, vector<1x1x1x16xf32>,
        %swap3A_1674 = arith.constant 6 : i32
        %swap3A_1675 = arith.constant 0 : i32
        %swap3A_1676 = arith.constant 3 : i32
        %swap3A_1677 = arith.index_cast %swap3A_1674 : i32 to index
        %swap3A_1678 = arith.index_cast %swap3A_1675 : i32 to index
        %swap3A_1679 = arith.index_cast %swap3A_1676 : i32 to index
        %swap3A_1680 = arith.index_cast %mul3A_1638 : i32 to index
        %swap3A_1681 = tpu.vector_load %arg5[%swap3A_1677, %swap3A_1678, %swap3A_1679, %swap3A_1680] {strides = array<i32>} : memref<8x2x4x1024xf32, #tpu.memory_space<vmem>>, vector<1x1x1x16xf32>,
        %swap3A_1682 = vector.shape_cast %swap3A_1681 : vector<1x1x1x16xf32> to vector<16xf32>
        %swap3A_1683 = vector.shape_cast %get3A_1644 : vector<16xf32> to vector<1x1x1x16xf32>
        tpu.vector_store %arg5[%swap3A_1677, %swap3A_1678, %swap3A_1679, %swap3A_1680], %swap3A_1683 {add = true, strides = array<i32>} : memref<8x2x4x1024xf32, #tpu.memory_space<vmem>>, vector<1x1x1x16xf32>,
        %get3A_1684 = arith.constant 6 : i32
        %get3A_1685 = arith.constant 1 : i32
        %get3A_1686 = arith.index_cast %get3A_1684 : i32 to index
        %get3A_1687 = arith.index_cast %get3A_1685 : i32 to index
        %get3A_1688 = arith.index_cast %mul3A_1638 : i32 to index
        %get3A_1689 = tpu.vector_load %arg6[%get3A_1686, %get3A_1687, %get3A_1688] {strides = array<i32>} : memref<8x2x1024xf32, #tpu.memory_space<vmem>>, vector<1x1x16xf32>,
        %get3A_1690 = vector.shape_cast %get3A_1689 : vector<1x1x16xf32> to vector<16xf32>
        %swap3A_1691 = arith.constant 6 : i32
        %swap3A_1692 = arith.constant 1 : i32
        %swap3A_1693 = arith.constant 0 : i32
        %swap3A_1694 = arith.index_cast %swap3A_1691 : i32 to index
        %swap3A_1695 = arith.index_cast %swap3A_1692 : i32 to index
        %swap3A_1696 = arith.index_cast %swap3A_1693 : i32 to index
        %swap3A_1697 = arith.index_cast %mul3A_1638 : i32 to index
        %swap3A_1698 = tpu.vector_load %arg5[%swap3A_1694, %swap3A_1695, %swap3A_1696, %swap3A_1697] {strides = array<i32>} : memref<8x2x4x1024xf32, #tpu.memory_space<vmem>>, vector<1x1x1x16xf32>,
        %swap3A_1699 = vector.shape_cast %swap3A_1698 : vector<1x1x1x16xf32> to vector<16xf32>
        %swap3A_1700 = vector.shape_cast %get3A_1690 : vector<16xf32> to vector<1x1x1x16xf32>
        tpu.vector_store %arg5[%swap3A_1694, %swap3A_1695, %swap3A_1696, %swap3A_1697], %swap3A_1700 {add = true, strides = array<i32>} : memref<8x2x4x1024xf32, #tpu.memory_space<vmem>>, vector<1x1x1x16xf32>,
        %swap3A_1701 = arith.constant 6 : i32
        %swap3A_1702 = arith.constant 1 : i32
        %swap3A_1703 = arith.constant 1 : i32
        %swap3A_1704 = arith.index_cast %swap3A_1701 : i32 to index
        %swap3A_1705 = arith.index_cast %swap3A_1702 : i32 to index
        %swap3A_1706 = arith.index_cast %swap3A_1703 : i32 to index
        %swap3A_1707 = arith.index_cast %mul3A_1638 : i32 to index
        %swap3A_1708 = tpu.vector_load %arg5[%swap3A_1704, %swap3A_1705, %swap3A_1706, %swap3A_1707] {strides = array<i32>} : memref<8x2x4x1024xf32, #tpu.memory_space<vmem>>, vector<1x1x1x16xf32>,
        %swap3A_1709 = vector.shape_cast %swap3A_1708 : vector<1x1x1x16xf32> to vector<16xf32>
        %swap3A_1710 = vector.shape_cast %get3A_1690 : vector<16xf32> to vector<1x1x1x16xf32>
        tpu.vector_store %arg5[%swap3A_1704, %swap3A_1705, %swap3A_1706, %swap3A_1707], %swap3A_1710 {add = true, strides = array<i32>} : memref<8x2x4x1024xf32, #tpu.memory_space<vmem>>, vector<1x1x1x16xf32>,
        %swap3A_1711 = arith.constant 6 : i32
        %swap3A_1712 = arith.constant 1 : i32
        %swap3A_1713 = arith.constant 2 : i32
        %swap3A_1714 = arith.index_cast %swap3A_1711 : i32 to index
        %swap3A_1715 = arith.index_cast %swap3A_1712 : i32 to index
        %swap3A_1716 = arith.index_cast %swap3A_1713 : i32 to index
        %swap3A_1717 = arith.index_cast %mul3A_1638 : i32 to index
        %swap3A_1718 = tpu.vector_load %arg5[%swap3A_1714, %swap3A_1715, %swap3A_1716, %swap3A_1717] {strides = array<i32>} : memref<8x2x4x1024xf32, #tpu.memory_space<vmem>>, vector<1x1x1x16xf32>,
        %swap3A_1719 = vector.shape_cast %swap3A_1718 : vector<1x1x1x16xf32> to vector<16xf32>
        %swap3A_1720 = vector.shape_cast %get3A_1690 : vector<16xf32> to vector<1x1x1x16xf32>
        tpu.vector_store %arg5[%swap3A_1714, %swap3A_1715, %swap3A_1716, %swap3A_1717], %swap3A_1720 {add = true, strides = array<i32>} : memref<8x2x4x1024xf32, #tpu.memory_space<vmem>>, vector<1x1x1x16xf32>,
        %swap3A_1721 = arith.constant 6 : i32
        %swap3A_1722 = arith.constant 1 : i32
        %swap3A_1723 = arith.constant 3 : i32
        %swap3A_1724 = arith.index_cast %swap3A_1721 : i32 to index
        %swap3A_1725 = arith.index_cast %swap3A_1722 : i32 to index
        %swap3A_1726 = arith.index_cast %swap3A_1723 : i32 to index
        %swap3A_1727 = arith.index_cast %mul3A_1638 : i32 to index
        %swap3A_1728 = tpu.vector_load %arg5[%swap3A_1724, %swap3A_1725, %swap3A_1726, %swap3A_1727] {strides = array<i32>} : memref<8x2x4x1024xf32, #tpu.memory_space<vmem>>, vector<1x1x1x16xf32>,
        %swap3A_1729 = vector.shape_cast %swap3A_1728 : vector<1x1x1x16xf32> to vector<16xf32>
        %swap3A_1730 = vector.shape_cast %get3A_1690 : vector<16xf32> to vector<1x1x1x16xf32>
        tpu.vector_store %arg5[%swap3A_1724, %swap3A_1725, %swap3A_1726, %swap3A_1727], %swap3A_1730 {add = true, strides = array<i32>} : memref<8x2x4x1024xf32, #tpu.memory_space<vmem>>, vector<1x1x1x16xf32>,
      }
      %scan3A_1531 = arith.constant 64 : i32
      %mul3A_1532 = arith.constant 2 : i32
      %mul3A_1533 = arith.muli %add3A_1471, %mul3A_1532 : i32
      %add3A_1534 = arith.addi %mul3A_2, %mul3A_1533 : i32
      %dma_start3A_1535 = arith.constant 6 : i32
      %dma_start3A_1536 = arith.constant 0 : i32
      %dma_start3A_1537 = arith.constant 0 : i32
      %dma_start3A_1538 = arith.constant 0 : i32
      %dma_start3A_1539 = tpu.memref_slice %arg5[%dma_start3A_1535, %dma_start3A_1536, %dma_start3A_1537, %dma_start3A_1538] : memref<8x2x4x1024xf32, #tpu.memory_space<vmem>> -> memref<1x2x4x1024xf32, #tpu.memory_space<vmem>>
      %dma_start3A_1540 = tpu.memref_squeeze %dma_start3A_1539 : memref<1x2x4x1024xf32, #tpu.memory_space<vmem>> -> memref<2x4x1024xf32, #tpu.memory_space<vmem>>
      %dma_start3A_1541 = arith.constant 0 : i32
      %dma_start3A_1542 = arith.constant 0 : i32
      %dma_start3A_1543 = tpu.memref_slice %arg4[%add3A_1534, %dma_start3A_1541, %dma_start3A_1542] : memref<4096x4x1024xf32, #tpu.memory_space<hbm>> -> memref<2x4x1024xf32, #tpu.memory_space<hbm>>
      %dma_start3A_1544 = arith.constant 0 : i32
      %dma_start3A_1545 = arith.constant 0 : i32
      %dma_start3A_1546 = tpu.memref_slice %arg4[%add3A_1534, %dma_start3A_1544, %dma_start3A_1545] : memref<4096x4x1024xf32, #tpu.memory_space<hbm>> -> memref<2x4x1024xf32, #tpu.memory_space<hbm>>
      %dma_start3A_1547 = arith.constant 0 : i32
      %dma_start3A_1548 = arith.constant 0 : i32
      %dma_start3A_1549 = arith.constant 0 : i32
      %dma_start3A_1550 = tpu.memref_slice %arg5[%dma_start3A_1535, %dma_start3A_1547, %dma_start3A_1548, %dma_start3A_1549] : memref<8x2x4x1024xf32, #tpu.memory_space<vmem>> -> memref<1x2x4x1024xf32, #tpu.memory_space<vmem>>
      %dma_start3A_1551 = tpu.memref_squeeze %dma_start3A_1550 : memref<1x2x4x1024xf32, #tpu.memory_space<vmem>> -> memref<2x4x1024xf32, #tpu.memory_space<vmem>>
      tpu.enqueue_dma source(%dma_start3A_1551 : memref<2x4x1024xf32, #tpu.memory_space<vmem>>) target(%dma_start3A_1546 : memref<2x4x1024xf32, #tpu.memory_space<hbm>>) target_semaphore(%arg29 : memref<!tpu.dma_semaphore, #tpu.memory_space<semaphore_mem>>)
      %mul3A_1552 = arith.constant 8 : i32
      %mul3A_1553 = arith.muli %scan3A_966, %mul3A_1552 : i32
      %add3A_1554 = arith.constant 7 : i32
      %add3A_1555 = arith.addi %mul3A_1553, %add3A_1554 : i32
      %add3A_1556 = arith.constant 4 : i32
      %add3A_1557 = arith.addi %add3A_1555, %add3A_1556 : i32
      %dma_wait3A_1558 = arith.constant 3 : i32
      %dma_wait3A_1559 = arith.constant 0 : i32
      %dma_wait3A_1560 = arith.constant 0 : i32
      %dma_wait3A_1561 = arith.constant 0 : i32
      %dma_wait3A_1562 = tpu.memref_slice %arg5[%dma_wait3A_1558, %dma_wait3A_1559, %dma_wait3A_1560, %dma_wait3A_1561] : memref<8x2x4x1024xf32, #tpu.memory_space<vmem>> -> memref<1x2x4x1024xf32, #tpu.memory_space<vmem>>
      %dma_wait3A_1563 = tpu.memref_squeeze %dma_wait3A_1562 : memref<1x2x4x1024xf32, #tpu.memory_space<vmem>> -> memref<2x4x1024xf32, #tpu.memory_space<vmem>>
      %dma_wait3A_1564 = arith.constant 0 : i32
      %dma_wait3A_1565 = arith.constant 0 : i32
      %dma_wait3A_1566 = tpu.memref_slice %arg4[%mul3A_2, %dma_wait3A_1564, %dma_wait3A_1565] : memref<4096x4x1024xf32, #tpu.memory_space<hbm>> -> memref<2x4x1024xf32, #tpu.memory_space<hbm>>
      %dma_wait3A_1567 = arith.constant 0 : i32
      %dma_wait3A_1568 = arith.constant 0 : i32
      %dma_wait3A_1569 = tpu.memref_slice %arg4[%mul3A_2, %dma_wait3A_1567, %dma_wait3A_1568] : memref<4096x4x1024xf32, #tpu.memory_space<hbm>> -> memref<2x4x1024xf32, #tpu.memory_space<hbm>>
      %dma_wait3A_1570 = arith.constant 0 : i32
      %dma_wait3A_1571 = arith.constant 0 : i32
      %dma_wait3A_1572 = arith.constant 0 : i32
      %dma_wait3A_1573 = tpu.memref_slice %arg5[%dma_wait3A_1558, %dma_wait3A_1570, %dma_wait3A_1571, %dma_wait3A_1572] : memref<8x2x4x1024xf32, #tpu.memory_space<vmem>> -> memref<1x2x4x1024xf32, #tpu.memory_space<vmem>>
      %dma_wait3A_1574 = tpu.memref_squeeze %dma_wait3A_1573 : memref<1x2x4x1024xf32, #tpu.memory_space<vmem>> -> memref<2x4x1024xf32, #tpu.memory_space<vmem>>
      tpu.wait_dma2 semaphore(%arg26 : memref<!tpu.dma_semaphore, #tpu.memory_space<semaphore_mem>>) src(%dma_wait3A_1574 : memref<2x4x1024xf32, #tpu.memory_space<vmem>>) dst(%dma_wait3A_1569 : memref<2x4x1024xf32, #tpu.memory_space<hbm>>)
      %lt3A_1575 = arith.constant 64 : i32
      %lt3A_1576 = arith.cmpi slt, %add3A_1557, %lt3A_1575 : i32
      %convert_element_type3A_1577 = arith.extui %lt3A_1576 : i1 to i32
      %cond3A_1578 = arith.constant 0 : i32
      %cond3A_1579 = arith.cmpi ne, %convert_element_type3A_1577, %cond3A_1578 : i32
      scf.if %cond3A_1579 {
        %mul3A_1636 = arith.constant 2 : i32
        %mul3A_1637 = arith.muli %add3A_1557, %mul3A_1636 : i32
        %add3A_1638 = arith.addi %mul3A_2, %mul3A_1637 : i32
        %dma_start3A_1639 = arith.constant 3 : i32
        %dma_start3A_1640 = arith.constant 0 : i32
        %dma_start3A_1641 = arith.constant 0 : i32
        %dma_start3A_1642 = arith.constant 0 : i32
        %dma_start3A_1643 = tpu.memref_slice %arg5[%dma_start3A_1639, %dma_start3A_1640, %dma_start3A_1641, %dma_start3A_1642] : memref<8x2x4x1024xf32, #tpu.memory_space<vmem>> -> memref<1x2x4x1024xf32, #tpu.memory_space<vmem>>
        %dma_start3A_1644 = tpu.memref_squeeze %dma_start3A_1643 : memref<1x2x4x1024xf32, #tpu.memory_space<vmem>> -> memref<2x4x1024xf32, #tpu.memory_space<vmem>>
        %dma_start3A_1645 = arith.constant 0 : i32
        %dma_start3A_1646 = arith.constant 0 : i32
        %dma_start3A_1647 = tpu.memref_slice %arg2[%add3A_1638, %dma_start3A_1645, %dma_start3A_1646] : memref<4096x4x1024xf32, #tpu.memory_space<hbm>> -> memref<2x4x1024xf32, #tpu.memory_space<hbm>>
        %dma_start3A_1648 = arith.constant 0 : i32
        %dma_start3A_1649 = arith.constant 0 : i32
        %dma_start3A_1650 = arith.constant 0 : i32
        %dma_start3A_1651 = tpu.memref_slice %arg5[%dma_start3A_1639, %dma_start3A_1648, %dma_start3A_1649, %dma_start3A_1650] : memref<8x2x4x1024xf32, #tpu.memory_space<vmem>> -> memref<1x2x4x1024xf32, #tpu.memory_space<vmem>>
        %dma_start3A_1652 = tpu.memref_squeeze %dma_start3A_1651 : memref<1x2x4x1024xf32, #tpu.memory_space<vmem>> -> memref<2x4x1024xf32, #tpu.memory_space<vmem>>
        %dma_start3A_1653 = arith.constant 0 : i32
        %dma_start3A_1654 = arith.constant 0 : i32
        %dma_start3A_1655 = tpu.memref_slice %arg2[%add3A_1638, %dma_start3A_1653, %dma_start3A_1654] : memref<4096x4x1024xf32, #tpu.memory_space<hbm>> -> memref<2x4x1024xf32, #tpu.memory_space<hbm>>
        tpu.enqueue_dma source(%dma_start3A_1655 : memref<2x4x1024xf32, #tpu.memory_space<hbm>>) target(%dma_start3A_1652 : memref<2x4x1024xf32, #tpu.memory_space<vmem>>) target_semaphore(%arg10 : memref<!tpu.dma_semaphore, #tpu.memory_space<semaphore_mem>>)
        %dma_start3A_1656 = arith.constant 3 : i32
        %dma_start3A_1657 = arith.constant 0 : i32
        %dma_start3A_1658 = arith.constant 0 : i32
        %dma_start3A_1659 = tpu.memref_slice %arg6[%dma_start3A_1656, %dma_start3A_1657, %dma_start3A_1658] : memref<8x2x1024xf32, #tpu.memory_space<vmem>> -> memref<1x2x1024xf32, #tpu.memory_space<vmem>>
        %dma_start3A_1660 = tpu.memref_squeeze %dma_start3A_1659 : memref<1x2x1024xf32, #tpu.memory_space<vmem>> -> memref<2x1024xf32, #tpu.memory_space<vmem>>
        %dma_start3A_1661 = arith.constant 0 : i32
        %dma_start3A_1662 = tpu.memref_slice %arg3[%add3A_1638, %dma_start3A_1661] : memref<8192x1024xf32, #tpu.memory_space<hbm>> -> memref<2x1024xf32, #tpu.memory_space<hbm>>
        %dma_start3A_1663 = arith.constant 0 : i32
        %dma_start3A_1664 = arith.constant 0 : i32
        %dma_start3A_1665 = tpu.memref_slice %arg6[%dma_start3A_1656, %dma_start3A_1663, %dma_start3A_1664] : memref<8x2x1024xf32, #tpu.memory_space<vmem>> -> memref<1x2x1024xf32, #tpu.memory_space<vmem>>
        %dma_start3A_1666 = tpu.memref_squeeze %dma_start3A_1665 : memref<1x2x1024xf32, #tpu.memory_space<vmem>> -> memref<2x1024xf32, #tpu.memory_space<vmem>>
        %dma_start3A_1667 = arith.constant 0 : i32
        %dma_start3A_1668 = tpu.memref_slice %arg3[%add3A_1638, %dma_start3A_1667] : memref<8192x1024xf32, #tpu.memory_space<hbm>> -> memref<2x1024xf32, #tpu.memory_space<hbm>>
        tpu.enqueue_dma source(%dma_start3A_1668 : memref<2x1024xf32, #tpu.memory_space<hbm>>) target(%dma_start3A_1666 : memref<2x1024xf32, #tpu.memory_space<vmem>>) target_semaphore(%arg18 : memref<!tpu.dma_semaphore, #tpu.memory_space<semaphore_mem>>)
      } else {
      }
      %dma_wait3A_1580 = arith.constant 7 : i32
      %dma_wait3A_1581 = arith.constant 0 : i32
      %dma_wait3A_1582 = arith.constant 0 : i32
      %dma_wait3A_1583 = arith.constant 0 : i32
      %dma_wait3A_1584 = tpu.memref_slice %arg5[%dma_wait3A_1580, %dma_wait3A_1581, %dma_wait3A_1582, %dma_wait3A_1583] : memref<8x2x4x1024xf32, #tpu.memory_space<vmem>> -> memref<1x2x4x1024xf32, #tpu.memory_space<vmem>>
      %dma_wait3A_1585 = tpu.memref_squeeze %dma_wait3A_1584 : memref<1x2x4x1024xf32, #tpu.memory_space<vmem>> -> memref<2x4x1024xf32, #tpu.memory_space<vmem>>
      %dma_wait3A_1586 = arith.constant 0 : i32
      %dma_wait3A_1587 = arith.constant 0 : i32
      %dma_wait3A_1588 = tpu.memref_slice %arg2[%mul3A_2, %dma_wait3A_1586, %dma_wait3A_1587] : memref<4096x4x1024xf32, #tpu.memory_space<hbm>> -> memref<2x4x1024xf32, #tpu.memory_space<hbm>>
      %dma_wait3A_1589 = arith.constant 0 : i32
      %dma_wait3A_1590 = arith.constant 0 : i32
      %dma_wait3A_1591 = arith.constant 0 : i32
      %dma_wait3A_1592 = tpu.memref_slice %arg5[%dma_wait3A_1580, %dma_wait3A_1589, %dma_wait3A_1590, %dma_wait3A_1591] : memref<8x2x4x1024xf32, #tpu.memory_space<vmem>> -> memref<1x2x4x1024xf32, #tpu.memory_space<vmem>>
      %dma_wait3A_1593 = tpu.memref_squeeze %dma_wait3A_1592 : memref<1x2x4x1024xf32, #tpu.memory_space<vmem>> -> memref<2x4x1024xf32, #tpu.memory_space<vmem>>
      %dma_wait3A_1594 = arith.constant 0 : i32
      %dma_wait3A_1595 = arith.constant 0 : i32
      %dma_wait3A_1596 = tpu.memref_slice %arg2[%mul3A_2, %dma_wait3A_1594, %dma_wait3A_1595] : memref<4096x4x1024xf32, #tpu.memory_space<hbm>> -> memref<2x4x1024xf32, #tpu.memory_space<hbm>>
      tpu.wait_dma2 semaphore(%arg14 : memref<!tpu.dma_semaphore, #tpu.memory_space<semaphore_mem>>) src(%dma_wait3A_1596 : memref<2x4x1024xf32, #tpu.memory_space<hbm>>) dst(%dma_wait3A_1593 : memref<2x4x1024xf32, #tpu.memory_space<vmem>>)
      %dma_wait3A_1597 = arith.constant 7 : i32
      %dma_wait3A_1598 = arith.constant 0 : i32
      %dma_wait3A_1599 = arith.constant 0 : i32
      %dma_wait3A_1600 = tpu.memref_slice %arg6[%dma_wait3A_1597, %dma_wait3A_1598, %dma_wait3A_1599] : memref<8x2x1024xf32, #tpu.memory_space<vmem>> -> memref<1x2x1024xf32, #tpu.memory_space<vmem>>
      %dma_wait3A_1601 = tpu.memref_squeeze %dma_wait3A_1600 : memref<1x2x1024xf32, #tpu.memory_space<vmem>> -> memref<2x1024xf32, #tpu.memory_space<vmem>>
      %dma_wait3A_1602 = arith.constant 0 : i32
      %dma_wait3A_1603 = tpu.memref_slice %arg3[%mul3A_2, %dma_wait3A_1602] : memref<8192x1024xf32, #tpu.memory_space<hbm>> -> memref<2x1024xf32, #tpu.memory_space<hbm>>
      %dma_wait3A_1604 = arith.constant 0 : i32
      %dma_wait3A_1605 = arith.constant 0 : i32
      %dma_wait3A_1606 = tpu.memref_slice %arg6[%dma_wait3A_1597, %dma_wait3A_1604, %dma_wait3A_1605] : memref<8x2x1024xf32, #tpu.memory_space<vmem>> -> memref<1x2x1024xf32, #tpu.memory_space<vmem>>
      %dma_wait3A_1607 = tpu.memref_squeeze %dma_wait3A_1606 : memref<1x2x1024xf32, #tpu.memory_space<vmem>> -> memref<2x1024xf32, #tpu.memory_space<vmem>>
      %dma_wait3A_1608 = arith.constant 0 : i32
      %dma_wait3A_1609 = tpu.memref_slice %arg3[%mul3A_2, %dma_wait3A_1608] : memref<8192x1024xf32, #tpu.memory_space<hbm>> -> memref<2x1024xf32, #tpu.memory_space<hbm>>
      tpu.wait_dma2 semaphore(%arg22 : memref<!tpu.dma_semaphore, #tpu.memory_space<semaphore_mem>>) src(%dma_wait3A_1609 : memref<2x1024xf32, #tpu.memory_space<hbm>>) dst(%dma_wait3A_1607 : memref<2x1024xf32, #tpu.memory_space<vmem>>)
      %scan3A_1610 = arith.constant 0 : i32
      %scan3A_1611 = arith.constant 0 : i32
      %scan3A_1612 = arith.constant 64 : i32
      %scan3A_1613 = arith.addi %scan3A_1611, %scan3A_1612 : i32
      %scan3A_1614 = arith.constant 1 : i32
      scf.for %scan3A_1636 = %scan3A_1611 to %scan3A_1613 step %scan3A_1614  : i32 {
        %mul3A_1637 = arith.constant 16 : i32
        %mul3A_1638 = arith.muli %scan3A_1636, %mul3A_1637 : i32
        %get3A = arith.constant 7 : i32
        %get3A_1639 = arith.constant 0 : i32
        %get3A_1640 = arith.index_cast %get3A : i32 to index
        %get3A_1641 = arith.index_cast %get3A_1639 : i32 to index
        %get3A_1642 = arith.index_cast %mul3A_1638 : i32 to index
        %get3A_1643 = tpu.vector_load %arg6[%get3A_1640, %get3A_1641, %get3A_1642] {strides = array<i32>} : memref<8x2x1024xf32, #tpu.memory_space<vmem>>, vector<1x1x16xf32>,
        %get3A_1644 = vector.shape_cast %get3A_1643 : vector<1x1x16xf32> to vector<16xf32>
        %swap3A = arith.constant 7 : i32
        %swap3A_1645 = arith.constant 0 : i32
        %swap3A_1646 = arith.constant 0 : i32
        %swap3A_1647 = arith.index_cast %swap3A : i32 to index
        %swap3A_1648 = arith.index_cast %swap3A_1645 : i32 to index
        %swap3A_1649 = arith.index_cast %swap3A_1646 : i32 to index
        %swap3A_1650 = arith.index_cast %mul3A_1638 : i32 to index
        %swap3A_1651 = tpu.vector_load %arg5[%swap3A_1647, %swap3A_1648, %swap3A_1649, %swap3A_1650] {strides = array<i32>} : memref<8x2x4x1024xf32, #tpu.memory_space<vmem>>, vector<1x1x1x16xf32>,
        %swap3A_1652 = vector.shape_cast %swap3A_1651 : vector<1x1x1x16xf32> to vector<16xf32>
        %swap3A_1653 = vector.shape_cast %get3A_1644 : vector<16xf32> to vector<1x1x1x16xf32>
        tpu.vector_store %arg5[%swap3A_1647, %swap3A_1648, %swap3A_1649, %swap3A_1650], %swap3A_1653 {add = true, strides = array<i32>} : memref<8x2x4x1024xf32, #tpu.memory_space<vmem>>, vector<1x1x1x16xf32>,
        %swap3A_1654 = arith.constant 7 : i32
        %swap3A_1655 = arith.constant 0 : i32
        %swap3A_1656 = arith.constant 1 : i32
        %swap3A_1657 = arith.index_cast %swap3A_1654 : i32 to index
        %swap3A_1658 = arith.index_cast %swap3A_1655 : i32 to index
        %swap3A_1659 = arith.index_cast %swap3A_1656 : i32 to index
        %swap3A_1660 = arith.index_cast %mul3A_1638 : i32 to index
        %swap3A_1661 = tpu.vector_load %arg5[%swap3A_1657, %swap3A_1658, %swap3A_1659, %swap3A_1660] {strides = array<i32>} : memref<8x2x4x1024xf32, #tpu.memory_space<vmem>>, vector<1x1x1x16xf32>,
        %swap3A_1662 = vector.shape_cast %swap3A_1661 : vector<1x1x1x16xf32> to vector<16xf32>
        %swap3A_1663 = vector.shape_cast %get3A_1644 : vector<16xf32> to vector<1x1x1x16xf32>
        tpu.vector_store %arg5[%swap3A_1657, %swap3A_1658, %swap3A_1659, %swap3A_1660], %swap3A_1663 {add = true, strides = array<i32>} : memref<8x2x4x1024xf32, #tpu.memory_space<vmem>>, vector<1x1x1x16xf32>,
        %swap3A_1664 = arith.constant 7 : i32
        %swap3A_1665 = arith.constant 0 : i32
        %swap3A_1666 = arith.constant 2 : i32
        %swap3A_1667 = arith.index_cast %swap3A_1664 : i32 to index
        %swap3A_1668 = arith.index_cast %swap3A_1665 : i32 to index
        %swap3A_1669 = arith.index_cast %swap3A_1666 : i32 to index
        %swap3A_1670 = arith.index_cast %mul3A_1638 : i32 to index
        %swap3A_1671 = tpu.vector_load %arg5[%swap3A_1667, %swap3A_1668, %swap3A_1669, %swap3A_1670] {strides = array<i32>} : memref<8x2x4x1024xf32, #tpu.memory_space<vmem>>, vector<1x1x1x16xf32>,
        %swap3A_1672 = vector.shape_cast %swap3A_1671 : vector<1x1x1x16xf32> to vector<16xf32>
        %swap3A_1673 = vector.shape_cast %get3A_1644 : vector<16xf32> to vector<1x1x1x16xf32>
        tpu.vector_store %arg5[%swap3A_1667, %swap3A_1668, %swap3A_1669, %swap3A_1670], %swap3A_1673 {add = true, strides = array<i32>} : memref<8x2x4x1024xf32, #tpu.memory_space<vmem>>, vector<1x1x1x16xf32>,
        %swap3A_1674 = arith.constant 7 : i32
        %swap3A_1675 = arith.constant 0 : i32
        %swap3A_1676 = arith.constant 3 : i32
        %swap3A_1677 = arith.index_cast %swap3A_1674 : i32 to index
        %swap3A_1678 = arith.index_cast %swap3A_1675 : i32 to index
        %swap3A_1679 = arith.index_cast %swap3A_1676 : i32 to index
        %swap3A_1680 = arith.index_cast %mul3A_1638 : i32 to index
        %swap3A_1681 = tpu.vector_load %arg5[%swap3A_1677, %swap3A_1678, %swap3A_1679, %swap3A_1680] {strides = array<i32>} : memref<8x2x4x1024xf32, #tpu.memory_space<vmem>>, vector<1x1x1x16xf32>,
        %swap3A_1682 = vector.shape_cast %swap3A_1681 : vector<1x1x1x16xf32> to vector<16xf32>
        %swap3A_1683 = vector.shape_cast %get3A_1644 : vector<16xf32> to vector<1x1x1x16xf32>
        tpu.vector_store %arg5[%swap3A_1677, %swap3A_1678, %swap3A_1679, %swap3A_1680], %swap3A_1683 {add = true, strides = array<i32>} : memref<8x2x4x1024xf32, #tpu.memory_space<vmem>>, vector<1x1x1x16xf32>,
        %get3A_1684 = arith.constant 7 : i32
        %get3A_1685 = arith.constant 1 : i32
        %get3A_1686 = arith.index_cast %get3A_1684 : i32 to index
        %get3A_1687 = arith.index_cast %get3A_1685 : i32 to index
        %get3A_1688 = arith.index_cast %mul3A_1638 : i32 to index
        %get3A_1689 = tpu.vector_load %arg6[%get3A_1686, %get3A_1687, %get3A_1688] {strides = array<i32>} : memref<8x2x1024xf32, #tpu.memory_space<vmem>>, vector<1x1x16xf32>,
        %get3A_1690 = vector.shape_cast %get3A_1689 : vector<1x1x16xf32> to vector<16xf32>
        %swap3A_1691 = arith.constant 7 : i32
        %swap3A_1692 = arith.constant 1 : i32
        %swap3A_1693 = arith.constant 0 : i32
        %swap3A_1694 = arith.index_cast %swap3A_1691 : i32 to index
        %swap3A_1695 = arith.index_cast %swap3A_1692 : i32 to index
        %swap3A_1696 = arith.index_cast %swap3A_1693 : i32 to index
        %swap3A_1697 = arith.index_cast %mul3A_1638 : i32 to index
        %swap3A_1698 = tpu.vector_load %arg5[%swap3A_1694, %swap3A_1695, %swap3A_1696, %swap3A_1697] {strides = array<i32>} : memref<8x2x4x1024xf32, #tpu.memory_space<vmem>>, vector<1x1x1x16xf32>,
        %swap3A_1699 = vector.shape_cast %swap3A_1698 : vector<1x1x1x16xf32> to vector<16xf32>
        %swap3A_1700 = vector.shape_cast %get3A_1690 : vector<16xf32> to vector<1x1x1x16xf32>
        tpu.vector_store %arg5[%swap3A_1694, %swap3A_1695, %swap3A_1696, %swap3A_1697], %swap3A_1700 {add = true, strides = array<i32>} : memref<8x2x4x1024xf32, #tpu.memory_space<vmem>>, vector<1x1x1x16xf32>,
        %swap3A_1701 = arith.constant 7 : i32
        %swap3A_1702 = arith.constant 1 : i32
        %swap3A_1703 = arith.constant 1 : i32
        %swap3A_1704 = arith.index_cast %swap3A_1701 : i32 to index
        %swap3A_1705 = arith.index_cast %swap3A_1702 : i32 to index
        %swap3A_1706 = arith.index_cast %swap3A_1703 : i32 to index
        %swap3A_1707 = arith.index_cast %mul3A_1638 : i32 to index
        %swap3A_1708 = tpu.vector_load %arg5[%swap3A_1704, %swap3A_1705, %swap3A_1706, %swap3A_1707] {strides = array<i32>} : memref<8x2x4x1024xf32, #tpu.memory_space<vmem>>, vector<1x1x1x16xf32>,
        %swap3A_1709 = vector.shape_cast %swap3A_1708 : vector<1x1x1x16xf32> to vector<16xf32>
        %swap3A_1710 = vector.shape_cast %get3A_1690 : vector<16xf32> to vector<1x1x1x16xf32>
        tpu.vector_store %arg5[%swap3A_1704, %swap3A_1705, %swap3A_1706, %swap3A_1707], %swap3A_1710 {add = true, strides = array<i32>} : memref<8x2x4x1024xf32, #tpu.memory_space<vmem>>, vector<1x1x1x16xf32>,
        %swap3A_1711 = arith.constant 7 : i32
        %swap3A_1712 = arith.constant 1 : i32
        %swap3A_1713 = arith.constant 2 : i32
        %swap3A_1714 = arith.index_cast %swap3A_1711 : i32 to index
        %swap3A_1715 = arith.index_cast %swap3A_1712 : i32 to index
        %swap3A_1716 = arith.index_cast %swap3A_1713 : i32 to index
        %swap3A_1717 = arith.index_cast %mul3A_1638 : i32 to index
        %swap3A_1718 = tpu.vector_load %arg5[%swap3A_1714, %swap3A_1715, %swap3A_1716, %swap3A_1717] {strides = array<i32>} : memref<8x2x4x1024xf32, #tpu.memory_space<vmem>>, vector<1x1x1x16xf32>,
        %swap3A_1719 = vector.shape_cast %swap3A_1718 : vector<1x1x1x16xf32> to vector<16xf32>
        %swap3A_1720 = vector.shape_cast %get3A_1690 : vector<16xf32> to vector<1x1x1x16xf32>
        tpu.vector_store %arg5[%swap3A_1714, %swap3A_1715, %swap3A_1716, %swap3A_1717], %swap3A_1720 {add = true, strides = array<i32>} : memref<8x2x4x1024xf32, #tpu.memory_space<vmem>>, vector<1x1x1x16xf32>,
        %swap3A_1721 = arith.constant 7 : i32
        %swap3A_1722 = arith.constant 1 : i32
        %swap3A_1723 = arith.constant 3 : i32
        %swap3A_1724 = arith.index_cast %swap3A_1721 : i32 to index
        %swap3A_1725 = arith.index_cast %swap3A_1722 : i32 to index
        %swap3A_1726 = arith.index_cast %swap3A_1723 : i32 to index
        %swap3A_1727 = arith.index_cast %mul3A_1638 : i32 to index
        %swap3A_1728 = tpu.vector_load %arg5[%swap3A_1724, %swap3A_1725, %swap3A_1726, %swap3A_1727] {strides = array<i32>} : memref<8x2x4x1024xf32, #tpu.memory_space<vmem>>, vector<1x1x1x16xf32>,
        %swap3A_1729 = vector.shape_cast %swap3A_1728 : vector<1x1x1x16xf32> to vector<16xf32>
        %swap3A_1730 = vector.shape_cast %get3A_1690 : vector<16xf32> to vector<1x1x1x16xf32>
        tpu.vector_store %arg5[%swap3A_1724, %swap3A_1725, %swap3A_1726, %swap3A_1727], %swap3A_1730 {add = true, strides = array<i32>} : memref<8x2x4x1024xf32, #tpu.memory_space<vmem>>, vector<1x1x1x16xf32>,
      }
      %scan3A_1615 = arith.constant 64 : i32
      %mul3A_1616 = arith.constant 2 : i32
      %mul3A_1617 = arith.muli %add3A_1555, %mul3A_1616 : i32
      %add3A_1618 = arith.addi %mul3A_2, %mul3A_1617 : i32
      %dma_start3A_1619 = arith.constant 7 : i32
      %dma_start3A_1620 = arith.constant 0 : i32
      %dma_start3A_1621 = arith.constant 0 : i32
      %dma_start3A_1622 = arith.constant 0 : i32
      %dma_start3A_1623 = tpu.memref_slice %arg5[%dma_start3A_1619, %dma_start3A_1620, %dma_start3A_1621, %dma_start3A_1622] : memref<8x2x4x1024xf32, #tpu.memory_space<vmem>> -> memref<1x2x4x1024xf32, #tpu.memory_space<vmem>>
      %dma_start3A_1624 = tpu.memref_squeeze %dma_start3A_1623 : memref<1x2x4x1024xf32, #tpu.memory_space<vmem>> -> memref<2x4x1024xf32, #tpu.memory_space<vmem>>
      %dma_start3A_1625 = arith.constant 0 : i32
      %dma_start3A_1626 = arith.constant 0 : i32
      %dma_start3A_1627 = tpu.memref_slice %arg4[%add3A_1618, %dma_start3A_1625, %dma_start3A_1626] : memref<4096x4x1024xf32, #tpu.memory_space<hbm>> -> memref<2x4x1024xf32, #tpu.memory_space<hbm>>
      %dma_start3A_1628 = arith.constant 0 : i32
      %dma_start3A_1629 = arith.constant 0 : i32
      %dma_start3A_1630 = tpu.memref_slice %arg4[%add3A_1618, %dma_start3A_1628, %dma_start3A_1629] : memref<4096x4x1024xf32, #tpu.memory_space<hbm>> -> memref<2x4x1024xf32, #tpu.memory_space<hbm>>
      %dma_start3A_1631 = arith.constant 0 : i32
      %dma_start3A_1632 = arith.constant 0 : i32
      %dma_start3A_1633 = arith.constant 0 : i32
      %dma_start3A_1634 = tpu.memref_slice %arg5[%dma_start3A_1619, %dma_start3A_1631, %dma_start3A_1632, %dma_start3A_1633] : memref<8x2x4x1024xf32, #tpu.memory_space<vmem>> -> memref<1x2x4x1024xf32, #tpu.memory_space<vmem>>
      %dma_start3A_1635 = tpu.memref_squeeze %dma_start3A_1634 : memref<1x2x4x1024xf32, #tpu.memory_space<vmem>> -> memref<2x4x1024xf32, #tpu.memory_space<vmem>>
      tpu.enqueue_dma source(%dma_start3A_1635 : memref<2x4x1024xf32, #tpu.memory_space<vmem>>) target(%dma_start3A_1630 : memref<2x4x1024xf32, #tpu.memory_space<hbm>>) target_semaphore(%arg30 : memref<!tpu.dma_semaphore, #tpu.memory_space<semaphore_mem>>)
    }
    %scan3A_897 = arith.constant 7 : i32
    %dma_wait3A_898 = arith.constant 4 : i32
    %dma_wait3A_899 = arith.constant 0 : i32
    %dma_wait3A_900 = arith.constant 0 : i32
    %dma_wait3A_901 = arith.constant 0 : i32
    %dma_wait3A_902 = tpu.memref_slice %arg5[%dma_wait3A_898, %dma_wait3A_899, %dma_wait3A_900, %dma_wait3A_901] : memref<8x2x4x1024xf32, #tpu.memory_space<vmem>> -> memref<1x2x4x1024xf32, #tpu.memory_space<vmem>>
    %dma_wait3A_903 = tpu.memref_squeeze %dma_wait3A_902 : memref<1x2x4x1024xf32, #tpu.memory_space<vmem>> -> memref<2x4x1024xf32, #tpu.memory_space<vmem>>
    %dma_wait3A_904 = arith.constant 0 : i32
    %dma_wait3A_905 = arith.constant 0 : i32
    %dma_wait3A_906 = tpu.memref_slice %arg4[%mul3A_2, %dma_wait3A_904, %dma_wait3A_905] : memref<4096x4x1024xf32, #tpu.memory_space<hbm>> -> memref<2x4x1024xf32, #tpu.memory_space<hbm>>
    %dma_wait3A_907 = arith.constant 0 : i32
    %dma_wait3A_908 = arith.constant 0 : i32
    %dma_wait3A_909 = tpu.memref_slice %arg4[%mul3A_2, %dma_wait3A_907, %dma_wait3A_908] : memref<4096x4x1024xf32, #tpu.memory_space<hbm>> -> memref<2x4x1024xf32, #tpu.memory_space<hbm>>
    %dma_wait3A_910 = arith.constant 0 : i32
    %dma_wait3A_911 = arith.constant 0 : i32
    %dma_wait3A_912 = arith.constant 0 : i32
    %dma_wait3A_913 = tpu.memref_slice %arg5[%dma_wait3A_898, %dma_wait3A_910, %dma_wait3A_911, %dma_wait3A_912] : memref<8x2x4x1024xf32, #tpu.memory_space<vmem>> -> memref<1x2x4x1024xf32, #tpu.memory_space<vmem>>
    %dma_wait3A_914 = tpu.memref_squeeze %dma_wait3A_913 : memref<1x2x4x1024xf32, #tpu.memory_space<vmem>> -> memref<2x4x1024xf32, #tpu.memory_space<vmem>>
    tpu.wait_dma2 semaphore(%arg27 : memref<!tpu.dma_semaphore, #tpu.memory_space<semaphore_mem>>) src(%dma_wait3A_914 : memref<2x4x1024xf32, #tpu.memory_space<vmem>>) dst(%dma_wait3A_909 : memref<2x4x1024xf32, #tpu.memory_space<hbm>>)
    %dma_wait3A_915 = arith.constant 5 : i32
    %dma_wait3A_916 = arith.constant 0 : i32
    %dma_wait3A_917 = arith.constant 0 : i32
    %dma_wait3A_918 = arith.constant 0 : i32
    %dma_wait3A_919 = tpu.memref_slice %arg5[%dma_wait3A_915, %dma_wait3A_916, %dma_wait3A_917, %dma_wait3A_918] : memref<8x2x4x1024xf32, #tpu.memory_space<vmem>> -> memref<1x2x4x1024xf32, #tpu.memory_space<vmem>>
    %dma_wait3A_920 = tpu.memref_squeeze %dma_wait3A_919 : memref<1x2x4x1024xf32, #tpu.memory_space<vmem>> -> memref<2x4x1024xf32, #tpu.memory_space<vmem>>
    %dma_wait3A_921 = arith.constant 0 : i32
    %dma_wait3A_922 = arith.constant 0 : i32
    %dma_wait3A_923 = tpu.memref_slice %arg4[%mul3A_2, %dma_wait3A_921, %dma_wait3A_922] : memref<4096x4x1024xf32, #tpu.memory_space<hbm>> -> memref<2x4x1024xf32, #tpu.memory_space<hbm>>
    %dma_wait3A_924 = arith.constant 0 : i32
    %dma_wait3A_925 = arith.constant 0 : i32
    %dma_wait3A_926 = tpu.memref_slice %arg4[%mul3A_2, %dma_wait3A_924, %dma_wait3A_925] : memref<4096x4x1024xf32, #tpu.memory_space<hbm>> -> memref<2x4x1024xf32, #tpu.memory_space<hbm>>
    %dma_wait3A_927 = arith.constant 0 : i32
    %dma_wait3A_928 = arith.constant 0 : i32
    %dma_wait3A_929 = arith.constant 0 : i32
    %dma_wait3A_930 = tpu.memref_slice %arg5[%dma_wait3A_915, %dma_wait3A_927, %dma_wait3A_928, %dma_wait3A_929] : memref<8x2x4x1024xf32, #tpu.memory_space<vmem>> -> memref<1x2x4x1024xf32, #tpu.memory_space<vmem>>
    %dma_wait3A_931 = tpu.memref_squeeze %dma_wait3A_930 : memref<1x2x4x1024xf32, #tpu.memory_space<vmem>> -> memref<2x4x1024xf32, #tpu.memory_space<vmem>>
    tpu.wait_dma2 semaphore(%arg28 : memref<!tpu.dma_semaphore, #tpu.memory_space<semaphore_mem>>) src(%dma_wait3A_931 : memref<2x4x1024xf32, #tpu.memory_space<vmem>>) dst(%dma_wait3A_926 : memref<2x4x1024xf32, #tpu.memory_space<hbm>>)
    %dma_wait3A_932 = arith.constant 6 : i32
    %dma_wait3A_933 = arith.constant 0 : i32
    %dma_wait3A_934 = arith.constant 0 : i32
    %dma_wait3A_935 = arith.constant 0 : i32
    %dma_wait3A_936 = tpu.memref_slice %arg5[%dma_wait3A_932, %dma_wait3A_933, %dma_wait3A_934, %dma_wait3A_935] : memref<8x2x4x1024xf32, #tpu.memory_space<vmem>> -> memref<1x2x4x1024xf32, #tpu.memory_space<vmem>>
    %dma_wait3A_937 = tpu.memref_squeeze %dma_wait3A_936 : memref<1x2x4x1024xf32, #tpu.memory_space<vmem>> -> memref<2x4x1024xf32, #tpu.memory_space<vmem>>
    %dma_wait3A_938 = arith.constant 0 : i32
    %dma_wait3A_939 = arith.constant 0 : i32
    %dma_wait3A_940 = tpu.memref_slice %arg4[%mul3A_2, %dma_wait3A_938, %dma_wait3A_939] : memref<4096x4x1024xf32, #tpu.memory_space<hbm>> -> memref<2x4x1024xf32, #tpu.memory_space<hbm>>
    %dma_wait3A_941 = arith.constant 0 : i32
    %dma_wait3A_942 = arith.constant 0 : i32
    %dma_wait3A_943 = tpu.memref_slice %arg4[%mul3A_2, %dma_wait3A_941, %dma_wait3A_942] : memref<4096x4x1024xf32, #tpu.memory_space<hbm>> -> memref<2x4x1024xf32, #tpu.memory_space<hbm>>
    %dma_wait3A_944 = arith.constant 0 : i32
    %dma_wait3A_945 = arith.constant 0 : i32
    %dma_wait3A_946 = arith.constant 0 : i32
    %dma_wait3A_947 = tpu.memref_slice %arg5[%dma_wait3A_932, %dma_wait3A_944, %dma_wait3A_945, %dma_wait3A_946] : memref<8x2x4x1024xf32, #tpu.memory_space<vmem>> -> memref<1x2x4x1024xf32, #tpu.memory_space<vmem>>
    %dma_wait3A_948 = tpu.memref_squeeze %dma_wait3A_947 : memref<1x2x4x1024xf32, #tpu.memory_space<vmem>> -> memref<2x4x1024xf32, #tpu.memory_space<vmem>>
    tpu.wait_dma2 semaphore(%arg29 : memref<!tpu.dma_semaphore, #tpu.memory_space<semaphore_mem>>) src(%dma_wait3A_948 : memref<2x4x1024xf32, #tpu.memory_space<vmem>>) dst(%dma_wait3A_943 : memref<2x4x1024xf32, #tpu.memory_space<hbm>>)
    %dma_wait3A_949 = arith.constant 7 : i32
    %dma_wait3A_950 = arith.constant 0 : i32
    %dma_wait3A_951 = arith.constant 0 : i32
    %dma_wait3A_952 = arith.constant 0 : i32
    %dma_wait3A_953 = tpu.memref_slice %arg5[%dma_wait3A_949, %dma_wait3A_950, %dma_wait3A_951, %dma_wait3A_952] : memref<8x2x4x1024xf32, #tpu.memory_space<vmem>> -> memref<1x2x4x1024xf32, #tpu.memory_space<vmem>>
    %dma_wait3A_954 = tpu.memref_squeeze %dma_wait3A_953 : memref<1x2x4x1024xf32, #tpu.memory_space<vmem>> -> memref<2x4x1024xf32, #tpu.memory_space<vmem>>
    %dma_wait3A_955 = arith.constant 0 : i32
    %dma_wait3A_956 = arith.constant 0 : i32
    %dma_wait3A_957 = tpu.memref_slice %arg4[%mul3A_2, %dma_wait3A_955, %dma_wait3A_956] : memref<4096x4x1024xf32, #tpu.memory_space<hbm>> -> memref<2x4x1024xf32, #tpu.memory_space<hbm>>
    %dma_wait3A_958 = arith.constant 0 : i32
    %dma_wait3A_959 = arith.constant 0 : i32
    %dma_wait3A_960 = tpu.memref_slice %arg4[%mul3A_2, %dma_wait3A_958, %dma_wait3A_959] : memref<4096x4x1024xf32, #tpu.memory_space<hbm>> -> memref<2x4x1024xf32, #tpu.memory_space<hbm>>
    %dma_wait3A_961 = arith.constant 0 : i32
    %dma_wait3A_962 = arith.constant 0 : i32
    %dma_wait3A_963 = arith.constant 0 : i32
    %dma_wait3A_964 = tpu.memref_slice %arg5[%dma_wait3A_949, %dma_wait3A_961, %dma_wait3A_962, %dma_wait3A_963] : memref<8x2x4x1024xf32, #tpu.memory_space<vmem>> -> memref<1x2x4x1024xf32, #tpu.memory_space<vmem>>
    %dma_wait3A_965 = tpu.memref_squeeze %dma_wait3A_964 : memref<1x2x4x1024xf32, #tpu.memory_space<vmem>> -> memref<2x4x1024xf32, #tpu.memory_space<vmem>>
    tpu.wait_dma2 semaphore(%arg30 : memref<!tpu.dma_semaphore, #tpu.memory_space<semaphore_mem>>) src(%dma_wait3A_965 : memref<2x4x1024xf32, #tpu.memory_space<vmem>>) dst(%dma_wait3A_960 : memref<2x4x1024xf32, #tpu.memory_space<hbm>>)
    return
  }
}

</mosaic_0001>

<sc_bundles>
// kernel: kernel.3.cloned.1.call-start
scs
__scs_entry_jumppad:
0x0: {  	(pc) =	sbr.rel $0x88, $3  }
0x1: {  	(tag) =	ssettag $0x0;
	lr =	simm.s32 $0x1  }
0x2: {  	[smem:$0x3F9F] =	sst lr;
	_ =	strace $0xD0000000  }
0x3: {  	_ = 	snop  }
0x4: {  	_ = 	snop  }
0x5: {  	_ = 	snop  }
0x6: {  	_ = 	snop  }
0x7: {  	_ = 	snop  }
__scs_overlays_trampoline_lowered:
0x8: {  	[smem:$0x3FAE] =	sst s0  }
0x9: {  	[smem:$0x3FAF] =	sst s1  }
0xa: {  	[smem:$0x3FB0] =	sst s2  }
0xb: {  	[smem:$0x3FB1] =	sst s3  }
0xc: {  	[smem:$0x3FB2] =	sst s4  }
0xd: {  	[smem:$0x3FB3] =	sst s5  }
0xe: {  	[smem:$0x3FB4] =	sst s6  }
0xf: {  	[smem:$0x3FB5] =	sst s7  }
0x10: {  	[smem:$0x3FB6] =	sst s8  }
0x11: {  	[smem:$0x3FB7] =	sst s9;
	s0 =	simm.s32 @!p0 $0x0  }
0x12: {  	s1 =	sld [smem:$0x3F9D];
	s0 =	simm.s32 @p0 $0x1  }
0x13: {  	[smem:$0x3FB8] =	sst s0;
	s0 =	simm.s32 @!p1 $0x0  }
0x14: {  	s2 =	sld [smem:$0x3F9C];
	s0 =	simm.s32 @p1 $0x1  }
0x15: {  	[smem:$0x3FB9] =	sst s0;
	s0 =	simm.s32 @!p2 $0x0  }
0x16: {  	s3 =	sld [smem:$0x3FDB];
	s0 =	simm.s32 @p2 $0x1  }
0x17: {  	s4 =	simm.s32 $0x1BF5;
	[smem:$0x3FBB] =	sst s0  }
0x18: {  	s0 =	sld [smem:$0x3F9E];
	_ =	swait.ge [sflag:s4], $0x0  }
0x19: {  	s7 =	sld [smem:$0x3F9F]  }
0x1a: {  	s8 =	sadd.s32 $0xFFFFE003, lr  }
0x1b: {  	s9 =	sadd.s32 $0xFFFFFEF7, lr;
	s5 =	simm.s32 $0xFFFFFFFF;
	p2 =	slt.u32 s8, $0xFFFFF086  }
0x1c: {  	p1 =	slt.u32 s9, $0xF7A;
	s5 =	simm.s32 @!p2 $0x0  }
0x1d: {  	s5 =	simm.s32 @p1 $0x1;
	p0 =	seq.s32 s7, s2  }
0x1e: {  	s7 =	smul.u32 @!p0 $0xF7A, s2;
	p2 =	seq.s32 @!p0 s5, $0x0  }
0x1f: {  	s9 =	smul.u32 $0xF7A, s1;
	s8 =	simm.s32 @!p0 $0x1BF5;
	p2 =	por !p2, p0  }
0x20: {  	[sflag:s8] =	ssyncset.s32 @!p0 $0xFFFFF086;
	s6 =	sadd.s32 @!p0 s3, s7;
	s7 =	simm.s32 @!p0 $0x108  }
0x21: {  	s3 =	sadd.s32 s3, s9;
	s6 =	sadd.s32 @!p0 $0x88, s6;
	s7 =	simm.s32 @p2 $0x1082  }
0x22: {  	[simem:s7], [sflag:s8] =	dma.local @!p0 [hbm:s6], $0xF7A  }
0x23: {  	s9 =	sor.u32 $0xD0000000, s2;
	s6 =	simm.s32 $0x108;
	_ =	swait.ge @!p0 [sflag:s8], $0x0  }
0x24: {  	s3 =	sadd.s32 $0x88, s3;
	s6 =	simm.s32 @!p1 $0x1082;
	[sflag:s4] =	ssyncset.s32 $0xFFFFF086  }
0x25: {  	[simem:s6], [sflag:s4] =	dma.local [hbm:s3], $0xF7A  }
0x26: {  	[smem:$0x3F9F] =	sst s1;
	(tag) =	ssettag s2;
	_ =	strace s9  }
0x27: {  	s1 =	sld [smem:$0x3FAF]  }
0x28: {  	s2 =	sld [smem:$0x3FB0]  }
0x29: {  	s4 =	sld [smem:$0x3FB2]  }
0x2a: {  	p0 =	seq.s32 s5, $0x0;
	s5 =	sld [smem:$0x3FB3]  }
0x2b: {  	s6 =	sld [smem:$0x3FB4]  }
0x2c: {  	s7 =	sld [smem:$0x3FB5]  }
0x2d: {  	s3 =	simm.s32 $0x108;
	s8 =	sld [smem:$0x3FB6]  }
0x2e: {  	s3 =	simm.s32 @!p0 $0x1082;
	s9 =	sld [smem:$0x3FB7]  }
0x2f: {  	lr =	sadd.s32 s0, s3;
	s0 =	sld [smem:$0x3FAE]  }
0x30: {  	s3 =	sld [smem:$0x3FB1]  }
0x31: {  	[smem:$0x3FBA] =	sst s10  }
0x32: {  	s10 =	sld [smem:$0x3FB8];
	_ =	sdelay $0x3  }
0x33: {  	p0 =	seq.s32 s10, $0x1;
	s10 =	sld [smem:$0x3FBA];
	_ =	sdelay $0x3  }
0x34: {  	[smem:$0x3FBA] =	sst s10  }
0x35: {  	s10 =	sld [smem:$0x3FB9];
	_ =	sdelay $0x3  }
0x36: {  	p1 =	seq.s32 s10, $0x1;
	s10 =	sld [smem:$0x3FBA];
	_ =	sdelay $0x3  }
0x37: {  	[smem:$0x3FBA] =	sst s10  }
0x38: {  	s10 =	sld [smem:$0x3FBB]  }
0x39: {  	_ = 	snop;
	(pc) =	sbr.ind lr, $3  }
0x3a: {  	_ = 	snop  }
0x3b: {  	_ = 	snop  }
0x3c: {  	p2 =	seq.s32 s10, $0x1;
	s10 =	sld [smem:$0x3FBA]  }
0x3d: {  	_ =	shalt  }
0x3e: {  	_ =	shalt  }
0x3f: {  	_ =	shalt  }
0x40: {  	_ =	shalt  }
0x41: {  	_ =	shalt  }
0x42: {  	_ =	shalt  }
0x43: {  	_ =	shalt  }
0x44: {  	_ =	shalt  }
0x45: {  	_ =	shalt  }
0x46: {  	_ =	shalt  }
0x47: {  	_ =	shalt  }
0x48: {  	_ =	shalt  }
0x49: {  	_ =	shalt  }
0x4a: {  	_ =	shalt  }
0x4b: {  	_ =	shalt  }
0x4c: {  	_ =	shalt  }
0x4d: {  	_ =	shalt  }
0x4e: {  	_ =	shalt  }
0x4f: {  	_ =	shalt  }
0x50: {  	_ =	shalt  }
0x51: {  	_ =	shalt  }
0x52: {  	_ =	shalt  }
0x53: {  	_ =	shalt  }
0x54: {  	_ =	shalt  }
0x55: {  	_ =	shalt  }
0x56: {  	_ =	shalt  }
0x57: {  	_ =	shalt  }
0x58: {  	_ =	shalt  }
0x59: {  	_ =	shalt  }
0x5a: {  	_ =	shalt  }
0x5b: {  	_ =	shalt  }
0x5c: {  	_ =	shalt  }
0x5d: {  	_ =	shalt  }
0x5e: {  	_ =	shalt  }
0x5f: {  	_ =	shalt  }
0x60: {  	_ =	shalt  }
0x61: {  	_ =	shalt  }
0x62: {  	_ =	shalt  }
0x63: {  	_ =	shalt  }
0x64: {  	_ =	shalt  }
0x65: {  	_ =	shalt  }
0x66: {  	_ =	shalt  }
0x67: {  	_ =	shalt  }
0x68: {  	_ =	shalt  }
0x69: {  	_ =	shalt  }
0x6a: {  	_ =	shalt  }
0x6b: {  	_ =	shalt  }
0x6c: {  	_ =	shalt  }
0x6d: {  	_ =	shalt  }
0x6e: {  	_ =	shalt  }
0x6f: {  	_ =	shalt  }
0x70: {  	_ =	shalt  }
0x71: {  	_ =	shalt  }
0x72: {  	_ =	shalt  }
0x73: {  	_ =	shalt  }
0x74: {  	_ =	shalt  }
0x75: {  	_ =	shalt  }
0x76: {  	_ =	shalt  }
0x77: {  	_ =	shalt  }
0x78: {  	_ =	shalt  }
0x79: {  	_ =	shalt  }
0x7a: {  	_ =	shalt  }
0x7b: {  	_ =	shalt  }
0x7c: {  	_ =	shalt  }
0x7d: {  	_ =	shalt  }
0x7e: {  	_ =	shalt  }
0x7f: {  	_ =	shalt  }
0x80: {  	_ =	shalt  }
0x81: {  	_ =	shalt  }
0x82: {  	_ =	shalt  }
0x83: {  	_ =	shalt  }
0x84: {  	_ =	shalt  }
0x85: {  	_ =	shalt  }
0x86: {  	_ =	shalt  }
0x87: {  	_ =	shalt  }
.Lfunc_end0:
.L_simem_size_0:
called_computation_lowered:
.L_overlay_start_0:
0x88: {  	s2 =	sld [smem:$0x3FD9]  }
0x89: {  	s3 =	sld [smem:$0x3FFE];
	_ =	sdelay $0x1  }
0x8a: {  	s1 =	srdreg.scid  }
0x8b: {  	s0 =	sand.u32 $0x1, s1  }
0x8c: {  	s18 =	sshll.u32 s0, $0xA;
	s2 =	sadd.s32 s3, s2  }
0x8d: {  	s2 =	sadd.s32 s2, s18  }
0x8e: {  	[smem:$0x3FC6] =	sst s2  }
0x8f: {  	_ = 	snop  }
0x90: {  	s2 =	sld [smem:$0x3FC9]  }
0x91: {  	s19 =	sld [smem:$0x3FC8]  }
0x92: {  	s4 =	sld [smem:$0x3FD0];
	(tm) =	ssettm $0x1  }
0x93: {  	s5 =	sld [smem:$0x3FFB];
	_ =	sdelay $0x3  }
0x94: {  	_ =	strace s5  }
0x95: {  	s5 =	sld [smem:$0x3FFC];
	_ =	sdelay $0x3  }
0x96: {  	_ =	strace s5  }
0x97: {  	s5 =	sld [smem:$0x3FFD];
	_ =	sdelay $0x3  }
0x98: {  	_ =	strace s5  }
0x99: {  	_ =	strace $0x8FFFFFFF  }
0x9a: {  	s20 =	sld [smem:$0x3FDB];
	_ =	sdelay $0x1  }
0x9b: {  	s6 =	simm.s32 $_scs_section_size  }
0x9c: {  	s7 =	simm.s32 $_size__tile_overlayer_lowered;
	s8 =	simm.s32 $_tile_overlayer_lowered  }
0x9d: {  	s23 =	simm.s32 $0x1BFF;
	s22 =	sshll.u32 s8, $0x1;
	s5 =	sadd.s32 s6, s20  }
0x9e: {  	s9 =	simm.s32 $0x0;
	s21 =	sshll.u32 s7, $0x1;
	s7 =	sadd.s32 s22, s5  }
0x9f: {  	[timem:s9], [sflag:s23] =	dma.local [hbm:s7], s21  }
0xa0: {  	_ =	swait.ge [sflag:s23], s21  }
0xa1: {  	s6 =	ssub.s32 $0x0, s21;
	[sflag:s23] =	ssyncset.done $0x0  }
0xa2: {  	[sflag:s23] =	ssyncadd.s32 s6;
	_ =	sdelay $0x1  }
0xa3: {  	s24 =	simm.s32 $0x1B8B  }
0xa4: {  	_ =	swait.ge [sflag:s24], $0x1  }
0xa5: {  	[sflag:s24] =	ssyncset.done $0x0  }
0xa6: {  	s25 =	simm.s32 $0x1B8E;
	[sflag:s24] =	ssyncadd.s32 $0xFFFFFFFF  }
0xa7: {  	s26 =	simm.s32 $execute0_lowered;
	[smem:$0x3FD2] =	sst s25  }
0xa8: {  	s6 =	sshll.u32 s26, $0x1;
	_ =	strace $0x80000046;
	[dreg:$0x1] =	wrdreg $0xFFFFFFFF  }
0xa9: {  	s28 =	simm.s32 $_size_execute0_lowered;
	s5 =	sadd.s32 s5, s6;
	[dreg:$0x0] =	wrdreg $0x0  }
0xaa: {  	s6 =	sshll.u32 s28, $0x1;
	[dreg:$0x2] =	wrdreg s5  }
0xab: {  	[dreg:$0x3] =	wrdreg s6  }
0xac: {  	[dreg:$0x4] =	wrdreg $0xC0  }
0xad: {  	_ =	task [dreg:s9], $0x5FFFF  }
0xae: {  	[dreg:$0x1] =	wrdreg $0xFFFFFFFF  }
0xaf: {  	[dreg:$0x0] =	wrdreg $0x60  }
0xb0: {  	[dreg:$0x2] =	wrdreg s2  }
0xb1: {  	[dreg:$0x3] =	wrdreg s19  }
0xb2: {  	[dreg:$0x4] =	wrdreg s4  }
0xb3: {  	[dreg:$0x5] =	wrdreg $0x9  }
0xb4: {  	_ =	task.clear_ibuf [dreg:s9], $0x6FFFF;
	_ =	strace $0x90000046  }
0xb5: {  	s29 =	simm.s32 $0x9;
	_ =	strace $0x80000048  }
0xb6: {  	_ =	swait.ge [sflag:s29], $0x1  }
0xb7: {  	[sflag:s29] =	ssyncadd.s32 $0xFFFFFFFF  }
0xb8: {  	_ =	strace $0x90000048  }
0xb9: {  	_ =	sfence  }
0xba: {  	s30 =	sld [smem:$0x0];
	_ =	sdelay $0x2  }
0xbb: {  	s31 =	sshll.u32 s1, $0xD;
	s1 =	sshrl.u32 s1, $0x2  }
0xbc: {  	s3 =	sand.u32 $0x4000, s31;
	s1 =	sadd.s32 s1, s30  }
0xbd: {  	s0 =	sor.u32 s3, s0;
	s1 =	sshll.u32 s1, $0x11  }
0xbe: {  	s0 =	sor.u32 s1, s0  }
0xbf: {  	s0 =	sadd.s32 $0x8F2B, s0  }
0xc0: {  	[sflag:s0] =	ssyncadd.remote.s32 $0x1  }
0xc1: {  	_ =	sfence.sel $0xFFFF  }
0xc2: {  	[dreg:$0x0] =	wrdreg $0xFFFFFFFF;
	(pc) =	sbr.abs _section_cstart, $3  }
0xc3: {  	[dreg:$0x1] =	wrdreg $0xFFFFFFFF  }
0xc4: {  	_ =	task.clear_ibuf [dreg:s9], $0x2FFFF;
	_ =	strace $0x9FFFFFFF  }
0xc5: {  	(tm) =	ssettm $0x7FFFFFFF  }
tec
execute0_lowered:
.L_overlay_start_1:
0x0: {  	(tag) =	ssettag $0x1  }
0x1: {  	s1 =	rddreg [dreg:$0x0]  }
0x2: {  	s31 =	rddreg [dreg:$0x1]  }
0x3: {  	s13 =	rddreg [dreg:$0x2];
	s5 =	simm.s32 $0x0  }
0x4: {  	s0 =	srdreg.scid;
	s3 =	stileid.u32;
	s28 =	simm.s32 $0x400  }
0x5: {  	s29 =	simm.s32 $0x8000;
	s30 =	simm.s32 $0xC000;
	[smem:$0x7FF] =	sst s5  }
0x6: {  	s0 =	sand.u32 $0x1, s0;
	s3 =	sshll.u32 s3, $0x8;
	s10 =	sadd.s32 $0x20, s31  }
0x7: {  	s11 =	sadd.s32 $0x40, s31;
	s2 =	ssub.s32 $0x2, s0;
	s0 =	sshll.u32 s0, $0x7  }
0x8: {  	s14 =	sadd.s32 $0x60, s31;
	s4 =	sshrl.u32 s2, $0x1;
	s6 =	sor.u32 s0, s3  }
0x9: {  	_ =	strace $0x80000047;
	s0 =	ssub.s32 s2, s4;
	s16 =	sshll.u32 s6, $0x9  }
0xa: {  	s3 =	sshll.u32 s6, $0x7;
	s9 =	sor.u32 $0x8, s6;
	s12 =	sor.u32 $0xA, s6  }
0xb: {  	s26 =	sor.u32 $0xC, s6;
	s17 =	sadd.s32 s1, s16;
	s18 =	sadd.s32 s31, s3  }
0xc: {  	s19 =	sor.u32 $0x400, s16;
	s20 =	sadd.s32 s3, s10;
	[dreg:$0x4] =	wrdreg s17  }
0xd: {  	s21 =	sor.u32 $0x800, s16;
	s8 =	sadd.s32 s3, s11;
	[dreg:$0x5] =	wrdreg s18  }
0xe: {  	s22 =	sor.u32 $0xC00, s16;
	s3 =	sadd.s32 s3, s14;
	[dreg:$0x7] =	wrdreg s20  }
0xf: {  	s23 =	sshll.u32 s9, $0x7;
	s9 =	sshll.u32 s9, $0x9;
	[dreg:$0x8] =	wrdreg s8  }
0x10: {  	s24 =	sshll.u32 s12, $0x7;
	s0 =	smax.u32 s0, $0x1;
	[dreg:$0x9] =	wrdreg s3  }
0x11: {  	s12 =	sshll.u32 s12, $0x9;
	s7 =	sadd.s32 s1, s19;
	[smem:$0x7FD] =	sst s0  }
0x12: {  	s15 =	sshll.u32 s26, $0x7;
	s3 =	sadd.s32 s31, s23;
	[dreg:$0x6] =	wrdreg s7  }
0x13: {  	s17 =	sadd.s32 s13, s16;
	s4 =	sadd.s32 s13, s19;
	[dreg:$0xa] =	wrdreg s3  }
0x14: {  	s25 =	sand.u32 $0x7C400, s24;
	s20 =	sadd.s32 s1, s22;
	[dreg:$0xc] =	wrdreg s4  }
0x15: {  	s16 =	sor.u32 $0xE, s6;
	s19 =	sor.u32 $0x10, s6;
	[dreg:$0x12] =	wrdreg s20  }
0x16: {  	s24 =	sor.u32 $0x12, s6;
	s8 =	simm.s32 $0xF;
	[dreg:$0x11] =	wrdreg s19  }
0x17: {  	s2 =	sadd.s32 s25, s10;
	s3 =	sshll.u32 s26, $0x9;
	[dreg:$0x15] =	wrdreg s24  }
0x18: {  	s18 =	sshll.u32 s16, $0x7;
	s7 =	sadd.s32 s13, s21;
	[dreg:$0xb] =	wrdreg s2  }
0x19: {  	s4 =	sshll.u32 s16, $0x9;
	s25 =	sadd.s32 s1, s9;
	[dreg:$0xf] =	wrdreg s7  }
0x1a: {  	s23 =	sshll.u32 s19, $0x7;
	s9 =	sadd.s32 s13, s9;
	[dreg:$0x17] =	wrdreg s25  }
0x1b: {  	s26 =	sshll.u32 s24, $0x7;
	s16 =	sadd.s32 s1, s12;
	[dreg:$0x18] =	wrdreg s9  }
0x1c: {  	s20 =	sor.u32 $0x16, s6;
	s2 =	sand.u32 $0x7C400, s15;
	[dreg:$0x1c] =	wrdreg s16  }
0x1d: {  	s15 =	sadd.s32 s1, s21;
	s21 =	sadd.s32 s13, s22;
	[dreg:$0x1e] =	wrdreg s20  }
0x1e: {  	s22 =	sshll.u32 s19, $0x9;
	s7 =	sshll.u32 s24, $0x9;
	[dreg:$0xe] =	wrdreg s15  }
0x1f: {  	s25 =	sadd.s32 s1, s4;
	s9 =	simm.s32 $0x18;
	[dreg:$0x13] =	wrdreg s21  }
0x20: {  	s2 =	sadd.s32 s2, s11;
	s7 =	sadd.s32 s1, s7;
	[smem:$0x7FB] =	sst s25  }
0x21: {  	s15 =	sor.u32 $0x14, s6;
	s21 =	sshll.u32 s20, $0x7;
	[dreg:$0xd] =	wrdreg s2  }
0x22: {  	s25 =	simm.s32 $0x16;
	s2 =	sand.u32 $0x7C400, s18;
	[dreg:$0x19] =	wrdreg s7  }
0x23: {  	s18 =	sadd.s32 s13, s12;
	s19 =	sshll.u32 s15, $0x7;
	[dreg:$0x1b] =	wrdreg s15  }
0x24: {  	s7 =	sshll.u32 s15, $0x9;
	s2 =	sadd.s32 s2, s14;
	[dreg:$0x1d] =	wrdreg s18  }
0x25: {  	s12 =	simm.s32 $0x8;
	s7 =	sadd.s32 s1, s7;
	[dreg:$0x10] =	wrdreg s2  }
0x26: {  	s15 =	simm.s32 $0x10;
	s2 =	sadd.s32 s1, s22;
	[dreg:$0x1f] =	wrdreg s7  }
0x27: {  	s22 =	sadd.s32 s1, s3;
	s3 =	sadd.s32 s13, s3;
	[dreg:$0x14] =	wrdreg s2  }
0x28: {  	s7 =	simm.s32 $0x17;
	s2 =	sadd.s32 s31, s23;
	[smem:$0x7F7] =	sst s22  }
0x29: {  	s23 =	sshll.u32 s20, $0x9;
	[smem:$0x7F8] =	sst s3;
	s22 =	simm.s32 $0x10800  }
0x2a: {  	[dreg:$0x16] =	wrdreg s2;
	s2 =	sand.u32 $0x7C800, s26;
	s24 =	sadd.s32 s1, s23  }
0x2b: {  	s20 =	simm.s32 $0x15;
	s2 =	sadd.s32 s2, s10;
	[smem:$0x7F9] =	sst s24  }
0x2c: {  	s26 =	sadd.s32 s13, s4;
	[dreg:$0x1a] =	wrdreg s2;
	s2 =	sand.u32 $0x7C800, s19  }
0x2d: {  	s23 =	simm.s32 $0x11000;
	[smem:$0x7FC] =	sst s26;
	s2 =	sadd.s32 s2, s11  }
0x2e: {  	s13 =	simm.s32 $0x14;
	[smem:$0x7F6] =	sst s2;
	s2 =	sand.u32 $0x7C800, s21  }
0x2f: {  	s26 =	simm.s32 $0x100;
	s24 =	simm.s32 $0xA000;
	s2 =	sadd.s32 s2, s14  }
0x30: {  	s21 =	simm.s32 $0x10000;
	[smem:$0x7FA] =	sst s2;
	s2 =	simm.s32 $0x0  }
.LBB2_1:
0x31: {  	[smem:$0x7F5] =	sst s2  }
0x32: {  	s0 =	rddreg [dreg:$0x4]  }
0x33: {  	[tilespmem:s5], [sflag:$0x1] =	stream.linear.gather [hbm4b:s0+s5], $0x2000, $0x38;
	[tilespmem:$0x14000] =	vst v63  }
0x34: {  	s2 =	rddreg [dreg:$0x5]  }
0x35: {  	[tilespmem:s21], [sflag:$0x9] =	stream.strided.gather [hbm4b:s2+s26], $0x800, s28, s26, $0x38;
	[tilespmem:$0x14000] =	vst v63  }
0x36: {  	s3 =	rddreg [dreg:$0x6];
	s4 =	simm.s32 $0x2000  }
0x37: {  	[tilespmem:s4], [sflag:$0x2] =	stream.linear.gather [hbm4b:s3+s5], $0x2000, $0x38;
	[tilespmem:$0x14000] =	vst v63  }
0x38: {  	s16 =	rddreg [dreg:$0x7]  }
0x39: {  	[tilespmem:s22], [sflag:$0xA] =	stream.strided.gather [hbm4b:s16+s26], $0x800, s28, s26, $0x38;
	[tilespmem:$0x14000] =	vst v63  }
0x3a: {  	s18 =	rddreg [dreg:$0xe];
	s19 =	simm.s32 $0x4000  }
0x3b: {  	[tilespmem:s19], [sflag:$0x3] =	stream.linear.gather [hbm4b:s18+s5], $0x2000, $0x38;
	[tilespmem:$0x14000] =	vst v63  }
0x3c: {  	s3 =	rddreg [dreg:$0x8]  }
0x3d: {  	[tilespmem:s23], [sflag:$0xB] =	stream.strided.gather [hbm4b:s3+s26], $0x800, s28, s26, $0x38;
	[tilespmem:$0x14000] =	vst v63  }
0x3e: {  	s4 =	rddreg [dreg:$0x12];
	s16 =	simm.s32 $0x6000  }
0x3f: {  	[tilespmem:s16], [sflag:$0x4] =	stream.linear.gather [hbm4b:s4+s5], $0x2000, $0x38;
	[tilespmem:$0x14000] =	vst v63  }
0x40: {  	s18 =	rddreg [dreg:$0x9];
	s19 =	simm.s32 $0x11800  }
0x41: {  	[tilespmem:s19], [sflag:$0xC] =	stream.strided.gather [hbm4b:s18+s26], $0x800, s28, s26, $0x38;
	[tilespmem:$0x14000] =	vst v63  }
0x42: {  	s3 =	rddreg [dreg:$0x17]  }
0x43: {  	[tilespmem:s29], [sflag:$0x5] =	stream.linear.gather [hbm4b:s3+s5], $0x2000, $0x38;
	[tilespmem:$0x14000] =	vst v63  }
0x44: {  	s4 =	rddreg [dreg:$0xa];
	s16 =	simm.s32 $0x12000;
	s18 =	simm.s32 $0x1  }
0x45: {  	[tilespmem:s16], [sflag:$0xD] =	stream.strided.gather [hbm4b:s4+s26], $0x800, s28, s26, $0x38;
	[tilespmem:$0x14000] =	vst v63  }
0x46: {  	_ =	swait.ge [sflag:s18], $0x2000  }
0x47: {  	[sflag:s18] =	ssyncset.done $0x0  }
0x48: {  	s19 =	simm.s32 $0x9;
	[sflag:s18] =	ssyncadd.s32 $0xFFFFE000  }
0x49: {  	s4 =	simm.s32 $0x0;
	_ =	swait.ge [sflag:s19], $0x800  }
0x4a: {  	s3 =	sand.u32 $0x70, s5;
	s0 =	sand.u32 $0x3FFFFF00, s4;
	[sflag:s19] =	ssyncset.done $0x0  }
0x4b: {  	s4 =	sor.u32 s3, s0;
	[sflag:s19] =	ssyncadd.s32 $0xFFFFF800  }
0x4c: {  	v0 =	vld [tilespmem:s4+$0x10000];
	_ =	sdelay $0x1  }
0x4d: {  	s16 =	simm.s32 $0x0  }
0x4e: {  	s0 =	sand.u32 $0x3FFFFE00, s16  }
0x4f: {  	s0 =	sor.u32 s3, s0  }
0x50: {  	s3 =	sor.u32 $0x80, s0;
	[tilespmem:s0+$0x0] =	vst.add.f32.msk $0xffff, v0  }
0x51: {  	s18 =	sor.u32 $0x100, s0;
	[tilespmem:s3+$0x0] =	vst.add.f32.msk $0xffff, v0  }
0x52: {  	s19 =	sor.u32 $0x180, s0;
	[tilespmem:s18+$0x0] =	vst.add.f32.msk $0xffff, v0  }
0x53: {  	s4 =	sadd.s32 $0x10000, s4;
	[tilespmem:s19+$0x0] =	vst.add.f32.msk $0xffff, v0  }
0x54: {  	s16 =	simm.s32 $0x0;
	s3 =	simm.s32 $0x1;
	v0 =	vld [tilespmem:s4+$0x80]  }
.LBB2_2:
0x55: {  	_ =	sdelay $0x2  }
0x56: {  	p0 =	sne.s32 s3, $0x3F  }
0x57: {  	s16 =	sadd.s32 $0x10, s16;
	s4 =	smov.u32 s3;
	s3 =	sadd.s32 $0x1, s3;
	[tilespmem:s0+$0x1180] =	vst.add.f32.msk $0xffff, v0  }
0x58: {  	s18 =	sshll.u32 s4, $0x5;
	[tilespmem:s0+$0x1100] =	vst.add.f32.msk $0xffff, v0  }
0x59: {  	s19 =	sand.u32 $0x70, s16;
	s18 =	sand.u32 $0x3FFFFF00, s18;
	[tilespmem:s0+$0x1000] =	vst.add.f32.msk $0xffff, v0  }
0x5a: {  	s18 =	sor.u32 s19, s18;
	[tilespmem:s0+$0x1080] =	vst.add.f32.msk $0xffff, v0  }
0x5b: {  	v0 =	vld [tilespmem:s18+$0x10000];
	_ =	sdelay $0x1  }
0x5c: {  	s0 =	sshll.u32 s4, $0x6  }
0x5d: {  	s0 =	sand.u32 $0x3FFFFE00, s0  }
0x5e: {  	s0 =	sor.u32 s19, s0  }
.Ltmp0:
0x5f: {  	s4 =	sor.u32 $0x80, s0;
	[tilespmem:s0+$0x0] =	vst.add.f32.msk $0xffff, v0;
	(pc) =	sbr.rel @p0 .LBB2_2-.Ltmp0, $4  }
0x60: {  	[tilespmem:s4+$0x0] =	vst.add.f32.msk $0xffff, v0;
	s4 =	sor.u32 $0x100, s0  }
0x61: {  	[tilespmem:s4+$0x0] =	vst.add.f32.msk $0xffff, v0;
	s4 =	sor.u32 $0x180, s0  }
0x62: {  	s18 =	sadd.s32 $0x10000, s18;
	[tilespmem:s4+$0x0] =	vst.add.f32.msk $0xffff, v0  }
0x63: {  	v0 =	vld [tilespmem:s18+$0x80]  }
0x64: {  	_ =	sdelay $0x3  }
0x65: {  	[tilespmem:s0+$0x1180] =	vst.add.f32.msk $0xffff, v0  }
0x66: {  	[tilespmem:s0+$0x1100] =	vst.add.f32.msk $0xffff, v0  }
0x67: {  	[tilespmem:s0+$0x1000] =	vst.add.f32.msk $0xffff, v0  }
0x68: {  	[tilespmem:s0+$0x1080] =	vst.add.f32.msk $0xffff, v0;
	s0 =	simm.s32 $0x0  }
0x69: {  	[hbm4b:s17+s0] =	stream.linear.scatter [tilespmem:s0], [sflag:$0x11], $0x2000, $0x38;
	[tilespmem:$0x14000] =	vst v63  }
0x6a: {  	s2 =	rddreg [dreg:$0x1c]  }
0x6b: {  	[tilespmem:s24], [sflag:$0x6] =	stream.linear.gather [hbm4b:s2+s0], $0x2000, $0x38;
	[tilespmem:$0x14000] =	vst v63  }
0x6c: {  	s19 =	rddreg [dreg:$0xb];
	s3 =	simm.s32 $0x12800;
	s4 =	simm.s32 $0x2  }
0x6d: {  	[tilespmem:s3], [sflag:$0xE] =	stream.strided.gather [hbm4b:s19+s26], $0x800, s28, s26, $0x38;
	[tilespmem:$0x14000] =	vst v63  }
0x6e: {  	_ =	swait.ge [sflag:s4], $0x2000  }
0x6f: {  	[sflag:s4] =	ssyncset.done $0x0  }
0x70: {  	s16 =	simm.s32 $0xA;
	[sflag:s4] =	ssyncadd.s32 $0xFFFFE000  }
0x71: {  	s18 =	simm.s32 $0x0;
	_ =	swait.ge [sflag:s16], $0x800  }
0x72: {  	s3 =	sand.u32 $0x3FFFFF00, s18;
	s4 =	sand.u32 $0x70, s0;
	[sflag:s16] =	ssyncset.done $0x0  }
0x73: {  	s18 =	sor.u32 s4, s3;
	[sflag:s16] =	ssyncadd.s32 $0xFFFFF800  }
0x74: {  	v0 =	vld [tilespmem:s18+$0x10800];
	_ =	sdelay $0x1  }
0x75: {  	s19 =	simm.s32 $0x0  }
0x76: {  	s3 =	sand.u32 $0x3FFFFE00, s19  }
0x77: {  	s3 =	sor.u32 s4, s3  }
0x78: {  	[tilespmem:s3+$0x2180] =	vst.add.f32.msk $0xffff, v0  }
0x79: {  	[tilespmem:s3+$0x2100] =	vst.add.f32.msk $0xffff, v0  }
0x7a: {  	[tilespmem:s3+$0x2000] =	vst.add.f32.msk $0xffff, v0  }
0x7b: {  	[tilespmem:s3+$0x2080] =	vst.add.f32.msk $0xffff, v0  }
0x7c: {  	s16 =	simm.s32 $0x1;
	v0 =	vld [tilespmem:s18+$0x10880]  }
.LBB2_4:
0x7d: {  	p0 =	sne.s32 s16, $0x3F  }
0x7e: {  	s0 =	sadd.s32 $0x10, s0;
	s4 =	smov.u32 s16;
	s16 =	sadd.s32 $0x1, s16  }
0x7f: {  	_ =	sdelay $0x1  }
0x80: {  	[tilespmem:s3+$0x3000] =	vst.add.f32.msk $0xffff, v0  }
0x81: {  	s18 =	sshll.u32 s4, $0x5;
	[tilespmem:s3+$0x3180] =	vst.add.f32.msk $0xffff, v0  }
0x82: {  	s19 =	sand.u32 $0x70, s0;
	s18 =	sand.u32 $0x3FFFFF00, s18;
	[tilespmem:s3+$0x3100] =	vst.add.f32.msk $0xffff, v0  }
0x83: {  	s18 =	sor.u32 s19, s18;
	[tilespmem:s3+$0x3080] =	vst.add.f32.msk $0xffff, v0  }
0x84: {  	v0 =	vld [tilespmem:s18+$0x10800];
	_ =	sdelay $0x1  }
0x85: {  	s3 =	sshll.u32 s4, $0x6  }
0x86: {  	s3 =	sand.u32 $0x3FFFFE00, s3  }
0x87: {  	s3 =	sor.u32 s19, s3  }
.Ltmp1:
0x88: {  	[tilespmem:s3+$0x2180] =	vst.add.f32.msk $0xffff, v0;
	(pc) =	sbr.rel @p0 .LBB2_4-.Ltmp1, $4  }
0x89: {  	[tilespmem:s3+$0x2100] =	vst.add.f32.msk $0xffff, v0  }
0x8a: {  	[tilespmem:s3+$0x2000] =	vst.add.f32.msk $0xffff, v0  }
0x8b: {  	[tilespmem:s3+$0x2080] =	vst.add.f32.msk $0xffff, v0  }
0x8c: {  	v0 =	vld [tilespmem:s18+$0x10880]  }
0x8d: {  	_ =	sdelay $0x3  }
0x8e: {  	[tilespmem:s3+$0x3000] =	vst.add.f32.msk $0xffff, v0  }
0x8f: {  	[tilespmem:s3+$0x3180] =	vst.add.f32.msk $0xffff, v0  }
0x90: {  	s2 =	rddreg [dreg:$0xc];
	[tilespmem:s3+$0x3100] =	vst.add.f32.msk $0xffff, v0  }
0x91: {  	s0 =	simm.s32 $0x0;
	s4 =	simm.s32 $0x2000;
	s16 =	sld [smem:$0x7F7];
	[tilespmem:s3+$0x3080] =	vst.add.f32.msk $0xffff, v0  }
0x92: {  	[hbm4b:s2+s0] =	stream.linear.scatter [tilespmem:s4], [sflag:$0x12], $0x2000, $0x38;
	[tilespmem:$0x14000] =	vst v63  }
0x93: {  	_ = 	snop  }
0x94: {  	[tilespmem:s30], [sflag:$0x7] =	stream.linear.gather [hbm4b:s16+s0], $0x2000, $0x38;
	[tilespmem:$0x14000] =	vst v63  }
0x95: {  	s18 =	rddreg [dreg:$0xd];
	s19 =	simm.s32 $0x13000;
	s4 =	simm.s32 $0x3  }
0x96: {  	[tilespmem:s19], [sflag:$0xF] =	stream.strided.gather [hbm4b:s18+s26], $0x800, s28, s26, $0x38;
	[tilespmem:$0x14000] =	vst v63  }
0x97: {  	_ =	swait.ge [sflag:s4], $0x2000  }
0x98: {  	[sflag:s4] =	ssyncset.done $0x0  }
0x99: {  	s16 =	simm.s32 $0xB;
	[sflag:s4] =	ssyncadd.s32 $0xFFFFE000  }
0x9a: {  	s18 =	simm.s32 $0x0;
	_ =	swait.ge [sflag:s16], $0x800  }
0x9b: {  	s3 =	sand.u32 $0x3FFFFF00, s18;
	s4 =	sand.u32 $0x70, s0;
	[sflag:s16] =	ssyncset.done $0x0  }
0x9c: {  	s18 =	sor.u32 s4, s3;
	[sflag:s16] =	ssyncadd.s32 $0xFFFFF800  }
0x9d: {  	v0 =	vld [tilespmem:s18+$0x11000];
	_ =	sdelay $0x1  }
0x9e: {  	s19 =	simm.s32 $0x0  }
0x9f: {  	s3 =	sand.u32 $0x3FFFFE00, s19  }
0xa0: {  	s3 =	sor.u32 s4, s3  }
0xa1: {  	[tilespmem:s3+$0x4180] =	vst.add.f32.msk $0xffff, v0  }
0xa2: {  	[tilespmem:s3+$0x4100] =	vst.add.f32.msk $0xffff, v0  }
0xa3: {  	[tilespmem:s3+$0x4000] =	vst.add.f32.msk $0xffff, v0  }
0xa4: {  	[tilespmem:s3+$0x4080] =	vst.add.f32.msk $0xffff, v0  }
0xa5: {  	s16 =	simm.s32 $0x1;
	v0 =	vld [tilespmem:s18+$0x11080]  }
.LBB2_6:
0xa6: {  	p0 =	sne.s32 s16, $0x3F  }
0xa7: {  	s0 =	sadd.s32 $0x10, s0;
	s4 =	smov.u32 s16;
	s16 =	sadd.s32 $0x1, s16  }
0xa8: {  	_ =	sdelay $0x1  }
0xa9: {  	[tilespmem:s3+$0x5000] =	vst.add.f32.msk $0xffff, v0  }
0xaa: {  	s18 =	sshll.u32 s4, $0x5;
	[tilespmem:s3+$0x5180] =	vst.add.f32.msk $0xffff, v0  }
0xab: {  	s19 =	sand.u32 $0x70, s0;
	s18 =	sand.u32 $0x3FFFFF00, s18;
	[tilespmem:s3+$0x5100] =	vst.add.f32.msk $0xffff, v0  }
0xac: {  	s18 =	sor.u32 s19, s18;
	[tilespmem:s3+$0x5080] =	vst.add.f32.msk $0xffff, v0  }
0xad: {  	v0 =	vld [tilespmem:s18+$0x11000];
	_ =	sdelay $0x1  }
0xae: {  	s3 =	sshll.u32 s4, $0x6  }
0xaf: {  	s3 =	sand.u32 $0x3FFFFE00, s3  }
0xb0: {  	s3 =	sor.u32 s19, s3  }
.Ltmp2:
0xb1: {  	[tilespmem:s3+$0x4180] =	vst.add.f32.msk $0xffff, v0;
	(pc) =	sbr.rel @p0 .LBB2_6-.Ltmp2, $4  }
0xb2: {  	[tilespmem:s3+$0x4100] =	vst.add.f32.msk $0xffff, v0  }
0xb3: {  	[tilespmem:s3+$0x4000] =	vst.add.f32.msk $0xffff, v0  }
0xb4: {  	[tilespmem:s3+$0x4080] =	vst.add.f32.msk $0xffff, v0  }
0xb5: {  	v0 =	vld [tilespmem:s18+$0x11080]  }
0xb6: {  	_ =	sdelay $0x3  }
0xb7: {  	[tilespmem:s3+$0x5000] =	vst.add.f32.msk $0xffff, v0  }
0xb8: {  	[tilespmem:s3+$0x5180] =	vst.add.f32.msk $0xffff, v0  }
0xb9: {  	s2 =	rddreg [dreg:$0xf];
	[tilespmem:s3+$0x5100] =	vst.add.f32.msk $0xffff, v0  }
0xba: {  	s0 =	simm.s32 $0x0;
	s19 =	simm.s32 $0x4000;
	s4 =	sld [smem:$0x7FB];
	[tilespmem:s3+$0x5080] =	vst.add.f32.msk $0xffff, v0  }
0xbb: {  	[hbm4b:s2+s0] =	stream.linear.scatter [tilespmem:s19], [sflag:$0x13], $0x2000, $0x38;
	[tilespmem:$0x14000] =	vst v63  }
0xbc: {  	s16 =	simm.s32 $0xE000  }
0xbd: {  	[tilespmem:s16], [sflag:$0x8] =	stream.linear.gather [hbm4b:s4+s0], $0x2000, $0x38;
	[tilespmem:$0x14000] =	vst v63  }
0xbe: {  	s18 =	rddreg [dreg:$0x10];
	s19 =	simm.s32 $0x13800;
	s4 =	simm.s32 $0x4  }
0xbf: {  	[tilespmem:s19], [sflag:$0x10] =	stream.strided.gather [hbm4b:s18+s26], $0x800, s28, s26, $0x38;
	[tilespmem:$0x14000] =	vst v63  }
0xc0: {  	_ =	swait.ge [sflag:s4], $0x2000  }
0xc1: {  	[sflag:s4] =	ssyncset.done $0x0  }
0xc2: {  	s16 =	simm.s32 $0xC;
	[sflag:s4] =	ssyncadd.s32 $0xFFFFE000  }
0xc3: {  	s18 =	simm.s32 $0x0;
	_ =	swait.ge [sflag:s16], $0x800  }
0xc4: {  	s3 =	sand.u32 $0x3FFFFF00, s18;
	s4 =	sand.u32 $0x70, s0;
	[sflag:s16] =	ssyncset.done $0x0  }
0xc5: {  	s18 =	sor.u32 s4, s3;
	[sflag:s16] =	ssyncadd.s32 $0xFFFFF800  }
0xc6: {  	v0 =	vld [tilespmem:s18+$0x11800];
	_ =	sdelay $0x1  }
0xc7: {  	s19 =	simm.s32 $0x0  }
0xc8: {  	s3 =	sand.u32 $0x3FFFFE00, s19  }
0xc9: {  	s3 =	sor.u32 s4, s3  }
0xca: {  	[tilespmem:s3+$0x6180] =	vst.add.f32.msk $0xffff, v0  }
0xcb: {  	[tilespmem:s3+$0x6100] =	vst.add.f32.msk $0xffff, v0  }
0xcc: {  	[tilespmem:s3+$0x6000] =	vst.add.f32.msk $0xffff, v0  }
0xcd: {  	[tilespmem:s3+$0x6080] =	vst.add.f32.msk $0xffff, v0  }
0xce: {  	s16 =	simm.s32 $0x1;
	v0 =	vld [tilespmem:s18+$0x11880]  }
.LBB2_8:
0xcf: {  	p0 =	sne.s32 s16, $0x3F  }
0xd0: {  	s0 =	sadd.s32 $0x10, s0;
	s4 =	smov.u32 s16;
	s16 =	sadd.s32 $0x1, s16  }
0xd1: {  	_ =	sdelay $0x1  }
0xd2: {  	[tilespmem:s3+$0x7000] =	vst.add.f32.msk $0xffff, v0  }
0xd3: {  	s18 =	sshll.u32 s4, $0x5;
	[tilespmem:s3+$0x7180] =	vst.add.f32.msk $0xffff, v0  }
0xd4: {  	s19 =	sand.u32 $0x70, s0;
	s18 =	sand.u32 $0x3FFFFF00, s18;
	[tilespmem:s3+$0x7100] =	vst.add.f32.msk $0xffff, v0  }
0xd5: {  	s18 =	sor.u32 s19, s18;
	[tilespmem:s3+$0x7080] =	vst.add.f32.msk $0xffff, v0  }
0xd6: {  	v0 =	vld [tilespmem:s18+$0x11800];
	_ =	sdelay $0x1  }
0xd7: {  	s3 =	sshll.u32 s4, $0x6  }
0xd8: {  	s3 =	sand.u32 $0x3FFFFE00, s3  }
0xd9: {  	s3 =	sor.u32 s19, s3  }
.Ltmp3:
0xda: {  	[tilespmem:s3+$0x6180] =	vst.add.f32.msk $0xffff, v0;
	(pc) =	sbr.rel @p0 .LBB2_8-.Ltmp3, $4  }
0xdb: {  	[tilespmem:s3+$0x6100] =	vst.add.f32.msk $0xffff, v0  }
0xdc: {  	[tilespmem:s3+$0x6000] =	vst.add.f32.msk $0xffff, v0  }
0xdd: {  	[tilespmem:s3+$0x6080] =	vst.add.f32.msk $0xffff, v0  }
0xde: {  	v0 =	vld [tilespmem:s18+$0x11880]  }
0xdf: {  	_ =	sdelay $0x3  }
0xe0: {  	[tilespmem:s3+$0x7000] =	vst.add.f32.msk $0xffff, v0  }
0xe1: {  	[tilespmem:s3+$0x7180] =	vst.add.f32.msk $0xffff, v0  }
0xe2: {  	s0 =	simm.s32 $0x0;
	[tilespmem:s3+$0x7100] =	vst.add.f32.msk $0xffff, v0  }
0xe3: {  	s2 =	rddreg [dreg:$0x13];
	s18 =	simm.s32 $0x6000;
	s19 =	simm.s32 $0x11;
	[tilespmem:s3+$0x7080] =	vst.add.f32.msk $0xffff, v0  }
0xe4: {  	[hbm4b:s2+s0] =	stream.linear.scatter [tilespmem:s18], [sflag:$0x14], $0x2000, $0x38;
	[tilespmem:$0x14000] =	vst v63  }
0xe5: {  	_ =	swait.ge [sflag:s19], $0x2000  }
0xe6: {  	[sflag:s19] =	ssyncset.done $0x0  }
0xe7: {  	s3 =	rddreg [dreg:$0x14];
	[sflag:s19] =	ssyncadd.s32 $0xFFFFE000  }
0xe8: {  	[tilespmem:s0], [sflag:$0x1] =	stream.linear.gather [hbm4b:s3+s0], $0x2000, $0x38;
	[tilespmem:$0x14000] =	vst v63  }
0xe9: {  	s16 =	simm.s32 $0x5;
	s4 =	rddreg [dreg:$0x16]  }
0xea: {  	[tilespmem:s21], [sflag:$0x9] =	stream.strided.gather [hbm4b:s4+s26], $0x800, s28, s26, $0x38;
	[tilespmem:$0x14000] =	vst v63  }
0xeb: {  	_ =	swait.ge [sflag:s16], $0x2000  }
0xec: {  	[sflag:s16] =	ssyncset.done $0x0  }
0xed: {  	s18 =	simm.s32 $0xD;
	[sflag:s16] =	ssyncadd.s32 $0xFFFFE000  }
0xee: {  	s19 =	simm.s32 $0x0;
	_ =	swait.ge [sflag:s18], $0x800  }
0xef: {  	s3 =	sand.u32 $0x3FFFFF00, s19;
	s4 =	sand.u32 $0x70, s0;
	[sflag:s18] =	ssyncset.done $0x0  }
0xf0: {  	[sflag:s18] =	ssyncadd.s32 $0xFFFFF800;
	s18 =	sor.u32 s4, s3  }
0xf1: {  	v0 =	vld [tilespmem:s18+$0x12000];
	_ =	sdelay $0x1  }
0xf2: {  	s21 =	simm.s32 $0x0  }
0xf3: {  	s3 =	sand.u32 $0x3FFFFE00, s21  }
0xf4: {  	s3 =	sor.u32 s4, s3  }
0xf5: {  	[tilespmem:s3+$0x8180] =	vst.add.f32.msk $0xffff, v0  }
0xf6: {  	[tilespmem:s3+$0x8100] =	vst.add.f32.msk $0xffff, v0  }
0xf7: {  	[tilespmem:s3+$0x8000] =	vst.add.f32.msk $0xffff, v0  }
0xf8: {  	[tilespmem:s3+$0x8080] =	vst.add.f32.msk $0xffff, v0  }
0xf9: {  	s16 =	simm.s32 $0x1;
	v0 =	vld [tilespmem:s18+$0x12080]  }
.LBB2_10:
0xfa: {  	p0 =	sne.s32 s16, $0x3F  }
0xfb: {  	s0 =	sadd.s32 $0x10, s0;
	s4 =	smov.u32 s16;
	s16 =	sadd.s32 $0x1, s16  }
0xfc: {  	_ =	sdelay $0x1  }
0xfd: {  	[tilespmem:s3+$0x9000] =	vst.add.f32.msk $0xffff, v0  }
0xfe: {  	s18 =	sshll.u32 s4, $0x5;
	[tilespmem:s3+$0x9180] =	vst.add.f32.msk $0xffff, v0  }
0xff: {  	s19 =	sand.u32 $0x70, s0;
	s18 =	sand.u32 $0x3FFFFF00, s18;
	[tilespmem:s3+$0x9100] =	vst.add.f32.msk $0xffff, v0  }
0x100: {  	s18 =	sor.u32 s19, s18;
	[tilespmem:s3+$0x9080] =	vst.add.f32.msk $0xffff, v0  }
0x101: {  	v0 =	vld [tilespmem:s18+$0x12000];
	_ =	sdelay $0x1  }
0x102: {  	s3 =	sshll.u32 s4, $0x6  }
0x103: {  	s3 =	sand.u32 $0x3FFFFE00, s3  }
0x104: {  	s3 =	sor.u32 s19, s3  }
.Ltmp4:
0x105: {  	[tilespmem:s3+$0x8180] =	vst.add.f32.msk $0xffff, v0;
	(pc) =	sbr.rel @p0 .LBB2_10-.Ltmp4, $4  }
0x106: {  	[tilespmem:s3+$0x8100] =	vst.add.f32.msk $0xffff, v0  }
0x107: {  	[tilespmem:s3+$0x8000] =	vst.add.f32.msk $0xffff, v0  }
0x108: {  	[tilespmem:s3+$0x8080] =	vst.add.f32.msk $0xffff, v0  }
0x109: {  	v0 =	vld [tilespmem:s18+$0x12080]  }
0x10a: {  	_ =	sdelay $0x3  }
0x10b: {  	[tilespmem:s3+$0x9000] =	vst.add.f32.msk $0xffff, v0  }
0x10c: {  	[tilespmem:s3+$0x9180] =	vst.add.f32.msk $0xffff, v0  }
0x10d: {  	[tilespmem:s3+$0x9100] =	vst.add.f32.msk $0xffff, v0  }
0x10e: {  	s0 =	simm.s32 $0x0;
	s2 =	rddreg [dreg:$0x18];
	s21 =	simm.s32 $0x12;
	[tilespmem:s3+$0x9080] =	vst.add.f32.msk $0xffff, v0  }
0x10f: {  	[hbm4b:s2+s0] =	stream.linear.scatter [tilespmem:s29], [sflag:$0x15], $0x2000, $0x38;
	[tilespmem:$0x14000] =	vst v63  }
0x110: {  	_ =	swait.ge [sflag:s21], $0x2000  }
0x111: {  	[sflag:s21] =	ssyncset.done $0x0  }
0x112: {  	s4 =	simm.s32 $0x2000;
	s3 =	rddreg [dreg:$0x19];
	[sflag:s21] =	ssyncadd.s32 $0xFFFFE000  }
0x113: {  	[tilespmem:s4], [sflag:$0x2] =	stream.linear.gather [hbm4b:s3+s0], $0x2000, $0x38;
	[tilespmem:$0x14000] =	vst v63  }
0x114: {  	s18 =	simm.s32 $0x6;
	s16 =	rddreg [dreg:$0x1a]  }
0x115: {  	[tilespmem:s22], [sflag:$0xA] =	stream.strided.gather [hbm4b:s16+s26], $0x800, s28, s26, $0x38;
	[tilespmem:$0x14000] =	vst v63  }
0x116: {  	_ =	swait.ge [sflag:s18], $0x2000  }
0x117: {  	[sflag:s18] =	ssyncset.done $0x0  }
0x118: {  	s19 =	simm.s32 $0xE;
	[sflag:s18] =	ssyncadd.s32 $0xFFFFE000  }
0x119: {  	s21 =	simm.s32 $0x0;
	_ =	swait.ge [sflag:s19], $0x800  }
0x11a: {  	s4 =	sand.u32 $0x70, s0;
	s3 =	sand.u32 $0x3FFFFF00, s21;
	[sflag:s19] =	ssyncset.done $0x0  }
0x11b: {  	s18 =	sor.u32 s4, s3;
	[sflag:s19] =	ssyncadd.s32 $0xFFFFF800  }
0x11c: {  	v0 =	vld [tilespmem:s18+$0x12800];
	_ =	sdelay $0x1  }
0x11d: {  	s22 =	simm.s32 $0x0  }
0x11e: {  	s3 =	sand.u32 $0x3FFFFE00, s22  }
0x11f: {  	s3 =	sor.u32 s4, s3  }
0x120: {  	[tilespmem:s3+$0xA180] =	vst.add.f32.msk $0xffff, v0  }
0x121: {  	[tilespmem:s3+$0xA100] =	vst.add.f32.msk $0xffff, v0  }
0x122: {  	[tilespmem:s3+$0xA000] =	vst.add.f32.msk $0xffff, v0  }
0x123: {  	[tilespmem:s3+$0xA080] =	vst.add.f32.msk $0xffff, v0  }
0x124: {  	s16 =	simm.s32 $0x1;
	v0 =	vld [tilespmem:s18+$0x12880]  }
.LBB2_12:
0x125: {  	p0 =	sne.s32 s16, $0x3F  }
0x126: {  	s0 =	sadd.s32 $0x10, s0;
	s4 =	smov.u32 s16;
	s16 =	sadd.s32 $0x1, s16  }
0x127: {  	_ =	sdelay $0x1  }
0x128: {  	[tilespmem:s3+$0xB000] =	vst.add.f32.msk $0xffff, v0  }
0x129: {  	s18 =	sshll.u32 s4, $0x5;
	[tilespmem:s3+$0xB180] =	vst.add.f32.msk $0xffff, v0  }
0x12a: {  	s19 =	sand.u32 $0x70, s0;
	s18 =	sand.u32 $0x3FFFFF00, s18;
	[tilespmem:s3+$0xB100] =	vst.add.f32.msk $0xffff, v0  }
0x12b: {  	s18 =	sor.u32 s19, s18;
	[tilespmem:s3+$0xB080] =	vst.add.f32.msk $0xffff, v0  }
0x12c: {  	v0 =	vld [tilespmem:s18+$0x12800];
	_ =	sdelay $0x1  }
0x12d: {  	s3 =	sshll.u32 s4, $0x6  }
0x12e: {  	s3 =	sand.u32 $0x3FFFFE00, s3  }
0x12f: {  	s3 =	sor.u32 s19, s3  }
.Ltmp5:
0x130: {  	[tilespmem:s3+$0xA180] =	vst.add.f32.msk $0xffff, v0;
	(pc) =	sbr.rel @p0 .LBB2_12-.Ltmp5, $4  }
0x131: {  	[tilespmem:s3+$0xA100] =	vst.add.f32.msk $0xffff, v0  }
0x132: {  	[tilespmem:s3+$0xA000] =	vst.add.f32.msk $0xffff, v0  }
0x133: {  	[tilespmem:s3+$0xA080] =	vst.add.f32.msk $0xffff, v0  }
0x134: {  	v0 =	vld [tilespmem:s18+$0x12880]  }
0x135: {  	_ =	sdelay $0x3  }
0x136: {  	[tilespmem:s3+$0xB000] =	vst.add.f32.msk $0xffff, v0  }
0x137: {  	[tilespmem:s3+$0xB180] =	vst.add.f32.msk $0xffff, v0  }
0x138: {  	[tilespmem:s3+$0xB100] =	vst.add.f32.msk $0xffff, v0  }
0x139: {  	s0 =	simm.s32 $0x0;
	s2 =	rddreg [dreg:$0x1d];
	s4 =	simm.s32 $0x13;
	[tilespmem:s3+$0xB080] =	vst.add.f32.msk $0xffff, v0  }
0x13a: {  	[hbm4b:s2+s0] =	stream.linear.scatter [tilespmem:s24], [sflag:$0x16], $0x2000, $0x38;
	[tilespmem:$0x14000] =	vst v63  }
0x13b: {  	_ =	swait.ge [sflag:s4], $0x2000  }
0x13c: {  	[sflag:s4] =	ssyncset.done $0x0;
	s16 =	rddreg [dreg:$0x1f]  }
0x13d: {  	s18 =	simm.s32 $0x4000;
	s19 =	sld [smem:$0x7F6];
	[sflag:s4] =	ssyncadd.s32 $0xFFFFE000  }
0x13e: {  	[tilespmem:s18], [sflag:$0x3] =	stream.linear.gather [hbm4b:s16+s0], $0x2000, $0x38;
	[tilespmem:$0x14000] =	vst v63  }
0x13f: {  	s21 =	simm.s32 $0x7  }
0x140: {  	[tilespmem:s23], [sflag:$0xB] =	stream.strided.gather [hbm4b:s19+s26], $0x800, s28, s26, $0x38;
	[tilespmem:$0x14000] =	vst v63  }
0x141: {  	_ =	swait.ge [sflag:s21], $0x2000  }
0x142: {  	[sflag:s21] =	ssyncset.done $0x0  }
0x143: {  	[sflag:s21] =	ssyncadd.s32 $0xFFFFE000  }
0x144: {  	s22 =	simm.s32 $0x0;
	_ =	swait.ge [sflag:s8], $0x800  }
0x145: {  	s3 =	sand.u32 $0x3FFFFF00, s22;
	s4 =	sand.u32 $0x70, s0;
	[sflag:s8] =	ssyncset.done $0x0  }
0x146: {  	s18 =	sor.u32 s4, s3;
	[sflag:s8] =	ssyncadd.s32 $0xFFFFF800  }
0x147: {  	v0 =	vld [tilespmem:s18+$0x13000];
	_ =	sdelay $0x1  }
0x148: {  	s23 =	simm.s32 $0x0  }
0x149: {  	s3 =	sand.u32 $0x3FFFFE00, s23  }
0x14a: {  	s3 =	sor.u32 s4, s3  }
0x14b: {  	[tilespmem:s3+$0xC180] =	vst.add.f32.msk $0xffff, v0  }
0x14c: {  	[tilespmem:s3+$0xC100] =	vst.add.f32.msk $0xffff, v0  }
0x14d: {  	[tilespmem:s3+$0xC000] =	vst.add.f32.msk $0xffff, v0  }
0x14e: {  	[tilespmem:s3+$0xC080] =	vst.add.f32.msk $0xffff, v0  }
0x14f: {  	s16 =	simm.s32 $0x1;
	v0 =	vld [tilespmem:s18+$0x13080]  }
.LBB2_14:
0x150: {  	p0 =	sne.s32 s16, $0x3F  }
0x151: {  	s0 =	sadd.s32 $0x10, s0;
	s4 =	smov.u32 s16;
	s16 =	sadd.s32 $0x1, s16  }
0x152: {  	_ =	sdelay $0x1  }
0x153: {  	[tilespmem:s3+$0xD000] =	vst.add.f32.msk $0xffff, v0  }
0x154: {  	s18 =	sshll.u32 s4, $0x5;
	[tilespmem:s3+$0xD180] =	vst.add.f32.msk $0xffff, v0  }
0x155: {  	s19 =	sand.u32 $0x70, s0;
	s18 =	sand.u32 $0x3FFFFF00, s18;
	[tilespmem:s3+$0xD100] =	vst.add.f32.msk $0xffff, v0  }
0x156: {  	s18 =	sor.u32 s19, s18;
	[tilespmem:s3+$0xD080] =	vst.add.f32.msk $0xffff, v0  }
0x157: {  	v0 =	vld [tilespmem:s18+$0x13000];
	_ =	sdelay $0x1  }
0x158: {  	s3 =	sshll.u32 s4, $0x6  }
0x159: {  	s3 =	sand.u32 $0x3FFFFE00, s3  }
0x15a: {  	s3 =	sor.u32 s19, s3  }
.Ltmp6:
0x15b: {  	[tilespmem:s3+$0xC180] =	vst.add.f32.msk $0xffff, v0;
	(pc) =	sbr.rel @p0 .LBB2_14-.Ltmp6, $4  }
0x15c: {  	[tilespmem:s3+$0xC100] =	vst.add.f32.msk $0xffff, v0  }
0x15d: {  	[tilespmem:s3+$0xC000] =	vst.add.f32.msk $0xffff, v0  }
0x15e: {  	[tilespmem:s3+$0xC080] =	vst.add.f32.msk $0xffff, v0  }
0x15f: {  	v0 =	vld [tilespmem:s18+$0x13080]  }
0x160: {  	_ =	sdelay $0x3  }
0x161: {  	[tilespmem:s3+$0xD000] =	vst.add.f32.msk $0xffff, v0  }
0x162: {  	s2 =	sld [smem:$0x7F8];
	[tilespmem:s3+$0xD180] =	vst.add.f32.msk $0xffff, v0  }
0x163: {  	[tilespmem:s3+$0xD100] =	vst.add.f32.msk $0xffff, v0  }
0x164: {  	s0 =	simm.s32 $0x0;
	[tilespmem:s3+$0xD080] =	vst.add.f32.msk $0xffff, v0  }
0x165: {  	[hbm4b:s2+s0] =	stream.linear.scatter [tilespmem:s30], [sflag:$0x17], $0x2000, $0x38;
	[tilespmem:$0x14000] =	vst v63  }
0x166: {  	_ =	swait.ge [sflag:s13], $0x2000  }
0x167: {  	s16 =	sld [smem:$0x7F9]  }
0x168: {  	[sflag:s13] =	ssyncset.done $0x0  }
0x169: {  	s18 =	simm.s32 $0x6000;
	s19 =	sld [smem:$0x7FA];
	[sflag:s13] =	ssyncadd.s32 $0xFFFFE000  }
0x16a: {  	[tilespmem:s18], [sflag:$0x4] =	stream.linear.gather [hbm4b:s16+s0], $0x2000, $0x38;
	[tilespmem:$0x14000] =	vst v63  }
0x16b: {  	s21 =	simm.s32 $0x11800  }
0x16c: {  	[tilespmem:s21], [sflag:$0xC] =	stream.strided.gather [hbm4b:s19+s26], $0x800, s28, s26, $0x38;
	[tilespmem:$0x14000] =	vst v63  }
0x16d: {  	_ =	swait.ge [sflag:s12], $0x2000  }
0x16e: {  	[sflag:s12] =	ssyncset.done $0x0  }
0x16f: {  	[sflag:s12] =	ssyncadd.s32 $0xFFFFE000  }
0x170: {  	s22 =	simm.s32 $0x0;
	_ =	swait.ge [sflag:s15], $0x800  }
0x171: {  	s4 =	sand.u32 $0x70, s0;
	s3 =	sand.u32 $0x3FFFFF00, s22;
	[sflag:s15] =	ssyncset.done $0x0  }
0x172: {  	s18 =	sor.u32 s4, s3;
	[sflag:s15] =	ssyncadd.s32 $0xFFFFF800  }
0x173: {  	v0 =	vld [tilespmem:s18+$0x13800];
	_ =	sdelay $0x1  }
0x174: {  	s23 =	simm.s32 $0x0  }
0x175: {  	s3 =	sand.u32 $0x3FFFFE00, s23  }
0x176: {  	s3 =	sor.u32 s4, s3  }
0x177: {  	[tilespmem:s3+$0xE180] =	vst.add.f32.msk $0xffff, v0  }
0x178: {  	[tilespmem:s3+$0xE100] =	vst.add.f32.msk $0xffff, v0  }
0x179: {  	[tilespmem:s3+$0xE000] =	vst.add.f32.msk $0xffff, v0  }
0x17a: {  	[tilespmem:s3+$0xE080] =	vst.add.f32.msk $0xffff, v0  }
0x17b: {  	s16 =	simm.s32 $0x1;
	v0 =	vld [tilespmem:s18+$0x13880]  }
.LBB2_16:
0x17c: {  	p0 =	sne.s32 s16, $0x3F  }
0x17d: {  	s0 =	sadd.s32 $0x10, s0;
	s4 =	smov.u32 s16;
	s16 =	sadd.s32 $0x1, s16  }
0x17e: {  	_ =	sdelay $0x1  }
0x17f: {  	[tilespmem:s3+$0xF000] =	vst.add.f32.msk $0xffff, v0  }
0x180: {  	s18 =	sshll.u32 s4, $0x5;
	[tilespmem:s3+$0xF180] =	vst.add.f32.msk $0xffff, v0  }
0x181: {  	s19 =	sand.u32 $0x70, s0;
	s18 =	sand.u32 $0x3FFFFF00, s18;
	[tilespmem:s3+$0xF100] =	vst.add.f32.msk $0xffff, v0  }
0x182: {  	s18 =	sor.u32 s19, s18;
	[tilespmem:s3+$0xF080] =	vst.add.f32.msk $0xffff, v0  }
0x183: {  	v0 =	vld [tilespmem:s18+$0x13800];
	_ =	sdelay $0x1  }
0x184: {  	s3 =	sshll.u32 s4, $0x6  }
0x185: {  	s3 =	sand.u32 $0x3FFFFE00, s3  }
0x186: {  	s3 =	sor.u32 s19, s3  }
.Ltmp7:
0x187: {  	[tilespmem:s3+$0xE180] =	vst.add.f32.msk $0xffff, v0;
	(pc) =	sbr.rel @p0 .LBB2_16-.Ltmp7, $4  }
0x188: {  	[tilespmem:s3+$0xE100] =	vst.add.f32.msk $0xffff, v0  }
0x189: {  	[tilespmem:s3+$0xE000] =	vst.add.f32.msk $0xffff, v0  }
0x18a: {  	[tilespmem:s3+$0xE080] =	vst.add.f32.msk $0xffff, v0  }
0x18b: {  	v0 =	vld [tilespmem:s18+$0x13880]  }
0x18c: {  	_ =	sdelay $0x3  }
0x18d: {  	[tilespmem:s3+$0xF000] =	vst.add.f32.msk $0xffff, v0  }
0x18e: {  	s0 =	sld [smem:$0x7FC];
	[tilespmem:s3+$0xF180] =	vst.add.f32.msk $0xffff, v0  }
0x18f: {  	[tilespmem:s3+$0xF100] =	vst.add.f32.msk $0xffff, v0  }
0x190: {  	s2 =	simm.s32 $0xE000;
	s18 =	simm.s32 $0x1;
	[tilespmem:s3+$0xF080] =	vst.add.f32.msk $0xffff, v0  }
0x191: {  	[hbm4b:s0+s5] =	stream.linear.scatter [tilespmem:s2], [sflag:$0x18], $0x2000, $0x38;
	[tilespmem:$0x14000] =	vst v63  }
.LBB2_18:
0x192: {  	s23 =	sshll.u32 s18, $0x3  }
0x193: {  	s22 =	sor.u32 $0x4, s23  }
0x194: {  	s0 =	sshll.u32 s22, $0x1  }
0x195: {  	_ =	swait.ge [sflag:s20], $0x2000;
	s3 =	sadd.s32 s6, s0  }
0x196: {  	[sflag:s20] =	ssyncset.done $0x0;
	s0 =	sshll.u32 s3, $0x9  }
0x197: {  	[sflag:s20] =	ssyncadd.s32 $0xFFFFE000;
	s3 =	sshll.u32 s3, $0x7;
	s0 =	sand.u32 $0x1FFFF000, s0  }
0x198: {  	s3 =	sand.u32 $0x1FFFFC00, s3;
	s4 =	sadd.s32 s1, s0;
	s0 =	simm.s32 $0x0  }
0x199: {  	[tilespmem:s29], [sflag:$0x5] =	stream.linear.gather [hbm4b:s4+s0], $0x2000, $0x38;
	[tilespmem:$0x14000] =	vst v63  }
0x19a: {  	s2 =	simm.s32 $0x12000;
	s16 =	simm.s32 $0x1;
	s3 =	sadd.s32 s31, s3  }
0x19b: {  	[tilespmem:s2], [sflag:$0xD] =	stream.strided.gather [hbm4b:s3+s26], $0x800, s28, s26, $0x38;
	[tilespmem:$0x14000] =	vst v63  }
0x19c: {  	_ =	swait.ge [sflag:s16], $0x2000  }
0x19d: {  	[sflag:s16] =	ssyncset.done $0x0  }
0x19e: {  	s19 =	simm.s32 $0x9;
	[sflag:s16] =	ssyncadd.s32 $0xFFFFE000  }
0x19f: {  	s21 =	simm.s32 $0x0;
	s29 =	smov.u32 s31;
	_ =	swait.ge [sflag:s19], $0x800  }
0x1a0: {  	s31 =	sand.u32 $0x70, s0;
	s3 =	sand.u32 $0x3FFFFF00, s21;
	[sflag:s19] =	ssyncset.done $0x0  }
0x1a1: {  	s16 =	sor.u32 s31, s3;
	[sflag:s19] =	ssyncadd.s32 $0xFFFFF800  }
0x1a2: {  	v0 =	vld [tilespmem:s16+$0x10000];
	_ =	sdelay $0x1  }
0x1a3: {  	s19 =	simm.s32 $0x0  }
0x1a4: {  	s3 =	sand.u32 $0x3FFFFE00, s19  }
0x1a5: {  	s3 =	sor.u32 s31, s3  }
0x1a6: {  	s4 =	sor.u32 $0x80, s3;
	[tilespmem:s3+$0x0] =	vst.add.f32.msk $0xffff, v0  }
0x1a7: {  	s21 =	sor.u32 $0x100, s3;
	[tilespmem:s4+$0x0] =	vst.add.f32.msk $0xffff, v0  }
0x1a8: {  	s31 =	sor.u32 $0x180, s3;
	[tilespmem:s21+$0x0] =	vst.add.f32.msk $0xffff, v0  }
0x1a9: {  	s19 =	sadd.s32 $0x10000, s16;
	[tilespmem:s31+$0x0] =	vst.add.f32.msk $0xffff, v0  }
0x1aa: {  	s16 =	simm.s32 $0x1;
	v0 =	vld [tilespmem:s19+$0x80]  }
.LBB2_19:
0x1ab: {  	_ =	sdelay $0x2  }
0x1ac: {  	p0 =	sne.s32 s16, $0x3F  }
0x1ad: {  	s0 =	sadd.s32 $0x10, s0;
	s4 =	smov.u32 s16;
	s16 =	sadd.s32 $0x1, s16;
	[tilespmem:s3+$0x1180] =	vst.add.f32.msk $0xffff, v0  }
0x1ae: {  	s19 =	sshll.u32 s4, $0x5;
	[tilespmem:s3+$0x1100] =	vst.add.f32.msk $0xffff, v0  }
0x1af: {  	s21 =	sand.u32 $0x70, s0;
	s19 =	sand.u32 $0x3FFFFF00, s19;
	[tilespmem:s3+$0x1000] =	vst.add.f32.msk $0xffff, v0  }
0x1b0: {  	s19 =	sor.u32 s21, s19;
	[tilespmem:s3+$0x1080] =	vst.add.f32.msk $0xffff, v0  }
0x1b1: {  	v0 =	vld [tilespmem:s19+$0x10000];
	_ =	sdelay $0x1  }
0x1b2: {  	s3 =	sshll.u32 s4, $0x6  }
0x1b3: {  	s3 =	sand.u32 $0x3FFFFE00, s3  }
0x1b4: {  	s3 =	sor.u32 s21, s3  }
.Ltmp8:
0x1b5: {  	s4 =	sor.u32 $0x80, s3;
	[tilespmem:s3+$0x0] =	vst.add.f32.msk $0xffff, v0;
	(pc) =	sbr.rel @p0 .LBB2_19-.Ltmp8, $4  }
0x1b6: {  	[tilespmem:s4+$0x0] =	vst.add.f32.msk $0xffff, v0;
	s4 =	sor.u32 $0x100, s3  }
0x1b7: {  	[tilespmem:s4+$0x0] =	vst.add.f32.msk $0xffff, v0;
	s4 =	sor.u32 $0x180, s3  }
0x1b8: {  	s19 =	sadd.s32 $0x10000, s19;
	[tilespmem:s4+$0x0] =	vst.add.f32.msk $0xffff, v0  }
0x1b9: {  	v0 =	vld [tilespmem:s19+$0x80]  }
0x1ba: {  	_ =	sdelay $0x3  }
0x1bb: {  	[tilespmem:s3+$0x1180] =	vst.add.f32.msk $0xffff, v0  }
0x1bc: {  	[tilespmem:s3+$0x1100] =	vst.add.f32.msk $0xffff, v0  }
0x1bd: {  	s0 =	sshll.u32 s18, $0xD;
	[tilespmem:s3+$0x1000] =	vst.add.f32.msk $0xffff, v0  }
0x1be: {  	s16 =	simm.s32 $0x0;
	s0 =	sadd.s32 s0, s17;
	[tilespmem:s3+$0x1080] =	vst.add.f32.msk $0xffff, v0  }
0x1bf: {  	[hbm4b:s0+s16] =	stream.linear.scatter [tilespmem:s16], [sflag:$0x11], $0x2000, $0x38;
	[tilespmem:$0x14000] =	vst v63  }
0x1c0: {  	s0 =	sor.u32 $0x5, s23  }
0x1c1: {  	s2 =	sshll.u32 s0, $0x1  }
0x1c2: {  	s3 =	sadd.s32 s6, s2  }
0x1c3: {  	_ =	swait.ge [sflag:s25], $0x2000;
	s4 =	sshll.u32 s3, $0x9  }
0x1c4: {  	[sflag:s25] =	ssyncset.done $0x0;
	s3 =	sshll.u32 s3, $0x7;
	s4 =	sand.u32 $0x1FFFF400, s4  }
0x1c5: {  	[sflag:s25] =	ssyncadd.s32 $0xFFFFE000;
	s3 =	sand.u32 $0x1FFFFC00, s3;
	s4 =	sadd.s32 s1, s4  }
0x1c6: {  	[tilespmem:s24], [sflag:$0x6] =	stream.linear.gather [hbm4b:s4+s16], $0x2000, $0x38;
	[tilespmem:$0x14000] =	vst v63  }
0x1c7: {  	s2 =	simm.s32 $0x12800;
	s3 =	sadd.s32 s3, s10;
	s4 =	simm.s32 $0x2  }
0x1c8: {  	[tilespmem:s2], [sflag:$0xE] =	stream.strided.gather [hbm4b:s3+s26], $0x800, s28, s26, $0x38;
	[tilespmem:$0x14000] =	vst v63  }
0x1c9: {  	_ =	swait.ge [sflag:s4], $0x2000  }
0x1ca: {  	[sflag:s4] =	ssyncset.done $0x0  }
0x1cb: {  	s19 =	simm.s32 $0xA;
	[sflag:s4] =	ssyncadd.s32 $0xFFFFE000  }
0x1cc: {  	s21 =	simm.s32 $0x0;
	_ =	swait.ge [sflag:s19], $0x800  }
0x1cd: {  	s24 =	sand.u32 $0x70, s16;
	s3 =	sand.u32 $0x3FFFFF00, s21;
	[sflag:s19] =	ssyncset.done $0x0  }
0x1ce: {  	s21 =	sor.u32 s24, s3;
	[sflag:s19] =	ssyncadd.s32 $0xFFFFF800  }
0x1cf: {  	v0 =	vld [tilespmem:s21+$0x10800];
	_ =	sdelay $0x1  }
0x1d0: {  	s31 =	simm.s32 $0x0  }
0x1d1: {  	s3 =	sand.u32 $0x3FFFFE00, s31  }
0x1d2: {  	s3 =	sor.u32 s24, s3  }
0x1d3: {  	[tilespmem:s3+$0x2180] =	vst.add.f32.msk $0xffff, v0  }
0x1d4: {  	[tilespmem:s3+$0x2100] =	vst.add.f32.msk $0xffff, v0  }
0x1d5: {  	[tilespmem:s3+$0x2000] =	vst.add.f32.msk $0xffff, v0  }
0x1d6: {  	[tilespmem:s3+$0x2080] =	vst.add.f32.msk $0xffff, v0  }
0x1d7: {  	s19 =	simm.s32 $0x1;
	v0 =	vld [tilespmem:s21+$0x10880]  }
.LBB2_21:
0x1d8: {  	p0 =	sne.s32 s19, $0x3F  }
0x1d9: {  	s16 =	sadd.s32 $0x10, s16;
	s4 =	smov.u32 s19;
	s19 =	sadd.s32 $0x1, s19  }
0x1da: {  	_ =	sdelay $0x1  }
0x1db: {  	[tilespmem:s3+$0x3000] =	vst.add.f32.msk $0xffff, v0  }
0x1dc: {  	s21 =	sshll.u32 s4, $0x5;
	[tilespmem:s3+$0x3180] =	vst.add.f32.msk $0xffff, v0  }
0x1dd: {  	s31 =	sand.u32 $0x70, s16;
	s21 =	sand.u32 $0x3FFFFF00, s21;
	[tilespmem:s3+$0x3100] =	vst.add.f32.msk $0xffff, v0  }
0x1de: {  	s21 =	sor.u32 s31, s21;
	[tilespmem:s3+$0x3080] =	vst.add.f32.msk $0xffff, v0  }
0x1df: {  	v0 =	vld [tilespmem:s21+$0x10800];
	_ =	sdelay $0x1  }
0x1e0: {  	s3 =	sshll.u32 s4, $0x6  }
0x1e1: {  	s3 =	sand.u32 $0x3FFFFE00, s3  }
0x1e2: {  	s3 =	sor.u32 s31, s3  }
.Ltmp9:
0x1e3: {  	[tilespmem:s3+$0x2180] =	vst.add.f32.msk $0xffff, v0;
	(pc) =	sbr.rel @p0 .LBB2_21-.Ltmp9, $4  }
0x1e4: {  	[tilespmem:s3+$0x2100] =	vst.add.f32.msk $0xffff, v0  }
0x1e5: {  	[tilespmem:s3+$0x2000] =	vst.add.f32.msk $0xffff, v0  }
0x1e6: {  	[tilespmem:s3+$0x2080] =	vst.add.f32.msk $0xffff, v0  }
0x1e7: {  	v0 =	vld [tilespmem:s21+$0x10880]  }
0x1e8: {  	_ =	sdelay $0x2  }
0x1e9: {  	s19 =	sshll.u32 s18, $0x4  }
0x1ea: {  	s4 =	sadd.s32 s19, s6;
	[tilespmem:s3+$0x3000] =	vst.add.f32.msk $0xffff, v0  }
0x1eb: {  	s2 =	rddreg [dreg:$0x2];
	s4 =	sshll.u32 s4, $0x9;
	[tilespmem:s3+$0x3180] =	vst.add.f32.msk $0xffff, v0  }
0x1ec: {  	s21 =	sadd.s32 s2, s4;
	[tilespmem:s3+$0x3100] =	vst.add.f32.msk $0xffff, v0  }
0x1ed: {  	s16 =	simm.s32 $0x2000;
	[tilespmem:s3+$0x3080] =	vst.add.f32.msk $0xffff, v0;
	s4 =	sadd.s32 $0x400, s21;
	s3 =	simm.s32 $0x0  }
0x1ee: {  	[hbm4b:s4+s3] =	stream.linear.scatter [tilespmem:s16], [sflag:$0x12], $0x2000, $0x38;
	[tilespmem:$0x14000] =	vst v63  }
0x1ef: {  	s16 =	sor.u32 $0x6, s23  }
0x1f0: {  	s24 =	sshll.u32 s16, $0x1  }
0x1f1: {  	s4 =	sadd.s32 s6, s24  }
0x1f2: {  	_ =	swait.ge [sflag:s7], $0x2000;
	s31 =	sshll.u32 s4, $0x9  }
0x1f3: {  	[sflag:s7] =	ssyncset.done $0x0;
	s4 =	sshll.u32 s4, $0x7;
	s31 =	sand.u32 $0x1FFFF800, s31  }
0x1f4: {  	[sflag:s7] =	ssyncadd.s32 $0xFFFFE000;
	s4 =	sand.u32 $0x1FFFFC00, s4;
	s31 =	sadd.s32 s1, s31  }
0x1f5: {  	[tilespmem:s30], [sflag:$0x7] =	stream.linear.gather [hbm4b:s31+s3], $0x2000, $0x38;
	[tilespmem:$0x14000] =	vst v63  }
0x1f6: {  	s4 =	sadd.s32 s4, s11;
	s30 =	simm.s32 $0x13000  }
0x1f7: {  	[tilespmem:s30], [sflag:$0xF] =	stream.strided.gather [hbm4b:s4+s26], $0x800, s28, s26, $0x38;
	[tilespmem:$0x14000] =	vst v63  }
0x1f8: {  	s4 =	simm.s32 $0x3  }
0x1f9: {  	_ =	swait.ge [sflag:s4], $0x2000  }
0x1fa: {  	[sflag:s4] =	ssyncset.done $0x0  }
0x1fb: {  	s24 =	simm.s32 $0xB;
	[sflag:s4] =	ssyncadd.s32 $0xFFFFE000  }
0x1fc: {  	s30 =	simm.s32 $0x0;
	_ =	swait.ge [sflag:s24], $0x800  }
0x1fd: {  	s31 =	sand.u32 $0x70, s3;
	s4 =	sand.u32 $0x3FFFFF00, s30;
	[sflag:s24] =	ssyncset.done $0x0  }
0x1fe: {  	s2 =	sor.u32 s31, s4;
	[sflag:s24] =	ssyncadd.s32 $0xFFFFF800  }
0x1ff: {  	v0 =	vld [tilespmem:s2+$0x11000];
	_ =	sdelay $0x1  }
0x200: {  	s24 =	simm.s32 $0x0  }
0x201: {  	s4 =	sand.u32 $0x3FFFFE00, s24  }
0x202: {  	s31 =	sor.u32 s31, s4  }
0x203: {  	[tilespmem:s31+$0x4180] =	vst.add.f32.msk $0xffff, v0  }
0x204: {  	[tilespmem:s31+$0x4100] =	vst.add.f32.msk $0xffff, v0  }
0x205: {  	[tilespmem:s31+$0x4000] =	vst.add.f32.msk $0xffff, v0  }
0x206: {  	[tilespmem:s31+$0x4080] =	vst.add.f32.msk $0xffff, v0  }
0x207: {  	s4 =	simm.s32 $0x1;
	v0 =	vld [tilespmem:s2+$0x11080]  }
.LBB2_23:
0x208: {  	p0 =	sne.s32 s4, $0x3F  }
0x209: {  	s3 =	sadd.s32 $0x10, s3;
	s30 =	smov.u32 s4;
	s4 =	sadd.s32 $0x1, s4  }
0x20a: {  	_ =	sdelay $0x1  }
0x20b: {  	[tilespmem:s31+$0x5000] =	vst.add.f32.msk $0xffff, v0  }
0x20c: {  	s2 =	sshll.u32 s30, $0x5;
	[tilespmem:s31+$0x5180] =	vst.add.f32.msk $0xffff, v0  }
0x20d: {  	s24 =	sand.u32 $0x70, s3;
	s2 =	sand.u32 $0x3FFFFF00, s2;
	[tilespmem:s31+$0x5100] =	vst.add.f32.msk $0xffff, v0  }
0x20e: {  	s2 =	sor.u32 s24, s2;
	[tilespmem:s31+$0x5080] =	vst.add.f32.msk $0xffff, v0  }
0x20f: {  	v0 =	vld [tilespmem:s2+$0x11000];
	_ =	sdelay $0x1  }
0x210: {  	s30 =	sshll.u32 s30, $0x6  }
0x211: {  	s30 =	sand.u32 $0x3FFFFE00, s30  }
0x212: {  	s31 =	sor.u32 s24, s30  }
.Ltmp10:
0x213: {  	[tilespmem:s31+$0x4180] =	vst.add.f32.msk $0xffff, v0;
	(pc) =	sbr.rel @p0 .LBB2_23-.Ltmp10, $4  }
0x214: {  	[tilespmem:s31+$0x4100] =	vst.add.f32.msk $0xffff, v0  }
0x215: {  	[tilespmem:s31+$0x4000] =	vst.add.f32.msk $0xffff, v0  }
0x216: {  	[tilespmem:s31+$0x4080] =	vst.add.f32.msk $0xffff, v0  }
0x217: {  	v0 =	vld [tilespmem:s2+$0x11080]  }
0x218: {  	_ =	sdelay $0x3  }
0x219: {  	[tilespmem:s31+$0x5000] =	vst.add.f32.msk $0xffff, v0  }
0x21a: {  	[tilespmem:s31+$0x5180] =	vst.add.f32.msk $0xffff, v0  }
0x21b: {  	s2 =	sadd.s32 $0x800, s21;
	[tilespmem:s31+$0x5100] =	vst.add.f32.msk $0xffff, v0  }
0x21c: {  	s3 =	simm.s32 $0x0;
	s4 =	simm.s32 $0x4000;
	s23 =	sor.u32 $0x7, s23;
	[tilespmem:s31+$0x5080] =	vst.add.f32.msk $0xffff, v0  }
0x21d: {  	[hbm4b:s2+s3] =	stream.linear.scatter [tilespmem:s4], [sflag:$0x13], $0x2000, $0x38;
	[tilespmem:$0x14000] =	vst v63  }
0x21e: {  	s4 =	sshll.u32 s23, $0x1  }
0x21f: {  	s2 =	sadd.s32 s6, s4;
	_ =	swait.ge [sflag:s9], $0x2000  }
0x220: {  	s24 =	sshll.u32 s2, $0x9;
	[sflag:s9] =	ssyncset.done $0x0  }
0x221: {  	s2 =	sshll.u32 s2, $0x7;
	s4 =	sand.u32 $0x1FFFFC00, s24;
	[sflag:s9] =	ssyncadd.s32 $0xFFFFE000  }
0x222: {  	s24 =	simm.s32 $0xE000;
	s2 =	sand.u32 $0x1FFFFC00, s2;
	s4 =	sadd.s32 s1, s4  }
0x223: {  	[tilespmem:s24], [sflag:$0x8] =	stream.linear.gather [hbm4b:s4+s3], $0x2000, $0x38;
	[tilespmem:$0x14000] =	vst v63  }
0x224: {  	s30 =	simm.s32 $0x13800;
	s2 =	sadd.s32 s2, s14;
	s24 =	simm.s32 $0x4  }
0x225: {  	[tilespmem:s30], [sflag:$0x10] =	stream.strided.gather [hbm4b:s2+s26], $0x800, s28, s26, $0x38;
	[tilespmem:$0x14000] =	vst v63  }
0x226: {  	_ =	swait.ge [sflag:s24], $0x2000  }
0x227: {  	[sflag:s24] =	ssyncset.done $0x0  }
0x228: {  	[sflag:s24] =	ssyncadd.s32 $0xFFFFE000;
	s24 =	simm.s32 $0xC  }
0x229: {  	s30 =	simm.s32 $0x0;
	_ =	swait.ge [sflag:s24], $0x800  }
0x22a: {  	s4 =	sand.u32 $0x70, s3;
	s2 =	sand.u32 $0x3FFFFF00, s30;
	[sflag:s24] =	ssyncset.done $0x0  }
0x22b: {  	s2 =	sor.u32 s4, s2;
	[sflag:s24] =	ssyncadd.s32 $0xFFFFF800  }
0x22c: {  	v0 =	vld [tilespmem:s2+$0x11800];
	_ =	sdelay $0x1  }
0x22d: {  	s30 =	simm.s32 $0x0  }
0x22e: {  	s24 =	sand.u32 $0x3FFFFE00, s30  }
0x22f: {  	s31 =	sor.u32 s4, s24  }
0x230: {  	[tilespmem:s31+$0x6180] =	vst.add.f32.msk $0xffff, v0  }
0x231: {  	[tilespmem:s31+$0x6100] =	vst.add.f32.msk $0xffff, v0  }
0x232: {  	[tilespmem:s31+$0x6000] =	vst.add.f32.msk $0xffff, v0  }
0x233: {  	[tilespmem:s31+$0x6080] =	vst.add.f32.msk $0xffff, v0  }
0x234: {  	s4 =	simm.s32 $0x1;
	v0 =	vld [tilespmem:s2+$0x11880]  }
.LBB2_25:
0x235: {  	p0 =	sne.s32 s4, $0x3F  }
0x236: {  	s3 =	sadd.s32 $0x10, s3;
	s2 =	smov.u32 s4;
	s4 =	sadd.s32 $0x1, s4  }
0x237: {  	_ =	sdelay $0x1  }
0x238: {  	[tilespmem:s31+$0x7000] =	vst.add.f32.msk $0xffff, v0  }
0x239: {  	s24 =	sshll.u32 s2, $0x5;
	[tilespmem:s31+$0x7180] =	vst.add.f32.msk $0xffff, v0  }
0x23a: {  	s30 =	sand.u32 $0x70, s3;
	s24 =	sand.u32 $0x3FFFFF00, s24;
	[tilespmem:s31+$0x7100] =	vst.add.f32.msk $0xffff, v0  }
0x23b: {  	s24 =	sor.u32 s30, s24;
	[tilespmem:s31+$0x7080] =	vst.add.f32.msk $0xffff, v0  }
0x23c: {  	v0 =	vld [tilespmem:s24+$0x11800];
	_ =	sdelay $0x1  }
0x23d: {  	s2 =	sshll.u32 s2, $0x6  }
0x23e: {  	s2 =	sand.u32 $0x3FFFFE00, s2  }
0x23f: {  	s31 =	sor.u32 s30, s2  }
.Ltmp11:
0x240: {  	[tilespmem:s31+$0x6180] =	vst.add.f32.msk $0xffff, v0;
	(pc) =	sbr.rel @p0 .LBB2_25-.Ltmp11, $4  }
0x241: {  	[tilespmem:s31+$0x6100] =	vst.add.f32.msk $0xffff, v0  }
0x242: {  	[tilespmem:s31+$0x6000] =	vst.add.f32.msk $0xffff, v0  }
0x243: {  	[tilespmem:s31+$0x6080] =	vst.add.f32.msk $0xffff, v0  }
0x244: {  	v0 =	vld [tilespmem:s24+$0x11880]  }
0x245: {  	_ =	sdelay $0x3  }
0x246: {  	[tilespmem:s31+$0x7000] =	vst.add.f32.msk $0xffff, v0  }
0x247: {  	[tilespmem:s31+$0x7180] =	vst.add.f32.msk $0xffff, v0  }
0x248: {  	[tilespmem:s31+$0x7100] =	vst.add.f32.msk $0xffff, v0  }
0x249: {  	s2 =	sadd.s32 $0xC00, s21;
	s3 =	simm.s32 $0x6000;
	s4 =	simm.s32 $0x11;
	[tilespmem:s31+$0x7080] =	vst.add.f32.msk $0xffff, v0  }
0x24a: {  	[hbm4b:s2+s5] =	stream.linear.scatter [tilespmem:s3], [sflag:$0x14], $0x2000, $0x38;
	[tilespmem:$0x14000] =	vst v63  }
0x24b: {  	_ =	swait.ge [sflag:s4], $0x2000  }
0x24c: {  	p0 =	seq.s32 s18, $0x7;
	s2 =	rddreg [dreg:$0x11]  }
0x24d: {  	[sflag:s4] =	ssyncset.done $0x0;
	s2 =	sadd.s32 @!p0 s19, s2  }
0x24e: {  	s21 =	simm.s32 @!p0 $0x10000;
	[sflag:s4] =	ssyncadd.s32 $0xFFFFE000;
	s3 =	sshll.u32 @!p0 s2, $0x9  }
0x24f: {  	s4 =	simm.s32 @!p0 $0x0;
	s2 =	sshll.u32 @!p0 s2, $0x7;
	s3 =	sadd.s32 @!p0 s1, s3  }
0x250: {  	[tilespmem:s4], [sflag:$0x1] =	stream.linear.gather @!p0 [hbm4b:s3+s4], $0x2000, $0x38;
	[tilespmem:$0x14000] =	vst v63  }
0x251: {  	s2 =	sadd.s32 @!p0 s29, s2;
	s3 =	simm.s32 @!p0 $0x100;
	s4 =	simm.s32 @!p0 $0x400  }
0x252: {  	[tilespmem:s21], [sflag:$0x9] =	stream.strided.gather @!p0 [hbm4b:s2+s3], $0x800, s4, s3, $0x38;
	[tilespmem:$0x14000] =	vst v63  }
0x253: {  	s3 =	simm.s32 $0x5  }
0x254: {  	_ =	swait.ge [sflag:s3], $0x2000  }
0x255: {  	[sflag:s3] =	ssyncset.done $0x0  }
0x256: {  	s24 =	simm.s32 $0x0;
	s4 =	simm.s32 $0xD;
	[sflag:s3] =	ssyncadd.s32 $0xFFFFE000  }
0x257: {  	s31 =	smov.u32 s29;
	s3 =	simm.s32 $0x0;
	_ =	swait.ge [sflag:s4], $0x800  }
0x258: {  	s2 =	sand.u32 $0x3FFFFF00, s24;
	s29 =	sand.u32 $0x70, s3;
	[sflag:s4] =	ssyncset.done $0x0  }
0x259: {  	s2 =	sor.u32 s29, s2;
	[sflag:s4] =	ssyncadd.s32 $0xFFFFF800  }
0x25a: {  	v0 =	vld [tilespmem:s2+$0x12000];
	_ =	sdelay $0x1  }
0x25b: {  	s30 =	simm.s32 $0x0  }
0x25c: {  	s21 =	sand.u32 $0x3FFFFE00, s30  }
0x25d: {  	s21 =	sor.u32 s29, s21  }
0x25e: {  	[tilespmem:s21+$0x8180] =	vst.add.f32.msk $0xffff, v0  }
0x25f: {  	[tilespmem:s21+$0x8100] =	vst.add.f32.msk $0xffff, v0  }
0x260: {  	[tilespmem:s21+$0x8000] =	vst.add.f32.msk $0xffff, v0  }
0x261: {  	[tilespmem:s21+$0x8080] =	vst.add.f32.msk $0xffff, v0  }
0x262: {  	s4 =	simm.s32 $0x1;
	v0 =	vld [tilespmem:s2+$0x12080]  }
.LBB2_27:
0x263: {  	p1 =	sne.s32 s4, $0x3F  }
0x264: {  	s3 =	sadd.s32 $0x10, s3;
	s2 =	smov.u32 s4;
	s4 =	sadd.s32 $0x1, s4  }
0x265: {  	_ =	sdelay $0x1  }
0x266: {  	[tilespmem:s21+$0x9000] =	vst.add.f32.msk $0xffff, v0  }
0x267: {  	s24 =	sshll.u32 s2, $0x5;
	[tilespmem:s21+$0x9180] =	vst.add.f32.msk $0xffff, v0  }
0x268: {  	s30 =	sand.u32 $0x70, s3;
	s24 =	sand.u32 $0x3FFFFF00, s24;
	[tilespmem:s21+$0x9100] =	vst.add.f32.msk $0xffff, v0  }
0x269: {  	s24 =	sor.u32 s30, s24;
	[tilespmem:s21+$0x9080] =	vst.add.f32.msk $0xffff, v0  }
0x26a: {  	v0 =	vld [tilespmem:s24+$0x12000];
	_ =	sdelay $0x1  }
0x26b: {  	s2 =	sshll.u32 s2, $0x6  }
0x26c: {  	s2 =	sand.u32 $0x3FFFFE00, s2  }
0x26d: {  	s21 =	sor.u32 s30, s2  }
.Ltmp12:
0x26e: {  	[tilespmem:s21+$0x8180] =	vst.add.f32.msk $0xffff, v0;
	(pc) =	sbr.rel @p1 .LBB2_27-.Ltmp12, $4  }
0x26f: {  	[tilespmem:s21+$0x8100] =	vst.add.f32.msk $0xffff, v0  }
0x270: {  	[tilespmem:s21+$0x8000] =	vst.add.f32.msk $0xffff, v0  }
0x271: {  	[tilespmem:s21+$0x8080] =	vst.add.f32.msk $0xffff, v0  }
0x272: {  	v0 =	vld [tilespmem:s24+$0x12080]  }
0x273: {  	_ =	sdelay $0x3  }
0x274: {  	[tilespmem:s21+$0x9000] =	vst.add.f32.msk $0xffff, v0  }
0x275: {  	[tilespmem:s21+$0x9180] =	vst.add.f32.msk $0xffff, v0  }
0x276: {  	s2 =	sshll.u32 s22, $0xA;
	[tilespmem:s21+$0x9100] =	vst.add.f32.msk $0xffff, v0  }
0x277: {  	s29 =	simm.s32 $0x8000;
	s3 =	simm.s32 $0x12;
	s2 =	sadd.s32 s2, s17;
	[tilespmem:s21+$0x9080] =	vst.add.f32.msk $0xffff, v0  }
0x278: {  	[hbm4b:s2+s5] =	stream.linear.scatter [tilespmem:s29], [sflag:$0x15], $0x2000, $0x38;
	[tilespmem:$0x14000] =	vst v63  }
0x279: {  	_ =	swait.ge [sflag:s3], $0x2000  }
0x27a: {  	s2 =	rddreg [dreg:$0x15]  }
0x27b: {  	s4 =	simm.s32 @!p0 $0x0;
	[sflag:s3] =	ssyncset.done $0x0;
	s2 =	sadd.s32 @!p0 s19, s2  }
0x27c: {  	[sflag:s3] =	ssyncadd.s32 $0xFFFFE000;
	s3 =	sshll.u32 @!p0 s2, $0x9;
	s2 =	sshll.u32 @!p0 s2, $0x7  }
0x27d: {  	s21 =	simm.s32 @!p0 $0x2000;
	s3 =	sadd.s32 @!p0 s1, s3;
	s2 =	sand.u32 @!p0 $0xFF800, s2  }
0x27e: {  	[tilespmem:s21], [sflag:$0x2] =	stream.linear.gather @!p0 [hbm4b:s3+s4], $0x2000, $0x38;
	[tilespmem:$0x14000] =	vst v63  }
0x27f: {  	s2 =	sadd.s32 @!p0 s2, s10  }
0x280: {  	s3 =	simm.s32 @!p0 $0x100;
	s4 =	simm.s32 @!p0 $0x400;
	s21 =	simm.s32 @!p0 $0x10800  }
0x281: {  	[tilespmem:s21], [sflag:$0xA] =	stream.strided.gather @!p0 [hbm4b:s2+s3], $0x800, s4, s3, $0x38;
	[tilespmem:$0x14000] =	vst v63  }
0x282: {  	s3 =	simm.s32 $0x6  }
0x283: {  	_ =	swait.ge [sflag:s3], $0x2000  }
0x284: {  	[sflag:s3] =	ssyncset.done $0x0  }
0x285: {  	s4 =	simm.s32 $0xE;
	[sflag:s3] =	ssyncadd.s32 $0xFFFFE000  }
0x286: {  	s22 =	simm.s32 $0x0;
	s3 =	simm.s32 $0x0;
	_ =	swait.ge [sflag:s4], $0x800  }
0x287: {  	s2 =	sand.u32 $0x3FFFFF00, s22;
	s24 =	sand.u32 $0x70, s3;
	[sflag:s4] =	ssyncset.done $0x0  }
0x288: {  	s2 =	sor.u32 s24, s2;
	[sflag:s4] =	ssyncadd.s32 $0xFFFFF800  }
0x289: {  	v0 =	vld [tilespmem:s2+$0x12800];
	_ =	sdelay $0x1  }
0x28a: {  	s30 =	simm.s32 $0x0  }
0x28b: {  	s21 =	sand.u32 $0x3FFFFE00, s30  }
0x28c: {  	s21 =	sor.u32 s24, s21  }
0x28d: {  	[tilespmem:s21+$0xA180] =	vst.add.f32.msk $0xffff, v0  }
0x28e: {  	[tilespmem:s21+$0xA100] =	vst.add.f32.msk $0xffff, v0  }
0x28f: {  	[tilespmem:s21+$0xA000] =	vst.add.f32.msk $0xffff, v0  }
0x290: {  	[tilespmem:s21+$0xA080] =	vst.add.f32.msk $0xffff, v0  }
0x291: {  	s4 =	simm.s32 $0x1;
	v0 =	vld [tilespmem:s2+$0x12880]  }
.LBB2_29:
0x292: {  	p1 =	sne.s32 s4, $0x3F  }
0x293: {  	s3 =	sadd.s32 $0x10, s3;
	s2 =	smov.u32 s4;
	s4 =	sadd.s32 $0x1, s4  }
0x294: {  	_ =	sdelay $0x1  }
0x295: {  	[tilespmem:s21+$0xB000] =	vst.add.f32.msk $0xffff, v0  }
0x296: {  	s22 =	sshll.u32 s2, $0x5;
	[tilespmem:s21+$0xB180] =	vst.add.f32.msk $0xffff, v0  }
0x297: {  	s24 =	sand.u32 $0x70, s3;
	s22 =	sand.u32 $0x3FFFFF00, s22;
	[tilespmem:s21+$0xB100] =	vst.add.f32.msk $0xffff, v0  }
0x298: {  	s22 =	sor.u32 s24, s22;
	[tilespmem:s21+$0xB080] =	vst.add.f32.msk $0xffff, v0  }
0x299: {  	v0 =	vld [tilespmem:s22+$0x12800];
	_ =	sdelay $0x1  }
0x29a: {  	s2 =	sshll.u32 s2, $0x6  }
0x29b: {  	s2 =	sand.u32 $0x3FFFFE00, s2  }
0x29c: {  	s21 =	sor.u32 s24, s2  }
.Ltmp13:
0x29d: {  	[tilespmem:s21+$0xA180] =	vst.add.f32.msk $0xffff, v0;
	(pc) =	sbr.rel @p1 .LBB2_29-.Ltmp13, $4  }
0x29e: {  	[tilespmem:s21+$0xA100] =	vst.add.f32.msk $0xffff, v0  }
0x29f: {  	[tilespmem:s21+$0xA000] =	vst.add.f32.msk $0xffff, v0  }
0x2a0: {  	[tilespmem:s21+$0xA080] =	vst.add.f32.msk $0xffff, v0  }
0x2a1: {  	v0 =	vld [tilespmem:s22+$0x12880]  }
0x2a2: {  	_ =	sdelay $0x3  }
0x2a3: {  	[tilespmem:s21+$0xB000] =	vst.add.f32.msk $0xffff, v0  }
0x2a4: {  	[tilespmem:s21+$0xB180] =	vst.add.f32.msk $0xffff, v0  }
0x2a5: {  	s0 =	sshll.u32 s0, $0xA;
	[tilespmem:s21+$0xB100] =	vst.add.f32.msk $0xffff, v0  }
0x2a6: {  	s24 =	simm.s32 $0xA000;
	s2 =	simm.s32 $0x13;
	s0 =	sadd.s32 s0, s17;
	[tilespmem:s21+$0xB080] =	vst.add.f32.msk $0xffff, v0  }
0x2a7: {  	[hbm4b:s0+s5] =	stream.linear.scatter [tilespmem:s24], [sflag:$0x16], $0x2000, $0x38;
	[tilespmem:$0x14000] =	vst v63  }
0x2a8: {  	_ =	swait.ge [sflag:s2], $0x2000  }
0x2a9: {  	s0 =	rddreg [dreg:$0x1b]  }
0x2aa: {  	s3 =	simm.s32 @!p0 $0x0;
	[sflag:s2] =	ssyncset.done $0x0;
	s0 =	sadd.s32 @!p0 s19, s0  }
0x2ab: {  	[sflag:s2] =	ssyncadd.s32 $0xFFFFE000;
	s2 =	sshll.u32 @!p0 s0, $0x9;
	s0 =	sshll.u32 @!p0 s0, $0x7  }
0x2ac: {  	s4 =	simm.s32 @!p0 $0x4000;
	s2 =	sadd.s32 @!p0 s1, s2;
	s0 =	sand.u32 @!p0 $0xFF800, s0  }
0x2ad: {  	[tilespmem:s4], [sflag:$0x3] =	stream.linear.gather @!p0 [hbm4b:s2+s3], $0x2000, $0x38;
	[tilespmem:$0x14000] =	vst v63  }
0x2ae: {  	s0 =	sadd.s32 @!p0 s0, s11  }
0x2af: {  	s2 =	simm.s32 @!p0 $0x100;
	s3 =	simm.s32 @!p0 $0x400;
	s4 =	simm.s32 @!p0 $0x11000  }
0x2b0: {  	[tilespmem:s4], [sflag:$0xB] =	stream.strided.gather @!p0 [hbm4b:s0+s2], $0x800, s3, s2, $0x38;
	[tilespmem:$0x14000] =	vst v63  }
0x2b1: {  	s3 =	simm.s32 $0x7  }
0x2b2: {  	_ =	swait.ge [sflag:s3], $0x2000  }
0x2b3: {  	[sflag:s3] =	ssyncset.done $0x0  }
0x2b4: {  	[sflag:s3] =	ssyncadd.s32 $0xFFFFE000  }
0x2b5: {  	s0 =	simm.s32 $0x0;
	s4 =	simm.s32 $0x0;
	_ =	swait.ge [sflag:s8], $0x800  }
0x2b6: {  	s21 =	sand.u32 $0x70, s0;
	s2 =	sand.u32 $0x3FFFFF00, s4;
	[sflag:s8] =	ssyncset.done $0x0  }
0x2b7: {  	s2 =	sor.u32 s21, s2;
	[sflag:s8] =	ssyncadd.s32 $0xFFFFF800  }
0x2b8: {  	v0 =	vld [tilespmem:s2+$0x13000];
	_ =	sdelay $0x1  }
0x2b9: {  	s22 =	simm.s32 $0x0  }
0x2ba: {  	s4 =	sand.u32 $0x3FFFFE00, s22  }
0x2bb: {  	s3 =	sor.u32 s21, s4  }
0x2bc: {  	[tilespmem:s3+$0xC180] =	vst.add.f32.msk $0xffff, v0  }
0x2bd: {  	[tilespmem:s3+$0xC100] =	vst.add.f32.msk $0xffff, v0  }
0x2be: {  	[tilespmem:s3+$0xC000] =	vst.add.f32.msk $0xffff, v0  }
0x2bf: {  	[tilespmem:s3+$0xC080] =	vst.add.f32.msk $0xffff, v0  }
0x2c0: {  	s30 =	simm.s32 $0xC000;
	s4 =	simm.s32 $0x1;
	v0 =	vld [tilespmem:s2+$0x13080]  }
.LBB2_31:
0x2c1: {  	p1 =	sne.s32 s4, $0x3F  }
0x2c2: {  	s0 =	sadd.s32 $0x10, s0;
	s2 =	smov.u32 s4;
	s4 =	sadd.s32 $0x1, s4  }
0x2c3: {  	_ =	sdelay $0x1  }
0x2c4: {  	[tilespmem:s3+$0xD000] =	vst.add.f32.msk $0xffff, v0  }
0x2c5: {  	s21 =	sshll.u32 s2, $0x5;
	[tilespmem:s3+$0xD180] =	vst.add.f32.msk $0xffff, v0  }
0x2c6: {  	s22 =	sand.u32 $0x70, s0;
	s21 =	sand.u32 $0x3FFFFF00, s21;
	[tilespmem:s3+$0xD100] =	vst.add.f32.msk $0xffff, v0  }
0x2c7: {  	s21 =	sor.u32 s22, s21;
	[tilespmem:s3+$0xD080] =	vst.add.f32.msk $0xffff, v0  }
0x2c8: {  	v0 =	vld [tilespmem:s21+$0x13000];
	_ =	sdelay $0x1  }
0x2c9: {  	s2 =	sshll.u32 s2, $0x6  }
0x2ca: {  	s2 =	sand.u32 $0x3FFFFE00, s2  }
0x2cb: {  	s3 =	sor.u32 s22, s2  }
.Ltmp14:
0x2cc: {  	[tilespmem:s3+$0xC180] =	vst.add.f32.msk $0xffff, v0;
	(pc) =	sbr.rel @p1 .LBB2_31-.Ltmp14, $4  }
0x2cd: {  	[tilespmem:s3+$0xC100] =	vst.add.f32.msk $0xffff, v0  }
0x2ce: {  	[tilespmem:s3+$0xC000] =	vst.add.f32.msk $0xffff, v0  }
0x2cf: {  	[tilespmem:s3+$0xC080] =	vst.add.f32.msk $0xffff, v0  }
0x2d0: {  	v0 =	vld [tilespmem:s21+$0x13080]  }
0x2d1: {  	_ =	sdelay $0x3  }
0x2d2: {  	[tilespmem:s3+$0xD000] =	vst.add.f32.msk $0xffff, v0  }
0x2d3: {  	[tilespmem:s3+$0xD180] =	vst.add.f32.msk $0xffff, v0  }
0x2d4: {  	s0 =	sshll.u32 s16, $0xA;
	[tilespmem:s3+$0xD100] =	vst.add.f32.msk $0xffff, v0  }
0x2d5: {  	s0 =	sadd.s32 s0, s17;
	[tilespmem:s3+$0xD080] =	vst.add.f32.msk $0xffff, v0  }
0x2d6: {  	[hbm4b:s0+s5] =	stream.linear.scatter [tilespmem:s30], [sflag:$0x17], $0x2000, $0x38;
	[tilespmem:$0x14000] =	vst v63  }
0x2d7: {  	_ =	swait.ge [sflag:s13], $0x2000  }
0x2d8: {  	s0 =	rddreg [dreg:$0x1e]  }
0x2d9: {  	s4 =	simm.s32 @!p0 $0x6000;
	s3 =	simm.s32 @!p0 $0x0;
	s0 =	sadd.s32 @!p0 s19, s0  }
0x2da: {  	[sflag:s13] =	ssyncset.done $0x0;
	s2 =	sshll.u32 @!p0 s0, $0x9;
	s0 =	sshll.u32 @!p0 s0, $0x7  }
0x2db: {  	[sflag:s13] =	ssyncadd.s32 $0xFFFFE000;
	s2 =	sadd.s32 @!p0 s1, s2;
	s0 =	sand.u32 @!p0 $0xFF800, s0  }
0x2dc: {  	[tilespmem:s4], [sflag:$0x4] =	stream.linear.gather @!p0 [hbm4b:s2+s3], $0x2000, $0x38;
	[tilespmem:$0x14000] =	vst v63  }
0x2dd: {  	s0 =	sadd.s32 @!p0 s0, s14  }
0x2de: {  	s2 =	simm.s32 @!p0 $0x100;
	s3 =	simm.s32 @!p0 $0x400;
	s4 =	simm.s32 @!p0 $0x11800  }
0x2df: {  	[tilespmem:s4], [sflag:$0xC] =	stream.strided.gather @!p0 [hbm4b:s0+s2], $0x800, s3, s2, $0x38;
	[tilespmem:$0x14000] =	vst v63  }
0x2e0: {  	_ =	swait.ge [sflag:s12], $0x2000  }
0x2e1: {  	[sflag:s12] =	ssyncset.done $0x0  }
0x2e2: {  	[sflag:s12] =	ssyncadd.s32 $0xFFFFE000  }
0x2e3: {  	s19 =	simm.s32 $0x0;
	s0 =	simm.s32 $0x0;
	_ =	swait.ge [sflag:s15], $0x800  }
0x2e4: {  	s2 =	sand.u32 $0x3FFFFF00, s19;
	s21 =	sand.u32 $0x70, s0;
	[sflag:s15] =	ssyncset.done $0x0  }
0x2e5: {  	s2 =	sor.u32 s21, s2;
	[sflag:s15] =	ssyncadd.s32 $0xFFFFF800  }
0x2e6: {  	v0 =	vld [tilespmem:s2+$0x13800];
	_ =	sdelay $0x1  }
0x2e7: {  	s22 =	simm.s32 $0x0  }
0x2e8: {  	s4 =	sand.u32 $0x3FFFFE00, s22  }
0x2e9: {  	s3 =	sor.u32 s21, s4  }
0x2ea: {  	[tilespmem:s3+$0xE180] =	vst.add.f32.msk $0xffff, v0  }
0x2eb: {  	[tilespmem:s3+$0xE100] =	vst.add.f32.msk $0xffff, v0  }
0x2ec: {  	[tilespmem:s3+$0xE000] =	vst.add.f32.msk $0xffff, v0  }
0x2ed: {  	[tilespmem:s3+$0xE080] =	vst.add.f32.msk $0xffff, v0  }
0x2ee: {  	s4 =	simm.s32 $0x1;
	v0 =	vld [tilespmem:s2+$0x13880]  }
.LBB2_33:
0x2ef: {  	p0 =	sne.s32 s4, $0x3F  }
0x2f0: {  	s0 =	sadd.s32 $0x10, s0;
	s2 =	smov.u32 s4;
	s4 =	sadd.s32 $0x1, s4  }
0x2f1: {  	_ =	sdelay $0x1  }
0x2f2: {  	[tilespmem:s3+$0xF000] =	vst.add.f32.msk $0xffff, v0  }
0x2f3: {  	s16 =	sshll.u32 s2, $0x5;
	[tilespmem:s3+$0xF180] =	vst.add.f32.msk $0xffff, v0  }
0x2f4: {  	s19 =	sand.u32 $0x70, s0;
	s16 =	sand.u32 $0x3FFFFF00, s16;
	[tilespmem:s3+$0xF100] =	vst.add.f32.msk $0xffff, v0  }
0x2f5: {  	s16 =	sor.u32 s19, s16;
	[tilespmem:s3+$0xF080] =	vst.add.f32.msk $0xffff, v0  }
0x2f6: {  	v0 =	vld [tilespmem:s16+$0x13800];
	_ =	sdelay $0x1  }
0x2f7: {  	s2 =	sshll.u32 s2, $0x6  }
0x2f8: {  	s2 =	sand.u32 $0x3FFFFE00, s2  }
0x2f9: {  	s3 =	sor.u32 s19, s2  }
.Ltmp15:
0x2fa: {  	[tilespmem:s3+$0xE180] =	vst.add.f32.msk $0xffff, v0;
	(pc) =	sbr.rel @p0 .LBB2_33-.Ltmp15, $4  }
0x2fb: {  	[tilespmem:s3+$0xE100] =	vst.add.f32.msk $0xffff, v0  }
0x2fc: {  	[tilespmem:s3+$0xE000] =	vst.add.f32.msk $0xffff, v0  }
0x2fd: {  	[tilespmem:s3+$0xE080] =	vst.add.f32.msk $0xffff, v0  }
0x2fe: {  	v0 =	vld [tilespmem:s16+$0x13880]  }
0x2ff: {  	_ =	sdelay $0x1  }
0x300: {  	s18 =	sadd.s32 $0x1, s18  }
0x301: {  	p0 =	sne.s32 s18, $0x8  }
.Ltmp16:
0x302: {  	[tilespmem:s3+$0xF000] =	vst.add.f32.msk $0xffff, v0;
	(pc) =	sbr.rel @p0 .LBB2_18-.Ltmp16, $4  }
0x303: {  	[tilespmem:s3+$0xF180] =	vst.add.f32.msk $0xffff, v0  }
0x304: {  	s0 =	sshll.u32 s23, $0xA;
	[tilespmem:s3+$0xF100] =	vst.add.f32.msk $0xffff, v0  }
0x305: {  	s2 =	simm.s32 $0xE000;
	s0 =	sadd.s32 s0, s17;
	[tilespmem:s3+$0xF080] =	vst.add.f32.msk $0xffff, v0  }
0x306: {  	[hbm4b:s0+s5] =	stream.linear.scatter [tilespmem:s2], [sflag:$0x18], $0x2000, $0x38;
	[tilespmem:$0x14000] =	vst v63  }
0x307: {  	_ =	swait.ge [sflag:s20], $0x2000  }
0x308: {  	[sflag:s20] =	ssyncset.done $0x0  }
0x309: {  	[sflag:s20] =	ssyncadd.s32 $0xFFFFE000  }
0x30a: {  	_ =	swait.ge [sflag:s25], $0x2000  }
0x30b: {  	[sflag:s25] =	ssyncset.done $0x0  }
0x30c: {  	[sflag:s25] =	ssyncadd.s32 $0xFFFFE000  }
0x30d: {  	_ =	swait.ge [sflag:s7], $0x2000  }
0x30e: {  	[sflag:s7] =	ssyncset.done $0x0  }
0x30f: {  	[sflag:s7] =	ssyncadd.s32 $0xFFFFE000  }
0x310: {  	_ =	swait.ge [sflag:s9], $0x2000  }
0x311: {  	s2 =	sld [smem:$0x7F5]  }
0x312: {  	s0 =	sld [smem:$0x7FD];
	_ =	sdelay $0x1  }
0x313: {  	s2 =	sadd.s32 $0x1, s2  }
0x314: {  	p0 =	sne.s32 s2, s0  }
.Ltmp17:
0x315: {  	_ = 	snop;
	(pc) =	sbr.rel @p0 .LBB2_1-.Ltmp17, $3  }
0x316: {  	_ =	sdelay $0x1  }
0x317: {  	s21 =	simm.s32 $0x10000;
	[sflag:s9] =	ssyncset.done $0x0  }
0x318: {  	s22 =	simm.s32 $0x10800;
	s23 =	simm.s32 $0x11000;
	[sflag:s9] =	ssyncadd.s32 $0xFFFFE000  }
0x319: {  	_ =	sfence.sel $0x180000  }
0x31a: {  	[bflag:$0x0] =	sbarrier.arrive $0xFFFF  }
0x31b: {  	_ =	strace $0x90000047  }
0x31c: {  	s0 =	stileid.u32;
	[bflag:$0x2] =	sbarrier.arrive $0xFFFF  }
0x31d: {  	p0 =	sne.s32 s0, $0x0;
	s0 =	rddreg [dreg:$0x3]  }
0x31e: {  	s0 =	sadd.s32 @!p0 $0x100000, s0  }
0x31f: {  	[sflag:s0] =	ssyncadd.tile.s32 @!p0 $0x1;
	_ =	shalt  }
.Lfunc_end2:
_tile_overlayer_lowered:
.L_overlay_start_2:
0x320: {  	(tag) =	ssettag $0x2  }
0x321: {  	s0 =	rddreg [dreg:$0x0];
	s2 =	stileid.u32  }
0x322: {  	s1 =	rddreg [dreg:$0x1];
	p0 =	sne.s32 s2, $0x0  }
0x323: {  	s3 =	rddreg [dreg:$0x2];
	[bflag:$0x3] =	sbarrier.arrive $0xFFFF;
	s2 =	simm.s32 @!p0 $0x1C19  }
0x324: {  	[timem:s3], [sflag:s2] =	dma.local @!p0 [hbm:s0], s1  }
0x325: {  	s0 =	simm.s32 @!p0 $0x19  }
0x326: {  	_ =	swait.ge @!p0 [sflag:s0], s1  }
0x327: {  	s1 =	ssub.s32 @!p0 $0x0, s1;
	[sflag:s0] =	ssyncset.done @!p0 $0x0  }
0x328: {  	[sflag:s0] =	ssyncadd.s32 @!p0 s1  }
0x329: {  	[bflag:$0x3] =	sbarrier.arrive $0xFFFF  }
0x32a: {  	_ =	shalt  }

</sc_bundles>
